<compile_context>
chip_gen: v7x
topology: tpu7x:2x2x1
jax: 0.10.2.dev20260603
libtpu: 0.0.44.dev20260713+nightly
codegen_flags: <defaults>
</compile_context>

<pallas_src>
import functools

import jax
import jax.numpy as jnp
from jax import lax
from jax.experimental import pallas as pl
from jax.experimental.pallas import tpu as pltpu
from jax.experimental.pallas import tpu_sc as plsc

N = 10000
E = 320000
D_IN = 128
D_HID = 16
D_OUT = 8

NC = 2
NS = 16
NW = NC * NS
LANE = 128
EPW = E // NW
NB = EPW // LANE
TAIL = EPW - NB * LANE
NPAD = 10112
RPT = NPAD // NS
GRP = 13
NGRP = NB // GRP
PK16 = NPAD * D_HID // LANE
PK8 = NPAD * D_OUT // LANE

_mesh = plsc.VectorSubcoreMesh(core_axis_name="c", subcore_axis_name="s")
_params = pltpu.CompilerParams(use_tc_tiling_on_sc=False)


@functools.partial(
    pl.kernel,
    out_type=jax.ShapeDtypeStruct((NC * NPAD, D_HID), jnp.float32),
    mesh=_mesh,
    compiler_params=_params,
    scratch_types=[
        pltpu.VMEM((EPW,), jnp.int32),
        pltpu.VMEM((LANE, D_HID), jnp.float32),
        pltpu.VMEM((RPT, D_HID), jnp.float32),
        pltpu.VMEM_SHARED((NPAD, D_HID), jnp.float32),
        pltpu.SemaphoreType.DMA,
    ],
)
def _sc_degree(edge_hbm, zeros_hbm, ones_hbm, out_hbm, idx_v, ones_v, buf_v, acc_s, sem):
    c = lax.axis_index("c")
    s = lax.axis_index("s")
    wid = c * NS + s
    rows = pl.ds(s * RPT, RPT)
    pltpu.sync_copy(ones_hbm, ones_v)
    pltpu.sync_copy(edge_hbm.at[1, pl.ds(wid * EPW, EPW)], idx_v)
    pltpu.sync_copy(zeros_hbm.at[rows, :], buf_v)
    pltpu.sync_copy(buf_v, acc_s.at[rows, :])
    plsc.subcore_barrier()

    @pl.loop(0, NGRP)
    def _(g):
        for b in range(GRP):
            j = g * GRP + b
            pltpu.async_copy(
                ones_v, acc_s.at[idx_v.at[pl.ds(j * LANE, LANE)]], sem, add=True)

    pltpu.async_copy(
        ones_v.at[pl.ds(0, TAIL), :],
        acc_s.at[idx_v.at[pl.ds(NB * LANE, TAIL)]], sem, add=True)

    @pl.loop(0, NGRP)
    def _(g):
        for b in range(GRP):
            j = g * GRP + b
            pltpu.make_async_copy(
                ones_v, acc_s.at[idx_v.at[pl.ds(j * LANE, LANE)]], sem).wait()

    pltpu.make_async_copy(
        ones_v.at[pl.ds(0, TAIL), :],
        acc_s.at[idx_v.at[pl.ds(NB * LANE, TAIL)]], sem).wait()

    plsc.subcore_barrier()
    pltpu.sync_copy(acc_s.at[rows, :], buf_v)
    pltpu.sync_copy(buf_v, out_hbm.at[pl.ds(c * NPAD + s * RPT, RPT), :])


def _make_sc_layer(F):
    @functools.partial(
        pl.kernel,
        out_type=jax.ShapeDtypeStruct((NC * NPAD, F), jnp.float32),
        mesh=_mesh,
        compiler_params=_params,
        scratch_types=[
            pltpu.VMEM((EPW,), jnp.int32),
            pltpu.VMEM((EPW,), jnp.int32),
            pltpu.VMEM((2, GRP, LANE, F), jnp.float32),
            pltpu.VMEM((RPT, F), jnp.float32),
            pltpu.VMEM_SHARED((NPAD, F), jnp.float32),
            pltpu.VMEM_SHARED((NPAD, F), jnp.float32),
            pltpu.SemaphoreType.DMA,
            pltpu.SemaphoreType.DMA,
        ],
    )
    def _sc_layer(tbl_hbm, edge_hbm, zeros_hbm, out_hbm,
                  src_v, dst_v, msg_v, buf_v, tbl_s, acc_s, gsem, ssem):
        c = lax.axis_index("c")
        s = lax.axis_index("s")
        wid = c * NS + s
        rows = pl.ds(s * RPT, RPT)
        pltpu.sync_copy(edge_hbm.at[0, pl.ds(wid * EPW, EPW)], src_v)
        pltpu.sync_copy(edge_hbm.at[1, pl.ds(wid * EPW, EPW)], dst_v)

        pltpu.sync_copy(tbl_hbm.at[rows, :], buf_v)
        pltpu.sync_copy(buf_v, tbl_s.at[rows, :])

        @pl.when(c == 1)
        def _():
            pltpu.sync_copy(zeros_hbm.at[rows, :], buf_v)

        pltpu.sync_copy(buf_v, acc_s.at[rows, :])
        plsc.subcore_barrier()

        def src_at(j):
            return src_v.at[pl.ds(j * LANE, LANE)]

        def dst_at(j):
            return dst_v.at[pl.ds(j * LANE, LANE)]

        def fire_gathers(g, slot):
            for b in range(GRP):
                pltpu.async_copy(
                    tbl_s.at[src_at(g * GRP + b)], msg_v.at[slot, b], gsem)

        fire_gathers(0, 0)

        @pl.loop(0, NGRP)
        def _(g):
            cur = lax.rem(g, 2)
            nxt = lax.rem(g + 1, 2)

            @pl.when(g + 1 < NGRP)
            def _():
                fire_gathers(g + 1, nxt)

            for b in range(GRP):
                pltpu.make_async_copy(
                    tbl_s.at[src_at(g * GRP + b)], msg_v.at[cur, b], gsem).wait()
                pltpu.async_copy(
                    msg_v.at[cur, b], acc_s.at[dst_at(g * GRP + b)], ssem, add=True)
            for b in range(GRP):
                pltpu.make_async_copy(
                    msg_v.at[cur, b], acc_s.at[dst_at(g * GRP + b)], ssem).wait()

        tsrc = src_v.at[pl.ds(NB * LANE, TAIL)]
        tdst = dst_v.at[pl.ds(NB * LANE, TAIL)]
        tmsg = msg_v.at[0, 0, pl.ds(0, TAIL), :]
        pltpu.sync_copy(tbl_s.at[tsrc], tmsg)
        pltpu.sync_copy(tmsg, acc_s.at[tdst], add=True)

        plsc.subcore_barrier()
        pltpu.sync_copy(acc_s.at[rows, :], buf_v)
        pltpu.sync_copy(buf_v, out_hbm.at[pl.ds(c * NPAD + s * RPT, RPT), :])

    return _sc_layer


_sc_layer16 = _make_sc_layer(D_HID)
_sc_layer8 = _make_sc_layer(D_OUT)


def _pack(a, width):
    g = LANE // width
    a3 = a.reshape(a.shape[0] // g, g, width)
    return jnp.concatenate([a3[:, u, :] for u in range(g)], axis=-1)


def _unpack(a, width):
    g = LANE // width
    a3 = jnp.stack([a[:, u * width:(u + 1) * width] for u in range(g)], axis=1)
    return a3.reshape(a.shape[0] * g, width)


def _tc_h1_body(x_ref, w1_ref, h1pk_ref):
    h = jnp.dot(x_ref[...], w1_ref[...], preferred_element_type=jnp.float32)
    hpad = jnp.concatenate(
        [h, jnp.zeros((NPAD - N, D_HID), jnp.float32)], axis=0)
    h1pk_ref[...] = _pack(hpad, D_HID)


def _tc_scale_body(deg_ref, h1pk_ref, dinvpk_ref, h1ppk_ref):
    deg = deg_ref[0] + deg_ref[1] + 1.0
    dinv = lax.rsqrt(deg)
    dinvpk_ref[...] = dinv
    h1ppk_ref[...] = h1pk_ref[...] * dinv


def _tc_b_body(p_ref, dinvpk_ref, d8pk_ref, b1t_ref, w2blk_ref, h2ppk_ref):
    sacc = p_ref[0] + p_ref[1]
    z = jnp.maximum(sacc * dinvpk_ref[...] + b1t_ref[...], 0.0)
    h2r = jnp.dot(z, w2blk_ref[...], preferred_element_type=jnp.float32)
    h23 = h2r.reshape(PK8, 2, 64)
    h2pk = jnp.concatenate([h23[:, 0, :], h23[:, 1, :]], axis=-1)
    h2ppk_ref[...] = h2pk * d8pk_ref[...]


def _tc_d_body(p_ref, d8pk_ref, b2t_ref, out_ref):
    sacc = p_ref[0] + p_ref[1]
    out_ref[...] = sacc * d8pk_ref[...] + b2t_ref[...]


def kernel(x, edge_index, W1, b1, W2, b2):
    zeros16 = jnp.zeros((NPAD, D_HID), jnp.float32)
    zeros8 = jnp.zeros((NPAD, D_OUT), jnp.float32)
    ones2d = jnp.ones((LANE, D_HID), jnp.float32)
    b1t = jnp.tile(b1, 8).reshape(1, LANE)
    b2t = jnp.tile(b2, 16).reshape(1, LANE)
    w2blk = jnp.kron(jnp.eye(8, dtype=jnp.float32), W2)

    deg_part = _sc_degree(edge_index, zeros16, ones2d)
    h1pk = pl.pallas_call(
        _tc_h1_body,
        out_shape=jax.ShapeDtypeStruct((PK16, LANE), jnp.float32),
    )(x, W1)
    degv = deg_part.reshape(NC, PK16, LANE)

    dinvpk, h1ppk = pl.pallas_call(
        _tc_scale_body,
        out_shape=(
            jax.ShapeDtypeStruct((PK16, LANE), jnp.float32),
            jax.ShapeDtypeStruct((PK16, LANE), jnp.float32),
        ),
    )(degv, h1pk)

    p1 = _sc_layer16(h1ppk.reshape(NPAD, D_HID), edge_index, zeros16)

    d8pk = dinvpk.reshape(NPAD, D_HID)[:, :D_OUT].reshape(PK8, LANE)

    h2ppk = pl.pallas_call(
        _tc_b_body,
        out_shape=jax.ShapeDtypeStruct((PK8, LANE), jnp.float32),
    )(p1.reshape(NC, PK16, LANE), dinvpk, d8pk, b1t, w2blk)

    p2 = _sc_layer8(h2ppk.reshape(NPAD, D_OUT), edge_index, zeros8)

    opk = pl.pallas_call(
        _tc_d_body,
        out_shape=jax.ShapeDtypeStruct((PK8, LANE), jnp.float32),
    )(p2.reshape(NC, PK8, LANE), d8pk, b2t)
    return opk.reshape(NPAD, D_OUT)[:N, :]

# --- scband reference (transcript-rebuilt; emitter-appended) ---
"""Pipeline reference for scband-gcnencoder-69157563400469 (READ-ONLY COPY).

The authoritative reference and input builder live on the scoring server;
editing this copy changes nothing except your own understanding.
"""

import jax, jax.numpy as jnp
import numpy as np

N = 10000
E = 320000
D_IN = 128
D_HID = 16
D_OUT = 8


def setup_inputs(seed: int = 0) -> dict:
    key = jax.random.key(seed)
    ks = jax.random.split(key, 6)
    x = jax.random.normal(ks[0], (N, D_IN), dtype=jnp.float32)
    edge_index = jax.random.randint(ks[1], (2, E), 0, N, dtype=jnp.int32)
    W1 = jax.random.normal(ks[2], (D_IN, D_HID), dtype=jnp.float32) * (1.0 / np.sqrt(D_IN))
    b1 = jnp.zeros((D_HID,), dtype=jnp.float32)
    W2 = jax.random.normal(ks[3], (D_HID, D_OUT), dtype=jnp.float32) * (1.0 / np.sqrt(D_HID))
    b2 = jnp.zeros((D_OUT,), dtype=jnp.float32)
    return {"x": x, "edge_index": edge_index, "W1": W1, "b1": b1, "W2": W2, "b2": b2}


def gcn_conv(x, edge_index, W, b):
    # Faithful GCNConv: add self-loops, symmetric normalization D^-1/2 (A+I) D^-1/2, then X W + b
    n = x.shape[0]
    loop = jnp.arange(n, dtype=edge_index.dtype)
    src = jnp.concatenate([edge_index[0], loop])
    dst = jnp.concatenate([edge_index[1], loop])
    h = x @ W
    deg = jnp.zeros((n,), dtype=jnp.float32).at[dst].add(1.0)
    dinv = 1.0 / jnp.sqrt(deg)
    norm = dinv[src] * dinv[dst]
    msg = jnp.take(h, src, axis=0) * norm[:, None]
    out = jnp.zeros((n, h.shape[1]), dtype=h.dtype).at[dst].add(msg)
    return out + b


def reference(x, edge_index, W1, b1, W2, b2):
    h = jax.nn.relu(gcn_conv(x, edge_index, W1, b1))
    return gcn_conv(h, edge_index, W2, b2)

if __name__ == "__main__":
    import jax
    _d = setup_inputs()
    print(jax.jit(kernel)(*tuple(_d.values())))

</pallas_src>

<mosaic_0001>
#map = affine_map<(d0, d1) -> (0, 0)>
module attributes {stable_mosaic.version = 14 : i64} {
  func.func @_sc_degree(%arg0: i32, %arg1: i32, %arg2: memref<2x320000xi32, #tpu.memory_space<hbm>>, %arg3: memref<10112x16xf32, #tpu.memory_space<hbm>>, %arg4: memref<128x16xf32, #tpu.memory_space<hbm>>, %arg5: memref<20224x16xf32, #tpu.memory_space<hbm>>, %arg6: memref<10000xi32, #tpu.memory_space<vmem>>, %arg7: memref<128x16xf32, #tpu.memory_space<vmem>>, %arg8: memref<632x16xf32, #tpu.memory_space<vmem>>, %arg9: memref<10112x16xf32, #tpu.memory_space<vmem_shared>>, %arg10: memref<!tpu.dma_semaphore, #tpu.memory_space<semaphore_mem>>) attributes {dimension_semantics = [#tpu.dimension_semantics<core_parallel>, #tpu.dimension_semantics<subcore_parallel>], iteration_bounds = array<i64: 2, 16>, scalar_prefetch = 0 : i64, scratch_operands = 5 : i64, tpu.core_type = #tpu.core_type<sc_vector_subcore>, window_params = [{transform_indices = #map}, {transform_indices = #map}, {transform_indices = #map}, {transform_indices = #map}]} {
    %mul3A = arith.constant 16 : i32
    %mul3A_0 = arith.muli %arg0, %mul3A : i32
    %add3A = arith.addi %mul3A_0, %arg1 : i32
    %mul3A_1 = arith.constant 632 : i32
    %mul3A_2 = arith.muli %arg1, %mul3A_1 : i32
    "tpu.region"() ({
      %run_scoped3A_34 = tpu.sem_alloc : memref<!tpu.dma_semaphore, #tpu.memory_space<semaphore_mem>>
      tpu.enqueue_dma source(%arg4 : memref<128x16xf32, #tpu.memory_space<hbm>>) target(%arg7 : memref<128x16xf32, #tpu.memory_space<vmem>>) target_semaphore(%run_scoped3A_34 : memref<!tpu.dma_semaphore, #tpu.memory_space<semaphore_mem>>)
      tpu.wait_dma2 semaphore(%run_scoped3A_34 : memref<!tpu.dma_semaphore, #tpu.memory_space<semaphore_mem>>) src(%arg4 : memref<128x16xf32, #tpu.memory_space<hbm>>) dst(%arg7 : memref<128x16xf32, #tpu.memory_space<vmem>>)
      tpu.yield
    }) : () -> ()
    %mul3A_3 = arith.constant 10000 : i32
    %mul3A_4 = arith.muli %add3A, %mul3A_3 : i32
    %run_scoped3A = arith.constant 1 : i32
    "tpu.region"() ({
      %run_scoped3A_34 = tpu.sem_alloc : memref<!tpu.dma_semaphore, #tpu.memory_space<semaphore_mem>>
      %dma_start3A_35 = tpu.memref_slice %arg2[%run_scoped3A, %mul3A_4] : memref<2x320000xi32, #tpu.memory_space<hbm>> -> memref<1x10000xi32, #tpu.memory_space<hbm>>
      %dma_start3A_36 = tpu.memref_squeeze %dma_start3A_35 : memref<1x10000xi32, #tpu.memory_space<hbm>> -> memref<10000xi32, #tpu.memory_space<hbm>>
      %dma_start3A_37 = tpu.memref_slice %arg2[%run_scoped3A, %mul3A_4] : memref<2x320000xi32, #tpu.memory_space<hbm>> -> memref<1x10000xi32, #tpu.memory_space<hbm>>
      %dma_start3A_38 = tpu.memref_squeeze %dma_start3A_37 : memref<1x10000xi32, #tpu.memory_space<hbm>> -> memref<10000xi32, #tpu.memory_space<hbm>>
      tpu.enqueue_dma source(%dma_start3A_38 : memref<10000xi32, #tpu.memory_space<hbm>>) target(%arg6 : memref<10000xi32, #tpu.memory_space<vmem>>) target_semaphore(%run_scoped3A_34 : memref<!tpu.dma_semaphore, #tpu.memory_space<semaphore_mem>>)
      %dma_wait3A_39 = tpu.memref_slice %arg2[%run_scoped3A, %mul3A_4] : memref<2x320000xi32, #tpu.memory_space<hbm>> -> memref<1x10000xi32, #tpu.memory_space<hbm>>
      %dma_wait3A_40 = tpu.memref_squeeze %dma_wait3A_39 : memref<1x10000xi32, #tpu.memory_space<hbm>> -> memref<10000xi32, #tpu.memory_space<hbm>>
      %dma_wait3A_41 = tpu.memref_slice %arg2[%run_scoped3A, %mul3A_4] : memref<2x320000xi32, #tpu.memory_space<hbm>> -> memref<1x10000xi32, #tpu.memory_space<hbm>>
      %dma_wait3A_42 = tpu.memref_squeeze %dma_wait3A_41 : memref<1x10000xi32, #tpu.memory_space<hbm>> -> memref<10000xi32, #tpu.memory_space<hbm>>
      tpu.wait_dma2 semaphore(%run_scoped3A_34 : memref<!tpu.dma_semaphore, #tpu.memory_space<semaphore_mem>>) src(%dma_wait3A_42 : memref<10000xi32, #tpu.memory_space<hbm>>) dst(%arg6 : memref<10000xi32, #tpu.memory_space<vmem>>)
      tpu.yield
    }) : () -> ()
    "tpu.region"() ({
      %run_scoped3A_34 = tpu.sem_alloc : memref<!tpu.dma_semaphore, #tpu.memory_space<semaphore_mem>>
      %dma_start3A_35 = arith.constant 0 : i32
      %dma_start3A_36 = tpu.memref_slice %arg3[%mul3A_2, %dma_start3A_35] : memref<10112x16xf32, #tpu.memory_space<hbm>> -> memref<632x16xf32, #tpu.memory_space<hbm>>
      %dma_start3A_37 = arith.constant 0 : i32
      %dma_start3A_38 = tpu.memref_slice %arg3[%mul3A_2, %dma_start3A_37] : memref<10112x16xf32, #tpu.memory_space<hbm>> -> memref<632x16xf32, #tpu.memory_space<hbm>>
      tpu.enqueue_dma source(%dma_start3A_38 : memref<632x16xf32, #tpu.memory_space<hbm>>) target(%arg8 : memref<632x16xf32, #tpu.memory_space<vmem>>) target_semaphore(%run_scoped3A_34 : memref<!tpu.dma_semaphore, #tpu.memory_space<semaphore_mem>>)
      %dma_wait3A_39 = arith.constant 0 : i32
      %dma_wait3A_40 = tpu.memref_slice %arg3[%mul3A_2, %dma_wait3A_39] : memref<10112x16xf32, #tpu.memory_space<hbm>> -> memref<632x16xf32, #tpu.memory_space<hbm>>
      %dma_wait3A_41 = arith.constant 0 : i32
      %dma_wait3A_42 = tpu.memref_slice %arg3[%mul3A_2, %dma_wait3A_41] : memref<10112x16xf32, #tpu.memory_space<hbm>> -> memref<632x16xf32, #tpu.memory_space<hbm>>
      tpu.wait_dma2 semaphore(%run_scoped3A_34 : memref<!tpu.dma_semaphore, #tpu.memory_space<semaphore_mem>>) src(%dma_wait3A_42 : memref<632x16xf32, #tpu.memory_space<hbm>>) dst(%arg8 : memref<632x16xf32, #tpu.memory_space<vmem>>)
      tpu.yield
    }) : () -> ()
    "tpu.region"() ({
      %run_scoped3A_34 = tpu.sem_alloc : memref<!tpu.dma_semaphore, #tpu.memory_space<semaphore_mem>>
      %dma_start3A_35 = arith.constant 0 : i32
      %dma_start3A_36 = tpu.memref_slice %arg9[%mul3A_2, %dma_start3A_35] : memref<10112x16xf32, #tpu.memory_space<vmem_shared>> -> memref<632x16xf32, #tpu.memory_space<vmem_shared>>
      %dma_start3A_37 = arith.constant 0 : i32
      %dma_start3A_38 = tpu.memref_slice %arg9[%mul3A_2, %dma_start3A_37] : memref<10112x16xf32, #tpu.memory_space<vmem_shared>> -> memref<632x16xf32, #tpu.memory_space<vmem_shared>>
      tpu.enqueue_dma source(%arg8 : memref<632x16xf32, #tpu.memory_space<vmem>>) target(%dma_start3A_38 : memref<632x16xf32, #tpu.memory_space<vmem_shared>>) target_semaphore(%run_scoped3A_34 : memref<!tpu.dma_semaphore, #tpu.memory_space<semaphore_mem>>)
      %dma_wait3A_39 = arith.constant 0 : i32
      %dma_wait3A_40 = tpu.memref_slice %arg9[%mul3A_2, %dma_wait3A_39] : memref<10112x16xf32, #tpu.memory_space<vmem_shared>> -> memref<632x16xf32, #tpu.memory_space<vmem_shared>>
      %dma_wait3A_41 = arith.constant 0 : i32
      %dma_wait3A_42 = tpu.memref_slice %arg9[%mul3A_2, %dma_wait3A_41] : memref<10112x16xf32, #tpu.memory_space<vmem_shared>> -> memref<632x16xf32, #tpu.memory_space<vmem_shared>>
      tpu.wait_dma2 semaphore(%run_scoped3A_34 : memref<!tpu.dma_semaphore, #tpu.memory_space<semaphore_mem>>) src(%arg8 : memref<632x16xf32, #tpu.memory_space<vmem>>) dst(%dma_wait3A_42 : memref<632x16xf32, #tpu.memory_space<vmem_shared>>)
      tpu.yield
    }) : () -> ()
    %barrier3A = arith.constant 0 : index
    tpu.barrier barrier_id(%barrier3A)
    %scan3A = arith.constant 0 : i32
    %scan3A_5 = arith.constant 6 : i32
    %scan3A_6 = arith.addi %scan3A, %scan3A_5 : i32
    %scan3A_7 = arith.constant 1 : i32
    scf.for %scan3A_34 = %scan3A to %scan3A_6 step %scan3A_7  : i32 {
      %mul3A_35 = arith.constant 1 : i32
      %mul3A_36 = arith.muli %scan3A_34, %mul3A_35 : i32
      %add3A_37 = arith.constant 0 : i32
      %add3A_38 = arith.addi %add3A_37, %mul3A_36 : i32
      %mul3A_39 = arith.constant 13 : i32
      %mul3A_40 = arith.muli %add3A_38, %mul3A_39 : i32
      %add3A_41 = arith.constant 0 : i32
      %add3A_42 = arith.addi %mul3A_40, %add3A_41 : i32
      %mul3A_43 = arith.constant 128 : i32
      %mul3A_44 = arith.muli %add3A_42, %mul3A_43 : i32
      %dma_start3A_45 = tpu.memref_slice %arg6[%mul3A_44] : memref<10000xi32, #tpu.memory_space<vmem>> -> memref<128xi32, #tpu.memory_space<vmem>>
      %dma_start3A_46 = arith.constant 0 : i32
      %dma_start3A_47 = arith.constant 0 : i32
      %dma_start3A_48 = tpu.memref_slice %arg9[%dma_start3A_46, %dma_start3A_47] : memref<10112x16xf32, #tpu.memory_space<vmem_shared>> -> memref<10112x16xf32, #tpu.memory_space<vmem_shared>>
      tpu.enqueue_indirect_dma source(%arg7 : memref<128x16xf32, #tpu.memory_space<vmem>>) target(%dma_start3A_48 : memref<10112x16xf32, #tpu.memory_space<vmem_shared>>) offsets(%dma_start3A_45 : memref<128xi32, #tpu.memory_space<vmem>>) semaphore(%arg10 : memref<!tpu.dma_semaphore, #tpu.memory_space<semaphore_mem>>) {add = true}
      %mul3A_49 = arith.constant 13 : i32
      %mul3A_50 = arith.muli %add3A_38, %mul3A_49 : i32
      %add3A_51 = arith.constant 1 : i32
      %add3A_52 = arith.addi %mul3A_50, %add3A_51 : i32
      %mul3A_53 = arith.constant 128 : i32
      %mul3A_54 = arith.muli %add3A_52, %mul3A_53 : i32
      %dma_start3A_55 = tpu.memref_slice %arg6[%mul3A_54] : memref<10000xi32, #tpu.memory_space<vmem>> -> memref<128xi32, #tpu.memory_space<vmem>>
      %dma_start3A_56 = arith.constant 0 : i32
      %dma_start3A_57 = arith.constant 0 : i32
      %dma_start3A_58 = tpu.memref_slice %arg9[%dma_start3A_56, %dma_start3A_57] : memref<10112x16xf32, #tpu.memory_space<vmem_shared>> -> memref<10112x16xf32, #tpu.memory_space<vmem_shared>>
      tpu.enqueue_indirect_dma source(%arg7 : memref<128x16xf32, #tpu.memory_space<vmem>>) target(%dma_start3A_58 : memref<10112x16xf32, #tpu.memory_space<vmem_shared>>) offsets(%dma_start3A_55 : memref<128xi32, #tpu.memory_space<vmem>>) semaphore(%arg10 : memref<!tpu.dma_semaphore, #tpu.memory_space<semaphore_mem>>) {add = true}
      %mul3A_59 = arith.constant 13 : i32
      %mul3A_60 = arith.muli %add3A_38, %mul3A_59 : i32
      %add3A_61 = arith.constant 2 : i32
      %add3A_62 = arith.addi %mul3A_60, %add3A_61 : i32
      %mul3A_63 = arith.constant 128 : i32
      %mul3A_64 = arith.muli %add3A_62, %mul3A_63 : i32
      %dma_start3A_65 = tpu.memref_slice %arg6[%mul3A_64] : memref<10000xi32, #tpu.memory_space<vmem>> -> memref<128xi32, #tpu.memory_space<vmem>>
      %dma_start3A_66 = arith.constant 0 : i32
      %dma_start3A_67 = arith.constant 0 : i32
      %dma_start3A_68 = tpu.memref_slice %arg9[%dma_start3A_66, %dma_start3A_67] : memref<10112x16xf32, #tpu.memory_space<vmem_shared>> -> memref<10112x16xf32, #tpu.memory_space<vmem_shared>>
      tpu.enqueue_indirect_dma source(%arg7 : memref<128x16xf32, #tpu.memory_space<vmem>>) target(%dma_start3A_68 : memref<10112x16xf32, #tpu.memory_space<vmem_shared>>) offsets(%dma_start3A_65 : memref<128xi32, #tpu.memory_space<vmem>>) semaphore(%arg10 : memref<!tpu.dma_semaphore, #tpu.memory_space<semaphore_mem>>) {add = true}
      %mul3A_69 = arith.constant 13 : i32
      %mul3A_70 = arith.muli %add3A_38, %mul3A_69 : i32
      %add3A_71 = arith.constant 3 : i32
      %add3A_72 = arith.addi %mul3A_70, %add3A_71 : i32
      %mul3A_73 = arith.constant 128 : i32
      %mul3A_74 = arith.muli %add3A_72, %mul3A_73 : i32
      %dma_start3A_75 = tpu.memref_slice %arg6[%mul3A_74] : memref<10000xi32, #tpu.memory_space<vmem>> -> memref<128xi32, #tpu.memory_space<vmem>>
      %dma_start3A_76 = arith.constant 0 : i32
      %dma_start3A_77 = arith.constant 0 : i32
      %dma_start3A_78 = tpu.memref_slice %arg9[%dma_start3A_76, %dma_start3A_77] : memref<10112x16xf32, #tpu.memory_space<vmem_shared>> -> memref<10112x16xf32, #tpu.memory_space<vmem_shared>>
      tpu.enqueue_indirect_dma source(%arg7 : memref<128x16xf32, #tpu.memory_space<vmem>>) target(%dma_start3A_78 : memref<10112x16xf32, #tpu.memory_space<vmem_shared>>) offsets(%dma_start3A_75 : memref<128xi32, #tpu.memory_space<vmem>>) semaphore(%arg10 : memref<!tpu.dma_semaphore, #tpu.memory_space<semaphore_mem>>) {add = true}
      %mul3A_79 = arith.constant 13 : i32
      %mul3A_80 = arith.muli %add3A_38, %mul3A_79 : i32
      %add3A_81 = arith.constant 4 : i32
      %add3A_82 = arith.addi %mul3A_80, %add3A_81 : i32
      %mul3A_83 = arith.constant 128 : i32
      %mul3A_84 = arith.muli %add3A_82, %mul3A_83 : i32
      %dma_start3A_85 = tpu.memref_slice %arg6[%mul3A_84] : memref<10000xi32, #tpu.memory_space<vmem>> -> memref<128xi32, #tpu.memory_space<vmem>>
      %dma_start3A_86 = arith.constant 0 : i32
      %dma_start3A_87 = arith.constant 0 : i32
      %dma_start3A_88 = tpu.memref_slice %arg9[%dma_start3A_86, %dma_start3A_87] : memref<10112x16xf32, #tpu.memory_space<vmem_shared>> -> memref<10112x16xf32, #tpu.memory_space<vmem_shared>>
      tpu.enqueue_indirect_dma source(%arg7 : memref<128x16xf32, #tpu.memory_space<vmem>>) target(%dma_start3A_88 : memref<10112x16xf32, #tpu.memory_space<vmem_shared>>) offsets(%dma_start3A_85 : memref<128xi32, #tpu.memory_space<vmem>>) semaphore(%arg10 : memref<!tpu.dma_semaphore, #tpu.memory_space<semaphore_mem>>) {add = true}
      %mul3A_89 = arith.constant 13 : i32
      %mul3A_90 = arith.muli %add3A_38, %mul3A_89 : i32
      %add3A_91 = arith.constant 5 : i32
      %add3A_92 = arith.addi %mul3A_90, %add3A_91 : i32
      %mul3A_93 = arith.constant 128 : i32
      %mul3A_94 = arith.muli %add3A_92, %mul3A_93 : i32
      %dma_start3A_95 = tpu.memref_slice %arg6[%mul3A_94] : memref<10000xi32, #tpu.memory_space<vmem>> -> memref<128xi32, #tpu.memory_space<vmem>>
      %dma_start3A_96 = arith.constant 0 : i32
      %dma_start3A_97 = arith.constant 0 : i32
      %dma_start3A_98 = tpu.memref_slice %arg9[%dma_start3A_96, %dma_start3A_97] : memref<10112x16xf32, #tpu.memory_space<vmem_shared>> -> memref<10112x16xf32, #tpu.memory_space<vmem_shared>>
      tpu.enqueue_indirect_dma source(%arg7 : memref<128x16xf32, #tpu.memory_space<vmem>>) target(%dma_start3A_98 : memref<10112x16xf32, #tpu.memory_space<vmem_shared>>) offsets(%dma_start3A_95 : memref<128xi32, #tpu.memory_space<vmem>>) semaphore(%arg10 : memref<!tpu.dma_semaphore, #tpu.memory_space<semaphore_mem>>) {add = true}
      %mul3A_99 = arith.constant 13 : i32
      %mul3A_100 = arith.muli %add3A_38, %mul3A_99 : i32
      %add3A_101 = arith.constant 6 : i32
      %add3A_102 = arith.addi %mul3A_100, %add3A_101 : i32
      %mul3A_103 = arith.constant 128 : i32
      %mul3A_104 = arith.muli %add3A_102, %mul3A_103 : i32
      %dma_start3A_105 = tpu.memref_slice %arg6[%mul3A_104] : memref<10000xi32, #tpu.memory_space<vmem>> -> memref<128xi32, #tpu.memory_space<vmem>>
      %dma_start3A_106 = arith.constant 0 : i32
      %dma_start3A_107 = arith.constant 0 : i32
      %dma_start3A_108 = tpu.memref_slice %arg9[%dma_start3A_106, %dma_start3A_107] : memref<10112x16xf32, #tpu.memory_space<vmem_shared>> -> memref<10112x16xf32, #tpu.memory_space<vmem_shared>>
      tpu.enqueue_indirect_dma source(%arg7 : memref<128x16xf32, #tpu.memory_space<vmem>>) target(%dma_start3A_108 : memref<10112x16xf32, #tpu.memory_space<vmem_shared>>) offsets(%dma_start3A_105 : memref<128xi32, #tpu.memory_space<vmem>>) semaphore(%arg10 : memref<!tpu.dma_semaphore, #tpu.memory_space<semaphore_mem>>) {add = true}
      %mul3A_109 = arith.constant 13 : i32
      %mul3A_110 = arith.muli %add3A_38, %mul3A_109 : i32
      %add3A_111 = arith.constant 7 : i32
      %add3A_112 = arith.addi %mul3A_110, %add3A_111 : i32
      %mul3A_113 = arith.constant 128 : i32
      %mul3A_114 = arith.muli %add3A_112, %mul3A_113 : i32
      %dma_start3A_115 = tpu.memref_slice %arg6[%mul3A_114] : memref<10000xi32, #tpu.memory_space<vmem>> -> memref<128xi32, #tpu.memory_space<vmem>>
      %dma_start3A_116 = arith.constant 0 : i32
      %dma_start3A_117 = arith.constant 0 : i32
      %dma_start3A_118 = tpu.memref_slice %arg9[%dma_start3A_116, %dma_start3A_117] : memref<10112x16xf32, #tpu.memory_space<vmem_shared>> -> memref<10112x16xf32, #tpu.memory_space<vmem_shared>>
      tpu.enqueue_indirect_dma source(%arg7 : memref<128x16xf32, #tpu.memory_space<vmem>>) target(%dma_start3A_118 : memref<10112x16xf32, #tpu.memory_space<vmem_shared>>) offsets(%dma_start3A_115 : memref<128xi32, #tpu.memory_space<vmem>>) semaphore(%arg10 : memref<!tpu.dma_semaphore, #tpu.memory_space<semaphore_mem>>) {add = true}
      %mul3A_119 = arith.constant 13 : i32
      %mul3A_120 = arith.muli %add3A_38, %mul3A_119 : i32
      %add3A_121 = arith.constant 8 : i32
      %add3A_122 = arith.addi %mul3A_120, %add3A_121 : i32
      %mul3A_123 = arith.constant 128 : i32
      %mul3A_124 = arith.muli %add3A_122, %mul3A_123 : i32
      %dma_start3A_125 = tpu.memref_slice %arg6[%mul3A_124] : memref<10000xi32, #tpu.memory_space<vmem>> -> memref<128xi32, #tpu.memory_space<vmem>>
      %dma_start3A_126 = arith.constant 0 : i32
      %dma_start3A_127 = arith.constant 0 : i32
      %dma_start3A_128 = tpu.memref_slice %arg9[%dma_start3A_126, %dma_start3A_127] : memref<10112x16xf32, #tpu.memory_space<vmem_shared>> -> memref<10112x16xf32, #tpu.memory_space<vmem_shared>>
      tpu.enqueue_indirect_dma source(%arg7 : memref<128x16xf32, #tpu.memory_space<vmem>>) target(%dma_start3A_128 : memref<10112x16xf32, #tpu.memory_space<vmem_shared>>) offsets(%dma_start3A_125 : memref<128xi32, #tpu.memory_space<vmem>>) semaphore(%arg10 : memref<!tpu.dma_semaphore, #tpu.memory_space<semaphore_mem>>) {add = true}
      %mul3A_129 = arith.constant 13 : i32
      %mul3A_130 = arith.muli %add3A_38, %mul3A_129 : i32
      %add3A_131 = arith.constant 9 : i32
      %add3A_132 = arith.addi %mul3A_130, %add3A_131 : i32
      %mul3A_133 = arith.constant 128 : i32
      %mul3A_134 = arith.muli %add3A_132, %mul3A_133 : i32
      %dma_start3A_135 = tpu.memref_slice %arg6[%mul3A_134] : memref<10000xi32, #tpu.memory_space<vmem>> -> memref<128xi32, #tpu.memory_space<vmem>>
      %dma_start3A_136 = arith.constant 0 : i32
      %dma_start3A_137 = arith.constant 0 : i32
      %dma_start3A_138 = tpu.memref_slice %arg9[%dma_start3A_136, %dma_start3A_137] : memref<10112x16xf32, #tpu.memory_space<vmem_shared>> -> memref<10112x16xf32, #tpu.memory_space<vmem_shared>>
      tpu.enqueue_indirect_dma source(%arg7 : memref<128x16xf32, #tpu.memory_space<vmem>>) target(%dma_start3A_138 : memref<10112x16xf32, #tpu.memory_space<vmem_shared>>) offsets(%dma_start3A_135 : memref<128xi32, #tpu.memory_space<vmem>>) semaphore(%arg10 : memref<!tpu.dma_semaphore, #tpu.memory_space<semaphore_mem>>) {add = true}
      %mul3A_139 = arith.constant 13 : i32
      %mul3A_140 = arith.muli %add3A_38, %mul3A_139 : i32
      %add3A_141 = arith.constant 10 : i32
      %add3A_142 = arith.addi %mul3A_140, %add3A_141 : i32
      %mul3A_143 = arith.constant 128 : i32
      %mul3A_144 = arith.muli %add3A_142, %mul3A_143 : i32
      %dma_start3A_145 = tpu.memref_slice %arg6[%mul3A_144] : memref<10000xi32, #tpu.memory_space<vmem>> -> memref<128xi32, #tpu.memory_space<vmem>>
      %dma_start3A_146 = arith.constant 0 : i32
      %dma_start3A_147 = arith.constant 0 : i32
      %dma_start3A_148 = tpu.memref_slice %arg9[%dma_start3A_146, %dma_start3A_147] : memref<10112x16xf32, #tpu.memory_space<vmem_shared>> -> memref<10112x16xf32, #tpu.memory_space<vmem_shared>>
      tpu.enqueue_indirect_dma source(%arg7 : memref<128x16xf32, #tpu.memory_space<vmem>>) target(%dma_start3A_148 : memref<10112x16xf32, #tpu.memory_space<vmem_shared>>) offsets(%dma_start3A_145 : memref<128xi32, #tpu.memory_space<vmem>>) semaphore(%arg10 : memref<!tpu.dma_semaphore, #tpu.memory_space<semaphore_mem>>) {add = true}
      %mul3A_149 = arith.constant 13 : i32
      %mul3A_150 = arith.muli %add3A_38, %mul3A_149 : i32
      %add3A_151 = arith.constant 11 : i32
      %add3A_152 = arith.addi %mul3A_150, %add3A_151 : i32
      %mul3A_153 = arith.constant 128 : i32
      %mul3A_154 = arith.muli %add3A_152, %mul3A_153 : i32
      %dma_start3A_155 = tpu.memref_slice %arg6[%mul3A_154] : memref<10000xi32, #tpu.memory_space<vmem>> -> memref<128xi32, #tpu.memory_space<vmem>>
      %dma_start3A_156 = arith.constant 0 : i32
      %dma_start3A_157 = arith.constant 0 : i32
      %dma_start3A_158 = tpu.memref_slice %arg9[%dma_start3A_156, %dma_start3A_157] : memref<10112x16xf32, #tpu.memory_space<vmem_shared>> -> memref<10112x16xf32, #tpu.memory_space<vmem_shared>>
      tpu.enqueue_indirect_dma source(%arg7 : memref<128x16xf32, #tpu.memory_space<vmem>>) target(%dma_start3A_158 : memref<10112x16xf32, #tpu.memory_space<vmem_shared>>) offsets(%dma_start3A_155 : memref<128xi32, #tpu.memory_space<vmem>>) semaphore(%arg10 : memref<!tpu.dma_semaphore, #tpu.memory_space<semaphore_mem>>) {add = true}
      %mul3A_159 = arith.constant 13 : i32
      %mul3A_160 = arith.muli %add3A_38, %mul3A_159 : i32
      %add3A_161 = arith.constant 12 : i32
      %add3A_162 = arith.addi %mul3A_160, %add3A_161 : i32
      %mul3A_163 = arith.constant 128 : i32
      %mul3A_164 = arith.muli %add3A_162, %mul3A_163 : i32
      %dma_start3A_165 = tpu.memref_slice %arg6[%mul3A_164] : memref<10000xi32, #tpu.memory_space<vmem>> -> memref<128xi32, #tpu.memory_space<vmem>>
      %dma_start3A_166 = arith.constant 0 : i32
      %dma_start3A_167 = arith.constant 0 : i32
      %dma_start3A_168 = tpu.memref_slice %arg9[%dma_start3A_166, %dma_start3A_167] : memref<10112x16xf32, #tpu.memory_space<vmem_shared>> -> memref<10112x16xf32, #tpu.memory_space<vmem_shared>>
      tpu.enqueue_indirect_dma source(%arg7 : memref<128x16xf32, #tpu.memory_space<vmem>>) target(%dma_start3A_168 : memref<10112x16xf32, #tpu.memory_space<vmem_shared>>) offsets(%dma_start3A_165 : memref<128xi32, #tpu.memory_space<vmem>>) semaphore(%arg10 : memref<!tpu.dma_semaphore, #tpu.memory_space<semaphore_mem>>) {add = true}
    }
    %scan3A_8 = arith.constant 6 : i32
    %dma_start3A = arith.constant 0 : i32
    %dma_start3A_9 = arith.constant 0 : i32
    %dma_start3A_10 = tpu.memref_slice %arg7[%dma_start3A, %dma_start3A_9] : memref<128x16xf32, #tpu.memory_space<vmem>> -> memref<16x16xf32, #tpu.memory_space<vmem>>
    %dma_start3A_11 = arith.constant 9984 : i32
    %dma_start3A_12 = tpu.memref_slice %arg6[%dma_start3A_11] : memref<10000xi32, #tpu.memory_space<vmem>> -> memref<16xi32, #tpu.memory_space<vmem>>
    %dma_start3A_13 = arith.constant 0 : i32
    %dma_start3A_14 = arith.constant 0 : i32
    %dma_start3A_15 = tpu.memref_slice %arg9[%dma_start3A_13, %dma_start3A_14] : memref<10112x16xf32, #tpu.memory_space<vmem_shared>> -> memref<10112x16xf32, #tpu.memory_space<vmem_shared>>
    tpu.enqueue_indirect_dma source(%dma_start3A_10 : memref<16x16xf32, #tpu.memory_space<vmem>>) target(%dma_start3A_15 : memref<10112x16xf32, #tpu.memory_space<vmem_shared>>) offsets(%dma_start3A_12 : memref<16xi32, #tpu.memory_space<vmem>>) semaphore(%arg10 : memref<!tpu.dma_semaphore, #tpu.memory_space<semaphore_mem>>) {add = true}
    %scan3A_16 = arith.constant 0 : i32
    %scan3A_17 = arith.constant 6 : i32
    %scan3A_18 = arith.addi %scan3A_16, %scan3A_17 : i32
    %scan3A_19 = arith.constant 1 : i32
    scf.for %scan3A_34 = %scan3A_16 to %scan3A_18 step %scan3A_19  : i32 {
      %mul3A_35 = arith.constant 1 : i32
      %mul3A_36 = arith.muli %scan3A_34, %mul3A_35 : i32
      %add3A_37 = arith.constant 0 : i32
      %add3A_38 = arith.addi %add3A_37, %mul3A_36 : i32
      %mul3A_39 = arith.constant 13 : i32
      %mul3A_40 = arith.muli %add3A_38, %mul3A_39 : i32
      %add3A_41 = arith.constant 0 : i32
      %add3A_42 = arith.addi %mul3A_40, %add3A_41 : i32
      %mul3A_43 = arith.constant 128 : i32
      %mul3A_44 = arith.muli %add3A_42, %mul3A_43 : i32
      %dma_wait3A_45 = tpu.memref_slice %arg6[%mul3A_44] : memref<10000xi32, #tpu.memory_space<vmem>> -> memref<128xi32, #tpu.memory_space<vmem>>
      %dma_wait3A_46 = arith.constant 0 : i32
      %dma_wait3A_47 = arith.constant 0 : i32
      %dma_wait3A_48 = tpu.memref_slice %arg9[%dma_wait3A_46, %dma_wait3A_47] : memref<10112x16xf32, #tpu.memory_space<vmem_shared>> -> memref<10112x16xf32, #tpu.memory_space<vmem_shared>>
      tpu.wait_indirect_dma semaphore(%arg10 : memref<!tpu.dma_semaphore, #tpu.memory_space<semaphore_mem>>) src(%arg7 : memref<128x16xf32, #tpu.memory_space<vmem>>) dst(%dma_wait3A_48 : memref<10112x16xf32, #tpu.memory_space<vmem_shared>>)
      %mul3A_49 = arith.constant 13 : i32
      %mul3A_50 = arith.muli %add3A_38, %mul3A_49 : i32
      %add3A_51 = arith.constant 1 : i32
      %add3A_52 = arith.addi %mul3A_50, %add3A_51 : i32
      %mul3A_53 = arith.constant 128 : i32
      %mul3A_54 = arith.muli %add3A_52, %mul3A_53 : i32
      %dma_wait3A_55 = tpu.memref_slice %arg6[%mul3A_54] : memref<10000xi32, #tpu.memory_space<vmem>> -> memref<128xi32, #tpu.memory_space<vmem>>
      %dma_wait3A_56 = arith.constant 0 : i32
      %dma_wait3A_57 = arith.constant 0 : i32
      %dma_wait3A_58 = tpu.memref_slice %arg9[%dma_wait3A_56, %dma_wait3A_57] : memref<10112x16xf32, #tpu.memory_space<vmem_shared>> -> memref<10112x16xf32, #tpu.memory_space<vmem_shared>>
      tpu.wait_indirect_dma semaphore(%arg10 : memref<!tpu.dma_semaphore, #tpu.memory_space<semaphore_mem>>) src(%arg7 : memref<128x16xf32, #tpu.memory_space<vmem>>) dst(%dma_wait3A_58 : memref<10112x16xf32, #tpu.memory_space<vmem_shared>>)
      %mul3A_59 = arith.constant 13 : i32
      %mul3A_60 = arith.muli %add3A_38, %mul3A_59 : i32
      %add3A_61 = arith.constant 2 : i32
      %add3A_62 = arith.addi %mul3A_60, %add3A_61 : i32
      %mul3A_63 = arith.constant 128 : i32
      %mul3A_64 = arith.muli %add3A_62, %mul3A_63 : i32
      %dma_wait3A_65 = tpu.memref_slice %arg6[%mul3A_64] : memref<10000xi32, #tpu.memory_space<vmem>> -> memref<128xi32, #tpu.memory_space<vmem>>
      %dma_wait3A_66 = arith.constant 0 : i32
      %dma_wait3A_67 = arith.constant 0 : i32
      %dma_wait3A_68 = tpu.memref_slice %arg9[%dma_wait3A_66, %dma_wait3A_67] : memref<10112x16xf32, #tpu.memory_space<vmem_shared>> -> memref<10112x16xf32, #tpu.memory_space<vmem_shared>>
      tpu.wait_indirect_dma semaphore(%arg10 : memref<!tpu.dma_semaphore, #tpu.memory_space<semaphore_mem>>) src(%arg7 : memref<128x16xf32, #tpu.memory_space<vmem>>) dst(%dma_wait3A_68 : memref<10112x16xf32, #tpu.memory_space<vmem_shared>>)
      %mul3A_69 = arith.constant 13 : i32
      %mul3A_70 = arith.muli %add3A_38, %mul3A_69 : i32
      %add3A_71 = arith.constant 3 : i32
      %add3A_72 = arith.addi %mul3A_70, %add3A_71 : i32
      %mul3A_73 = arith.constant 128 : i32
      %mul3A_74 = arith.muli %add3A_72, %mul3A_73 : i32
      %dma_wait3A_75 = tpu.memref_slice %arg6[%mul3A_74] : memref<10000xi32, #tpu.memory_space<vmem>> -> memref<128xi32, #tpu.memory_space<vmem>>
      %dma_wait3A_76 = arith.constant 0 : i32
      %dma_wait3A_77 = arith.constant 0 : i32
      %dma_wait3A_78 = tpu.memref_slice %arg9[%dma_wait3A_76, %dma_wait3A_77] : memref<10112x16xf32, #tpu.memory_space<vmem_shared>> -> memref<10112x16xf32, #tpu.memory_space<vmem_shared>>
      tpu.wait_indirect_dma semaphore(%arg10 : memref<!tpu.dma_semaphore, #tpu.memory_space<semaphore_mem>>) src(%arg7 : memref<128x16xf32, #tpu.memory_space<vmem>>) dst(%dma_wait3A_78 : memref<10112x16xf32, #tpu.memory_space<vmem_shared>>)
      %mul3A_79 = arith.constant 13 : i32
      %mul3A_80 = arith.muli %add3A_38, %mul3A_79 : i32
      %add3A_81 = arith.constant 4 : i32
      %add3A_82 = arith.addi %mul3A_80, %add3A_81 : i32
      %mul3A_83 = arith.constant 128 : i32
      %mul3A_84 = arith.muli %add3A_82, %mul3A_83 : i32
      %dma_wait3A_85 = tpu.memref_slice %arg6[%mul3A_84] : memref<10000xi32, #tpu.memory_space<vmem>> -> memref<128xi32, #tpu.memory_space<vmem>>
      %dma_wait3A_86 = arith.constant 0 : i32
      %dma_wait3A_87 = arith.constant 0 : i32
      %dma_wait3A_88 = tpu.memref_slice %arg9[%dma_wait3A_86, %dma_wait3A_87] : memref<10112x16xf32, #tpu.memory_space<vmem_shared>> -> memref<10112x16xf32, #tpu.memory_space<vmem_shared>>
      tpu.wait_indirect_dma semaphore(%arg10 : memref<!tpu.dma_semaphore, #tpu.memory_space<semaphore_mem>>) src(%arg7 : memref<128x16xf32, #tpu.memory_space<vmem>>) dst(%dma_wait3A_88 : memref<10112x16xf32, #tpu.memory_space<vmem_shared>>)
      %mul3A_89 = arith.constant 13 : i32
      %mul3A_90 = arith.muli %add3A_38, %mul3A_89 : i32
      %add3A_91 = arith.constant 5 : i32
      %add3A_92 = arith.addi %mul3A_90, %add3A_91 : i32
      %mul3A_93 = arith.constant 128 : i32
      %mul3A_94 = arith.muli %add3A_92, %mul3A_93 : i32
      %dma_wait3A_95 = tpu.memref_slice %arg6[%mul3A_94] : memref<10000xi32, #tpu.memory_space<vmem>> -> memref<128xi32, #tpu.memory_space<vmem>>
      %dma_wait3A_96 = arith.constant 0 : i32
      %dma_wait3A_97 = arith.constant 0 : i32
      %dma_wait3A_98 = tpu.memref_slice %arg9[%dma_wait3A_96, %dma_wait3A_97] : memref<10112x16xf32, #tpu.memory_space<vmem_shared>> -> memref<10112x16xf32, #tpu.memory_space<vmem_shared>>
      tpu.wait_indirect_dma semaphore(%arg10 : memref<!tpu.dma_semaphore, #tpu.memory_space<semaphore_mem>>) src(%arg7 : memref<128x16xf32, #tpu.memory_space<vmem>>) dst(%dma_wait3A_98 : memref<10112x16xf32, #tpu.memory_space<vmem_shared>>)
      %mul3A_99 = arith.constant 13 : i32
      %mul3A_100 = arith.muli %add3A_38, %mul3A_99 : i32
      %add3A_101 = arith.constant 6 : i32
      %add3A_102 = arith.addi %mul3A_100, %add3A_101 : i32
      %mul3A_103 = arith.constant 128 : i32
      %mul3A_104 = arith.muli %add3A_102, %mul3A_103 : i32
      %dma_wait3A_105 = tpu.memref_slice %arg6[%mul3A_104] : memref<10000xi32, #tpu.memory_space<vmem>> -> memref<128xi32, #tpu.memory_space<vmem>>
      %dma_wait3A_106 = arith.constant 0 : i32
      %dma_wait3A_107 = arith.constant 0 : i32
      %dma_wait3A_108 = tpu.memref_slice %arg9[%dma_wait3A_106, %dma_wait3A_107] : memref<10112x16xf32, #tpu.memory_space<vmem_shared>> -> memref<10112x16xf32, #tpu.memory_space<vmem_shared>>
      tpu.wait_indirect_dma semaphore(%arg10 : memref<!tpu.dma_semaphore, #tpu.memory_space<semaphore_mem>>) src(%arg7 : memref<128x16xf32, #tpu.memory_space<vmem>>) dst(%dma_wait3A_108 : memref<10112x16xf32, #tpu.memory_space<vmem_shared>>)
      %mul3A_109 = arith.constant 13 : i32
      %mul3A_110 = arith.muli %add3A_38, %mul3A_109 : i32
      %add3A_111 = arith.constant 7 : i32
      %add3A_112 = arith.addi %mul3A_110, %add3A_111 : i32
      %mul3A_113 = arith.constant 128 : i32
      %mul3A_114 = arith.muli %add3A_112, %mul3A_113 : i32
      %dma_wait3A_115 = tpu.memref_slice %arg6[%mul3A_114] : memref<10000xi32, #tpu.memory_space<vmem>> -> memref<128xi32, #tpu.memory_space<vmem>>
      %dma_wait3A_116 = arith.constant 0 : i32
      %dma_wait3A_117 = arith.constant 0 : i32
      %dma_wait3A_118 = tpu.memref_slice %arg9[%dma_wait3A_116, %dma_wait3A_117] : memref<10112x16xf32, #tpu.memory_space<vmem_shared>> -> memref<10112x16xf32, #tpu.memory_space<vmem_shared>>
      tpu.wait_indirect_dma semaphore(%arg10 : memref<!tpu.dma_semaphore, #tpu.memory_space<semaphore_mem>>) src(%arg7 : memref<128x16xf32, #tpu.memory_space<vmem>>) dst(%dma_wait3A_118 : memref<10112x16xf32, #tpu.memory_space<vmem_shared>>)
      %mul3A_119 = arith.constant 13 : i32
      %mul3A_120 = arith.muli %add3A_38, %mul3A_119 : i32
      %add3A_121 = arith.constant 8 : i32
      %add3A_122 = arith.addi %mul3A_120, %add3A_121 : i32
      %mul3A_123 = arith.constant 128 : i32
      %mul3A_124 = arith.muli %add3A_122, %mul3A_123 : i32
      %dma_wait3A_125 = tpu.memref_slice %arg6[%mul3A_124] : memref<10000xi32, #tpu.memory_space<vmem>> -> memref<128xi32, #tpu.memory_space<vmem>>
      %dma_wait3A_126 = arith.constant 0 : i32
      %dma_wait3A_127 = arith.constant 0 : i32
      %dma_wait3A_128 = tpu.memref_slice %arg9[%dma_wait3A_126, %dma_wait3A_127] : memref<10112x16xf32, #tpu.memory_space<vmem_shared>> -> memref<10112x16xf32, #tpu.memory_space<vmem_shared>>
      tpu.wait_indirect_dma semaphore(%arg10 : memref<!tpu.dma_semaphore, #tpu.memory_space<semaphore_mem>>) src(%arg7 : memref<128x16xf32, #tpu.memory_space<vmem>>) dst(%dma_wait3A_128 : memref<10112x16xf32, #tpu.memory_space<vmem_shared>>)
      %mul3A_129 = arith.constant 13 : i32
      %mul3A_130 = arith.muli %add3A_38, %mul3A_129 : i32
      %add3A_131 = arith.constant 9 : i32
      %add3A_132 = arith.addi %mul3A_130, %add3A_131 : i32
      %mul3A_133 = arith.constant 128 : i32
      %mul3A_134 = arith.muli %add3A_132, %mul3A_133 : i32
      %dma_wait3A_135 = tpu.memref_slice %arg6[%mul3A_134] : memref<10000xi32, #tpu.memory_space<vmem>> -> memref<128xi32, #tpu.memory_space<vmem>>
      %dma_wait3A_136 = arith.constant 0 : i32
      %dma_wait3A_137 = arith.constant 0 : i32
      %dma_wait3A_138 = tpu.memref_slice %arg9[%dma_wait3A_136, %dma_wait3A_137] : memref<10112x16xf32, #tpu.memory_space<vmem_shared>> -> memref<10112x16xf32, #tpu.memory_space<vmem_shared>>
      tpu.wait_indirect_dma semaphore(%arg10 : memref<!tpu.dma_semaphore, #tpu.memory_space<semaphore_mem>>) src(%arg7 : memref<128x16xf32, #tpu.memory_space<vmem>>) dst(%dma_wait3A_138 : memref<10112x16xf32, #tpu.memory_space<vmem_shared>>)
      %mul3A_139 = arith.constant 13 : i32
      %mul3A_140 = arith.muli %add3A_38, %mul3A_139 : i32
      %add3A_141 = arith.constant 10 : i32
      %add3A_142 = arith.addi %mul3A_140, %add3A_141 : i32
      %mul3A_143 = arith.constant 128 : i32
      %mul3A_144 = arith.muli %add3A_142, %mul3A_143 : i32
      %dma_wait3A_145 = tpu.memref_slice %arg6[%mul3A_144] : memref<10000xi32, #tpu.memory_space<vmem>> -> memref<128xi32, #tpu.memory_space<vmem>>
      %dma_wait3A_146 = arith.constant 0 : i32
      %dma_wait3A_147 = arith.constant 0 : i32
      %dma_wait3A_148 = tpu.memref_slice %arg9[%dma_wait3A_146, %dma_wait3A_147] : memref<10112x16xf32, #tpu.memory_space<vmem_shared>> -> memref<10112x16xf32, #tpu.memory_space<vmem_shared>>
      tpu.wait_indirect_dma semaphore(%arg10 : memref<!tpu.dma_semaphore, #tpu.memory_space<semaphore_mem>>) src(%arg7 : memref<128x16xf32, #tpu.memory_space<vmem>>) dst(%dma_wait3A_148 : memref<10112x16xf32, #tpu.memory_space<vmem_shared>>)
      %mul3A_149 = arith.constant 13 : i32
      %mul3A_150 = arith.muli %add3A_38, %mul3A_149 : i32
      %add3A_151 = arith.constant 11 : i32
      %add3A_152 = arith.addi %mul3A_150, %add3A_151 : i32
      %mul3A_153 = arith.constant 128 : i32
      %mul3A_154 = arith.muli %add3A_152, %mul3A_153 : i32
      %dma_wait3A_155 = tpu.memref_slice %arg6[%mul3A_154] : memref<10000xi32, #tpu.memory_space<vmem>> -> memref<128xi32, #tpu.memory_space<vmem>>
      %dma_wait3A_156 = arith.constant 0 : i32
      %dma_wait3A_157 = arith.constant 0 : i32
      %dma_wait3A_158 = tpu.memref_slice %arg9[%dma_wait3A_156, %dma_wait3A_157] : memref<10112x16xf32, #tpu.memory_space<vmem_shared>> -> memref<10112x16xf32, #tpu.memory_space<vmem_shared>>
      tpu.wait_indirect_dma semaphore(%arg10 : memref<!tpu.dma_semaphore, #tpu.memory_space<semaphore_mem>>) src(%arg7 : memref<128x16xf32, #tpu.memory_space<vmem>>) dst(%dma_wait3A_158 : memref<10112x16xf32, #tpu.memory_space<vmem_shared>>)
      %mul3A_159 = arith.constant 13 : i32
      %mul3A_160 = arith.muli %add3A_38, %mul3A_159 : i32
      %add3A_161 = arith.constant 12 : i32
      %add3A_162 = arith.addi %mul3A_160, %add3A_161 : i32
      %mul3A_163 = arith.constant 128 : i32
      %mul3A_164 = arith.muli %add3A_162, %mul3A_163 : i32
      %dma_wait3A_165 = tpu.memref_slice %arg6[%mul3A_164] : memref<10000xi32, #tpu.memory_space<vmem>> -> memref<128xi32, #tpu.memory_space<vmem>>
      %dma_wait3A_166 = arith.constant 0 : i32
      %dma_wait3A_167 = arith.constant 0 : i32
      %dma_wait3A_168 = tpu.memref_slice %arg9[%dma_wait3A_166, %dma_wait3A_167] : memref<10112x16xf32, #tpu.memory_space<vmem_shared>> -> memref<10112x16xf32, #tpu.memory_space<vmem_shared>>
      tpu.wait_indirect_dma semaphore(%arg10 : memref<!tpu.dma_semaphore, #tpu.memory_space<semaphore_mem>>) src(%arg7 : memref<128x16xf32, #tpu.memory_space<vmem>>) dst(%dma_wait3A_168 : memref<10112x16xf32, #tpu.memory_space<vmem_shared>>)
    }
    %scan3A_20 = arith.constant 6 : i32
    %dma_wait3A = arith.constant 0 : i32
    %dma_wait3A_21 = arith.constant 0 : i32
    %dma_wait3A_22 = tpu.memref_slice %arg7[%dma_wait3A, %dma_wait3A_21] : memref<128x16xf32, #tpu.memory_space<vmem>> -> memref<16x16xf32, #tpu.memory_space<vmem>>
    %dma_wait3A_23 = arith.constant 9984 : i32
    %dma_wait3A_24 = tpu.memref_slice %arg6[%dma_wait3A_23] : memref<10000xi32, #tpu.memory_space<vmem>> -> memref<16xi32, #tpu.memory_space<vmem>>
    %dma_wait3A_25 = arith.constant 0 : i32
    %dma_wait3A_26 = arith.constant 0 : i32
    %dma_wait3A_27 = tpu.memref_slice %arg9[%dma_wait3A_25, %dma_wait3A_26] : memref<10112x16xf32, #tpu.memory_space<vmem_shared>> -> memref<10112x16xf32, #tpu.memory_space<vmem_shared>>
    tpu.wait_indirect_dma semaphore(%arg10 : memref<!tpu.dma_semaphore, #tpu.memory_space<semaphore_mem>>) src(%dma_wait3A_22 : memref<16x16xf32, #tpu.memory_space<vmem>>) dst(%dma_wait3A_27 : memref<10112x16xf32, #tpu.memory_space<vmem_shared>>)
    %barrier3A_28 = arith.constant 0 : index
    tpu.barrier barrier_id(%barrier3A_28)
    "tpu.region"() ({
      %run_scoped3A_34 = tpu.sem_alloc : memref<!tpu.dma_semaphore, #tpu.memory_space<semaphore_mem>>
      %dma_start3A_35 = arith.constant 0 : i32
      %dma_start3A_36 = tpu.memref_slice %arg9[%mul3A_2, %dma_start3A_35] : memref<10112x16xf32, #tpu.memory_space<vmem_shared>> -> memref<632x16xf32, #tpu.memory_space<vmem_shared>>
      %dma_start3A_37 = arith.constant 0 : i32
      %dma_start3A_38 = tpu.memref_slice %arg9[%mul3A_2, %dma_start3A_37] : memref<10112x16xf32, #tpu.memory_space<vmem_shared>> -> memref<632x16xf32, #tpu.memory_space<vmem_shared>>
      tpu.enqueue_dma source(%dma_start3A_38 : memref<632x16xf32, #tpu.memory_space<vmem_shared>>) target(%arg8 : memref<632x16xf32, #tpu.memory_space<vmem>>) target_semaphore(%run_scoped3A_34 : memref<!tpu.dma_semaphore, #tpu.memory_space<semaphore_mem>>)
      %dma_wait3A_39 = arith.constant 0 : i32
      %dma_wait3A_40 = tpu.memref_slice %arg9[%mul3A_2, %dma_wait3A_39] : memref<10112x16xf32, #tpu.memory_space<vmem_shared>> -> memref<632x16xf32, #tpu.memory_space<vmem_shared>>
      %dma_wait3A_41 = arith.constant 0 : i32
      %dma_wait3A_42 = tpu.memref_slice %arg9[%mul3A_2, %dma_wait3A_41] : memref<10112x16xf32, #tpu.memory_space<vmem_shared>> -> memref<632x16xf32, #tpu.memory_space<vmem_shared>>
      tpu.wait_dma2 semaphore(%run_scoped3A_34 : memref<!tpu.dma_semaphore, #tpu.memory_space<semaphore_mem>>) src(%dma_wait3A_42 : memref<632x16xf32, #tpu.memory_space<vmem_shared>>) dst(%arg8 : memref<632x16xf32, #tpu.memory_space<vmem>>)
      tpu.yield
    }) : () -> ()
    %mul3A_29 = arith.constant 10112 : i32
    %mul3A_30 = arith.muli %arg0, %mul3A_29 : i32
    %mul3A_31 = arith.constant 632 : i32
    %mul3A_32 = arith.muli %arg1, %mul3A_31 : i32
    %add3A_33 = arith.addi %mul3A_30, %mul3A_32 : i32
    "tpu.region"() ({
      %run_scoped3A_34 = tpu.sem_alloc : memref<!tpu.dma_semaphore, #tpu.memory_space<semaphore_mem>>
      %dma_start3A_35 = arith.constant 0 : i32
      %dma_start3A_36 = tpu.memref_slice %arg5[%add3A_33, %dma_start3A_35] : memref<20224x16xf32, #tpu.memory_space<hbm>> -> memref<632x16xf32, #tpu.memory_space<hbm>>
      %dma_start3A_37 = arith.constant 0 : i32
      %dma_start3A_38 = tpu.memref_slice %arg5[%add3A_33, %dma_start3A_37] : memref<20224x16xf32, #tpu.memory_space<hbm>> -> memref<632x16xf32, #tpu.memory_space<hbm>>
      tpu.enqueue_dma source(%arg8 : memref<632x16xf32, #tpu.memory_space<vmem>>) target(%dma_start3A_38 : memref<632x16xf32, #tpu.memory_space<hbm>>) target_semaphore(%run_scoped3A_34 : memref<!tpu.dma_semaphore, #tpu.memory_space<semaphore_mem>>)
      %dma_wait3A_39 = arith.constant 0 : i32
      %dma_wait3A_40 = tpu.memref_slice %arg5[%add3A_33, %dma_wait3A_39] : memref<20224x16xf32, #tpu.memory_space<hbm>> -> memref<632x16xf32, #tpu.memory_space<hbm>>
      %dma_wait3A_41 = arith.constant 0 : i32
      %dma_wait3A_42 = tpu.memref_slice %arg5[%add3A_33, %dma_wait3A_41] : memref<20224x16xf32, #tpu.memory_space<hbm>> -> memref<632x16xf32, #tpu.memory_space<hbm>>
      tpu.wait_dma2 semaphore(%run_scoped3A_34 : memref<!tpu.dma_semaphore, #tpu.memory_space<semaphore_mem>>) src(%arg8 : memref<632x16xf32, #tpu.memory_space<vmem>>) dst(%dma_wait3A_42 : memref<632x16xf32, #tpu.memory_space<hbm>>)
      tpu.yield
    }) : () -> ()
    return
  }
}

#map = affine_map<(d0, d1) -> (0, 0)>
module attributes {stable_mosaic.version = 14 : i64} {
  func.func @_sc_layer(%arg0: i32, %arg1: i32, %arg2: memref<10112x8xf32, #tpu.memory_space<hbm>>, %arg3: memref<2x320000xi32, #tpu.memory_space<hbm>>, %arg4: memref<10112x8xf32, #tpu.memory_space<hbm>>, %arg5: memref<20224x8xf32, #tpu.memory_space<hbm>>, %arg6: memref<10000xi32, #tpu.memory_space<vmem>>, %arg7: memref<10000xi32, #tpu.memory_space<vmem>>, %arg8: memref<2x13x128x8xf32, #tpu.memory_space<vmem>>, %arg9: memref<632x8xf32, #tpu.memory_space<vmem>>, %arg10: memref<10112x8xf32, #tpu.memory_space<vmem_shared>>, %arg11: memref<10112x8xf32, #tpu.memory_space<vmem_shared>>, %arg12: memref<!tpu.dma_semaphore, #tpu.memory_space<semaphore_mem>>, %arg13: memref<!tpu.dma_semaphore, #tpu.memory_space<semaphore_mem>>) attributes {dimension_semantics = [#tpu.dimension_semantics<core_parallel>, #tpu.dimension_semantics<subcore_parallel>], iteration_bounds = array<i64: 2, 16>, scalar_prefetch = 0 : i64, scratch_operands = 8 : i64, tpu.core_type = #tpu.core_type<sc_vector_subcore>, window_params = [{transform_indices = #map}, {transform_indices = #map}, {transform_indices = #map}, {transform_indices = #map}]} {
    %mul3A = arith.constant 16 : i32
    %mul3A_0 = arith.muli %arg0, %mul3A : i32
    %add3A = arith.addi %mul3A_0, %arg1 : i32
    %mul3A_1 = arith.constant 632 : i32
    %mul3A_2 = arith.muli %arg1, %mul3A_1 : i32
    %mul3A_3 = arith.constant 10000 : i32
    %mul3A_4 = arith.muli %add3A, %mul3A_3 : i32
    %run_scoped3A = arith.constant 0 : i32
    "tpu.region"() ({
      %run_scoped3A_166 = tpu.sem_alloc : memref<!tpu.dma_semaphore, #tpu.memory_space<semaphore_mem>>
      %dma_start3A_167 = tpu.memref_slice %arg3[%run_scoped3A, %mul3A_4] : memref<2x320000xi32, #tpu.memory_space<hbm>> -> memref<1x10000xi32, #tpu.memory_space<hbm>>
      %dma_start3A_168 = tpu.memref_squeeze %dma_start3A_167 : memref<1x10000xi32, #tpu.memory_space<hbm>> -> memref<10000xi32, #tpu.memory_space<hbm>>
      %dma_start3A_169 = tpu.memref_slice %arg3[%run_scoped3A, %mul3A_4] : memref<2x320000xi32, #tpu.memory_space<hbm>> -> memref<1x10000xi32, #tpu.memory_space<hbm>>
      %dma_start3A_170 = tpu.memref_squeeze %dma_start3A_169 : memref<1x10000xi32, #tpu.memory_space<hbm>> -> memref<10000xi32, #tpu.memory_space<hbm>>
      tpu.enqueue_dma source(%dma_start3A_170 : memref<10000xi32, #tpu.memory_space<hbm>>) target(%arg6 : memref<10000xi32, #tpu.memory_space<vmem>>) target_semaphore(%run_scoped3A_166 : memref<!tpu.dma_semaphore, #tpu.memory_space<semaphore_mem>>)
      %dma_wait3A = tpu.memref_slice %arg3[%run_scoped3A, %mul3A_4] : memref<2x320000xi32, #tpu.memory_space<hbm>> -> memref<1x10000xi32, #tpu.memory_space<hbm>>
      %dma_wait3A_171 = tpu.memref_squeeze %dma_wait3A : memref<1x10000xi32, #tpu.memory_space<hbm>> -> memref<10000xi32, #tpu.memory_space<hbm>>
      %dma_wait3A_172 = tpu.memref_slice %arg3[%run_scoped3A, %mul3A_4] : memref<2x320000xi32, #tpu.memory_space<hbm>> -> memref<1x10000xi32, #tpu.memory_space<hbm>>
      %dma_wait3A_173 = tpu.memref_squeeze %dma_wait3A_172 : memref<1x10000xi32, #tpu.memory_space<hbm>> -> memref<10000xi32, #tpu.memory_space<hbm>>
      tpu.wait_dma2 semaphore(%run_scoped3A_166 : memref<!tpu.dma_semaphore, #tpu.memory_space<semaphore_mem>>) src(%dma_wait3A_173 : memref<10000xi32, #tpu.memory_space<hbm>>) dst(%arg6 : memref<10000xi32, #tpu.memory_space<vmem>>)
      tpu.yield
    }) : () -> ()
    %mul3A_5 = arith.constant 10000 : i32
    %mul3A_6 = arith.muli %add3A, %mul3A_5 : i32
    %run_scoped3A_7 = arith.constant 1 : i32
    "tpu.region"() ({
      %run_scoped3A_166 = tpu.sem_alloc : memref<!tpu.dma_semaphore, #tpu.memory_space<semaphore_mem>>
      %dma_start3A_167 = tpu.memref_slice %arg3[%run_scoped3A_7, %mul3A_6] : memref<2x320000xi32, #tpu.memory_space<hbm>> -> memref<1x10000xi32, #tpu.memory_space<hbm>>
      %dma_start3A_168 = tpu.memref_squeeze %dma_start3A_167 : memref<1x10000xi32, #tpu.memory_space<hbm>> -> memref<10000xi32, #tpu.memory_space<hbm>>
      %dma_start3A_169 = tpu.memref_slice %arg3[%run_scoped3A_7, %mul3A_6] : memref<2x320000xi32, #tpu.memory_space<hbm>> -> memref<1x10000xi32, #tpu.memory_space<hbm>>
      %dma_start3A_170 = tpu.memref_squeeze %dma_start3A_169 : memref<1x10000xi32, #tpu.memory_space<hbm>> -> memref<10000xi32, #tpu.memory_space<hbm>>
      tpu.enqueue_dma source(%dma_start3A_170 : memref<10000xi32, #tpu.memory_space<hbm>>) target(%arg7 : memref<10000xi32, #tpu.memory_space<vmem>>) target_semaphore(%run_scoped3A_166 : memref<!tpu.dma_semaphore, #tpu.memory_space<semaphore_mem>>)
      %dma_wait3A = tpu.memref_slice %arg3[%run_scoped3A_7, %mul3A_6] : memref<2x320000xi32, #tpu.memory_space<hbm>> -> memref<1x10000xi32, #tpu.memory_space<hbm>>
      %dma_wait3A_171 = tpu.memref_squeeze %dma_wait3A : memref<1x10000xi32, #tpu.memory_space<hbm>> -> memref<10000xi32, #tpu.memory_space<hbm>>
      %dma_wait3A_172 = tpu.memref_slice %arg3[%run_scoped3A_7, %mul3A_6] : memref<2x320000xi32, #tpu.memory_space<hbm>> -> memref<1x10000xi32, #tpu.memory_space<hbm>>
      %dma_wait3A_173 = tpu.memref_squeeze %dma_wait3A_172 : memref<1x10000xi32, #tpu.memory_space<hbm>> -> memref<10000xi32, #tpu.memory_space<hbm>>
      tpu.wait_dma2 semaphore(%run_scoped3A_166 : memref<!tpu.dma_semaphore, #tpu.memory_space<semaphore_mem>>) src(%dma_wait3A_173 : memref<10000xi32, #tpu.memory_space<hbm>>) dst(%arg7 : memref<10000xi32, #tpu.memory_space<vmem>>)
      tpu.yield
    }) : () -> ()
    "tpu.region"() ({
      %run_scoped3A_166 = tpu.sem_alloc : memref<!tpu.dma_semaphore, #tpu.memory_space<semaphore_mem>>
      %dma_start3A_167 = arith.constant 0 : i32
      %dma_start3A_168 = tpu.memref_slice %arg2[%mul3A_2, %dma_start3A_167] : memref<10112x8xf32, #tpu.memory_space<hbm>> -> memref<632x8xf32, #tpu.memory_space<hbm>>
      %dma_start3A_169 = arith.constant 0 : i32
      %dma_start3A_170 = tpu.memref_slice %arg2[%mul3A_2, %dma_start3A_169] : memref<10112x8xf32, #tpu.memory_space<hbm>> -> memref<632x8xf32, #tpu.memory_space<hbm>>
      tpu.enqueue_dma source(%dma_start3A_170 : memref<632x8xf32, #tpu.memory_space<hbm>>) target(%arg9 : memref<632x8xf32, #tpu.memory_space<vmem>>) target_semaphore(%run_scoped3A_166 : memref<!tpu.dma_semaphore, #tpu.memory_space<semaphore_mem>>)
      %dma_wait3A = arith.constant 0 : i32
      %dma_wait3A_171 = tpu.memref_slice %arg2[%mul3A_2, %dma_wait3A] : memref<10112x8xf32, #tpu.memory_space<hbm>> -> memref<632x8xf32, #tpu.memory_space<hbm>>
      %dma_wait3A_172 = arith.constant 0 : i32
      %dma_wait3A_173 = tpu.memref_slice %arg2[%mul3A_2, %dma_wait3A_172] : memref<10112x8xf32, #tpu.memory_space<hbm>> -> memref<632x8xf32, #tpu.memory_space<hbm>>
      tpu.wait_dma2 semaphore(%run_scoped3A_166 : memref<!tpu.dma_semaphore, #tpu.memory_space<semaphore_mem>>) src(%dma_wait3A_173 : memref<632x8xf32, #tpu.memory_space<hbm>>) dst(%arg9 : memref<632x8xf32, #tpu.memory_space<vmem>>)
      tpu.yield
    }) : () -> ()
    "tpu.region"() ({
      %run_scoped3A_166 = tpu.sem_alloc : memref<!tpu.dma_semaphore, #tpu.memory_space<semaphore_mem>>
      %dma_start3A_167 = arith.constant 0 : i32
      %dma_start3A_168 = tpu.memref_slice %arg10[%mul3A_2, %dma_start3A_167] : memref<10112x8xf32, #tpu.memory_space<vmem_shared>> -> memref<632x8xf32, #tpu.memory_space<vmem_shared>>
      %dma_start3A_169 = arith.constant 0 : i32
      %dma_start3A_170 = tpu.memref_slice %arg10[%mul3A_2, %dma_start3A_169] : memref<10112x8xf32, #tpu.memory_space<vmem_shared>> -> memref<632x8xf32, #tpu.memory_space<vmem_shared>>
      tpu.enqueue_dma source(%arg9 : memref<632x8xf32, #tpu.memory_space<vmem>>) target(%dma_start3A_170 : memref<632x8xf32, #tpu.memory_space<vmem_shared>>) target_semaphore(%run_scoped3A_166 : memref<!tpu.dma_semaphore, #tpu.memory_space<semaphore_mem>>)
      %dma_wait3A = arith.constant 0 : i32
      %dma_wait3A_171 = tpu.memref_slice %arg10[%mul3A_2, %dma_wait3A] : memref<10112x8xf32, #tpu.memory_space<vmem_shared>> -> memref<632x8xf32, #tpu.memory_space<vmem_shared>>
      %dma_wait3A_172 = arith.constant 0 : i32
      %dma_wait3A_173 = tpu.memref_slice %arg10[%mul3A_2, %dma_wait3A_172] : memref<10112x8xf32, #tpu.memory_space<vmem_shared>> -> memref<632x8xf32, #tpu.memory_space<vmem_shared>>
      tpu.wait_dma2 semaphore(%run_scoped3A_166 : memref<!tpu.dma_semaphore, #tpu.memory_space<semaphore_mem>>) src(%arg9 : memref<632x8xf32, #tpu.memory_space<vmem>>) dst(%dma_wait3A_173 : memref<632x8xf32, #tpu.memory_space<vmem_shared>>)
      tpu.yield
    }) : () -> ()
    %eq3A = arith.constant 1 : i32
    %eq3A_8 = arith.cmpi eq, %arg0, %eq3A : i32
    %convert_element_type3A = arith.extui %eq3A_8 : i1 to i32
    %cond3A = arith.constant 0 : i32
    %cond3A_9 = arith.cmpi ne, %convert_element_type3A, %cond3A : i32
    scf.if %cond3A_9 {
      "tpu.region"() ({
        %run_scoped3A_166 = tpu.sem_alloc : memref<!tpu.dma_semaphore, #tpu.memory_space<semaphore_mem>>
        %dma_start3A_167 = arith.constant 0 : i32
        %dma_start3A_168 = tpu.memref_slice %arg4[%mul3A_2, %dma_start3A_167] : memref<10112x8xf32, #tpu.memory_space<hbm>> -> memref<632x8xf32, #tpu.memory_space<hbm>>
        %dma_start3A_169 = arith.constant 0 : i32
        %dma_start3A_170 = tpu.memref_slice %arg4[%mul3A_2, %dma_start3A_169] : memref<10112x8xf32, #tpu.memory_space<hbm>> -> memref<632x8xf32, #tpu.memory_space<hbm>>
        tpu.enqueue_dma source(%dma_start3A_170 : memref<632x8xf32, #tpu.memory_space<hbm>>) target(%arg9 : memref<632x8xf32, #tpu.memory_space<vmem>>) target_semaphore(%run_scoped3A_166 : memref<!tpu.dma_semaphore, #tpu.memory_space<semaphore_mem>>)
        %dma_wait3A = arith.constant 0 : i32
        %dma_wait3A_171 = tpu.memref_slice %arg4[%mul3A_2, %dma_wait3A] : memref<10112x8xf32, #tpu.memory_space<hbm>> -> memref<632x8xf32, #tpu.memory_space<hbm>>
        %dma_wait3A_172 = arith.constant 0 : i32
        %dma_wait3A_173 = tpu.memref_slice %arg4[%mul3A_2, %dma_wait3A_172] : memref<10112x8xf32, #tpu.memory_space<hbm>> -> memref<632x8xf32, #tpu.memory_space<hbm>>
        tpu.wait_dma2 semaphore(%run_scoped3A_166 : memref<!tpu.dma_semaphore, #tpu.memory_space<semaphore_mem>>) src(%dma_wait3A_173 : memref<632x8xf32, #tpu.memory_space<hbm>>) dst(%arg9 : memref<632x8xf32, #tpu.memory_space<vmem>>)
        tpu.yield
      }) : () -> ()
    } else {
    }
    "tpu.region"() ({
      %run_scoped3A_166 = tpu.sem_alloc : memref<!tpu.dma_semaphore, #tpu.memory_space<semaphore_mem>>
      %dma_start3A_167 = arith.constant 0 : i32
      %dma_start3A_168 = tpu.memref_slice %arg11[%mul3A_2, %dma_start3A_167] : memref<10112x8xf32, #tpu.memory_space<vmem_shared>> -> memref<632x8xf32, #tpu.memory_space<vmem_shared>>
      %dma_start3A_169 = arith.constant 0 : i32
      %dma_start3A_170 = tpu.memref_slice %arg11[%mul3A_2, %dma_start3A_169] : memref<10112x8xf32, #tpu.memory_space<vmem_shared>> -> memref<632x8xf32, #tpu.memory_space<vmem_shared>>
      tpu.enqueue_dma source(%arg9 : memref<632x8xf32, #tpu.memory_space<vmem>>) target(%dma_start3A_170 : memref<632x8xf32, #tpu.memory_space<vmem_shared>>) target_semaphore(%run_scoped3A_166 : memref<!tpu.dma_semaphore, #tpu.memory_space<semaphore_mem>>)
      %dma_wait3A = arith.constant 0 : i32
      %dma_wait3A_171 = tpu.memref_slice %arg11[%mul3A_2, %dma_wait3A] : memref<10112x8xf32, #tpu.memory_space<vmem_shared>> -> memref<632x8xf32, #tpu.memory_space<vmem_shared>>
      %dma_wait3A_172 = arith.constant 0 : i32
      %dma_wait3A_173 = tpu.memref_slice %arg11[%mul3A_2, %dma_wait3A_172] : memref<10112x8xf32, #tpu.memory_space<vmem_shared>> -> memref<632x8xf32, #tpu.memory_space<vmem_shared>>
      tpu.wait_dma2 semaphore(%run_scoped3A_166 : memref<!tpu.dma_semaphore, #tpu.memory_space<semaphore_mem>>) src(%arg9 : memref<632x8xf32, #tpu.memory_space<vmem>>) dst(%dma_wait3A_173 : memref<632x8xf32, #tpu.memory_space<vmem_shared>>)
      tpu.yield
    }) : () -> ()
    %barrier3A = arith.constant 0 : index
    tpu.barrier barrier_id(%barrier3A)
    %dma_start3A = arith.constant 0 : i32
    %dma_start3A_10 = arith.constant 0 : i32
    %dma_start3A_11 = arith.constant 0 : i32
    %dma_start3A_12 = arith.constant 0 : i32
    %dma_start3A_13 = tpu.memref_slice %arg8[%dma_start3A, %dma_start3A_10, %dma_start3A_11, %dma_start3A_12] : memref<2x13x128x8xf32, #tpu.memory_space<vmem>> -> memref<1x1x128x8xf32, #tpu.memory_space<vmem>>
    %dma_start3A_14 = tpu.memref_squeeze %dma_start3A_13 : memref<1x1x128x8xf32, #tpu.memory_space<vmem>> -> memref<128x8xf32, #tpu.memory_space<vmem>>
    %dma_start3A_15 = arith.constant 0 : i32
    %dma_start3A_16 = tpu.memref_slice %arg6[%dma_start3A_15] : memref<10000xi32, #tpu.memory_space<vmem>> -> memref<128xi32, #tpu.memory_space<vmem>>
    %dma_start3A_17 = arith.constant 0 : i32
    %dma_start3A_18 = arith.constant 0 : i32
    %dma_start3A_19 = tpu.memref_slice %arg10[%dma_start3A_17, %dma_start3A_18] : memref<10112x8xf32, #tpu.memory_space<vmem_shared>> -> memref<10112x8xf32, #tpu.memory_space<vmem_shared>>
    tpu.enqueue_indirect_dma source(%dma_start3A_19 : memref<10112x8xf32, #tpu.memory_space<vmem_shared>>) target(%dma_start3A_14 : memref<128x8xf32, #tpu.memory_space<vmem>>) offsets(%dma_start3A_16 : memref<128xi32, #tpu.memory_space<vmem>>) semaphore(%arg12 : memref<!tpu.dma_semaphore, #tpu.memory_space<semaphore_mem>>)
    %dma_start3A_20 = arith.constant 0 : i32
    %dma_start3A_21 = arith.constant 1 : i32
    %dma_start3A_22 = arith.constant 0 : i32
    %dma_start3A_23 = arith.constant 0 : i32
    %dma_start3A_24 = tpu.memref_slice %arg8[%dma_start3A_20, %dma_start3A_21, %dma_start3A_22, %dma_start3A_23] : memref<2x13x128x8xf32, #tpu.memory_space<vmem>> -> memref<1x1x128x8xf32, #tpu.memory_space<vmem>>
    %dma_start3A_25 = tpu.memref_squeeze %dma_start3A_24 : memref<1x1x128x8xf32, #tpu.memory_space<vmem>> -> memref<128x8xf32, #tpu.memory_space<vmem>>
    %dma_start3A_26 = arith.constant 128 : i32
    %dma_start3A_27 = tpu.memref_slice %arg6[%dma_start3A_26] : memref<10000xi32, #tpu.memory_space<vmem>> -> memref<128xi32, #tpu.memory_space<vmem>>
    %dma_start3A_28 = arith.constant 0 : i32
    %dma_start3A_29 = arith.constant 0 : i32
    %dma_start3A_30 = tpu.memref_slice %arg10[%dma_start3A_28, %dma_start3A_29] : memref<10112x8xf32, #tpu.memory_space<vmem_shared>> -> memref<10112x8xf32, #tpu.memory_space<vmem_shared>>
    tpu.enqueue_indirect_dma source(%dma_start3A_30 : memref<10112x8xf32, #tpu.memory_space<vmem_shared>>) target(%dma_start3A_25 : memref<128x8xf32, #tpu.memory_space<vmem>>) offsets(%dma_start3A_27 : memref<128xi32, #tpu.memory_space<vmem>>) semaphore(%arg12 : memref<!tpu.dma_semaphore, #tpu.memory_space<semaphore_mem>>)
    %dma_start3A_31 = arith.constant 0 : i32
    %dma_start3A_32 = arith.constant 2 : i32
    %dma_start3A_33 = arith.constant 0 : i32
    %dma_start3A_34 = arith.constant 0 : i32
    %dma_start3A_35 = tpu.memref_slice %arg8[%dma_start3A_31, %dma_start3A_32, %dma_start3A_33, %dma_start3A_34] : memref<2x13x128x8xf32, #tpu.memory_space<vmem>> -> memref<1x1x128x8xf32, #tpu.memory_space<vmem>>
    %dma_start3A_36 = tpu.memref_squeeze %dma_start3A_35 : memref<1x1x128x8xf32, #tpu.memory_space<vmem>> -> memref<128x8xf32, #tpu.memory_space<vmem>>
    %dma_start3A_37 = arith.constant 256 : i32
    %dma_start3A_38 = tpu.memref_slice %arg6[%dma_start3A_37] : memref<10000xi32, #tpu.memory_space<vmem>> -> memref<128xi32, #tpu.memory_space<vmem>>
    %dma_start3A_39 = arith.constant 0 : i32
    %dma_start3A_40 = arith.constant 0 : i32
    %dma_start3A_41 = tpu.memref_slice %arg10[%dma_start3A_39, %dma_start3A_40] : memref<10112x8xf32, #tpu.memory_space<vmem_shared>> -> memref<10112x8xf32, #tpu.memory_space<vmem_shared>>
    tpu.enqueue_indirect_dma source(%dma_start3A_41 : memref<10112x8xf32, #tpu.memory_space<vmem_shared>>) target(%dma_start3A_36 : memref<128x8xf32, #tpu.memory_space<vmem>>) offsets(%dma_start3A_38 : memref<128xi32, #tpu.memory_space<vmem>>) semaphore(%arg12 : memref<!tpu.dma_semaphore, #tpu.memory_space<semaphore_mem>>)
    %dma_start3A_42 = arith.constant 0 : i32
    %dma_start3A_43 = arith.constant 3 : i32
    %dma_start3A_44 = arith.constant 0 : i32
    %dma_start3A_45 = arith.constant 0 : i32
    %dma_start3A_46 = tpu.memref_slice %arg8[%dma_start3A_42, %dma_start3A_43, %dma_start3A_44, %dma_start3A_45] : memref<2x13x128x8xf32, #tpu.memory_space<vmem>> -> memref<1x1x128x8xf32, #tpu.memory_space<vmem>>
    %dma_start3A_47 = tpu.memref_squeeze %dma_start3A_46 : memref<1x1x128x8xf32, #tpu.memory_space<vmem>> -> memref<128x8xf32, #tpu.memory_space<vmem>>
    %dma_start3A_48 = arith.constant 384 : i32
    %dma_start3A_49 = tpu.memref_slice %arg6[%dma_start3A_48] : memref<10000xi32, #tpu.memory_space<vmem>> -> memref<128xi32, #tpu.memory_space<vmem>>
    %dma_start3A_50 = arith.constant 0 : i32
    %dma_start3A_51 = arith.constant 0 : i32
    %dma_start3A_52 = tpu.memref_slice %arg10[%dma_start3A_50, %dma_start3A_51] : memref<10112x8xf32, #tpu.memory_space<vmem_shared>> -> memref<10112x8xf32, #tpu.memory_space<vmem_shared>>
    tpu.enqueue_indirect_dma source(%dma_start3A_52 : memref<10112x8xf32, #tpu.memory_space<vmem_shared>>) target(%dma_start3A_47 : memref<128x8xf32, #tpu.memory_space<vmem>>) offsets(%dma_start3A_49 : memref<128xi32, #tpu.memory_space<vmem>>) semaphore(%arg12 : memref<!tpu.dma_semaphore, #tpu.memory_space<semaphore_mem>>)
    %dma_start3A_53 = arith.constant 0 : i32
    %dma_start3A_54 = arith.constant 4 : i32
    %dma_start3A_55 = arith.constant 0 : i32
    %dma_start3A_56 = arith.constant 0 : i32
    %dma_start3A_57 = tpu.memref_slice %arg8[%dma_start3A_53, %dma_start3A_54, %dma_start3A_55, %dma_start3A_56] : memref<2x13x128x8xf32, #tpu.memory_space<vmem>> -> memref<1x1x128x8xf32, #tpu.memory_space<vmem>>
    %dma_start3A_58 = tpu.memref_squeeze %dma_start3A_57 : memref<1x1x128x8xf32, #tpu.memory_space<vmem>> -> memref<128x8xf32, #tpu.memory_space<vmem>>
    %dma_start3A_59 = arith.constant 512 : i32
    %dma_start3A_60 = tpu.memref_slice %arg6[%dma_start3A_59] : memref<10000xi32, #tpu.memory_space<vmem>> -> memref<128xi32, #tpu.memory_space<vmem>>
    %dma_start3A_61 = arith.constant 0 : i32
    %dma_start3A_62 = arith.constant 0 : i32
    %dma_start3A_63 = tpu.memref_slice %arg10[%dma_start3A_61, %dma_start3A_62] : memref<10112x8xf32, #tpu.memory_space<vmem_shared>> -> memref<10112x8xf32, #tpu.memory_space<vmem_shared>>
    tpu.enqueue_indirect_dma source(%dma_start3A_63 : memref<10112x8xf32, #tpu.memory_space<vmem_shared>>) target(%dma_start3A_58 : memref<128x8xf32, #tpu.memory_space<vmem>>) offsets(%dma_start3A_60 : memref<128xi32, #tpu.memory_space<vmem>>) semaphore(%arg12 : memref<!tpu.dma_semaphore, #tpu.memory_space<semaphore_mem>>)
    %dma_start3A_64 = arith.constant 0 : i32
    %dma_start3A_65 = arith.constant 5 : i32
    %dma_start3A_66 = arith.constant 0 : i32
    %dma_start3A_67 = arith.constant 0 : i32
    %dma_start3A_68 = tpu.memref_slice %arg8[%dma_start3A_64, %dma_start3A_65, %dma_start3A_66, %dma_start3A_67] : memref<2x13x128x8xf32, #tpu.memory_space<vmem>> -> memref<1x1x128x8xf32, #tpu.memory_space<vmem>>
    %dma_start3A_69 = tpu.memref_squeeze %dma_start3A_68 : memref<1x1x128x8xf32, #tpu.memory_space<vmem>> -> memref<128x8xf32, #tpu.memory_space<vmem>>
    %dma_start3A_70 = arith.constant 640 : i32
    %dma_start3A_71 = tpu.memref_slice %arg6[%dma_start3A_70] : memref<10000xi32, #tpu.memory_space<vmem>> -> memref<128xi32, #tpu.memory_space<vmem>>
    %dma_start3A_72 = arith.constant 0 : i32
    %dma_start3A_73 = arith.constant 0 : i32
    %dma_start3A_74 = tpu.memref_slice %arg10[%dma_start3A_72, %dma_start3A_73] : memref<10112x8xf32, #tpu.memory_space<vmem_shared>> -> memref<10112x8xf32, #tpu.memory_space<vmem_shared>>
    tpu.enqueue_indirect_dma source(%dma_start3A_74 : memref<10112x8xf32, #tpu.memory_space<vmem_shared>>) target(%dma_start3A_69 : memref<128x8xf32, #tpu.memory_space<vmem>>) offsets(%dma_start3A_71 : memref<128xi32, #tpu.memory_space<vmem>>) semaphore(%arg12 : memref<!tpu.dma_semaphore, #tpu.memory_space<semaphore_mem>>)
    %dma_start3A_75 = arith.constant 0 : i32
    %dma_start3A_76 = arith.constant 6 : i32
    %dma_start3A_77 = arith.constant 0 : i32
    %dma_start3A_78 = arith.constant 0 : i32
    %dma_start3A_79 = tpu.memref_slice %arg8[%dma_start3A_75, %dma_start3A_76, %dma_start3A_77, %dma_start3A_78] : memref<2x13x128x8xf32, #tpu.memory_space<vmem>> -> memref<1x1x128x8xf32, #tpu.memory_space<vmem>>
    %dma_start3A_80 = tpu.memref_squeeze %dma_start3A_79 : memref<1x1x128x8xf32, #tpu.memory_space<vmem>> -> memref<128x8xf32, #tpu.memory_space<vmem>>
    %dma_start3A_81 = arith.constant 768 : i32
    %dma_start3A_82 = tpu.memref_slice %arg6[%dma_start3A_81] : memref<10000xi32, #tpu.memory_space<vmem>> -> memref<128xi32, #tpu.memory_space<vmem>>
    %dma_start3A_83 = arith.constant 0 : i32
    %dma_start3A_84 = arith.constant 0 : i32
    %dma_start3A_85 = tpu.memref_slice %arg10[%dma_start3A_83, %dma_start3A_84] : memref<10112x8xf32, #tpu.memory_space<vmem_shared>> -> memref<10112x8xf32, #tpu.memory_space<vmem_shared>>
    tpu.enqueue_indirect_dma source(%dma_start3A_85 : memref<10112x8xf32, #tpu.memory_space<vmem_shared>>) target(%dma_start3A_80 : memref<128x8xf32, #tpu.memory_space<vmem>>) offsets(%dma_start3A_82 : memref<128xi32, #tpu.memory_space<vmem>>) semaphore(%arg12 : memref<!tpu.dma_semaphore, #tpu.memory_space<semaphore_mem>>)
    %dma_start3A_86 = arith.constant 0 : i32
    %dma_start3A_87 = arith.constant 7 : i32
    %dma_start3A_88 = arith.constant 0 : i32
    %dma_start3A_89 = arith.constant 0 : i32
    %dma_start3A_90 = tpu.memref_slice %arg8[%dma_start3A_86, %dma_start3A_87, %dma_start3A_88, %dma_start3A_89] : memref<2x13x128x8xf32, #tpu.memory_space<vmem>> -> memref<1x1x128x8xf32, #tpu.memory_space<vmem>>
    %dma_start3A_91 = tpu.memref_squeeze %dma_start3A_90 : memref<1x1x128x8xf32, #tpu.memory_space<vmem>> -> memref<128x8xf32, #tpu.memory_space<vmem>>
    %dma_start3A_92 = arith.constant 896 : i32
    %dma_start3A_93 = tpu.memref_slice %arg6[%dma_start3A_92] : memref<10000xi32, #tpu.memory_space<vmem>> -> memref<128xi32, #tpu.memory_space<vmem>>
    %dma_start3A_94 = arith.constant 0 : i32
    %dma_start3A_95 = arith.constant 0 : i32
    %dma_start3A_96 = tpu.memref_slice %arg10[%dma_start3A_94, %dma_start3A_95] : memref<10112x8xf32, #tpu.memory_space<vmem_shared>> -> memref<10112x8xf32, #tpu.memory_space<vmem_shared>>
    tpu.enqueue_indirect_dma source(%dma_start3A_96 : memref<10112x8xf32, #tpu.memory_space<vmem_shared>>) target(%dma_start3A_91 : memref<128x8xf32, #tpu.memory_space<vmem>>) offsets(%dma_start3A_93 : memref<128xi32, #tpu.memory_space<vmem>>) semaphore(%arg12 : memref<!tpu.dma_semaphore, #tpu.memory_space<semaphore_mem>>)
    %dma_start3A_97 = arith.constant 0 : i32
    %dma_start3A_98 = arith.constant 8 : i32
    %dma_start3A_99 = arith.constant 0 : i32
    %dma_start3A_100 = arith.constant 0 : i32
    %dma_start3A_101 = tpu.memref_slice %arg8[%dma_start3A_97, %dma_start3A_98, %dma_start3A_99, %dma_start3A_100] : memref<2x13x128x8xf32, #tpu.memory_space<vmem>> -> memref<1x1x128x8xf32, #tpu.memory_space<vmem>>
    %dma_start3A_102 = tpu.memref_squeeze %dma_start3A_101 : memref<1x1x128x8xf32, #tpu.memory_space<vmem>> -> memref<128x8xf32, #tpu.memory_space<vmem>>
    %dma_start3A_103 = arith.constant 1024 : i32
    %dma_start3A_104 = tpu.memref_slice %arg6[%dma_start3A_103] : memref<10000xi32, #tpu.memory_space<vmem>> -> memref<128xi32, #tpu.memory_space<vmem>>
    %dma_start3A_105 = arith.constant 0 : i32
    %dma_start3A_106 = arith.constant 0 : i32
    %dma_start3A_107 = tpu.memref_slice %arg10[%dma_start3A_105, %dma_start3A_106] : memref<10112x8xf32, #tpu.memory_space<vmem_shared>> -> memref<10112x8xf32, #tpu.memory_space<vmem_shared>>
    tpu.enqueue_indirect_dma source(%dma_start3A_107 : memref<10112x8xf32, #tpu.memory_space<vmem_shared>>) target(%dma_start3A_102 : memref<128x8xf32, #tpu.memory_space<vmem>>) offsets(%dma_start3A_104 : memref<128xi32, #tpu.memory_space<vmem>>) semaphore(%arg12 : memref<!tpu.dma_semaphore, #tpu.memory_space<semaphore_mem>>)
    %dma_start3A_108 = arith.constant 0 : i32
    %dma_start3A_109 = arith.constant 9 : i32
    %dma_start3A_110 = arith.constant 0 : i32
    %dma_start3A_111 = arith.constant 0 : i32
    %dma_start3A_112 = tpu.memref_slice %arg8[%dma_start3A_108, %dma_start3A_109, %dma_start3A_110, %dma_start3A_111] : memref<2x13x128x8xf32, #tpu.memory_space<vmem>> -> memref<1x1x128x8xf32, #tpu.memory_space<vmem>>
    %dma_start3A_113 = tpu.memref_squeeze %dma_start3A_112 : memref<1x1x128x8xf32, #tpu.memory_space<vmem>> -> memref<128x8xf32, #tpu.memory_space<vmem>>
    %dma_start3A_114 = arith.constant 1152 : i32
    %dma_start3A_115 = tpu.memref_slice %arg6[%dma_start3A_114] : memref<10000xi32, #tpu.memory_space<vmem>> -> memref<128xi32, #tpu.memory_space<vmem>>
    %dma_start3A_116 = arith.constant 0 : i32
    %dma_start3A_117 = arith.constant 0 : i32
    %dma_start3A_118 = tpu.memref_slice %arg10[%dma_start3A_116, %dma_start3A_117] : memref<10112x8xf32, #tpu.memory_space<vmem_shared>> -> memref<10112x8xf32, #tpu.memory_space<vmem_shared>>
    tpu.enqueue_indirect_dma source(%dma_start3A_118 : memref<10112x8xf32, #tpu.memory_space<vmem_shared>>) target(%dma_start3A_113 : memref<128x8xf32, #tpu.memory_space<vmem>>) offsets(%dma_start3A_115 : memref<128xi32, #tpu.memory_space<vmem>>) semaphore(%arg12 : memref<!tpu.dma_semaphore, #tpu.memory_space<semaphore_mem>>)
    %dma_start3A_119 = arith.constant 0 : i32
    %dma_start3A_120 = arith.constant 10 : i32
    %dma_start3A_121 = arith.constant 0 : i32
    %dma_start3A_122 = arith.constant 0 : i32
    %dma_start3A_123 = tpu.memref_slice %arg8[%dma_start3A_119, %dma_start3A_120, %dma_start3A_121, %dma_start3A_122] : memref<2x13x128x8xf32, #tpu.memory_space<vmem>> -> memref<1x1x128x8xf32, #tpu.memory_space<vmem>>
    %dma_start3A_124 = tpu.memref_squeeze %dma_start3A_123 : memref<1x1x128x8xf32, #tpu.memory_space<vmem>> -> memref<128x8xf32, #tpu.memory_space<vmem>>
    %dma_start3A_125 = arith.constant 1280 : i32
    %dma_start3A_126 = tpu.memref_slice %arg6[%dma_start3A_125] : memref<10000xi32, #tpu.memory_space<vmem>> -> memref<128xi32, #tpu.memory_space<vmem>>
    %dma_start3A_127 = arith.constant 0 : i32
    %dma_start3A_128 = arith.constant 0 : i32
    %dma_start3A_129 = tpu.memref_slice %arg10[%dma_start3A_127, %dma_start3A_128] : memref<10112x8xf32, #tpu.memory_space<vmem_shared>> -> memref<10112x8xf32, #tpu.memory_space<vmem_shared>>
    tpu.enqueue_indirect_dma source(%dma_start3A_129 : memref<10112x8xf32, #tpu.memory_space<vmem_shared>>) target(%dma_start3A_124 : memref<128x8xf32, #tpu.memory_space<vmem>>) offsets(%dma_start3A_126 : memref<128xi32, #tpu.memory_space<vmem>>) semaphore(%arg12 : memref<!tpu.dma_semaphore, #tpu.memory_space<semaphore_mem>>)
    %dma_start3A_130 = arith.constant 0 : i32
    %dma_start3A_131 = arith.constant 11 : i32
    %dma_start3A_132 = arith.constant 0 : i32
    %dma_start3A_133 = arith.constant 0 : i32
    %dma_start3A_134 = tpu.memref_slice %arg8[%dma_start3A_130, %dma_start3A_131, %dma_start3A_132, %dma_start3A_133] : memref<2x13x128x8xf32, #tpu.memory_space<vmem>> -> memref<1x1x128x8xf32, #tpu.memory_space<vmem>>
    %dma_start3A_135 = tpu.memref_squeeze %dma_start3A_134 : memref<1x1x128x8xf32, #tpu.memory_space<vmem>> -> memref<128x8xf32, #tpu.memory_space<vmem>>
    %dma_start3A_136 = arith.constant 1408 : i32
    %dma_start3A_137 = tpu.memref_slice %arg6[%dma_start3A_136] : memref<10000xi32, #tpu.memory_space<vmem>> -> memref<128xi32, #tpu.memory_space<vmem>>
    %dma_start3A_138 = arith.constant 0 : i32
    %dma_start3A_139 = arith.constant 0 : i32
    %dma_start3A_140 = tpu.memref_slice %arg10[%dma_start3A_138, %dma_start3A_139] : memref<10112x8xf32, #tpu.memory_space<vmem_shared>> -> memref<10112x8xf32, #tpu.memory_space<vmem_shared>>
    tpu.enqueue_indirect_dma source(%dma_start3A_140 : memref<10112x8xf32, #tpu.memory_space<vmem_shared>>) target(%dma_start3A_135 : memref<128x8xf32, #tpu.memory_space<vmem>>) offsets(%dma_start3A_137 : memref<128xi32, #tpu.memory_space<vmem>>) semaphore(%arg12 : memref<!tpu.dma_semaphore, #tpu.memory_space<semaphore_mem>>)
    %dma_start3A_141 = arith.constant 0 : i32
    %dma_start3A_142 = arith.constant 12 : i32
    %dma_start3A_143 = arith.constant 0 : i32
    %dma_start3A_144 = arith.constant 0 : i32
    %dma_start3A_145 = tpu.memref_slice %arg8[%dma_start3A_141, %dma_start3A_142, %dma_start3A_143, %dma_start3A_144] : memref<2x13x128x8xf32, #tpu.memory_space<vmem>> -> memref<1x1x128x8xf32, #tpu.memory_space<vmem>>
    %dma_start3A_146 = tpu.memref_squeeze %dma_start3A_145 : memref<1x1x128x8xf32, #tpu.memory_space<vmem>> -> memref<128x8xf32, #tpu.memory_space<vmem>>
    %dma_start3A_147 = arith.constant 1536 : i32
    %dma_start3A_148 = tpu.memref_slice %arg6[%dma_start3A_147] : memref<10000xi32, #tpu.memory_space<vmem>> -> memref<128xi32, #tpu.memory_space<vmem>>
    %dma_start3A_149 = arith.constant 0 : i32
    %dma_start3A_150 = arith.constant 0 : i32
    %dma_start3A_151 = tpu.memref_slice %arg10[%dma_start3A_149, %dma_start3A_150] : memref<10112x8xf32, #tpu.memory_space<vmem_shared>> -> memref<10112x8xf32, #tpu.memory_space<vmem_shared>>
    tpu.enqueue_indirect_dma source(%dma_start3A_151 : memref<10112x8xf32, #tpu.memory_space<vmem_shared>>) target(%dma_start3A_146 : memref<128x8xf32, #tpu.memory_space<vmem>>) offsets(%dma_start3A_148 : memref<128xi32, #tpu.memory_space<vmem>>) semaphore(%arg12 : memref<!tpu.dma_semaphore, #tpu.memory_space<semaphore_mem>>)
    %scan3A = arith.constant 0 : i32
    %scan3A_152 = arith.constant 6 : i32
    %scan3A_153 = arith.addi %scan3A, %scan3A_152 : i32
    %scan3A_154 = arith.constant 1 : i32
    scf.for %scan3A_166 = %scan3A to %scan3A_153 step %scan3A_154  : i32 {
      %mul3A_167 = arith.constant 1 : i32
      %mul3A_168 = arith.muli %scan3A_166, %mul3A_167 : i32
      %add3A_169 = arith.constant 0 : i32
      %add3A_170 = arith.addi %add3A_169, %mul3A_168 : i32
      %rem3A = arith.constant 2 : i32
      %rem3A_171 = arith.remsi %add3A_170, %rem3A : i32
      %add3A_172 = arith.constant 1 : i32
      %add3A_173 = arith.addi %add3A_170, %add3A_172 : i32
      %rem3A_174 = arith.constant 2 : i32
      %rem3A_175 = arith.remsi %add3A_173, %rem3A_174 : i32
      %add3A_176 = arith.constant 1 : i32
      %add3A_177 = arith.addi %add3A_170, %add3A_176 : i32
      %lt3A = arith.constant 6 : i32
      %lt3A_178 = arith.cmpi slt, %add3A_177, %lt3A : i32
      %convert_element_type3A_179 = arith.extui %lt3A_178 : i1 to i32
      %cond3A_180 = arith.constant 0 : i32
      %cond3A_181 = arith.cmpi ne, %convert_element_type3A_179, %cond3A_180 : i32
      scf.if %cond3A_181 {
        %add3A_766 = arith.constant 1 : i32
        %add3A_767 = arith.addi %add3A_170, %add3A_766 : i32
        %mul3A_768 = arith.constant 13 : i32
        %mul3A_769 = arith.muli %add3A_767, %mul3A_768 : i32
        %add3A_770 = arith.constant 0 : i32
        %add3A_771 = arith.addi %mul3A_769, %add3A_770 : i32
        %mul3A_772 = arith.constant 128 : i32
        %mul3A_773 = arith.muli %add3A_771, %mul3A_772 : i32
        %dma_start3A_774 = arith.constant 0 : i32
        %dma_start3A_775 = arith.constant 0 : i32
        %dma_start3A_776 = arith.constant 0 : i32
        %dma_start3A_777 = tpu.memref_slice %arg8[%rem3A_175, %dma_start3A_774, %dma_start3A_775, %dma_start3A_776] : memref<2x13x128x8xf32, #tpu.memory_space<vmem>> -> memref<1x1x128x8xf32, #tpu.memory_space<vmem>>
        %dma_start3A_778 = tpu.memref_squeeze %dma_start3A_777 : memref<1x1x128x8xf32, #tpu.memory_space<vmem>> -> memref<128x8xf32, #tpu.memory_space<vmem>>
        %dma_start3A_779 = tpu.memref_slice %arg6[%mul3A_773] : memref<10000xi32, #tpu.memory_space<vmem>> -> memref<128xi32, #tpu.memory_space<vmem>>
        %dma_start3A_780 = arith.constant 0 : i32
        %dma_start3A_781 = arith.constant 0 : i32
        %dma_start3A_782 = tpu.memref_slice %arg10[%dma_start3A_780, %dma_start3A_781] : memref<10112x8xf32, #tpu.memory_space<vmem_shared>> -> memref<10112x8xf32, #tpu.memory_space<vmem_shared>>
        tpu.enqueue_indirect_dma source(%dma_start3A_782 : memref<10112x8xf32, #tpu.memory_space<vmem_shared>>) target(%dma_start3A_778 : memref<128x8xf32, #tpu.memory_space<vmem>>) offsets(%dma_start3A_779 : memref<128xi32, #tpu.memory_space<vmem>>) semaphore(%arg12 : memref<!tpu.dma_semaphore, #tpu.memory_space<semaphore_mem>>)
        %mul3A_783 = arith.constant 13 : i32
        %mul3A_784 = arith.muli %add3A_767, %mul3A_783 : i32
        %add3A_785 = arith.constant 1 : i32
        %add3A_786 = arith.addi %mul3A_784, %add3A_785 : i32
        %mul3A_787 = arith.constant 128 : i32
        %mul3A_788 = arith.muli %add3A_786, %mul3A_787 : i32
        %dma_start3A_789 = arith.constant 1 : i32
        %dma_start3A_790 = arith.constant 0 : i32
        %dma_start3A_791 = arith.constant 0 : i32
        %dma_start3A_792 = tpu.memref_slice %arg8[%rem3A_175, %dma_start3A_789, %dma_start3A_790, %dma_start3A_791] : memref<2x13x128x8xf32, #tpu.memory_space<vmem>> -> memref<1x1x128x8xf32, #tpu.memory_space<vmem>>
        %dma_start3A_793 = tpu.memref_squeeze %dma_start3A_792 : memref<1x1x128x8xf32, #tpu.memory_space<vmem>> -> memref<128x8xf32, #tpu.memory_space<vmem>>
        %dma_start3A_794 = tpu.memref_slice %arg6[%mul3A_788] : memref<10000xi32, #tpu.memory_space<vmem>> -> memref<128xi32, #tpu.memory_space<vmem>>
        %dma_start3A_795 = arith.constant 0 : i32
        %dma_start3A_796 = arith.constant 0 : i32
        %dma_start3A_797 = tpu.memref_slice %arg10[%dma_start3A_795, %dma_start3A_796] : memref<10112x8xf32, #tpu.memory_space<vmem_shared>> -> memref<10112x8xf32, #tpu.memory_space<vmem_shared>>
        tpu.enqueue_indirect_dma source(%dma_start3A_797 : memref<10112x8xf32, #tpu.memory_space<vmem_shared>>) target(%dma_start3A_793 : memref<128x8xf32, #tpu.memory_space<vmem>>) offsets(%dma_start3A_794 : memref<128xi32, #tpu.memory_space<vmem>>) semaphore(%arg12 : memref<!tpu.dma_semaphore, #tpu.memory_space<semaphore_mem>>)
        %mul3A_798 = arith.constant 13 : i32
        %mul3A_799 = arith.muli %add3A_767, %mul3A_798 : i32
        %add3A_800 = arith.constant 2 : i32
        %add3A_801 = arith.addi %mul3A_799, %add3A_800 : i32
        %mul3A_802 = arith.constant 128 : i32
        %mul3A_803 = arith.muli %add3A_801, %mul3A_802 : i32
        %dma_start3A_804 = arith.constant 2 : i32
        %dma_start3A_805 = arith.constant 0 : i32
        %dma_start3A_806 = arith.constant 0 : i32
        %dma_start3A_807 = tpu.memref_slice %arg8[%rem3A_175, %dma_start3A_804, %dma_start3A_805, %dma_start3A_806] : memref<2x13x128x8xf32, #tpu.memory_space<vmem>> -> memref<1x1x128x8xf32, #tpu.memory_space<vmem>>
        %dma_start3A_808 = tpu.memref_squeeze %dma_start3A_807 : memref<1x1x128x8xf32, #tpu.memory_space<vmem>> -> memref<128x8xf32, #tpu.memory_space<vmem>>
        %dma_start3A_809 = tpu.memref_slice %arg6[%mul3A_803] : memref<10000xi32, #tpu.memory_space<vmem>> -> memref<128xi32, #tpu.memory_space<vmem>>
        %dma_start3A_810 = arith.constant 0 : i32
        %dma_start3A_811 = arith.constant 0 : i32
        %dma_start3A_812 = tpu.memref_slice %arg10[%dma_start3A_810, %dma_start3A_811] : memref<10112x8xf32, #tpu.memory_space<vmem_shared>> -> memref<10112x8xf32, #tpu.memory_space<vmem_shared>>
        tpu.enqueue_indirect_dma source(%dma_start3A_812 : memref<10112x8xf32, #tpu.memory_space<vmem_shared>>) target(%dma_start3A_808 : memref<128x8xf32, #tpu.memory_space<vmem>>) offsets(%dma_start3A_809 : memref<128xi32, #tpu.memory_space<vmem>>) semaphore(%arg12 : memref<!tpu.dma_semaphore, #tpu.memory_space<semaphore_mem>>)
        %mul3A_813 = arith.constant 13 : i32
        %mul3A_814 = arith.muli %add3A_767, %mul3A_813 : i32
        %add3A_815 = arith.constant 3 : i32
        %add3A_816 = arith.addi %mul3A_814, %add3A_815 : i32
        %mul3A_817 = arith.constant 128 : i32
        %mul3A_818 = arith.muli %add3A_816, %mul3A_817 : i32
        %dma_start3A_819 = arith.constant 3 : i32
        %dma_start3A_820 = arith.constant 0 : i32
        %dma_start3A_821 = arith.constant 0 : i32
        %dma_start3A_822 = tpu.memref_slice %arg8[%rem3A_175, %dma_start3A_819, %dma_start3A_820, %dma_start3A_821] : memref<2x13x128x8xf32, #tpu.memory_space<vmem>> -> memref<1x1x128x8xf32, #tpu.memory_space<vmem>>
        %dma_start3A_823 = tpu.memref_squeeze %dma_start3A_822 : memref<1x1x128x8xf32, #tpu.memory_space<vmem>> -> memref<128x8xf32, #tpu.memory_space<vmem>>
        %dma_start3A_824 = tpu.memref_slice %arg6[%mul3A_818] : memref<10000xi32, #tpu.memory_space<vmem>> -> memref<128xi32, #tpu.memory_space<vmem>>
        %dma_start3A_825 = arith.constant 0 : i32
        %dma_start3A_826 = arith.constant 0 : i32
        %dma_start3A_827 = tpu.memref_slice %arg10[%dma_start3A_825, %dma_start3A_826] : memref<10112x8xf32, #tpu.memory_space<vmem_shared>> -> memref<10112x8xf32, #tpu.memory_space<vmem_shared>>
        tpu.enqueue_indirect_dma source(%dma_start3A_827 : memref<10112x8xf32, #tpu.memory_space<vmem_shared>>) target(%dma_start3A_823 : memref<128x8xf32, #tpu.memory_space<vmem>>) offsets(%dma_start3A_824 : memref<128xi32, #tpu.memory_space<vmem>>) semaphore(%arg12 : memref<!tpu.dma_semaphore, #tpu.memory_space<semaphore_mem>>)
        %mul3A_828 = arith.constant 13 : i32
        %mul3A_829 = arith.muli %add3A_767, %mul3A_828 : i32
        %add3A_830 = arith.constant 4 : i32
        %add3A_831 = arith.addi %mul3A_829, %add3A_830 : i32
        %mul3A_832 = arith.constant 128 : i32
        %mul3A_833 = arith.muli %add3A_831, %mul3A_832 : i32
        %dma_start3A_834 = arith.constant 4 : i32
        %dma_start3A_835 = arith.constant 0 : i32
        %dma_start3A_836 = arith.constant 0 : i32
        %dma_start3A_837 = tpu.memref_slice %arg8[%rem3A_175, %dma_start3A_834, %dma_start3A_835, %dma_start3A_836] : memref<2x13x128x8xf32, #tpu.memory_space<vmem>> -> memref<1x1x128x8xf32, #tpu.memory_space<vmem>>
        %dma_start3A_838 = tpu.memref_squeeze %dma_start3A_837 : memref<1x1x128x8xf32, #tpu.memory_space<vmem>> -> memref<128x8xf32, #tpu.memory_space<vmem>>
        %dma_start3A_839 = tpu.memref_slice %arg6[%mul3A_833] : memref<10000xi32, #tpu.memory_space<vmem>> -> memref<128xi32, #tpu.memory_space<vmem>>
        %dma_start3A_840 = arith.constant 0 : i32
        %dma_start3A_841 = arith.constant 0 : i32
        %dma_start3A_842 = tpu.memref_slice %arg10[%dma_start3A_840, %dma_start3A_841] : memref<10112x8xf32, #tpu.memory_space<vmem_shared>> -> memref<10112x8xf32, #tpu.memory_space<vmem_shared>>
        tpu.enqueue_indirect_dma source(%dma_start3A_842 : memref<10112x8xf32, #tpu.memory_space<vmem_shared>>) target(%dma_start3A_838 : memref<128x8xf32, #tpu.memory_space<vmem>>) offsets(%dma_start3A_839 : memref<128xi32, #tpu.memory_space<vmem>>) semaphore(%arg12 : memref<!tpu.dma_semaphore, #tpu.memory_space<semaphore_mem>>)
        %mul3A_843 = arith.constant 13 : i32
        %mul3A_844 = arith.muli %add3A_767, %mul3A_843 : i32
        %add3A_845 = arith.constant 5 : i32
        %add3A_846 = arith.addi %mul3A_844, %add3A_845 : i32
        %mul3A_847 = arith.constant 128 : i32
        %mul3A_848 = arith.muli %add3A_846, %mul3A_847 : i32
        %dma_start3A_849 = arith.constant 5 : i32
        %dma_start3A_850 = arith.constant 0 : i32
        %dma_start3A_851 = arith.constant 0 : i32
        %dma_start3A_852 = tpu.memref_slice %arg8[%rem3A_175, %dma_start3A_849, %dma_start3A_850, %dma_start3A_851] : memref<2x13x128x8xf32, #tpu.memory_space<vmem>> -> memref<1x1x128x8xf32, #tpu.memory_space<vmem>>
        %dma_start3A_853 = tpu.memref_squeeze %dma_start3A_852 : memref<1x1x128x8xf32, #tpu.memory_space<vmem>> -> memref<128x8xf32, #tpu.memory_space<vmem>>
        %dma_start3A_854 = tpu.memref_slice %arg6[%mul3A_848] : memref<10000xi32, #tpu.memory_space<vmem>> -> memref<128xi32, #tpu.memory_space<vmem>>
        %dma_start3A_855 = arith.constant 0 : i32
        %dma_start3A_856 = arith.constant 0 : i32
        %dma_start3A_857 = tpu.memref_slice %arg10[%dma_start3A_855, %dma_start3A_856] : memref<10112x8xf32, #tpu.memory_space<vmem_shared>> -> memref<10112x8xf32, #tpu.memory_space<vmem_shared>>
        tpu.enqueue_indirect_dma source(%dma_start3A_857 : memref<10112x8xf32, #tpu.memory_space<vmem_shared>>) target(%dma_start3A_853 : memref<128x8xf32, #tpu.memory_space<vmem>>) offsets(%dma_start3A_854 : memref<128xi32, #tpu.memory_space<vmem>>) semaphore(%arg12 : memref<!tpu.dma_semaphore, #tpu.memory_space<semaphore_mem>>)
        %mul3A_858 = arith.constant 13 : i32
        %mul3A_859 = arith.muli %add3A_767, %mul3A_858 : i32
        %add3A_860 = arith.constant 6 : i32
        %add3A_861 = arith.addi %mul3A_859, %add3A_860 : i32
        %mul3A_862 = arith.constant 128 : i32
        %mul3A_863 = arith.muli %add3A_861, %mul3A_862 : i32
        %dma_start3A_864 = arith.constant 6 : i32
        %dma_start3A_865 = arith.constant 0 : i32
        %dma_start3A_866 = arith.constant 0 : i32
        %dma_start3A_867 = tpu.memref_slice %arg8[%rem3A_175, %dma_start3A_864, %dma_start3A_865, %dma_start3A_866] : memref<2x13x128x8xf32, #tpu.memory_space<vmem>> -> memref<1x1x128x8xf32, #tpu.memory_space<vmem>>
        %dma_start3A_868 = tpu.memref_squeeze %dma_start3A_867 : memref<1x1x128x8xf32, #tpu.memory_space<vmem>> -> memref<128x8xf32, #tpu.memory_space<vmem>>
        %dma_start3A_869 = tpu.memref_slice %arg6[%mul3A_863] : memref<10000xi32, #tpu.memory_space<vmem>> -> memref<128xi32, #tpu.memory_space<vmem>>
        %dma_start3A_870 = arith.constant 0 : i32
        %dma_start3A_871 = arith.constant 0 : i32
        %dma_start3A_872 = tpu.memref_slice %arg10[%dma_start3A_870, %dma_start3A_871] : memref<10112x8xf32, #tpu.memory_space<vmem_shared>> -> memref<10112x8xf32, #tpu.memory_space<vmem_shared>>
        tpu.enqueue_indirect_dma source(%dma_start3A_872 : memref<10112x8xf32, #tpu.memory_space<vmem_shared>>) target(%dma_start3A_868 : memref<128x8xf32, #tpu.memory_space<vmem>>) offsets(%dma_start3A_869 : memref<128xi32, #tpu.memory_space<vmem>>) semaphore(%arg12 : memref<!tpu.dma_semaphore, #tpu.memory_space<semaphore_mem>>)
        %mul3A_873 = arith.constant 13 : i32
        %mul3A_874 = arith.muli %add3A_767, %mul3A_873 : i32
        %add3A_875 = arith.constant 7 : i32
        %add3A_876 = arith.addi %mul3A_874, %add3A_875 : i32
        %mul3A_877 = arith.constant 128 : i32
        %mul3A_878 = arith.muli %add3A_876, %mul3A_877 : i32
        %dma_start3A_879 = arith.constant 7 : i32
        %dma_start3A_880 = arith.constant 0 : i32
        %dma_start3A_881 = arith.constant 0 : i32
        %dma_start3A_882 = tpu.memref_slice %arg8[%rem3A_175, %dma_start3A_879, %dma_start3A_880, %dma_start3A_881] : memref<2x13x128x8xf32, #tpu.memory_space<vmem>> -> memref<1x1x128x8xf32, #tpu.memory_space<vmem>>
        %dma_start3A_883 = tpu.memref_squeeze %dma_start3A_882 : memref<1x1x128x8xf32, #tpu.memory_space<vmem>> -> memref<128x8xf32, #tpu.memory_space<vmem>>
        %dma_start3A_884 = tpu.memref_slice %arg6[%mul3A_878] : memref<10000xi32, #tpu.memory_space<vmem>> -> memref<128xi32, #tpu.memory_space<vmem>>
        %dma_start3A_885 = arith.constant 0 : i32
        %dma_start3A_886 = arith.constant 0 : i32
        %dma_start3A_887 = tpu.memref_slice %arg10[%dma_start3A_885, %dma_start3A_886] : memref<10112x8xf32, #tpu.memory_space<vmem_shared>> -> memref<10112x8xf32, #tpu.memory_space<vmem_shared>>
        tpu.enqueue_indirect_dma source(%dma_start3A_887 : memref<10112x8xf32, #tpu.memory_space<vmem_shared>>) target(%dma_start3A_883 : memref<128x8xf32, #tpu.memory_space<vmem>>) offsets(%dma_start3A_884 : memref<128xi32, #tpu.memory_space<vmem>>) semaphore(%arg12 : memref<!tpu.dma_semaphore, #tpu.memory_space<semaphore_mem>>)
        %mul3A_888 = arith.constant 13 : i32
        %mul3A_889 = arith.muli %add3A_767, %mul3A_888 : i32
        %add3A_890 = arith.constant 8 : i32
        %add3A_891 = arith.addi %mul3A_889, %add3A_890 : i32
        %mul3A_892 = arith.constant 128 : i32
        %mul3A_893 = arith.muli %add3A_891, %mul3A_892 : i32
        %dma_start3A_894 = arith.constant 8 : i32
        %dma_start3A_895 = arith.constant 0 : i32
        %dma_start3A_896 = arith.constant 0 : i32
        %dma_start3A_897 = tpu.memref_slice %arg8[%rem3A_175, %dma_start3A_894, %dma_start3A_895, %dma_start3A_896] : memref<2x13x128x8xf32, #tpu.memory_space<vmem>> -> memref<1x1x128x8xf32, #tpu.memory_space<vmem>>
        %dma_start3A_898 = tpu.memref_squeeze %dma_start3A_897 : memref<1x1x128x8xf32, #tpu.memory_space<vmem>> -> memref<128x8xf32, #tpu.memory_space<vmem>>
        %dma_start3A_899 = tpu.memref_slice %arg6[%mul3A_893] : memref<10000xi32, #tpu.memory_space<vmem>> -> memref<128xi32, #tpu.memory_space<vmem>>
        %dma_start3A_900 = arith.constant 0 : i32
        %dma_start3A_901 = arith.constant 0 : i32
        %dma_start3A_902 = tpu.memref_slice %arg10[%dma_start3A_900, %dma_start3A_901] : memref<10112x8xf32, #tpu.memory_space<vmem_shared>> -> memref<10112x8xf32, #tpu.memory_space<vmem_shared>>
        tpu.enqueue_indirect_dma source(%dma_start3A_902 : memref<10112x8xf32, #tpu.memory_space<vmem_shared>>) target(%dma_start3A_898 : memref<128x8xf32, #tpu.memory_space<vmem>>) offsets(%dma_start3A_899 : memref<128xi32, #tpu.memory_space<vmem>>) semaphore(%arg12 : memref<!tpu.dma_semaphore, #tpu.memory_space<semaphore_mem>>)
        %mul3A_903 = arith.constant 13 : i32
        %mul3A_904 = arith.muli %add3A_767, %mul3A_903 : i32
        %add3A_905 = arith.constant 9 : i32
        %add3A_906 = arith.addi %mul3A_904, %add3A_905 : i32
        %mul3A_907 = arith.constant 128 : i32
        %mul3A_908 = arith.muli %add3A_906, %mul3A_907 : i32
        %dma_start3A_909 = arith.constant 9 : i32
        %dma_start3A_910 = arith.constant 0 : i32
        %dma_start3A_911 = arith.constant 0 : i32
        %dma_start3A_912 = tpu.memref_slice %arg8[%rem3A_175, %dma_start3A_909, %dma_start3A_910, %dma_start3A_911] : memref<2x13x128x8xf32, #tpu.memory_space<vmem>> -> memref<1x1x128x8xf32, #tpu.memory_space<vmem>>
        %dma_start3A_913 = tpu.memref_squeeze %dma_start3A_912 : memref<1x1x128x8xf32, #tpu.memory_space<vmem>> -> memref<128x8xf32, #tpu.memory_space<vmem>>
        %dma_start3A_914 = tpu.memref_slice %arg6[%mul3A_908] : memref<10000xi32, #tpu.memory_space<vmem>> -> memref<128xi32, #tpu.memory_space<vmem>>
        %dma_start3A_915 = arith.constant 0 : i32
        %dma_start3A_916 = arith.constant 0 : i32
        %dma_start3A_917 = tpu.memref_slice %arg10[%dma_start3A_915, %dma_start3A_916] : memref<10112x8xf32, #tpu.memory_space<vmem_shared>> -> memref<10112x8xf32, #tpu.memory_space<vmem_shared>>
        tpu.enqueue_indirect_dma source(%dma_start3A_917 : memref<10112x8xf32, #tpu.memory_space<vmem_shared>>) target(%dma_start3A_913 : memref<128x8xf32, #tpu.memory_space<vmem>>) offsets(%dma_start3A_914 : memref<128xi32, #tpu.memory_space<vmem>>) semaphore(%arg12 : memref<!tpu.dma_semaphore, #tpu.memory_space<semaphore_mem>>)
        %mul3A_918 = arith.constant 13 : i32
        %mul3A_919 = arith.muli %add3A_767, %mul3A_918 : i32
        %add3A_920 = arith.constant 10 : i32
        %add3A_921 = arith.addi %mul3A_919, %add3A_920 : i32
        %mul3A_922 = arith.constant 128 : i32
        %mul3A_923 = arith.muli %add3A_921, %mul3A_922 : i32
        %dma_start3A_924 = arith.constant 10 : i32
        %dma_start3A_925 = arith.constant 0 : i32
        %dma_start3A_926 = arith.constant 0 : i32
        %dma_start3A_927 = tpu.memref_slice %arg8[%rem3A_175, %dma_start3A_924, %dma_start3A_925, %dma_start3A_926] : memref<2x13x128x8xf32, #tpu.memory_space<vmem>> -> memref<1x1x128x8xf32, #tpu.memory_space<vmem>>
        %dma_start3A_928 = tpu.memref_squeeze %dma_start3A_927 : memref<1x1x128x8xf32, #tpu.memory_space<vmem>> -> memref<128x8xf32, #tpu.memory_space<vmem>>
        %dma_start3A_929 = tpu.memref_slice %arg6[%mul3A_923] : memref<10000xi32, #tpu.memory_space<vmem>> -> memref<128xi32, #tpu.memory_space<vmem>>
        %dma_start3A_930 = arith.constant 0 : i32
        %dma_start3A_931 = arith.constant 0 : i32
        %dma_start3A_932 = tpu.memref_slice %arg10[%dma_start3A_930, %dma_start3A_931] : memref<10112x8xf32, #tpu.memory_space<vmem_shared>> -> memref<10112x8xf32, #tpu.memory_space<vmem_shared>>
        tpu.enqueue_indirect_dma source(%dma_start3A_932 : memref<10112x8xf32, #tpu.memory_space<vmem_shared>>) target(%dma_start3A_928 : memref<128x8xf32, #tpu.memory_space<vmem>>) offsets(%dma_start3A_929 : memref<128xi32, #tpu.memory_space<vmem>>) semaphore(%arg12 : memref<!tpu.dma_semaphore, #tpu.memory_space<semaphore_mem>>)
        %mul3A_933 = arith.constant 13 : i32
        %mul3A_934 = arith.muli %add3A_767, %mul3A_933 : i32
        %add3A_935 = arith.constant 11 : i32
        %add3A_936 = arith.addi %mul3A_934, %add3A_935 : i32
        %mul3A_937 = arith.constant 128 : i32
        %mul3A_938 = arith.muli %add3A_936, %mul3A_937 : i32
        %dma_start3A_939 = arith.constant 11 : i32
        %dma_start3A_940 = arith.constant 0 : i32
        %dma_start3A_941 = arith.constant 0 : i32
        %dma_start3A_942 = tpu.memref_slice %arg8[%rem3A_175, %dma_start3A_939, %dma_start3A_940, %dma_start3A_941] : memref<2x13x128x8xf32, #tpu.memory_space<vmem>> -> memref<1x1x128x8xf32, #tpu.memory_space<vmem>>
        %dma_start3A_943 = tpu.memref_squeeze %dma_start3A_942 : memref<1x1x128x8xf32, #tpu.memory_space<vmem>> -> memref<128x8xf32, #tpu.memory_space<vmem>>
        %dma_start3A_944 = tpu.memref_slice %arg6[%mul3A_938] : memref<10000xi32, #tpu.memory_space<vmem>> -> memref<128xi32, #tpu.memory_space<vmem>>
        %dma_start3A_945 = arith.constant 0 : i32
        %dma_start3A_946 = arith.constant 0 : i32
        %dma_start3A_947 = tpu.memref_slice %arg10[%dma_start3A_945, %dma_start3A_946] : memref<10112x8xf32, #tpu.memory_space<vmem_shared>> -> memref<10112x8xf32, #tpu.memory_space<vmem_shared>>
        tpu.enqueue_indirect_dma source(%dma_start3A_947 : memref<10112x8xf32, #tpu.memory_space<vmem_shared>>) target(%dma_start3A_943 : memref<128x8xf32, #tpu.memory_space<vmem>>) offsets(%dma_start3A_944 : memref<128xi32, #tpu.memory_space<vmem>>) semaphore(%arg12 : memref<!tpu.dma_semaphore, #tpu.memory_space<semaphore_mem>>)
        %mul3A_948 = arith.constant 13 : i32
        %mul3A_949 = arith.muli %add3A_767, %mul3A_948 : i32
        %add3A_950 = arith.constant 12 : i32
        %add3A_951 = arith.addi %mul3A_949, %add3A_950 : i32
        %mul3A_952 = arith.constant 128 : i32
        %mul3A_953 = arith.muli %add3A_951, %mul3A_952 : i32
        %dma_start3A_954 = arith.constant 12 : i32
        %dma_start3A_955 = arith.constant 0 : i32
        %dma_start3A_956 = arith.constant 0 : i32
        %dma_start3A_957 = tpu.memref_slice %arg8[%rem3A_175, %dma_start3A_954, %dma_start3A_955, %dma_start3A_956] : memref<2x13x128x8xf32, #tpu.memory_space<vmem>> -> memref<1x1x128x8xf32, #tpu.memory_space<vmem>>
        %dma_start3A_958 = tpu.memref_squeeze %dma_start3A_957 : memref<1x1x128x8xf32, #tpu.memory_space<vmem>> -> memref<128x8xf32, #tpu.memory_space<vmem>>
        %dma_start3A_959 = tpu.memref_slice %arg6[%mul3A_953] : memref<10000xi32, #tpu.memory_space<vmem>> -> memref<128xi32, #tpu.memory_space<vmem>>
        %dma_start3A_960 = arith.constant 0 : i32
        %dma_start3A_961 = arith.constant 0 : i32
        %dma_start3A_962 = tpu.memref_slice %arg10[%dma_start3A_960, %dma_start3A_961] : memref<10112x8xf32, #tpu.memory_space<vmem_shared>> -> memref<10112x8xf32, #tpu.memory_space<vmem_shared>>
        tpu.enqueue_indirect_dma source(%dma_start3A_962 : memref<10112x8xf32, #tpu.memory_space<vmem_shared>>) target(%dma_start3A_958 : memref<128x8xf32, #tpu.memory_space<vmem>>) offsets(%dma_start3A_959 : memref<128xi32, #tpu.memory_space<vmem>>) semaphore(%arg12 : memref<!tpu.dma_semaphore, #tpu.memory_space<semaphore_mem>>)
      } else {
      }
      %mul3A_182 = arith.constant 13 : i32
      %mul3A_183 = arith.muli %add3A_170, %mul3A_182 : i32
      %add3A_184 = arith.constant 0 : i32
      %add3A_185 = arith.addi %mul3A_183, %add3A_184 : i32
      %mul3A_186 = arith.constant 128 : i32
      %mul3A_187 = arith.muli %add3A_185, %mul3A_186 : i32
      %dma_wait3A = arith.constant 0 : i32
      %dma_wait3A_188 = arith.constant 0 : i32
      %dma_wait3A_189 = arith.constant 0 : i32
      %dma_wait3A_190 = tpu.memref_slice %arg8[%rem3A_171, %dma_wait3A, %dma_wait3A_188, %dma_wait3A_189] : memref<2x13x128x8xf32, #tpu.memory_space<vmem>> -> memref<1x1x128x8xf32, #tpu.memory_space<vmem>>
      %dma_wait3A_191 = tpu.memref_squeeze %dma_wait3A_190 : memref<1x1x128x8xf32, #tpu.memory_space<vmem>> -> memref<128x8xf32, #tpu.memory_space<vmem>>
      %dma_wait3A_192 = tpu.memref_slice %arg6[%mul3A_187] : memref<10000xi32, #tpu.memory_space<vmem>> -> memref<128xi32, #tpu.memory_space<vmem>>
      %dma_wait3A_193 = arith.constant 0 : i32
      %dma_wait3A_194 = arith.constant 0 : i32
      %dma_wait3A_195 = tpu.memref_slice %arg10[%dma_wait3A_193, %dma_wait3A_194] : memref<10112x8xf32, #tpu.memory_space<vmem_shared>> -> memref<10112x8xf32, #tpu.memory_space<vmem_shared>>
      tpu.wait_indirect_dma semaphore(%arg12 : memref<!tpu.dma_semaphore, #tpu.memory_space<semaphore_mem>>) src(%dma_wait3A_195 : memref<10112x8xf32, #tpu.memory_space<vmem_shared>>) dst(%dma_wait3A_191 : memref<128x8xf32, #tpu.memory_space<vmem>>)
      %mul3A_196 = arith.constant 13 : i32
      %mul3A_197 = arith.muli %add3A_170, %mul3A_196 : i32
      %add3A_198 = arith.constant 0 : i32
      %add3A_199 = arith.addi %mul3A_197, %add3A_198 : i32
      %mul3A_200 = arith.constant 128 : i32
      %mul3A_201 = arith.muli %add3A_199, %mul3A_200 : i32
      %dma_start3A_202 = arith.constant 0 : i32
      %dma_start3A_203 = arith.constant 0 : i32
      %dma_start3A_204 = arith.constant 0 : i32
      %dma_start3A_205 = tpu.memref_slice %arg8[%rem3A_171, %dma_start3A_202, %dma_start3A_203, %dma_start3A_204] : memref<2x13x128x8xf32, #tpu.memory_space<vmem>> -> memref<1x1x128x8xf32, #tpu.memory_space<vmem>>
      %dma_start3A_206 = tpu.memref_squeeze %dma_start3A_205 : memref<1x1x128x8xf32, #tpu.memory_space<vmem>> -> memref<128x8xf32, #tpu.memory_space<vmem>>
      %dma_start3A_207 = tpu.memref_slice %arg7[%mul3A_201] : memref<10000xi32, #tpu.memory_space<vmem>> -> memref<128xi32, #tpu.memory_space<vmem>>
      %dma_start3A_208 = arith.constant 0 : i32
      %dma_start3A_209 = arith.constant 0 : i32
      %dma_start3A_210 = tpu.memref_slice %arg11[%dma_start3A_208, %dma_start3A_209] : memref<10112x8xf32, #tpu.memory_space<vmem_shared>> -> memref<10112x8xf32, #tpu.memory_space<vmem_shared>>
      tpu.enqueue_indirect_dma source(%dma_start3A_206 : memref<128x8xf32, #tpu.memory_space<vmem>>) target(%dma_start3A_210 : memref<10112x8xf32, #tpu.memory_space<vmem_shared>>) offsets(%dma_start3A_207 : memref<128xi32, #tpu.memory_space<vmem>>) semaphore(%arg13 : memref<!tpu.dma_semaphore, #tpu.memory_space<semaphore_mem>>) {add = true}
      %mul3A_211 = arith.constant 13 : i32
      %mul3A_212 = arith.muli %add3A_170, %mul3A_211 : i32
      %add3A_213 = arith.constant 1 : i32
      %add3A_214 = arith.addi %mul3A_212, %add3A_213 : i32
      %mul3A_215 = arith.constant 128 : i32
      %mul3A_216 = arith.muli %add3A_214, %mul3A_215 : i32
      %dma_wait3A_217 = arith.constant 1 : i32
      %dma_wait3A_218 = arith.constant 0 : i32
      %dma_wait3A_219 = arith.constant 0 : i32
      %dma_wait3A_220 = tpu.memref_slice %arg8[%rem3A_171, %dma_wait3A_217, %dma_wait3A_218, %dma_wait3A_219] : memref<2x13x128x8xf32, #tpu.memory_space<vmem>> -> memref<1x1x128x8xf32, #tpu.memory_space<vmem>>
      %dma_wait3A_221 = tpu.memref_squeeze %dma_wait3A_220 : memref<1x1x128x8xf32, #tpu.memory_space<vmem>> -> memref<128x8xf32, #tpu.memory_space<vmem>>
      %dma_wait3A_222 = tpu.memref_slice %arg6[%mul3A_216] : memref<10000xi32, #tpu.memory_space<vmem>> -> memref<128xi32, #tpu.memory_space<vmem>>
      %dma_wait3A_223 = arith.constant 0 : i32
      %dma_wait3A_224 = arith.constant 0 : i32
      %dma_wait3A_225 = tpu.memref_slice %arg10[%dma_wait3A_223, %dma_wait3A_224] : memref<10112x8xf32, #tpu.memory_space<vmem_shared>> -> memref<10112x8xf32, #tpu.memory_space<vmem_shared>>
      tpu.wait_indirect_dma semaphore(%arg12 : memref<!tpu.dma_semaphore, #tpu.memory_space<semaphore_mem>>) src(%dma_wait3A_225 : memref<10112x8xf32, #tpu.memory_space<vmem_shared>>) dst(%dma_wait3A_221 : memref<128x8xf32, #tpu.memory_space<vmem>>)
      %mul3A_226 = arith.constant 13 : i32
      %mul3A_227 = arith.muli %add3A_170, %mul3A_226 : i32
      %add3A_228 = arith.constant 1 : i32
      %add3A_229 = arith.addi %mul3A_227, %add3A_228 : i32
      %mul3A_230 = arith.constant 128 : i32
      %mul3A_231 = arith.muli %add3A_229, %mul3A_230 : i32
      %dma_start3A_232 = arith.constant 1 : i32
      %dma_start3A_233 = arith.constant 0 : i32
      %dma_start3A_234 = arith.constant 0 : i32
      %dma_start3A_235 = tpu.memref_slice %arg8[%rem3A_171, %dma_start3A_232, %dma_start3A_233, %dma_start3A_234] : memref<2x13x128x8xf32, #tpu.memory_space<vmem>> -> memref<1x1x128x8xf32, #tpu.memory_space<vmem>>
      %dma_start3A_236 = tpu.memref_squeeze %dma_start3A_235 : memref<1x1x128x8xf32, #tpu.memory_space<vmem>> -> memref<128x8xf32, #tpu.memory_space<vmem>>
      %dma_start3A_237 = tpu.memref_slice %arg7[%mul3A_231] : memref<10000xi32, #tpu.memory_space<vmem>> -> memref<128xi32, #tpu.memory_space<vmem>>
      %dma_start3A_238 = arith.constant 0 : i32
      %dma_start3A_239 = arith.constant 0 : i32
      %dma_start3A_240 = tpu.memref_slice %arg11[%dma_start3A_238, %dma_start3A_239] : memref<10112x8xf32, #tpu.memory_space<vmem_shared>> -> memref<10112x8xf32, #tpu.memory_space<vmem_shared>>
      tpu.enqueue_indirect_dma source(%dma_start3A_236 : memref<128x8xf32, #tpu.memory_space<vmem>>) target(%dma_start3A_240 : memref<10112x8xf32, #tpu.memory_space<vmem_shared>>) offsets(%dma_start3A_237 : memref<128xi32, #tpu.memory_space<vmem>>) semaphore(%arg13 : memref<!tpu.dma_semaphore, #tpu.memory_space<semaphore_mem>>) {add = true}
      %mul3A_241 = arith.constant 13 : i32
      %mul3A_242 = arith.muli %add3A_170, %mul3A_241 : i32
      %add3A_243 = arith.constant 2 : i32
      %add3A_244 = arith.addi %mul3A_242, %add3A_243 : i32
      %mul3A_245 = arith.constant 128 : i32
      %mul3A_246 = arith.muli %add3A_244, %mul3A_245 : i32
      %dma_wait3A_247 = arith.constant 2 : i32
      %dma_wait3A_248 = arith.constant 0 : i32
      %dma_wait3A_249 = arith.constant 0 : i32
      %dma_wait3A_250 = tpu.memref_slice %arg8[%rem3A_171, %dma_wait3A_247, %dma_wait3A_248, %dma_wait3A_249] : memref<2x13x128x8xf32, #tpu.memory_space<vmem>> -> memref<1x1x128x8xf32, #tpu.memory_space<vmem>>
      %dma_wait3A_251 = tpu.memref_squeeze %dma_wait3A_250 : memref<1x1x128x8xf32, #tpu.memory_space<vmem>> -> memref<128x8xf32, #tpu.memory_space<vmem>>
      %dma_wait3A_252 = tpu.memref_slice %arg6[%mul3A_246] : memref<10000xi32, #tpu.memory_space<vmem>> -> memref<128xi32, #tpu.memory_space<vmem>>
      %dma_wait3A_253 = arith.constant 0 : i32
      %dma_wait3A_254 = arith.constant 0 : i32
      %dma_wait3A_255 = tpu.memref_slice %arg10[%dma_wait3A_253, %dma_wait3A_254] : memref<10112x8xf32, #tpu.memory_space<vmem_shared>> -> memref<10112x8xf32, #tpu.memory_space<vmem_shared>>
      tpu.wait_indirect_dma semaphore(%arg12 : memref<!tpu.dma_semaphore, #tpu.memory_space<semaphore_mem>>) src(%dma_wait3A_255 : memref<10112x8xf32, #tpu.memory_space<vmem_shared>>) dst(%dma_wait3A_251 : memref<128x8xf32, #tpu.memory_space<vmem>>)
      %mul3A_256 = arith.constant 13 : i32
      %mul3A_257 = arith.muli %add3A_170, %mul3A_256 : i32
      %add3A_258 = arith.constant 2 : i32
      %add3A_259 = arith.addi %mul3A_257, %add3A_258 : i32
      %mul3A_260 = arith.constant 128 : i32
      %mul3A_261 = arith.muli %add3A_259, %mul3A_260 : i32
      %dma_start3A_262 = arith.constant 2 : i32
      %dma_start3A_263 = arith.constant 0 : i32
      %dma_start3A_264 = arith.constant 0 : i32
      %dma_start3A_265 = tpu.memref_slice %arg8[%rem3A_171, %dma_start3A_262, %dma_start3A_263, %dma_start3A_264] : memref<2x13x128x8xf32, #tpu.memory_space<vmem>> -> memref<1x1x128x8xf32, #tpu.memory_space<vmem>>
      %dma_start3A_266 = tpu.memref_squeeze %dma_start3A_265 : memref<1x1x128x8xf32, #tpu.memory_space<vmem>> -> memref<128x8xf32, #tpu.memory_space<vmem>>
      %dma_start3A_267 = tpu.memref_slice %arg7[%mul3A_261] : memref<10000xi32, #tpu.memory_space<vmem>> -> memref<128xi32, #tpu.memory_space<vmem>>
      %dma_start3A_268 = arith.constant 0 : i32
      %dma_start3A_269 = arith.constant 0 : i32
      %dma_start3A_270 = tpu.memref_slice %arg11[%dma_start3A_268, %dma_start3A_269] : memref<10112x8xf32, #tpu.memory_space<vmem_shared>> -> memref<10112x8xf32, #tpu.memory_space<vmem_shared>>
      tpu.enqueue_indirect_dma source(%dma_start3A_266 : memref<128x8xf32, #tpu.memory_space<vmem>>) target(%dma_start3A_270 : memref<10112x8xf32, #tpu.memory_space<vmem_shared>>) offsets(%dma_start3A_267 : memref<128xi32, #tpu.memory_space<vmem>>) semaphore(%arg13 : memref<!tpu.dma_semaphore, #tpu.memory_space<semaphore_mem>>) {add = true}
      %mul3A_271 = arith.constant 13 : i32
      %mul3A_272 = arith.muli %add3A_170, %mul3A_271 : i32
      %add3A_273 = arith.constant 3 : i32
      %add3A_274 = arith.addi %mul3A_272, %add3A_273 : i32
      %mul3A_275 = arith.constant 128 : i32
      %mul3A_276 = arith.muli %add3A_274, %mul3A_275 : i32
      %dma_wait3A_277 = arith.constant 3 : i32
      %dma_wait3A_278 = arith.constant 0 : i32
      %dma_wait3A_279 = arith.constant 0 : i32
      %dma_wait3A_280 = tpu.memref_slice %arg8[%rem3A_171, %dma_wait3A_277, %dma_wait3A_278, %dma_wait3A_279] : memref<2x13x128x8xf32, #tpu.memory_space<vmem>> -> memref<1x1x128x8xf32, #tpu.memory_space<vmem>>
      %dma_wait3A_281 = tpu.memref_squeeze %dma_wait3A_280 : memref<1x1x128x8xf32, #tpu.memory_space<vmem>> -> memref<128x8xf32, #tpu.memory_space<vmem>>
      %dma_wait3A_282 = tpu.memref_slice %arg6[%mul3A_276] : memref<10000xi32, #tpu.memory_space<vmem>> -> memref<128xi32, #tpu.memory_space<vmem>>
      %dma_wait3A_283 = arith.constant 0 : i32
      %dma_wait3A_284 = arith.constant 0 : i32
      %dma_wait3A_285 = tpu.memref_slice %arg10[%dma_wait3A_283, %dma_wait3A_284] : memref<10112x8xf32, #tpu.memory_space<vmem_shared>> -> memref<10112x8xf32, #tpu.memory_space<vmem_shared>>
      tpu.wait_indirect_dma semaphore(%arg12 : memref<!tpu.dma_semaphore, #tpu.memory_space<semaphore_mem>>) src(%dma_wait3A_285 : memref<10112x8xf32, #tpu.memory_space<vmem_shared>>) dst(%dma_wait3A_281 : memref<128x8xf32, #tpu.memory_space<vmem>>)
      %mul3A_286 = arith.constant 13 : i32
      %mul3A_287 = arith.muli %add3A_170, %mul3A_286 : i32
      %add3A_288 = arith.constant 3 : i32
      %add3A_289 = arith.addi %mul3A_287, %add3A_288 : i32
      %mul3A_290 = arith.constant 128 : i32
      %mul3A_291 = arith.muli %add3A_289, %mul3A_290 : i32
      %dma_start3A_292 = arith.constant 3 : i32
      %dma_start3A_293 = arith.constant 0 : i32
      %dma_start3A_294 = arith.constant 0 : i32
      %dma_start3A_295 = tpu.memref_slice %arg8[%rem3A_171, %dma_start3A_292, %dma_start3A_293, %dma_start3A_294] : memref<2x13x128x8xf32, #tpu.memory_space<vmem>> -> memref<1x1x128x8xf32, #tpu.memory_space<vmem>>
      %dma_start3A_296 = tpu.memref_squeeze %dma_start3A_295 : memref<1x1x128x8xf32, #tpu.memory_space<vmem>> -> memref<128x8xf32, #tpu.memory_space<vmem>>
      %dma_start3A_297 = tpu.memref_slice %arg7[%mul3A_291] : memref<10000xi32, #tpu.memory_space<vmem>> -> memref<128xi32, #tpu.memory_space<vmem>>
      %dma_start3A_298 = arith.constant 0 : i32
      %dma_start3A_299 = arith.constant 0 : i32
      %dma_start3A_300 = tpu.memref_slice %arg11[%dma_start3A_298, %dma_start3A_299] : memref<10112x8xf32, #tpu.memory_space<vmem_shared>> -> memref<10112x8xf32, #tpu.memory_space<vmem_shared>>
      tpu.enqueue_indirect_dma source(%dma_start3A_296 : memref<128x8xf32, #tpu.memory_space<vmem>>) target(%dma_start3A_300 : memref<10112x8xf32, #tpu.memory_space<vmem_shared>>) offsets(%dma_start3A_297 : memref<128xi32, #tpu.memory_space<vmem>>) semaphore(%arg13 : memref<!tpu.dma_semaphore, #tpu.memory_space<semaphore_mem>>) {add = true}
      %mul3A_301 = arith.constant 13 : i32
      %mul3A_302 = arith.muli %add3A_170, %mul3A_301 : i32
      %add3A_303 = arith.constant 4 : i32
      %add3A_304 = arith.addi %mul3A_302, %add3A_303 : i32
      %mul3A_305 = arith.constant 128 : i32
      %mul3A_306 = arith.muli %add3A_304, %mul3A_305 : i32
      %dma_wait3A_307 = arith.constant 4 : i32
      %dma_wait3A_308 = arith.constant 0 : i32
      %dma_wait3A_309 = arith.constant 0 : i32
      %dma_wait3A_310 = tpu.memref_slice %arg8[%rem3A_171, %dma_wait3A_307, %dma_wait3A_308, %dma_wait3A_309] : memref<2x13x128x8xf32, #tpu.memory_space<vmem>> -> memref<1x1x128x8xf32, #tpu.memory_space<vmem>>
      %dma_wait3A_311 = tpu.memref_squeeze %dma_wait3A_310 : memref<1x1x128x8xf32, #tpu.memory_space<vmem>> -> memref<128x8xf32, #tpu.memory_space<vmem>>
      %dma_wait3A_312 = tpu.memref_slice %arg6[%mul3A_306] : memref<10000xi32, #tpu.memory_space<vmem>> -> memref<128xi32, #tpu.memory_space<vmem>>
      %dma_wait3A_313 = arith.constant 0 : i32
      %dma_wait3A_314 = arith.constant 0 : i32
      %dma_wait3A_315 = tpu.memref_slice %arg10[%dma_wait3A_313, %dma_wait3A_314] : memref<10112x8xf32, #tpu.memory_space<vmem_shared>> -> memref<10112x8xf32, #tpu.memory_space<vmem_shared>>
      tpu.wait_indirect_dma semaphore(%arg12 : memref<!tpu.dma_semaphore, #tpu.memory_space<semaphore_mem>>) src(%dma_wait3A_315 : memref<10112x8xf32, #tpu.memory_space<vmem_shared>>) dst(%dma_wait3A_311 : memref<128x8xf32, #tpu.memory_space<vmem>>)
      %mul3A_316 = arith.constant 13 : i32
      %mul3A_317 = arith.muli %add3A_170, %mul3A_316 : i32
      %add3A_318 = arith.constant 4 : i32
      %add3A_319 = arith.addi %mul3A_317, %add3A_318 : i32
      %mul3A_320 = arith.constant 128 : i32
      %mul3A_321 = arith.muli %add3A_319, %mul3A_320 : i32
      %dma_start3A_322 = arith.constant 4 : i32
      %dma_start3A_323 = arith.constant 0 : i32
      %dma_start3A_324 = arith.constant 0 : i32
      %dma_start3A_325 = tpu.memref_slice %arg8[%rem3A_171, %dma_start3A_322, %dma_start3A_323, %dma_start3A_324] : memref<2x13x128x8xf32, #tpu.memory_space<vmem>> -> memref<1x1x128x8xf32, #tpu.memory_space<vmem>>
      %dma_start3A_326 = tpu.memref_squeeze %dma_start3A_325 : memref<1x1x128x8xf32, #tpu.memory_space<vmem>> -> memref<128x8xf32, #tpu.memory_space<vmem>>
      %dma_start3A_327 = tpu.memref_slice %arg7[%mul3A_321] : memref<10000xi32, #tpu.memory_space<vmem>> -> memref<128xi32, #tpu.memory_space<vmem>>
      %dma_start3A_328 = arith.constant 0 : i32
      %dma_start3A_329 = arith.constant 0 : i32
      %dma_start3A_330 = tpu.memref_slice %arg11[%dma_start3A_328, %dma_start3A_329] : memref<10112x8xf32, #tpu.memory_space<vmem_shared>> -> memref<10112x8xf32, #tpu.memory_space<vmem_shared>>
      tpu.enqueue_indirect_dma source(%dma_start3A_326 : memref<128x8xf32, #tpu.memory_space<vmem>>) target(%dma_start3A_330 : memref<10112x8xf32, #tpu.memory_space<vmem_shared>>) offsets(%dma_start3A_327 : memref<128xi32, #tpu.memory_space<vmem>>) semaphore(%arg13 : memref<!tpu.dma_semaphore, #tpu.memory_space<semaphore_mem>>) {add = true}
      %mul3A_331 = arith.constant 13 : i32
      %mul3A_332 = arith.muli %add3A_170, %mul3A_331 : i32
      %add3A_333 = arith.constant 5 : i32
      %add3A_334 = arith.addi %mul3A_332, %add3A_333 : i32
      %mul3A_335 = arith.constant 128 : i32
      %mul3A_336 = arith.muli %add3A_334, %mul3A_335 : i32
      %dma_wait3A_337 = arith.constant 5 : i32
      %dma_wait3A_338 = arith.constant 0 : i32
      %dma_wait3A_339 = arith.constant 0 : i32
      %dma_wait3A_340 = tpu.memref_slice %arg8[%rem3A_171, %dma_wait3A_337, %dma_wait3A_338, %dma_wait3A_339] : memref<2x13x128x8xf32, #tpu.memory_space<vmem>> -> memref<1x1x128x8xf32, #tpu.memory_space<vmem>>
      %dma_wait3A_341 = tpu.memref_squeeze %dma_wait3A_340 : memref<1x1x128x8xf32, #tpu.memory_space<vmem>> -> memref<128x8xf32, #tpu.memory_space<vmem>>
      %dma_wait3A_342 = tpu.memref_slice %arg6[%mul3A_336] : memref<10000xi32, #tpu.memory_space<vmem>> -> memref<128xi32, #tpu.memory_space<vmem>>
      %dma_wait3A_343 = arith.constant 0 : i32
      %dma_wait3A_344 = arith.constant 0 : i32
      %dma_wait3A_345 = tpu.memref_slice %arg10[%dma_wait3A_343, %dma_wait3A_344] : memref<10112x8xf32, #tpu.memory_space<vmem_shared>> -> memref<10112x8xf32, #tpu.memory_space<vmem_shared>>
      tpu.wait_indirect_dma semaphore(%arg12 : memref<!tpu.dma_semaphore, #tpu.memory_space<semaphore_mem>>) src(%dma_wait3A_345 : memref<10112x8xf32, #tpu.memory_space<vmem_shared>>) dst(%dma_wait3A_341 : memref<128x8xf32, #tpu.memory_space<vmem>>)
      %mul3A_346 = arith.constant 13 : i32
      %mul3A_347 = arith.muli %add3A_170, %mul3A_346 : i32
      %add3A_348 = arith.constant 5 : i32
      %add3A_349 = arith.addi %mul3A_347, %add3A_348 : i32
      %mul3A_350 = arith.constant 128 : i32
      %mul3A_351 = arith.muli %add3A_349, %mul3A_350 : i32
      %dma_start3A_352 = arith.constant 5 : i32
      %dma_start3A_353 = arith.constant 0 : i32
      %dma_start3A_354 = arith.constant 0 : i32
      %dma_start3A_355 = tpu.memref_slice %arg8[%rem3A_171, %dma_start3A_352, %dma_start3A_353, %dma_start3A_354] : memref<2x13x128x8xf32, #tpu.memory_space<vmem>> -> memref<1x1x128x8xf32, #tpu.memory_space<vmem>>
      %dma_start3A_356 = tpu.memref_squeeze %dma_start3A_355 : memref<1x1x128x8xf32, #tpu.memory_space<vmem>> -> memref<128x8xf32, #tpu.memory_space<vmem>>
      %dma_start3A_357 = tpu.memref_slice %arg7[%mul3A_351] : memref<10000xi32, #tpu.memory_space<vmem>> -> memref<128xi32, #tpu.memory_space<vmem>>
      %dma_start3A_358 = arith.constant 0 : i32
      %dma_start3A_359 = arith.constant 0 : i32
      %dma_start3A_360 = tpu.memref_slice %arg11[%dma_start3A_358, %dma_start3A_359] : memref<10112x8xf32, #tpu.memory_space<vmem_shared>> -> memref<10112x8xf32, #tpu.memory_space<vmem_shared>>
      tpu.enqueue_indirect_dma source(%dma_start3A_356 : memref<128x8xf32, #tpu.memory_space<vmem>>) target(%dma_start3A_360 : memref<10112x8xf32, #tpu.memory_space<vmem_shared>>) offsets(%dma_start3A_357 : memref<128xi32, #tpu.memory_space<vmem>>) semaphore(%arg13 : memref<!tpu.dma_semaphore, #tpu.memory_space<semaphore_mem>>) {add = true}
      %mul3A_361 = arith.constant 13 : i32
      %mul3A_362 = arith.muli %add3A_170, %mul3A_361 : i32
      %add3A_363 = arith.constant 6 : i32
      %add3A_364 = arith.addi %mul3A_362, %add3A_363 : i32
      %mul3A_365 = arith.constant 128 : i32
      %mul3A_366 = arith.muli %add3A_364, %mul3A_365 : i32
      %dma_wait3A_367 = arith.constant 6 : i32
      %dma_wait3A_368 = arith.constant 0 : i32
      %dma_wait3A_369 = arith.constant 0 : i32
      %dma_wait3A_370 = tpu.memref_slice %arg8[%rem3A_171, %dma_wait3A_367, %dma_wait3A_368, %dma_wait3A_369] : memref<2x13x128x8xf32, #tpu.memory_space<vmem>> -> memref<1x1x128x8xf32, #tpu.memory_space<vmem>>
      %dma_wait3A_371 = tpu.memref_squeeze %dma_wait3A_370 : memref<1x1x128x8xf32, #tpu.memory_space<vmem>> -> memref<128x8xf32, #tpu.memory_space<vmem>>
      %dma_wait3A_372 = tpu.memref_slice %arg6[%mul3A_366] : memref<10000xi32, #tpu.memory_space<vmem>> -> memref<128xi32, #tpu.memory_space<vmem>>
      %dma_wait3A_373 = arith.constant 0 : i32
      %dma_wait3A_374 = arith.constant 0 : i32
      %dma_wait3A_375 = tpu.memref_slice %arg10[%dma_wait3A_373, %dma_wait3A_374] : memref<10112x8xf32, #tpu.memory_space<vmem_shared>> -> memref<10112x8xf32, #tpu.memory_space<vmem_shared>>
      tpu.wait_indirect_dma semaphore(%arg12 : memref<!tpu.dma_semaphore, #tpu.memory_space<semaphore_mem>>) src(%dma_wait3A_375 : memref<10112x8xf32, #tpu.memory_space<vmem_shared>>) dst(%dma_wait3A_371 : memref<128x8xf32, #tpu.memory_space<vmem>>)
      %mul3A_376 = arith.constant 13 : i32
      %mul3A_377 = arith.muli %add3A_170, %mul3A_376 : i32
      %add3A_378 = arith.constant 6 : i32
      %add3A_379 = arith.addi %mul3A_377, %add3A_378 : i32
      %mul3A_380 = arith.constant 128 : i32
      %mul3A_381 = arith.muli %add3A_379, %mul3A_380 : i32
      %dma_start3A_382 = arith.constant 6 : i32
      %dma_start3A_383 = arith.constant 0 : i32
      %dma_start3A_384 = arith.constant 0 : i32
      %dma_start3A_385 = tpu.memref_slice %arg8[%rem3A_171, %dma_start3A_382, %dma_start3A_383, %dma_start3A_384] : memref<2x13x128x8xf32, #tpu.memory_space<vmem>> -> memref<1x1x128x8xf32, #tpu.memory_space<vmem>>
      %dma_start3A_386 = tpu.memref_squeeze %dma_start3A_385 : memref<1x1x128x8xf32, #tpu.memory_space<vmem>> -> memref<128x8xf32, #tpu.memory_space<vmem>>
      %dma_start3A_387 = tpu.memref_slice %arg7[%mul3A_381] : memref<10000xi32, #tpu.memory_space<vmem>> -> memref<128xi32, #tpu.memory_space<vmem>>
      %dma_start3A_388 = arith.constant 0 : i32
      %dma_start3A_389 = arith.constant 0 : i32
      %dma_start3A_390 = tpu.memref_slice %arg11[%dma_start3A_388, %dma_start3A_389] : memref<10112x8xf32, #tpu.memory_space<vmem_shared>> -> memref<10112x8xf32, #tpu.memory_space<vmem_shared>>
      tpu.enqueue_indirect_dma source(%dma_start3A_386 : memref<128x8xf32, #tpu.memory_space<vmem>>) target(%dma_start3A_390 : memref<10112x8xf32, #tpu.memory_space<vmem_shared>>) offsets(%dma_start3A_387 : memref<128xi32, #tpu.memory_space<vmem>>) semaphore(%arg13 : memref<!tpu.dma_semaphore, #tpu.memory_space<semaphore_mem>>) {add = true}
      %mul3A_391 = arith.constant 13 : i32
      %mul3A_392 = arith.muli %add3A_170, %mul3A_391 : i32
      %add3A_393 = arith.constant 7 : i32
      %add3A_394 = arith.addi %mul3A_392, %add3A_393 : i32
      %mul3A_395 = arith.constant 128 : i32
      %mul3A_396 = arith.muli %add3A_394, %mul3A_395 : i32
      %dma_wait3A_397 = arith.constant 7 : i32
      %dma_wait3A_398 = arith.constant 0 : i32
      %dma_wait3A_399 = arith.constant 0 : i32
      %dma_wait3A_400 = tpu.memref_slice %arg8[%rem3A_171, %dma_wait3A_397, %dma_wait3A_398, %dma_wait3A_399] : memref<2x13x128x8xf32, #tpu.memory_space<vmem>> -> memref<1x1x128x8xf32, #tpu.memory_space<vmem>>
      %dma_wait3A_401 = tpu.memref_squeeze %dma_wait3A_400 : memref<1x1x128x8xf32, #tpu.memory_space<vmem>> -> memref<128x8xf32, #tpu.memory_space<vmem>>
      %dma_wait3A_402 = tpu.memref_slice %arg6[%mul3A_396] : memref<10000xi32, #tpu.memory_space<vmem>> -> memref<128xi32, #tpu.memory_space<vmem>>
      %dma_wait3A_403 = arith.constant 0 : i32
      %dma_wait3A_404 = arith.constant 0 : i32
      %dma_wait3A_405 = tpu.memref_slice %arg10[%dma_wait3A_403, %dma_wait3A_404] : memref<10112x8xf32, #tpu.memory_space<vmem_shared>> -> memref<10112x8xf32, #tpu.memory_space<vmem_shared>>
      tpu.wait_indirect_dma semaphore(%arg12 : memref<!tpu.dma_semaphore, #tpu.memory_space<semaphore_mem>>) src(%dma_wait3A_405 : memref<10112x8xf32, #tpu.memory_space<vmem_shared>>) dst(%dma_wait3A_401 : memref<128x8xf32, #tpu.memory_space<vmem>>)
      %mul3A_406 = arith.constant 13 : i32
      %mul3A_407 = arith.muli %add3A_170, %mul3A_406 : i32
      %add3A_408 = arith.constant 7 : i32
      %add3A_409 = arith.addi %mul3A_407, %add3A_408 : i32
      %mul3A_410 = arith.constant 128 : i32
      %mul3A_411 = arith.muli %add3A_409, %mul3A_410 : i32
      %dma_start3A_412 = arith.constant 7 : i32
      %dma_start3A_413 = arith.constant 0 : i32
      %dma_start3A_414 = arith.constant 0 : i32
      %dma_start3A_415 = tpu.memref_slice %arg8[%rem3A_171, %dma_start3A_412, %dma_start3A_413, %dma_start3A_414] : memref<2x13x128x8xf32, #tpu.memory_space<vmem>> -> memref<1x1x128x8xf32, #tpu.memory_space<vmem>>
      %dma_start3A_416 = tpu.memref_squeeze %dma_start3A_415 : memref<1x1x128x8xf32, #tpu.memory_space<vmem>> -> memref<128x8xf32, #tpu.memory_space<vmem>>
      %dma_start3A_417 = tpu.memref_slice %arg7[%mul3A_411] : memref<10000xi32, #tpu.memory_space<vmem>> -> memref<128xi32, #tpu.memory_space<vmem>>
      %dma_start3A_418 = arith.constant 0 : i32
      %dma_start3A_419 = arith.constant 0 : i32
      %dma_start3A_420 = tpu.memref_slice %arg11[%dma_start3A_418, %dma_start3A_419] : memref<10112x8xf32, #tpu.memory_space<vmem_shared>> -> memref<10112x8xf32, #tpu.memory_space<vmem_shared>>
      tpu.enqueue_indirect_dma source(%dma_start3A_416 : memref<128x8xf32, #tpu.memory_space<vmem>>) target(%dma_start3A_420 : memref<10112x8xf32, #tpu.memory_space<vmem_shared>>) offsets(%dma_start3A_417 : memref<128xi32, #tpu.memory_space<vmem>>) semaphore(%arg13 : memref<!tpu.dma_semaphore, #tpu.memory_space<semaphore_mem>>) {add = true}
      %mul3A_421 = arith.constant 13 : i32
      %mul3A_422 = arith.muli %add3A_170, %mul3A_421 : i32
      %add3A_423 = arith.constant 8 : i32
      %add3A_424 = arith.addi %mul3A_422, %add3A_423 : i32
      %mul3A_425 = arith.constant 128 : i32
      %mul3A_426 = arith.muli %add3A_424, %mul3A_425 : i32
      %dma_wait3A_427 = arith.constant 8 : i32
      %dma_wait3A_428 = arith.constant 0 : i32
      %dma_wait3A_429 = arith.constant 0 : i32
      %dma_wait3A_430 = tpu.memref_slice %arg8[%rem3A_171, %dma_wait3A_427, %dma_wait3A_428, %dma_wait3A_429] : memref<2x13x128x8xf32, #tpu.memory_space<vmem>> -> memref<1x1x128x8xf32, #tpu.memory_space<vmem>>
      %dma_wait3A_431 = tpu.memref_squeeze %dma_wait3A_430 : memref<1x1x128x8xf32, #tpu.memory_space<vmem>> -> memref<128x8xf32, #tpu.memory_space<vmem>>
      %dma_wait3A_432 = tpu.memref_slice %arg6[%mul3A_426] : memref<10000xi32, #tpu.memory_space<vmem>> -> memref<128xi32, #tpu.memory_space<vmem>>
      %dma_wait3A_433 = arith.constant 0 : i32
      %dma_wait3A_434 = arith.constant 0 : i32
      %dma_wait3A_435 = tpu.memref_slice %arg10[%dma_wait3A_433, %dma_wait3A_434] : memref<10112x8xf32, #tpu.memory_space<vmem_shared>> -> memref<10112x8xf32, #tpu.memory_space<vmem_shared>>
      tpu.wait_indirect_dma semaphore(%arg12 : memref<!tpu.dma_semaphore, #tpu.memory_space<semaphore_mem>>) src(%dma_wait3A_435 : memref<10112x8xf32, #tpu.memory_space<vmem_shared>>) dst(%dma_wait3A_431 : memref<128x8xf32, #tpu.memory_space<vmem>>)
      %mul3A_436 = arith.constant 13 : i32
      %mul3A_437 = arith.muli %add3A_170, %mul3A_436 : i32
      %add3A_438 = arith.constant 8 : i32
      %add3A_439 = arith.addi %mul3A_437, %add3A_438 : i32
      %mul3A_440 = arith.constant 128 : i32
      %mul3A_441 = arith.muli %add3A_439, %mul3A_440 : i32
      %dma_start3A_442 = arith.constant 8 : i32
      %dma_start3A_443 = arith.constant 0 : i32
      %dma_start3A_444 = arith.constant 0 : i32
      %dma_start3A_445 = tpu.memref_slice %arg8[%rem3A_171, %dma_start3A_442, %dma_start3A_443, %dma_start3A_444] : memref<2x13x128x8xf32, #tpu.memory_space<vmem>> -> memref<1x1x128x8xf32, #tpu.memory_space<vmem>>
      %dma_start3A_446 = tpu.memref_squeeze %dma_start3A_445 : memref<1x1x128x8xf32, #tpu.memory_space<vmem>> -> memref<128x8xf32, #tpu.memory_space<vmem>>
      %dma_start3A_447 = tpu.memref_slice %arg7[%mul3A_441] : memref<10000xi32, #tpu.memory_space<vmem>> -> memref<128xi32, #tpu.memory_space<vmem>>
      %dma_start3A_448 = arith.constant 0 : i32
      %dma_start3A_449 = arith.constant 0 : i32
      %dma_start3A_450 = tpu.memref_slice %arg11[%dma_start3A_448, %dma_start3A_449] : memref<10112x8xf32, #tpu.memory_space<vmem_shared>> -> memref<10112x8xf32, #tpu.memory_space<vmem_shared>>
      tpu.enqueue_indirect_dma source(%dma_start3A_446 : memref<128x8xf32, #tpu.memory_space<vmem>>) target(%dma_start3A_450 : memref<10112x8xf32, #tpu.memory_space<vmem_shared>>) offsets(%dma_start3A_447 : memref<128xi32, #tpu.memory_space<vmem>>) semaphore(%arg13 : memref<!tpu.dma_semaphore, #tpu.memory_space<semaphore_mem>>) {add = true}
      %mul3A_451 = arith.constant 13 : i32
      %mul3A_452 = arith.muli %add3A_170, %mul3A_451 : i32
      %add3A_453 = arith.constant 9 : i32
      %add3A_454 = arith.addi %mul3A_452, %add3A_453 : i32
      %mul3A_455 = arith.constant 128 : i32
      %mul3A_456 = arith.muli %add3A_454, %mul3A_455 : i32
      %dma_wait3A_457 = arith.constant 9 : i32
      %dma_wait3A_458 = arith.constant 0 : i32
      %dma_wait3A_459 = arith.constant 0 : i32
      %dma_wait3A_460 = tpu.memref_slice %arg8[%rem3A_171, %dma_wait3A_457, %dma_wait3A_458, %dma_wait3A_459] : memref<2x13x128x8xf32, #tpu.memory_space<vmem>> -> memref<1x1x128x8xf32, #tpu.memory_space<vmem>>
      %dma_wait3A_461 = tpu.memref_squeeze %dma_wait3A_460 : memref<1x1x128x8xf32, #tpu.memory_space<vmem>> -> memref<128x8xf32, #tpu.memory_space<vmem>>
      %dma_wait3A_462 = tpu.memref_slice %arg6[%mul3A_456] : memref<10000xi32, #tpu.memory_space<vmem>> -> memref<128xi32, #tpu.memory_space<vmem>>
      %dma_wait3A_463 = arith.constant 0 : i32
      %dma_wait3A_464 = arith.constant 0 : i32
      %dma_wait3A_465 = tpu.memref_slice %arg10[%dma_wait3A_463, %dma_wait3A_464] : memref<10112x8xf32, #tpu.memory_space<vmem_shared>> -> memref<10112x8xf32, #tpu.memory_space<vmem_shared>>
      tpu.wait_indirect_dma semaphore(%arg12 : memref<!tpu.dma_semaphore, #tpu.memory_space<semaphore_mem>>) src(%dma_wait3A_465 : memref<10112x8xf32, #tpu.memory_space<vmem_shared>>) dst(%dma_wait3A_461 : memref<128x8xf32, #tpu.memory_space<vmem>>)
      %mul3A_466 = arith.constant 13 : i32
      %mul3A_467 = arith.muli %add3A_170, %mul3A_466 : i32
      %add3A_468 = arith.constant 9 : i32
      %add3A_469 = arith.addi %mul3A_467, %add3A_468 : i32
      %mul3A_470 = arith.constant 128 : i32
      %mul3A_471 = arith.muli %add3A_469, %mul3A_470 : i32
      %dma_start3A_472 = arith.constant 9 : i32
      %dma_start3A_473 = arith.constant 0 : i32
      %dma_start3A_474 = arith.constant 0 : i32
      %dma_start3A_475 = tpu.memref_slice %arg8[%rem3A_171, %dma_start3A_472, %dma_start3A_473, %dma_start3A_474] : memref<2x13x128x8xf32, #tpu.memory_space<vmem>> -> memref<1x1x128x8xf32, #tpu.memory_space<vmem>>
      %dma_start3A_476 = tpu.memref_squeeze %dma_start3A_475 : memref<1x1x128x8xf32, #tpu.memory_space<vmem>> -> memref<128x8xf32, #tpu.memory_space<vmem>>
      %dma_start3A_477 = tpu.memref_slice %arg7[%mul3A_471] : memref<10000xi32, #tpu.memory_space<vmem>> -> memref<128xi32, #tpu.memory_space<vmem>>
      %dma_start3A_478 = arith.constant 0 : i32
      %dma_start3A_479 = arith.constant 0 : i32
      %dma_start3A_480 = tpu.memref_slice %arg11[%dma_start3A_478, %dma_start3A_479] : memref<10112x8xf32, #tpu.memory_space<vmem_shared>> -> memref<10112x8xf32, #tpu.memory_space<vmem_shared>>
      tpu.enqueue_indirect_dma source(%dma_start3A_476 : memref<128x8xf32, #tpu.memory_space<vmem>>) target(%dma_start3A_480 : memref<10112x8xf32, #tpu.memory_space<vmem_shared>>) offsets(%dma_start3A_477 : memref<128xi32, #tpu.memory_space<vmem>>) semaphore(%arg13 : memref<!tpu.dma_semaphore, #tpu.memory_space<semaphore_mem>>) {add = true}
      %mul3A_481 = arith.constant 13 : i32
      %mul3A_482 = arith.muli %add3A_170, %mul3A_481 : i32
      %add3A_483 = arith.constant 10 : i32
      %add3A_484 = arith.addi %mul3A_482, %add3A_483 : i32
      %mul3A_485 = arith.constant 128 : i32
      %mul3A_486 = arith.muli %add3A_484, %mul3A_485 : i32
      %dma_wait3A_487 = arith.constant 10 : i32
      %dma_wait3A_488 = arith.constant 0 : i32
      %dma_wait3A_489 = arith.constant 0 : i32
      %dma_wait3A_490 = tpu.memref_slice %arg8[%rem3A_171, %dma_wait3A_487, %dma_wait3A_488, %dma_wait3A_489] : memref<2x13x128x8xf32, #tpu.memory_space<vmem>> -> memref<1x1x128x8xf32, #tpu.memory_space<vmem>>
      %dma_wait3A_491 = tpu.memref_squeeze %dma_wait3A_490 : memref<1x1x128x8xf32, #tpu.memory_space<vmem>> -> memref<128x8xf32, #tpu.memory_space<vmem>>
      %dma_wait3A_492 = tpu.memref_slice %arg6[%mul3A_486] : memref<10000xi32, #tpu.memory_space<vmem>> -> memref<128xi32, #tpu.memory_space<vmem>>
      %dma_wait3A_493 = arith.constant 0 : i32
      %dma_wait3A_494 = arith.constant 0 : i32
      %dma_wait3A_495 = tpu.memref_slice %arg10[%dma_wait3A_493, %dma_wait3A_494] : memref<10112x8xf32, #tpu.memory_space<vmem_shared>> -> memref<10112x8xf32, #tpu.memory_space<vmem_shared>>
      tpu.wait_indirect_dma semaphore(%arg12 : memref<!tpu.dma_semaphore, #tpu.memory_space<semaphore_mem>>) src(%dma_wait3A_495 : memref<10112x8xf32, #tpu.memory_space<vmem_shared>>) dst(%dma_wait3A_491 : memref<128x8xf32, #tpu.memory_space<vmem>>)
      %mul3A_496 = arith.constant 13 : i32
      %mul3A_497 = arith.muli %add3A_170, %mul3A_496 : i32
      %add3A_498 = arith.constant 10 : i32
      %add3A_499 = arith.addi %mul3A_497, %add3A_498 : i32
      %mul3A_500 = arith.constant 128 : i32
      %mul3A_501 = arith.muli %add3A_499, %mul3A_500 : i32
      %dma_start3A_502 = arith.constant 10 : i32
      %dma_start3A_503 = arith.constant 0 : i32
      %dma_start3A_504 = arith.constant 0 : i32
      %dma_start3A_505 = tpu.memref_slice %arg8[%rem3A_171, %dma_start3A_502, %dma_start3A_503, %dma_start3A_504] : memref<2x13x128x8xf32, #tpu.memory_space<vmem>> -> memref<1x1x128x8xf32, #tpu.memory_space<vmem>>
      %dma_start3A_506 = tpu.memref_squeeze %dma_start3A_505 : memref<1x1x128x8xf32, #tpu.memory_space<vmem>> -> memref<128x8xf32, #tpu.memory_space<vmem>>
      %dma_start3A_507 = tpu.memref_slice %arg7[%mul3A_501] : memref<10000xi32, #tpu.memory_space<vmem>> -> memref<128xi32, #tpu.memory_space<vmem>>
      %dma_start3A_508 = arith.constant 0 : i32
      %dma_start3A_509 = arith.constant 0 : i32
      %dma_start3A_510 = tpu.memref_slice %arg11[%dma_start3A_508, %dma_start3A_509] : memref<10112x8xf32, #tpu.memory_space<vmem_shared>> -> memref<10112x8xf32, #tpu.memory_space<vmem_shared>>
      tpu.enqueue_indirect_dma source(%dma_start3A_506 : memref<128x8xf32, #tpu.memory_space<vmem>>) target(%dma_start3A_510 : memref<10112x8xf32, #tpu.memory_space<vmem_shared>>) offsets(%dma_start3A_507 : memref<128xi32, #tpu.memory_space<vmem>>) semaphore(%arg13 : memref<!tpu.dma_semaphore, #tpu.memory_space<semaphore_mem>>) {add = true}
      %mul3A_511 = arith.constant 13 : i32
      %mul3A_512 = arith.muli %add3A_170, %mul3A_511 : i32
      %add3A_513 = arith.constant 11 : i32
      %add3A_514 = arith.addi %mul3A_512, %add3A_513 : i32
      %mul3A_515 = arith.constant 128 : i32
      %mul3A_516 = arith.muli %add3A_514, %mul3A_515 : i32
      %dma_wait3A_517 = arith.constant 11 : i32
      %dma_wait3A_518 = arith.constant 0 : i32
      %dma_wait3A_519 = arith.constant 0 : i32
      %dma_wait3A_520 = tpu.memref_slice %arg8[%rem3A_171, %dma_wait3A_517, %dma_wait3A_518, %dma_wait3A_519] : memref<2x13x128x8xf32, #tpu.memory_space<vmem>> -> memref<1x1x128x8xf32, #tpu.memory_space<vmem>>
      %dma_wait3A_521 = tpu.memref_squeeze %dma_wait3A_520 : memref<1x1x128x8xf32, #tpu.memory_space<vmem>> -> memref<128x8xf32, #tpu.memory_space<vmem>>
      %dma_wait3A_522 = tpu.memref_slice %arg6[%mul3A_516] : memref<10000xi32, #tpu.memory_space<vmem>> -> memref<128xi32, #tpu.memory_space<vmem>>
      %dma_wait3A_523 = arith.constant 0 : i32
      %dma_wait3A_524 = arith.constant 0 : i32
      %dma_wait3A_525 = tpu.memref_slice %arg10[%dma_wait3A_523, %dma_wait3A_524] : memref<10112x8xf32, #tpu.memory_space<vmem_shared>> -> memref<10112x8xf32, #tpu.memory_space<vmem_shared>>
      tpu.wait_indirect_dma semaphore(%arg12 : memref<!tpu.dma_semaphore, #tpu.memory_space<semaphore_mem>>) src(%dma_wait3A_525 : memref<10112x8xf32, #tpu.memory_space<vmem_shared>>) dst(%dma_wait3A_521 : memref<128x8xf32, #tpu.memory_space<vmem>>)
      %mul3A_526 = arith.constant 13 : i32
      %mul3A_527 = arith.muli %add3A_170, %mul3A_526 : i32
      %add3A_528 = arith.constant 11 : i32
      %add3A_529 = arith.addi %mul3A_527, %add3A_528 : i32
      %mul3A_530 = arith.constant 128 : i32
      %mul3A_531 = arith.muli %add3A_529, %mul3A_530 : i32
      %dma_start3A_532 = arith.constant 11 : i32
      %dma_start3A_533 = arith.constant 0 : i32
      %dma_start3A_534 = arith.constant 0 : i32
      %dma_start3A_535 = tpu.memref_slice %arg8[%rem3A_171, %dma_start3A_532, %dma_start3A_533, %dma_start3A_534] : memref<2x13x128x8xf32, #tpu.memory_space<vmem>> -> memref<1x1x128x8xf32, #tpu.memory_space<vmem>>
      %dma_start3A_536 = tpu.memref_squeeze %dma_start3A_535 : memref<1x1x128x8xf32, #tpu.memory_space<vmem>> -> memref<128x8xf32, #tpu.memory_space<vmem>>
      %dma_start3A_537 = tpu.memref_slice %arg7[%mul3A_531] : memref<10000xi32, #tpu.memory_space<vmem>> -> memref<128xi32, #tpu.memory_space<vmem>>
      %dma_start3A_538 = arith.constant 0 : i32
      %dma_start3A_539 = arith.constant 0 : i32
      %dma_start3A_540 = tpu.memref_slice %arg11[%dma_start3A_538, %dma_start3A_539] : memref<10112x8xf32, #tpu.memory_space<vmem_shared>> -> memref<10112x8xf32, #tpu.memory_space<vmem_shared>>
      tpu.enqueue_indirect_dma source(%dma_start3A_536 : memref<128x8xf32, #tpu.memory_space<vmem>>) target(%dma_start3A_540 : memref<10112x8xf32, #tpu.memory_space<vmem_shared>>) offsets(%dma_start3A_537 : memref<128xi32, #tpu.memory_space<vmem>>) semaphore(%arg13 : memref<!tpu.dma_semaphore, #tpu.memory_space<semaphore_mem>>) {add = true}
      %mul3A_541 = arith.constant 13 : i32
      %mul3A_542 = arith.muli %add3A_170, %mul3A_541 : i32
      %add3A_543 = arith.constant 12 : i32
      %add3A_544 = arith.addi %mul3A_542, %add3A_543 : i32
      %mul3A_545 = arith.constant 128 : i32
      %mul3A_546 = arith.muli %add3A_544, %mul3A_545 : i32
      %dma_wait3A_547 = arith.constant 12 : i32
      %dma_wait3A_548 = arith.constant 0 : i32
      %dma_wait3A_549 = arith.constant 0 : i32
      %dma_wait3A_550 = tpu.memref_slice %arg8[%rem3A_171, %dma_wait3A_547, %dma_wait3A_548, %dma_wait3A_549] : memref<2x13x128x8xf32, #tpu.memory_space<vmem>> -> memref<1x1x128x8xf32, #tpu.memory_space<vmem>>
      %dma_wait3A_551 = tpu.memref_squeeze %dma_wait3A_550 : memref<1x1x128x8xf32, #tpu.memory_space<vmem>> -> memref<128x8xf32, #tpu.memory_space<vmem>>
      %dma_wait3A_552 = tpu.memref_slice %arg6[%mul3A_546] : memref<10000xi32, #tpu.memory_space<vmem>> -> memref<128xi32, #tpu.memory_space<vmem>>
      %dma_wait3A_553 = arith.constant 0 : i32
      %dma_wait3A_554 = arith.constant 0 : i32
      %dma_wait3A_555 = tpu.memref_slice %arg10[%dma_wait3A_553, %dma_wait3A_554] : memref<10112x8xf32, #tpu.memory_space<vmem_shared>> -> memref<10112x8xf32, #tpu.memory_space<vmem_shared>>
      tpu.wait_indirect_dma semaphore(%arg12 : memref<!tpu.dma_semaphore, #tpu.memory_space<semaphore_mem>>) src(%dma_wait3A_555 : memref<10112x8xf32, #tpu.memory_space<vmem_shared>>) dst(%dma_wait3A_551 : memref<128x8xf32, #tpu.memory_space<vmem>>)
      %mul3A_556 = arith.constant 13 : i32
      %mul3A_557 = arith.muli %add3A_170, %mul3A_556 : i32
      %add3A_558 = arith.constant 12 : i32
      %add3A_559 = arith.addi %mul3A_557, %add3A_558 : i32
      %mul3A_560 = arith.constant 128 : i32
      %mul3A_561 = arith.muli %add3A_559, %mul3A_560 : i32
      %dma_start3A_562 = arith.constant 12 : i32
      %dma_start3A_563 = arith.constant 0 : i32
      %dma_start3A_564 = arith.constant 0 : i32
      %dma_start3A_565 = tpu.memref_slice %arg8[%rem3A_171, %dma_start3A_562, %dma_start3A_563, %dma_start3A_564] : memref<2x13x128x8xf32, #tpu.memory_space<vmem>> -> memref<1x1x128x8xf32, #tpu.memory_space<vmem>>
      %dma_start3A_566 = tpu.memref_squeeze %dma_start3A_565 : memref<1x1x128x8xf32, #tpu.memory_space<vmem>> -> memref<128x8xf32, #tpu.memory_space<vmem>>
      %dma_start3A_567 = tpu.memref_slice %arg7[%mul3A_561] : memref<10000xi32, #tpu.memory_space<vmem>> -> memref<128xi32, #tpu.memory_space<vmem>>
      %dma_start3A_568 = arith.constant 0 : i32
      %dma_start3A_569 = arith.constant 0 : i32
      %dma_start3A_570 = tpu.memref_slice %arg11[%dma_start3A_568, %dma_start3A_569] : memref<10112x8xf32, #tpu.memory_space<vmem_shared>> -> memref<10112x8xf32, #tpu.memory_space<vmem_shared>>
      tpu.enqueue_indirect_dma source(%dma_start3A_566 : memref<128x8xf32, #tpu.memory_space<vmem>>) target(%dma_start3A_570 : memref<10112x8xf32, #tpu.memory_space<vmem_shared>>) offsets(%dma_start3A_567 : memref<128xi32, #tpu.memory_space<vmem>>) semaphore(%arg13 : memref<!tpu.dma_semaphore, #tpu.memory_space<semaphore_mem>>) {add = true}
      %mul3A_571 = arith.constant 13 : i32
      %mul3A_572 = arith.muli %add3A_170, %mul3A_571 : i32
      %add3A_573 = arith.constant 0 : i32
      %add3A_574 = arith.addi %mul3A_572, %add3A_573 : i32
      %mul3A_575 = arith.constant 128 : i32
      %mul3A_576 = arith.muli %add3A_574, %mul3A_575 : i32
      %dma_wait3A_577 = arith.constant 0 : i32
      %dma_wait3A_578 = arith.constant 0 : i32
      %dma_wait3A_579 = arith.constant 0 : i32
      %dma_wait3A_580 = tpu.memref_slice %arg8[%rem3A_171, %dma_wait3A_577, %dma_wait3A_578, %dma_wait3A_579] : memref<2x13x128x8xf32, #tpu.memory_space<vmem>> -> memref<1x1x128x8xf32, #tpu.memory_space<vmem>>
      %dma_wait3A_581 = tpu.memref_squeeze %dma_wait3A_580 : memref<1x1x128x8xf32, #tpu.memory_space<vmem>> -> memref<128x8xf32, #tpu.memory_space<vmem>>
      %dma_wait3A_582 = tpu.memref_slice %arg7[%mul3A_576] : memref<10000xi32, #tpu.memory_space<vmem>> -> memref<128xi32, #tpu.memory_space<vmem>>
      %dma_wait3A_583 = arith.constant 0 : i32
      %dma_wait3A_584 = arith.constant 0 : i32
      %dma_wait3A_585 = tpu.memref_slice %arg11[%dma_wait3A_583, %dma_wait3A_584] : memref<10112x8xf32, #tpu.memory_space<vmem_shared>> -> memref<10112x8xf32, #tpu.memory_space<vmem_shared>>
      tpu.wait_indirect_dma semaphore(%arg13 : memref<!tpu.dma_semaphore, #tpu.memory_space<semaphore_mem>>) src(%dma_wait3A_581 : memref<128x8xf32, #tpu.memory_space<vmem>>) dst(%dma_wait3A_585 : memref<10112x8xf32, #tpu.memory_space<vmem_shared>>)
      %mul3A_586 = arith.constant 13 : i32
      %mul3A_587 = arith.muli %add3A_170, %mul3A_586 : i32
      %add3A_588 = arith.constant 1 : i32
      %add3A_589 = arith.addi %mul3A_587, %add3A_588 : i32
      %mul3A_590 = arith.constant 128 : i32
      %mul3A_591 = arith.muli %add3A_589, %mul3A_590 : i32
      %dma_wait3A_592 = arith.constant 1 : i32
      %dma_wait3A_593 = arith.constant 0 : i32
      %dma_wait3A_594 = arith.constant 0 : i32
      %dma_wait3A_595 = tpu.memref_slice %arg8[%rem3A_171, %dma_wait3A_592, %dma_wait3A_593, %dma_wait3A_594] : memref<2x13x128x8xf32, #tpu.memory_space<vmem>> -> memref<1x1x128x8xf32, #tpu.memory_space<vmem>>
      %dma_wait3A_596 = tpu.memref_squeeze %dma_wait3A_595 : memref<1x1x128x8xf32, #tpu.memory_space<vmem>> -> memref<128x8xf32, #tpu.memory_space<vmem>>
      %dma_wait3A_597 = tpu.memref_slice %arg7[%mul3A_591] : memref<10000xi32, #tpu.memory_space<vmem>> -> memref<128xi32, #tpu.memory_space<vmem>>
      %dma_wait3A_598 = arith.constant 0 : i32
      %dma_wait3A_599 = arith.constant 0 : i32
      %dma_wait3A_600 = tpu.memref_slice %arg11[%dma_wait3A_598, %dma_wait3A_599] : memref<10112x8xf32, #tpu.memory_space<vmem_shared>> -> memref<10112x8xf32, #tpu.memory_space<vmem_shared>>
      tpu.wait_indirect_dma semaphore(%arg13 : memref<!tpu.dma_semaphore, #tpu.memory_space<semaphore_mem>>) src(%dma_wait3A_596 : memref<128x8xf32, #tpu.memory_space<vmem>>) dst(%dma_wait3A_600 : memref<10112x8xf32, #tpu.memory_space<vmem_shared>>)
      %mul3A_601 = arith.constant 13 : i32
      %mul3A_602 = arith.muli %add3A_170, %mul3A_601 : i32
      %add3A_603 = arith.constant 2 : i32
      %add3A_604 = arith.addi %mul3A_602, %add3A_603 : i32
      %mul3A_605 = arith.constant 128 : i32
      %mul3A_606 = arith.muli %add3A_604, %mul3A_605 : i32
      %dma_wait3A_607 = arith.constant 2 : i32
      %dma_wait3A_608 = arith.constant 0 : i32
      %dma_wait3A_609 = arith.constant 0 : i32
      %dma_wait3A_610 = tpu.memref_slice %arg8[%rem3A_171, %dma_wait3A_607, %dma_wait3A_608, %dma_wait3A_609] : memref<2x13x128x8xf32, #tpu.memory_space<vmem>> -> memref<1x1x128x8xf32, #tpu.memory_space<vmem>>
      %dma_wait3A_611 = tpu.memref_squeeze %dma_wait3A_610 : memref<1x1x128x8xf32, #tpu.memory_space<vmem>> -> memref<128x8xf32, #tpu.memory_space<vmem>>
      %dma_wait3A_612 = tpu.memref_slice %arg7[%mul3A_606] : memref<10000xi32, #tpu.memory_space<vmem>> -> memref<128xi32, #tpu.memory_space<vmem>>
      %dma_wait3A_613 = arith.constant 0 : i32
      %dma_wait3A_614 = arith.constant 0 : i32
      %dma_wait3A_615 = tpu.memref_slice %arg11[%dma_wait3A_613, %dma_wait3A_614] : memref<10112x8xf32, #tpu.memory_space<vmem_shared>> -> memref<10112x8xf32, #tpu.memory_space<vmem_shared>>
      tpu.wait_indirect_dma semaphore(%arg13 : memref<!tpu.dma_semaphore, #tpu.memory_space<semaphore_mem>>) src(%dma_wait3A_611 : memref<128x8xf32, #tpu.memory_space<vmem>>) dst(%dma_wait3A_615 : memref<10112x8xf32, #tpu.memory_space<vmem_shared>>)
      %mul3A_616 = arith.constant 13 : i32
      %mul3A_617 = arith.muli %add3A_170, %mul3A_616 : i32
      %add3A_618 = arith.constant 3 : i32
      %add3A_619 = arith.addi %mul3A_617, %add3A_618 : i32
      %mul3A_620 = arith.constant 128 : i32
      %mul3A_621 = arith.muli %add3A_619, %mul3A_620 : i32
      %dma_wait3A_622 = arith.constant 3 : i32
      %dma_wait3A_623 = arith.constant 0 : i32
      %dma_wait3A_624 = arith.constant 0 : i32
      %dma_wait3A_625 = tpu.memref_slice %arg8[%rem3A_171, %dma_wait3A_622, %dma_wait3A_623, %dma_wait3A_624] : memref<2x13x128x8xf32, #tpu.memory_space<vmem>> -> memref<1x1x128x8xf32, #tpu.memory_space<vmem>>
      %dma_wait3A_626 = tpu.memref_squeeze %dma_wait3A_625 : memref<1x1x128x8xf32, #tpu.memory_space<vmem>> -> memref<128x8xf32, #tpu.memory_space<vmem>>
      %dma_wait3A_627 = tpu.memref_slice %arg7[%mul3A_621] : memref<10000xi32, #tpu.memory_space<vmem>> -> memref<128xi32, #tpu.memory_space<vmem>>
      %dma_wait3A_628 = arith.constant 0 : i32
      %dma_wait3A_629 = arith.constant 0 : i32
      %dma_wait3A_630 = tpu.memref_slice %arg11[%dma_wait3A_628, %dma_wait3A_629] : memref<10112x8xf32, #tpu.memory_space<vmem_shared>> -> memref<10112x8xf32, #tpu.memory_space<vmem_shared>>
      tpu.wait_indirect_dma semaphore(%arg13 : memref<!tpu.dma_semaphore, #tpu.memory_space<semaphore_mem>>) src(%dma_wait3A_626 : memref<128x8xf32, #tpu.memory_space<vmem>>) dst(%dma_wait3A_630 : memref<10112x8xf32, #tpu.memory_space<vmem_shared>>)
      %mul3A_631 = arith.constant 13 : i32
      %mul3A_632 = arith.muli %add3A_170, %mul3A_631 : i32
      %add3A_633 = arith.constant 4 : i32
      %add3A_634 = arith.addi %mul3A_632, %add3A_633 : i32
      %mul3A_635 = arith.constant 128 : i32
      %mul3A_636 = arith.muli %add3A_634, %mul3A_635 : i32
      %dma_wait3A_637 = arith.constant 4 : i32
      %dma_wait3A_638 = arith.constant 0 : i32
      %dma_wait3A_639 = arith.constant 0 : i32
      %dma_wait3A_640 = tpu.memref_slice %arg8[%rem3A_171, %dma_wait3A_637, %dma_wait3A_638, %dma_wait3A_639] : memref<2x13x128x8xf32, #tpu.memory_space<vmem>> -> memref<1x1x128x8xf32, #tpu.memory_space<vmem>>
      %dma_wait3A_641 = tpu.memref_squeeze %dma_wait3A_640 : memref<1x1x128x8xf32, #tpu.memory_space<vmem>> -> memref<128x8xf32, #tpu.memory_space<vmem>>
      %dma_wait3A_642 = tpu.memref_slice %arg7[%mul3A_636] : memref<10000xi32, #tpu.memory_space<vmem>> -> memref<128xi32, #tpu.memory_space<vmem>>
      %dma_wait3A_643 = arith.constant 0 : i32
      %dma_wait3A_644 = arith.constant 0 : i32
      %dma_wait3A_645 = tpu.memref_slice %arg11[%dma_wait3A_643, %dma_wait3A_644] : memref<10112x8xf32, #tpu.memory_space<vmem_shared>> -> memref<10112x8xf32, #tpu.memory_space<vmem_shared>>
      tpu.wait_indirect_dma semaphore(%arg13 : memref<!tpu.dma_semaphore, #tpu.memory_space<semaphore_mem>>) src(%dma_wait3A_641 : memref<128x8xf32, #tpu.memory_space<vmem>>) dst(%dma_wait3A_645 : memref<10112x8xf32, #tpu.memory_space<vmem_shared>>)
      %mul3A_646 = arith.constant 13 : i32
      %mul3A_647 = arith.muli %add3A_170, %mul3A_646 : i32
      %add3A_648 = arith.constant 5 : i32
      %add3A_649 = arith.addi %mul3A_647, %add3A_648 : i32
      %mul3A_650 = arith.constant 128 : i32
      %mul3A_651 = arith.muli %add3A_649, %mul3A_650 : i32
      %dma_wait3A_652 = arith.constant 5 : i32
      %dma_wait3A_653 = arith.constant 0 : i32
      %dma_wait3A_654 = arith.constant 0 : i32
      %dma_wait3A_655 = tpu.memref_slice %arg8[%rem3A_171, %dma_wait3A_652, %dma_wait3A_653, %dma_wait3A_654] : memref<2x13x128x8xf32, #tpu.memory_space<vmem>> -> memref<1x1x128x8xf32, #tpu.memory_space<vmem>>
      %dma_wait3A_656 = tpu.memref_squeeze %dma_wait3A_655 : memref<1x1x128x8xf32, #tpu.memory_space<vmem>> -> memref<128x8xf32, #tpu.memory_space<vmem>>
      %dma_wait3A_657 = tpu.memref_slice %arg7[%mul3A_651] : memref<10000xi32, #tpu.memory_space<vmem>> -> memref<128xi32, #tpu.memory_space<vmem>>
      %dma_wait3A_658 = arith.constant 0 : i32
      %dma_wait3A_659 = arith.constant 0 : i32
      %dma_wait3A_660 = tpu.memref_slice %arg11[%dma_wait3A_658, %dma_wait3A_659] : memref<10112x8xf32, #tpu.memory_space<vmem_shared>> -> memref<10112x8xf32, #tpu.memory_space<vmem_shared>>
      tpu.wait_indirect_dma semaphore(%arg13 : memref<!tpu.dma_semaphore, #tpu.memory_space<semaphore_mem>>) src(%dma_wait3A_656 : memref<128x8xf32, #tpu.memory_space<vmem>>) dst(%dma_wait3A_660 : memref<10112x8xf32, #tpu.memory_space<vmem_shared>>)
      %mul3A_661 = arith.constant 13 : i32
      %mul3A_662 = arith.muli %add3A_170, %mul3A_661 : i32
      %add3A_663 = arith.constant 6 : i32
      %add3A_664 = arith.addi %mul3A_662, %add3A_663 : i32
      %mul3A_665 = arith.constant 128 : i32
      %mul3A_666 = arith.muli %add3A_664, %mul3A_665 : i32
      %dma_wait3A_667 = arith.constant 6 : i32
      %dma_wait3A_668 = arith.constant 0 : i32
      %dma_wait3A_669 = arith.constant 0 : i32
      %dma_wait3A_670 = tpu.memref_slice %arg8[%rem3A_171, %dma_wait3A_667, %dma_wait3A_668, %dma_wait3A_669] : memref<2x13x128x8xf32, #tpu.memory_space<vmem>> -> memref<1x1x128x8xf32, #tpu.memory_space<vmem>>
      %dma_wait3A_671 = tpu.memref_squeeze %dma_wait3A_670 : memref<1x1x128x8xf32, #tpu.memory_space<vmem>> -> memref<128x8xf32, #tpu.memory_space<vmem>>
      %dma_wait3A_672 = tpu.memref_slice %arg7[%mul3A_666] : memref<10000xi32, #tpu.memory_space<vmem>> -> memref<128xi32, #tpu.memory_space<vmem>>
      %dma_wait3A_673 = arith.constant 0 : i32
      %dma_wait3A_674 = arith.constant 0 : i32
      %dma_wait3A_675 = tpu.memref_slice %arg11[%dma_wait3A_673, %dma_wait3A_674] : memref<10112x8xf32, #tpu.memory_space<vmem_shared>> -> memref<10112x8xf32, #tpu.memory_space<vmem_shared>>
      tpu.wait_indirect_dma semaphore(%arg13 : memref<!tpu.dma_semaphore, #tpu.memory_space<semaphore_mem>>) src(%dma_wait3A_671 : memref<128x8xf32, #tpu.memory_space<vmem>>) dst(%dma_wait3A_675 : memref<10112x8xf32, #tpu.memory_space<vmem_shared>>)
      %mul3A_676 = arith.constant 13 : i32
      %mul3A_677 = arith.muli %add3A_170, %mul3A_676 : i32
      %add3A_678 = arith.constant 7 : i32
      %add3A_679 = arith.addi %mul3A_677, %add3A_678 : i32
      %mul3A_680 = arith.constant 128 : i32
      %mul3A_681 = arith.muli %add3A_679, %mul3A_680 : i32
      %dma_wait3A_682 = arith.constant 7 : i32
      %dma_wait3A_683 = arith.constant 0 : i32
      %dma_wait3A_684 = arith.constant 0 : i32
      %dma_wait3A_685 = tpu.memref_slice %arg8[%rem3A_171, %dma_wait3A_682, %dma_wait3A_683, %dma_wait3A_684] : memref<2x13x128x8xf32, #tpu.memory_space<vmem>> -> memref<1x1x128x8xf32, #tpu.memory_space<vmem>>
      %dma_wait3A_686 = tpu.memref_squeeze %dma_wait3A_685 : memref<1x1x128x8xf32, #tpu.memory_space<vmem>> -> memref<128x8xf32, #tpu.memory_space<vmem>>
      %dma_wait3A_687 = tpu.memref_slice %arg7[%mul3A_681] : memref<10000xi32, #tpu.memory_space<vmem>> -> memref<128xi32, #tpu.memory_space<vmem>>
      %dma_wait3A_688 = arith.constant 0 : i32
      %dma_wait3A_689 = arith.constant 0 : i32
      %dma_wait3A_690 = tpu.memref_slice %arg11[%dma_wait3A_688, %dma_wait3A_689] : memref<10112x8xf32, #tpu.memory_space<vmem_shared>> -> memref<10112x8xf32, #tpu.memory_space<vmem_shared>>
      tpu.wait_indirect_dma semaphore(%arg13 : memref<!tpu.dma_semaphore, #tpu.memory_space<semaphore_mem>>) src(%dma_wait3A_686 : memref<128x8xf32, #tpu.memory_space<vmem>>) dst(%dma_wait3A_690 : memref<10112x8xf32, #tpu.memory_space<vmem_shared>>)
      %mul3A_691 = arith.constant 13 : i32
      %mul3A_692 = arith.muli %add3A_170, %mul3A_691 : i32
      %add3A_693 = arith.constant 8 : i32
      %add3A_694 = arith.addi %mul3A_692, %add3A_693 : i32
      %mul3A_695 = arith.constant 128 : i32
      %mul3A_696 = arith.muli %add3A_694, %mul3A_695 : i32
      %dma_wait3A_697 = arith.constant 8 : i32
      %dma_wait3A_698 = arith.constant 0 : i32
      %dma_wait3A_699 = arith.constant 0 : i32
      %dma_wait3A_700 = tpu.memref_slice %arg8[%rem3A_171, %dma_wait3A_697, %dma_wait3A_698, %dma_wait3A_699] : memref<2x13x128x8xf32, #tpu.memory_space<vmem>> -> memref<1x1x128x8xf32, #tpu.memory_space<vmem>>
      %dma_wait3A_701 = tpu.memref_squeeze %dma_wait3A_700 : memref<1x1x128x8xf32, #tpu.memory_space<vmem>> -> memref<128x8xf32, #tpu.memory_space<vmem>>
      %dma_wait3A_702 = tpu.memref_slice %arg7[%mul3A_696] : memref<10000xi32, #tpu.memory_space<vmem>> -> memref<128xi32, #tpu.memory_space<vmem>>
      %dma_wait3A_703 = arith.constant 0 : i32
      %dma_wait3A_704 = arith.constant 0 : i32
      %dma_wait3A_705 = tpu.memref_slice %arg11[%dma_wait3A_703, %dma_wait3A_704] : memref<10112x8xf32, #tpu.memory_space<vmem_shared>> -> memref<10112x8xf32, #tpu.memory_space<vmem_shared>>
      tpu.wait_indirect_dma semaphore(%arg13 : memref<!tpu.dma_semaphore, #tpu.memory_space<semaphore_mem>>) src(%dma_wait3A_701 : memref<128x8xf32, #tpu.memory_space<vmem>>) dst(%dma_wait3A_705 : memref<10112x8xf32, #tpu.memory_space<vmem_shared>>)
      %mul3A_706 = arith.constant 13 : i32
      %mul3A_707 = arith.muli %add3A_170, %mul3A_706 : i32
      %add3A_708 = arith.constant 9 : i32
      %add3A_709 = arith.addi %mul3A_707, %add3A_708 : i32
      %mul3A_710 = arith.constant 128 : i32
      %mul3A_711 = arith.muli %add3A_709, %mul3A_710 : i32
      %dma_wait3A_712 = arith.constant 9 : i32
      %dma_wait3A_713 = arith.constant 0 : i32
      %dma_wait3A_714 = arith.constant 0 : i32
      %dma_wait3A_715 = tpu.memref_slice %arg8[%rem3A_171, %dma_wait3A_712, %dma_wait3A_713, %dma_wait3A_714] : memref<2x13x128x8xf32, #tpu.memory_space<vmem>> -> memref<1x1x128x8xf32, #tpu.memory_space<vmem>>
      %dma_wait3A_716 = tpu.memref_squeeze %dma_wait3A_715 : memref<1x1x128x8xf32, #tpu.memory_space<vmem>> -> memref<128x8xf32, #tpu.memory_space<vmem>>
      %dma_wait3A_717 = tpu.memref_slice %arg7[%mul3A_711] : memref<10000xi32, #tpu.memory_space<vmem>> -> memref<128xi32, #tpu.memory_space<vmem>>
      %dma_wait3A_718 = arith.constant 0 : i32
      %dma_wait3A_719 = arith.constant 0 : i32
      %dma_wait3A_720 = tpu.memref_slice %arg11[%dma_wait3A_718, %dma_wait3A_719] : memref<10112x8xf32, #tpu.memory_space<vmem_shared>> -> memref<10112x8xf32, #tpu.memory_space<vmem_shared>>
      tpu.wait_indirect_dma semaphore(%arg13 : memref<!tpu.dma_semaphore, #tpu.memory_space<semaphore_mem>>) src(%dma_wait3A_716 : memref<128x8xf32, #tpu.memory_space<vmem>>) dst(%dma_wait3A_720 : memref<10112x8xf32, #tpu.memory_space<vmem_shared>>)
      %mul3A_721 = arith.constant 13 : i32
      %mul3A_722 = arith.muli %add3A_170, %mul3A_721 : i32
      %add3A_723 = arith.constant 10 : i32
      %add3A_724 = arith.addi %mul3A_722, %add3A_723 : i32
      %mul3A_725 = arith.constant 128 : i32
      %mul3A_726 = arith.muli %add3A_724, %mul3A_725 : i32
      %dma_wait3A_727 = arith.constant 10 : i32
      %dma_wait3A_728 = arith.constant 0 : i32
      %dma_wait3A_729 = arith.constant 0 : i32
      %dma_wait3A_730 = tpu.memref_slice %arg8[%rem3A_171, %dma_wait3A_727, %dma_wait3A_728, %dma_wait3A_729] : memref<2x13x128x8xf32, #tpu.memory_space<vmem>> -> memref<1x1x128x8xf32, #tpu.memory_space<vmem>>
      %dma_wait3A_731 = tpu.memref_squeeze %dma_wait3A_730 : memref<1x1x128x8xf32, #tpu.memory_space<vmem>> -> memref<128x8xf32, #tpu.memory_space<vmem>>
      %dma_wait3A_732 = tpu.memref_slice %arg7[%mul3A_726] : memref<10000xi32, #tpu.memory_space<vmem>> -> memref<128xi32, #tpu.memory_space<vmem>>
      %dma_wait3A_733 = arith.constant 0 : i32
      %dma_wait3A_734 = arith.constant 0 : i32
      %dma_wait3A_735 = tpu.memref_slice %arg11[%dma_wait3A_733, %dma_wait3A_734] : memref<10112x8xf32, #tpu.memory_space<vmem_shared>> -> memref<10112x8xf32, #tpu.memory_space<vmem_shared>>
      tpu.wait_indirect_dma semaphore(%arg13 : memref<!tpu.dma_semaphore, #tpu.memory_space<semaphore_mem>>) src(%dma_wait3A_731 : memref<128x8xf32, #tpu.memory_space<vmem>>) dst(%dma_wait3A_735 : memref<10112x8xf32, #tpu.memory_space<vmem_shared>>)
      %mul3A_736 = arith.constant 13 : i32
      %mul3A_737 = arith.muli %add3A_170, %mul3A_736 : i32
      %add3A_738 = arith.constant 11 : i32
      %add3A_739 = arith.addi %mul3A_737, %add3A_738 : i32
      %mul3A_740 = arith.constant 128 : i32
      %mul3A_741 = arith.muli %add3A_739, %mul3A_740 : i32
      %dma_wait3A_742 = arith.constant 11 : i32
      %dma_wait3A_743 = arith.constant 0 : i32
      %dma_wait3A_744 = arith.constant 0 : i32
      %dma_wait3A_745 = tpu.memref_slice %arg8[%rem3A_171, %dma_wait3A_742, %dma_wait3A_743, %dma_wait3A_744] : memref<2x13x128x8xf32, #tpu.memory_space<vmem>> -> memref<1x1x128x8xf32, #tpu.memory_space<vmem>>
      %dma_wait3A_746 = tpu.memref_squeeze %dma_wait3A_745 : memref<1x1x128x8xf32, #tpu.memory_space<vmem>> -> memref<128x8xf32, #tpu.memory_space<vmem>>
      %dma_wait3A_747 = tpu.memref_slice %arg7[%mul3A_741] : memref<10000xi32, #tpu.memory_space<vmem>> -> memref<128xi32, #tpu.memory_space<vmem>>
      %dma_wait3A_748 = arith.constant 0 : i32
      %dma_wait3A_749 = arith.constant 0 : i32
      %dma_wait3A_750 = tpu.memref_slice %arg11[%dma_wait3A_748, %dma_wait3A_749] : memref<10112x8xf32, #tpu.memory_space<vmem_shared>> -> memref<10112x8xf32, #tpu.memory_space<vmem_shared>>
      tpu.wait_indirect_dma semaphore(%arg13 : memref<!tpu.dma_semaphore, #tpu.memory_space<semaphore_mem>>) src(%dma_wait3A_746 : memref<128x8xf32, #tpu.memory_space<vmem>>) dst(%dma_wait3A_750 : memref<10112x8xf32, #tpu.memory_space<vmem_shared>>)
      %mul3A_751 = arith.constant 13 : i32
      %mul3A_752 = arith.muli %add3A_170, %mul3A_751 : i32
      %add3A_753 = arith.constant 12 : i32
      %add3A_754 = arith.addi %mul3A_752, %add3A_753 : i32
      %mul3A_755 = arith.constant 128 : i32
      %mul3A_756 = arith.muli %add3A_754, %mul3A_755 : i32
      %dma_wait3A_757 = arith.constant 12 : i32
      %dma_wait3A_758 = arith.constant 0 : i32
      %dma_wait3A_759 = arith.constant 0 : i32
      %dma_wait3A_760 = tpu.memref_slice %arg8[%rem3A_171, %dma_wait3A_757, %dma_wait3A_758, %dma_wait3A_759] : memref<2x13x128x8xf32, #tpu.memory_space<vmem>> -> memref<1x1x128x8xf32, #tpu.memory_space<vmem>>
      %dma_wait3A_761 = tpu.memref_squeeze %dma_wait3A_760 : memref<1x1x128x8xf32, #tpu.memory_space<vmem>> -> memref<128x8xf32, #tpu.memory_space<vmem>>
      %dma_wait3A_762 = tpu.memref_slice %arg7[%mul3A_756] : memref<10000xi32, #tpu.memory_space<vmem>> -> memref<128xi32, #tpu.memory_space<vmem>>
      %dma_wait3A_763 = arith.constant 0 : i32
      %dma_wait3A_764 = arith.constant 0 : i32
      %dma_wait3A_765 = tpu.memref_slice %arg11[%dma_wait3A_763, %dma_wait3A_764] : memref<10112x8xf32, #tpu.memory_space<vmem_shared>> -> memref<10112x8xf32, #tpu.memory_space<vmem_shared>>
      tpu.wait_indirect_dma semaphore(%arg13 : memref<!tpu.dma_semaphore, #tpu.memory_space<semaphore_mem>>) src(%dma_wait3A_761 : memref<128x8xf32, #tpu.memory_space<vmem>>) dst(%dma_wait3A_765 : memref<10112x8xf32, #tpu.memory_space<vmem_shared>>)
    }
    %scan3A_155 = arith.constant 6 : i32
    %run_scoped3A_156 = arith.constant 0 : i32
    %run_scoped3A_157 = arith.constant 0 : i32
    "tpu.region"() ({
      %run_scoped3A_166 = tpu.sem_alloc : memref<!tpu.dma_semaphore, #tpu.memory_space<semaphore_mem>>
      %dma_start3A_167 = arith.constant 0 : i32
      %dma_start3A_168 = arith.constant 0 : i32
      %dma_start3A_169 = tpu.memref_slice %arg8[%run_scoped3A_156, %run_scoped3A_157, %dma_start3A_167, %dma_start3A_168] : memref<2x13x128x8xf32, #tpu.memory_space<vmem>> -> memref<1x1x16x8xf32, #tpu.memory_space<vmem>>
      %dma_start3A_170 = tpu.memref_squeeze %dma_start3A_169 : memref<1x1x16x8xf32, #tpu.memory_space<vmem>> -> memref<16x8xf32, #tpu.memory_space<vmem>>
      %dma_start3A_171 = arith.constant 9984 : i32
      %dma_start3A_172 = tpu.memref_slice %arg6[%dma_start3A_171] : memref<10000xi32, #tpu.memory_space<vmem>> -> memref<16xi32, #tpu.memory_space<vmem>>
      %dma_start3A_173 = arith.constant 0 : i32
      %dma_start3A_174 = arith.constant 0 : i32
      %dma_start3A_175 = tpu.memref_slice %arg10[%dma_start3A_173, %dma_start3A_174] : memref<10112x8xf32, #tpu.memory_space<vmem_shared>> -> memref<10112x8xf32, #tpu.memory_space<vmem_shared>>
      tpu.enqueue_indirect_dma source(%dma_start3A_175 : memref<10112x8xf32, #tpu.memory_space<vmem_shared>>) target(%dma_start3A_170 : memref<16x8xf32, #tpu.memory_space<vmem>>) offsets(%dma_start3A_172 : memref<16xi32, #tpu.memory_space<vmem>>) semaphore(%run_scoped3A_166 : memref<!tpu.dma_semaphore, #tpu.memory_space<semaphore_mem>>)
      %dma_wait3A = arith.constant 0 : i32
      %dma_wait3A_176 = arith.constant 0 : i32
      %dma_wait3A_177 = tpu.memref_slice %arg8[%run_scoped3A_156, %run_scoped3A_157, %dma_wait3A, %dma_wait3A_176] : memref<2x13x128x8xf32, #tpu.memory_space<vmem>> -> memref<1x1x16x8xf32, #tpu.memory_space<vmem>>
      %dma_wait3A_178 = tpu.memref_squeeze %dma_wait3A_177 : memref<1x1x16x8xf32, #tpu.memory_space<vmem>> -> memref<16x8xf32, #tpu.memory_space<vmem>>
      %dma_wait3A_179 = arith.constant 9984 : i32
      %dma_wait3A_180 = tpu.memref_slice %arg6[%dma_wait3A_179] : memref<10000xi32, #tpu.memory_space<vmem>> -> memref<16xi32, #tpu.memory_space<vmem>>
      %dma_wait3A_181 = arith.constant 0 : i32
      %dma_wait3A_182 = arith.constant 0 : i32
      %dma_wait3A_183 = tpu.memref_slice %arg10[%dma_wait3A_181, %dma_wait3A_182] : memref<10112x8xf32, #tpu.memory_space<vmem_shared>> -> memref<10112x8xf32, #tpu.memory_space<vmem_shared>>
      tpu.wait_indirect_dma semaphore(%run_scoped3A_166 : memref<!tpu.dma_semaphore, #tpu.memory_space<semaphore_mem>>) src(%dma_wait3A_183 : memref<10112x8xf32, #tpu.memory_space<vmem_shared>>) dst(%dma_wait3A_178 : memref<16x8xf32, #tpu.memory_space<vmem>>)
      tpu.yield
    }) : () -> ()
    %run_scoped3A_158 = arith.constant 0 : i32
    %run_scoped3A_159 = arith.constant 0 : i32
    "tpu.region"() ({
      %run_scoped3A_166 = tpu.sem_alloc : memref<!tpu.dma_semaphore, #tpu.memory_space<semaphore_mem>>
      %dma_start3A_167 = arith.constant 0 : i32
      %dma_start3A_168 = arith.constant 0 : i32
      %dma_start3A_169 = tpu.memref_slice %arg8[%run_scoped3A_158, %run_scoped3A_159, %dma_start3A_167, %dma_start3A_168] : memref<2x13x128x8xf32, #tpu.memory_space<vmem>> -> memref<1x1x16x8xf32, #tpu.memory_space<vmem>>
      %dma_start3A_170 = tpu.memref_squeeze %dma_start3A_169 : memref<1x1x16x8xf32, #tpu.memory_space<vmem>> -> memref<16x8xf32, #tpu.memory_space<vmem>>
      %dma_start3A_171 = arith.constant 9984 : i32
      %dma_start3A_172 = tpu.memref_slice %arg7[%dma_start3A_171] : memref<10000xi32, #tpu.memory_space<vmem>> -> memref<16xi32, #tpu.memory_space<vmem>>
      %dma_start3A_173 = arith.constant 0 : i32
      %dma_start3A_174 = arith.constant 0 : i32
      %dma_start3A_175 = tpu.memref_slice %arg11[%dma_start3A_173, %dma_start3A_174] : memref<10112x8xf32, #tpu.memory_space<vmem_shared>> -> memref<10112x8xf32, #tpu.memory_space<vmem_shared>>
      tpu.enqueue_indirect_dma source(%dma_start3A_170 : memref<16x8xf32, #tpu.memory_space<vmem>>) target(%dma_start3A_175 : memref<10112x8xf32, #tpu.memory_space<vmem_shared>>) offsets(%dma_start3A_172 : memref<16xi32, #tpu.memory_space<vmem>>) semaphore(%run_scoped3A_166 : memref<!tpu.dma_semaphore, #tpu.memory_space<semaphore_mem>>) {add = true}
      %dma_wait3A = arith.constant 0 : i32
      %dma_wait3A_176 = arith.constant 0 : i32
      %dma_wait3A_177 = tpu.memref_slice %arg8[%run_scoped3A_158, %run_scoped3A_159, %dma_wait3A, %dma_wait3A_176] : memref<2x13x128x8xf32, #tpu.memory_space<vmem>> -> memref<1x1x16x8xf32, #tpu.memory_space<vmem>>
      %dma_wait3A_178 = tpu.memref_squeeze %dma_wait3A_177 : memref<1x1x16x8xf32, #tpu.memory_space<vmem>> -> memref<16x8xf32, #tpu.memory_space<vmem>>
      %dma_wait3A_179 = arith.constant 9984 : i32
      %dma_wait3A_180 = tpu.memref_slice %arg7[%dma_wait3A_179] : memref<10000xi32, #tpu.memory_space<vmem>> -> memref<16xi32, #tpu.memory_space<vmem>>
      %dma_wait3A_181 = arith.constant 0 : i32
      %dma_wait3A_182 = arith.constant 0 : i32
      %dma_wait3A_183 = tpu.memref_slice %arg11[%dma_wait3A_181, %dma_wait3A_182] : memref<10112x8xf32, #tpu.memory_space<vmem_shared>> -> memref<10112x8xf32, #tpu.memory_space<vmem_shared>>
      tpu.wait_indirect_dma semaphore(%run_scoped3A_166 : memref<!tpu.dma_semaphore, #tpu.memory_space<semaphore_mem>>) src(%dma_wait3A_178 : memref<16x8xf32, #tpu.memory_space<vmem>>) dst(%dma_wait3A_183 : memref<10112x8xf32, #tpu.memory_space<vmem_shared>>)
      tpu.yield
    }) : () -> ()
    %barrier3A_160 = arith.constant 0 : index
    tpu.barrier barrier_id(%barrier3A_160)
    "tpu.region"() ({
      %run_scoped3A_166 = tpu.sem_alloc : memref<!tpu.dma_semaphore, #tpu.memory_space<semaphore_mem>>
      %dma_start3A_167 = arith.constant 0 : i32
      %dma_start3A_168 = tpu.memref_slice %arg11[%mul3A_2, %dma_start3A_167] : memref<10112x8xf32, #tpu.memory_space<vmem_shared>> -> memref<632x8xf32, #tpu.memory_space<vmem_shared>>
      %dma_start3A_169 = arith.constant 0 : i32
      %dma_start3A_170 = tpu.memref_slice %arg11[%mul3A_2, %dma_start3A_169] : memref<10112x8xf32, #tpu.memory_space<vmem_shared>> -> memref<632x8xf32, #tpu.memory_space<vmem_shared>>
      tpu.enqueue_dma source(%dma_start3A_170 : memref<632x8xf32, #tpu.memory_space<vmem_shared>>) target(%arg9 : memref<632x8xf32, #tpu.memory_space<vmem>>) target_semaphore(%run_scoped3A_166 : memref<!tpu.dma_semaphore, #tpu.memory_space<semaphore_mem>>)
      %dma_wait3A = arith.constant 0 : i32
      %dma_wait3A_171 = tpu.memref_slice %arg11[%mul3A_2, %dma_wait3A] : memref<10112x8xf32, #tpu.memory_space<vmem_shared>> -> memref<632x8xf32, #tpu.memory_space<vmem_shared>>
      %dma_wait3A_172 = arith.constant 0 : i32
      %dma_wait3A_173 = tpu.memref_slice %arg11[%mul3A_2, %dma_wait3A_172] : memref<10112x8xf32, #tpu.memory_space<vmem_shared>> -> memref<632x8xf32, #tpu.memory_space<vmem_shared>>
      tpu.wait_dma2 semaphore(%run_scoped3A_166 : memref<!tpu.dma_semaphore, #tpu.memory_space<semaphore_mem>>) src(%dma_wait3A_173 : memref<632x8xf32, #tpu.memory_space<vmem_shared>>) dst(%arg9 : memref<632x8xf32, #tpu.memory_space<vmem>>)
      tpu.yield
    }) : () -> ()
    %mul3A_161 = arith.constant 10112 : i32
    %mul3A_162 = arith.muli %arg0, %mul3A_161 : i32
    %mul3A_163 = arith.constant 632 : i32
    %mul3A_164 = arith.muli %arg1, %mul3A_163 : i32
    %add3A_165 = arith.addi %mul3A_162, %mul3A_164 : i32
    "tpu.region"() ({
      %run_scoped3A_166 = tpu.sem_alloc : memref<!tpu.dma_semaphore, #tpu.memory_space<semaphore_mem>>
      %dma_start3A_167 = arith.constant 0 : i32
      %dma_start3A_168 = tpu.memref_slice %arg5[%add3A_165, %dma_start3A_167] : memref<20224x8xf32, #tpu.memory_space<hbm>> -> memref<632x8xf32, #tpu.memory_space<hbm>>
      %dma_start3A_169 = arith.constant 0 : i32
      %dma_start3A_170 = tpu.memref_slice %arg5[%add3A_165, %dma_start3A_169] : memref<20224x8xf32, #tpu.memory_space<hbm>> -> memref<632x8xf32, #tpu.memory_space<hbm>>
      tpu.enqueue_dma source(%arg9 : memref<632x8xf32, #tpu.memory_space<vmem>>) target(%dma_start3A_170 : memref<632x8xf32, #tpu.memory_space<hbm>>) target_semaphore(%run_scoped3A_166 : memref<!tpu.dma_semaphore, #tpu.memory_space<semaphore_mem>>)
      %dma_wait3A = arith.constant 0 : i32
      %dma_wait3A_171 = tpu.memref_slice %arg5[%add3A_165, %dma_wait3A] : memref<20224x8xf32, #tpu.memory_space<hbm>> -> memref<632x8xf32, #tpu.memory_space<hbm>>
      %dma_wait3A_172 = arith.constant 0 : i32
      %dma_wait3A_173 = tpu.memref_slice %arg5[%add3A_165, %dma_wait3A_172] : memref<20224x8xf32, #tpu.memory_space<hbm>> -> memref<632x8xf32, #tpu.memory_space<hbm>>
      tpu.wait_dma2 semaphore(%run_scoped3A_166 : memref<!tpu.dma_semaphore, #tpu.memory_space<semaphore_mem>>) src(%arg9 : memref<632x8xf32, #tpu.memory_space<vmem>>) dst(%dma_wait3A_173 : memref<632x8xf32, #tpu.memory_space<hbm>>)
      tpu.yield
    }) : () -> ()
    return
  }
}

#map = affine_map<(d0, d1) -> (0, 0)>
module attributes {stable_mosaic.version = 14 : i64} {
  func.func @_sc_layer(%arg0: i32, %arg1: i32, %arg2: memref<10112x16xf32, #tpu.memory_space<hbm>>, %arg3: memref<2x320000xi32, #tpu.memory_space<hbm>>, %arg4: memref<10112x16xf32, #tpu.memory_space<hbm>>, %arg5: memref<20224x16xf32, #tpu.memory_space<hbm>>, %arg6: memref<10000xi32, #tpu.memory_space<vmem>>, %arg7: memref<10000xi32, #tpu.memory_space<vmem>>, %arg8: memref<2x13x128x16xf32, #tpu.memory_space<vmem>>, %arg9: memref<632x16xf32, #tpu.memory_space<vmem>>, %arg10: memref<10112x16xf32, #tpu.memory_space<vmem_shared>>, %arg11: memref<10112x16xf32, #tpu.memory_space<vmem_shared>>, %arg12: memref<!tpu.dma_semaphore, #tpu.memory_space<semaphore_mem>>, %arg13: memref<!tpu.dma_semaphore, #tpu.memory_space<semaphore_mem>>) attributes {dimension_semantics = [#tpu.dimension_semantics<core_parallel>, #tpu.dimension_semantics<subcore_parallel>], iteration_bounds = array<i64: 2, 16>, scalar_prefetch = 0 : i64, scratch_operands = 8 : i64, tpu.core_type = #tpu.core_type<sc_vector_subcore>, window_params = [{transform_indices = #map}, {transform_indices = #map}, {transform_indices = #map}, {transform_indices = #map}]} {
    %mul3A = arith.constant 16 : i32
    %mul3A_0 = arith.muli %arg0, %mul3A : i32
    %add3A = arith.addi %mul3A_0, %arg1 : i32
    %mul3A_1 = arith.constant 632 : i32
    %mul3A_2 = arith.muli %arg1, %mul3A_1 : i32
    %mul3A_3 = arith.constant 10000 : i32
    %mul3A_4 = arith.muli %add3A, %mul3A_3 : i32
    %run_scoped3A = arith.constant 0 : i32
    "tpu.region"() ({
      %run_scoped3A_166 = tpu.sem_alloc : memref<!tpu.dma_semaphore, #tpu.memory_space<semaphore_mem>>
      %dma_start3A_167 = tpu.memref_slice %arg3[%run_scoped3A, %mul3A_4] : memref<2x320000xi32, #tpu.memory_space<hbm>> -> memref<1x10000xi32, #tpu.memory_space<hbm>>
      %dma_start3A_168 = tpu.memref_squeeze %dma_start3A_167 : memref<1x10000xi32, #tpu.memory_space<hbm>> -> memref<10000xi32, #tpu.memory_space<hbm>>
      %dma_start3A_169 = tpu.memref_slice %arg3[%run_scoped3A, %mul3A_4] : memref<2x320000xi32, #tpu.memory_space<hbm>> -> memref<1x10000xi32, #tpu.memory_space<hbm>>
      %dma_start3A_170 = tpu.memref_squeeze %dma_start3A_169 : memref<1x10000xi32, #tpu.memory_space<hbm>> -> memref<10000xi32, #tpu.memory_space<hbm>>
      tpu.enqueue_dma source(%dma_start3A_170 : memref<10000xi32, #tpu.memory_space<hbm>>) target(%arg6 : memref<10000xi32, #tpu.memory_space<vmem>>) target_semaphore(%run_scoped3A_166 : memref<!tpu.dma_semaphore, #tpu.memory_space<semaphore_mem>>)
      %dma_wait3A = tpu.memref_slice %arg3[%run_scoped3A, %mul3A_4] : memref<2x320000xi32, #tpu.memory_space<hbm>> -> memref<1x10000xi32, #tpu.memory_space<hbm>>
      %dma_wait3A_171 = tpu.memref_squeeze %dma_wait3A : memref<1x10000xi32, #tpu.memory_space<hbm>> -> memref<10000xi32, #tpu.memory_space<hbm>>
      %dma_wait3A_172 = tpu.memref_slice %arg3[%run_scoped3A, %mul3A_4] : memref<2x320000xi32, #tpu.memory_space<hbm>> -> memref<1x10000xi32, #tpu.memory_space<hbm>>
      %dma_wait3A_173 = tpu.memref_squeeze %dma_wait3A_172 : memref<1x10000xi32, #tpu.memory_space<hbm>> -> memref<10000xi32, #tpu.memory_space<hbm>>
      tpu.wait_dma2 semaphore(%run_scoped3A_166 : memref<!tpu.dma_semaphore, #tpu.memory_space<semaphore_mem>>) src(%dma_wait3A_173 : memref<10000xi32, #tpu.memory_space<hbm>>) dst(%arg6 : memref<10000xi32, #tpu.memory_space<vmem>>)
      tpu.yield
    }) : () -> ()
    %mul3A_5 = arith.constant 10000 : i32
    %mul3A_6 = arith.muli %add3A, %mul3A_5 : i32
    %run_scoped3A_7 = arith.constant 1 : i32
    "tpu.region"() ({
      %run_scoped3A_166 = tpu.sem_alloc : memref<!tpu.dma_semaphore, #tpu.memory_space<semaphore_mem>>
      %dma_start3A_167 = tpu.memref_slice %arg3[%run_scoped3A_7, %mul3A_6] : memref<2x320000xi32, #tpu.memory_space<hbm>> -> memref<1x10000xi32, #tpu.memory_space<hbm>>
      %dma_start3A_168 = tpu.memref_squeeze %dma_start3A_167 : memref<1x10000xi32, #tpu.memory_space<hbm>> -> memref<10000xi32, #tpu.memory_space<hbm>>
      %dma_start3A_169 = tpu.memref_slice %arg3[%run_scoped3A_7, %mul3A_6] : memref<2x320000xi32, #tpu.memory_space<hbm>> -> memref<1x10000xi32, #tpu.memory_space<hbm>>
      %dma_start3A_170 = tpu.memref_squeeze %dma_start3A_169 : memref<1x10000xi32, #tpu.memory_space<hbm>> -> memref<10000xi32, #tpu.memory_space<hbm>>
      tpu.enqueue_dma source(%dma_start3A_170 : memref<10000xi32, #tpu.memory_space<hbm>>) target(%arg7 : memref<10000xi32, #tpu.memory_space<vmem>>) target_semaphore(%run_scoped3A_166 : memref<!tpu.dma_semaphore, #tpu.memory_space<semaphore_mem>>)
      %dma_wait3A = tpu.memref_slice %arg3[%run_scoped3A_7, %mul3A_6] : memref<2x320000xi32, #tpu.memory_space<hbm>> -> memref<1x10000xi32, #tpu.memory_space<hbm>>
      %dma_wait3A_171 = tpu.memref_squeeze %dma_wait3A : memref<1x10000xi32, #tpu.memory_space<hbm>> -> memref<10000xi32, #tpu.memory_space<hbm>>
      %dma_wait3A_172 = tpu.memref_slice %arg3[%run_scoped3A_7, %mul3A_6] : memref<2x320000xi32, #tpu.memory_space<hbm>> -> memref<1x10000xi32, #tpu.memory_space<hbm>>
      %dma_wait3A_173 = tpu.memref_squeeze %dma_wait3A_172 : memref<1x10000xi32, #tpu.memory_space<hbm>> -> memref<10000xi32, #tpu.memory_space<hbm>>
      tpu.wait_dma2 semaphore(%run_scoped3A_166 : memref<!tpu.dma_semaphore, #tpu.memory_space<semaphore_mem>>) src(%dma_wait3A_173 : memref<10000xi32, #tpu.memory_space<hbm>>) dst(%arg7 : memref<10000xi32, #tpu.memory_space<vmem>>)
      tpu.yield
    }) : () -> ()
    "tpu.region"() ({
      %run_scoped3A_166 = tpu.sem_alloc : memref<!tpu.dma_semaphore, #tpu.memory_space<semaphore_mem>>
      %dma_start3A_167 = arith.constant 0 : i32
      %dma_start3A_168 = tpu.memref_slice %arg2[%mul3A_2, %dma_start3A_167] : memref<10112x16xf32, #tpu.memory_space<hbm>> -> memref<632x16xf32, #tpu.memory_space<hbm>>
      %dma_start3A_169 = arith.constant 0 : i32
      %dma_start3A_170 = tpu.memref_slice %arg2[%mul3A_2, %dma_start3A_169] : memref<10112x16xf32, #tpu.memory_space<hbm>> -> memref<632x16xf32, #tpu.memory_space<hbm>>
      tpu.enqueue_dma source(%dma_start3A_170 : memref<632x16xf32, #tpu.memory_space<hbm>>) target(%arg9 : memref<632x16xf32, #tpu.memory_space<vmem>>) target_semaphore(%run_scoped3A_166 : memref<!tpu.dma_semaphore, #tpu.memory_space<semaphore_mem>>)
      %dma_wait3A = arith.constant 0 : i32
      %dma_wait3A_171 = tpu.memref_slice %arg2[%mul3A_2, %dma_wait3A] : memref<10112x16xf32, #tpu.memory_space<hbm>> -> memref<632x16xf32, #tpu.memory_space<hbm>>
      %dma_wait3A_172 = arith.constant 0 : i32
      %dma_wait3A_173 = tpu.memref_slice %arg2[%mul3A_2, %dma_wait3A_172] : memref<10112x16xf32, #tpu.memory_space<hbm>> -> memref<632x16xf32, #tpu.memory_space<hbm>>
      tpu.wait_dma2 semaphore(%run_scoped3A_166 : memref<!tpu.dma_semaphore, #tpu.memory_space<semaphore_mem>>) src(%dma_wait3A_173 : memref<632x16xf32, #tpu.memory_space<hbm>>) dst(%arg9 : memref<632x16xf32, #tpu.memory_space<vmem>>)
      tpu.yield
    }) : () -> ()
    "tpu.region"() ({
      %run_scoped3A_166 = tpu.sem_alloc : memref<!tpu.dma_semaphore, #tpu.memory_space<semaphore_mem>>
      %dma_start3A_167 = arith.constant 0 : i32
      %dma_start3A_168 = tpu.memref_slice %arg10[%mul3A_2, %dma_start3A_167] : memref<10112x16xf32, #tpu.memory_space<vmem_shared>> -> memref<632x16xf32, #tpu.memory_space<vmem_shared>>
      %dma_start3A_169 = arith.constant 0 : i32
      %dma_start3A_170 = tpu.memref_slice %arg10[%mul3A_2, %dma_start3A_169] : memref<10112x16xf32, #tpu.memory_space<vmem_shared>> -> memref<632x16xf32, #tpu.memory_space<vmem_shared>>
      tpu.enqueue_dma source(%arg9 : memref<632x16xf32, #tpu.memory_space<vmem>>) target(%dma_start3A_170 : memref<632x16xf32, #tpu.memory_space<vmem_shared>>) target_semaphore(%run_scoped3A_166 : memref<!tpu.dma_semaphore, #tpu.memory_space<semaphore_mem>>)
      %dma_wait3A = arith.constant 0 : i32
      %dma_wait3A_171 = tpu.memref_slice %arg10[%mul3A_2, %dma_wait3A] : memref<10112x16xf32, #tpu.memory_space<vmem_shared>> -> memref<632x16xf32, #tpu.memory_space<vmem_shared>>
      %dma_wait3A_172 = arith.constant 0 : i32
      %dma_wait3A_173 = tpu.memref_slice %arg10[%mul3A_2, %dma_wait3A_172] : memref<10112x16xf32, #tpu.memory_space<vmem_shared>> -> memref<632x16xf32, #tpu.memory_space<vmem_shared>>
      tpu.wait_dma2 semaphore(%run_scoped3A_166 : memref<!tpu.dma_semaphore, #tpu.memory_space<semaphore_mem>>) src(%arg9 : memref<632x16xf32, #tpu.memory_space<vmem>>) dst(%dma_wait3A_173 : memref<632x16xf32, #tpu.memory_space<vmem_shared>>)
      tpu.yield
    }) : () -> ()
    %eq3A = arith.constant 1 : i32
    %eq3A_8 = arith.cmpi eq, %arg0, %eq3A : i32
    %convert_element_type3A = arith.extui %eq3A_8 : i1 to i32
    %cond3A = arith.constant 0 : i32
    %cond3A_9 = arith.cmpi ne, %convert_element_type3A, %cond3A : i32
    scf.if %cond3A_9 {
      "tpu.region"() ({
        %run_scoped3A_166 = tpu.sem_alloc : memref<!tpu.dma_semaphore, #tpu.memory_space<semaphore_mem>>
        %dma_start3A_167 = arith.constant 0 : i32
        %dma_start3A_168 = tpu.memref_slice %arg4[%mul3A_2, %dma_start3A_167] : memref<10112x16xf32, #tpu.memory_space<hbm>> -> memref<632x16xf32, #tpu.memory_space<hbm>>
        %dma_start3A_169 = arith.constant 0 : i32
        %dma_start3A_170 = tpu.memref_slice %arg4[%mul3A_2, %dma_start3A_169] : memref<10112x16xf32, #tpu.memory_space<hbm>> -> memref<632x16xf32, #tpu.memory_space<hbm>>
        tpu.enqueue_dma source(%dma_start3A_170 : memref<632x16xf32, #tpu.memory_space<hbm>>) target(%arg9 : memref<632x16xf32, #tpu.memory_space<vmem>>) target_semaphore(%run_scoped3A_166 : memref<!tpu.dma_semaphore, #tpu.memory_space<semaphore_mem>>)
        %dma_wait3A = arith.constant 0 : i32
        %dma_wait3A_171 = tpu.memref_slice %arg4[%mul3A_2, %dma_wait3A] : memref<10112x16xf32, #tpu.memory_space<hbm>> -> memref<632x16xf32, #tpu.memory_space<hbm>>
        %dma_wait3A_172 = arith.constant 0 : i32
        %dma_wait3A_173 = tpu.memref_slice %arg4[%mul3A_2, %dma_wait3A_172] : memref<10112x16xf32, #tpu.memory_space<hbm>> -> memref<632x16xf32, #tpu.memory_space<hbm>>
        tpu.wait_dma2 semaphore(%run_scoped3A_166 : memref<!tpu.dma_semaphore, #tpu.memory_space<semaphore_mem>>) src(%dma_wait3A_173 : memref<632x16xf32, #tpu.memory_space<hbm>>) dst(%arg9 : memref<632x16xf32, #tpu.memory_space<vmem>>)
        tpu.yield
      }) : () -> ()
    } else {
    }
    "tpu.region"() ({
      %run_scoped3A_166 = tpu.sem_alloc : memref<!tpu.dma_semaphore, #tpu.memory_space<semaphore_mem>>
      %dma_start3A_167 = arith.constant 0 : i32
      %dma_start3A_168 = tpu.memref_slice %arg11[%mul3A_2, %dma_start3A_167] : memref<10112x16xf32, #tpu.memory_space<vmem_shared>> -> memref<632x16xf32, #tpu.memory_space<vmem_shared>>
      %dma_start3A_169 = arith.constant 0 : i32
      %dma_start3A_170 = tpu.memref_slice %arg11[%mul3A_2, %dma_start3A_169] : memref<10112x16xf32, #tpu.memory_space<vmem_shared>> -> memref<632x16xf32, #tpu.memory_space<vmem_shared>>
      tpu.enqueue_dma source(%arg9 : memref<632x16xf32, #tpu.memory_space<vmem>>) target(%dma_start3A_170 : memref<632x16xf32, #tpu.memory_space<vmem_shared>>) target_semaphore(%run_scoped3A_166 : memref<!tpu.dma_semaphore, #tpu.memory_space<semaphore_mem>>)
      %dma_wait3A = arith.constant 0 : i32
      %dma_wait3A_171 = tpu.memref_slice %arg11[%mul3A_2, %dma_wait3A] : memref<10112x16xf32, #tpu.memory_space<vmem_shared>> -> memref<632x16xf32, #tpu.memory_space<vmem_shared>>
      %dma_wait3A_172 = arith.constant 0 : i32
      %dma_wait3A_173 = tpu.memref_slice %arg11[%mul3A_2, %dma_wait3A_172] : memref<10112x16xf32, #tpu.memory_space<vmem_shared>> -> memref<632x16xf32, #tpu.memory_space<vmem_shared>>
      tpu.wait_dma2 semaphore(%run_scoped3A_166 : memref<!tpu.dma_semaphore, #tpu.memory_space<semaphore_mem>>) src(%arg9 : memref<632x16xf32, #tpu.memory_space<vmem>>) dst(%dma_wait3A_173 : memref<632x16xf32, #tpu.memory_space<vmem_shared>>)
      tpu.yield
    }) : () -> ()
    %barrier3A = arith.constant 0 : index
    tpu.barrier barrier_id(%barrier3A)
    %dma_start3A = arith.constant 0 : i32
    %dma_start3A_10 = arith.constant 0 : i32
    %dma_start3A_11 = arith.constant 0 : i32
    %dma_start3A_12 = arith.constant 0 : i32
    %dma_start3A_13 = tpu.memref_slice %arg8[%dma_start3A, %dma_start3A_10, %dma_start3A_11, %dma_start3A_12] : memref<2x13x128x16xf32, #tpu.memory_space<vmem>> -> memref<1x1x128x16xf32, #tpu.memory_space<vmem>>
    %dma_start3A_14 = tpu.memref_squeeze %dma_start3A_13 : memref<1x1x128x16xf32, #tpu.memory_space<vmem>> -> memref<128x16xf32, #tpu.memory_space<vmem>>
    %dma_start3A_15 = arith.constant 0 : i32
    %dma_start3A_16 = tpu.memref_slice %arg6[%dma_start3A_15] : memref<10000xi32, #tpu.memory_space<vmem>> -> memref<128xi32, #tpu.memory_space<vmem>>
    %dma_start3A_17 = arith.constant 0 : i32
    %dma_start3A_18 = arith.constant 0 : i32
    %dma_start3A_19 = tpu.memref_slice %arg10[%dma_start3A_17, %dma_start3A_18] : memref<10112x16xf32, #tpu.memory_space<vmem_shared>> -> memref<10112x16xf32, #tpu.memory_space<vmem_shared>>
    tpu.enqueue_indirect_dma source(%dma_start3A_19 : memref<10112x16xf32, #tpu.memory_space<vmem_shared>>) target(%dma_start3A_14 : memref<128x16xf32, #tpu.memory_space<vmem>>) offsets(%dma_start3A_16 : memref<128xi32, #tpu.memory_space<vmem>>) semaphore(%arg12 : memref<!tpu.dma_semaphore, #tpu.memory_space<semaphore_mem>>)
    %dma_start3A_20 = arith.constant 0 : i32
    %dma_start3A_21 = arith.constant 1 : i32
    %dma_start3A_22 = arith.constant 0 : i32
    %dma_start3A_23 = arith.constant 0 : i32
    %dma_start3A_24 = tpu.memref_slice %arg8[%dma_start3A_20, %dma_start3A_21, %dma_start3A_22, %dma_start3A_23] : memref<2x13x128x16xf32, #tpu.memory_space<vmem>> -> memref<1x1x128x16xf32, #tpu.memory_space<vmem>>
    %dma_start3A_25 = tpu.memref_squeeze %dma_start3A_24 : memref<1x1x128x16xf32, #tpu.memory_space<vmem>> -> memref<128x16xf32, #tpu.memory_space<vmem>>
    %dma_start3A_26 = arith.constant 128 : i32
    %dma_start3A_27 = tpu.memref_slice %arg6[%dma_start3A_26] : memref<10000xi32, #tpu.memory_space<vmem>> -> memref<128xi32, #tpu.memory_space<vmem>>
    %dma_start3A_28 = arith.constant 0 : i32
    %dma_start3A_29 = arith.constant 0 : i32
    %dma_start3A_30 = tpu.memref_slice %arg10[%dma_start3A_28, %dma_start3A_29] : memref<10112x16xf32, #tpu.memory_space<vmem_shared>> -> memref<10112x16xf32, #tpu.memory_space<vmem_shared>>
    tpu.enqueue_indirect_dma source(%dma_start3A_30 : memref<10112x16xf32, #tpu.memory_space<vmem_shared>>) target(%dma_start3A_25 : memref<128x16xf32, #tpu.memory_space<vmem>>) offsets(%dma_start3A_27 : memref<128xi32, #tpu.memory_space<vmem>>) semaphore(%arg12 : memref<!tpu.dma_semaphore, #tpu.memory_space<semaphore_mem>>)
    %dma_start3A_31 = arith.constant 0 : i32
    %dma_start3A_32 = arith.constant 2 : i32
    %dma_start3A_33 = arith.constant 0 : i32
    %dma_start3A_34 = arith.constant 0 : i32
    %dma_start3A_35 = tpu.memref_slice %arg8[%dma_start3A_31, %dma_start3A_32, %dma_start3A_33, %dma_start3A_34] : memref<2x13x128x16xf32, #tpu.memory_space<vmem>> -> memref<1x1x128x16xf32, #tpu.memory_space<vmem>>
    %dma_start3A_36 = tpu.memref_squeeze %dma_start3A_35 : memref<1x1x128x16xf32, #tpu.memory_space<vmem>> -> memref<128x16xf32, #tpu.memory_space<vmem>>
    %dma_start3A_37 = arith.constant 256 : i32
    %dma_start3A_38 = tpu.memref_slice %arg6[%dma_start3A_37] : memref<10000xi32, #tpu.memory_space<vmem>> -> memref<128xi32, #tpu.memory_space<vmem>>
    %dma_start3A_39 = arith.constant 0 : i32
    %dma_start3A_40 = arith.constant 0 : i32
    %dma_start3A_41 = tpu.memref_slice %arg10[%dma_start3A_39, %dma_start3A_40] : memref<10112x16xf32, #tpu.memory_space<vmem_shared>> -> memref<10112x16xf32, #tpu.memory_space<vmem_shared>>
    tpu.enqueue_indirect_dma source(%dma_start3A_41 : memref<10112x16xf32, #tpu.memory_space<vmem_shared>>) target(%dma_start3A_36 : memref<128x16xf32, #tpu.memory_space<vmem>>) offsets(%dma_start3A_38 : memref<128xi32, #tpu.memory_space<vmem>>) semaphore(%arg12 : memref<!tpu.dma_semaphore, #tpu.memory_space<semaphore_mem>>)
    %dma_start3A_42 = arith.constant 0 : i32
    %dma_start3A_43 = arith.constant 3 : i32
    %dma_start3A_44 = arith.constant 0 : i32
    %dma_start3A_45 = arith.constant 0 : i32
    %dma_start3A_46 = tpu.memref_slice %arg8[%dma_start3A_42, %dma_start3A_43, %dma_start3A_44, %dma_start3A_45] : memref<2x13x128x16xf32, #tpu.memory_space<vmem>> -> memref<1x1x128x16xf32, #tpu.memory_space<vmem>>
    %dma_start3A_47 = tpu.memref_squeeze %dma_start3A_46 : memref<1x1x128x16xf32, #tpu.memory_space<vmem>> -> memref<128x16xf32, #tpu.memory_space<vmem>>
    %dma_start3A_48 = arith.constant 384 : i32
    %dma_start3A_49 = tpu.memref_slice %arg6[%dma_start3A_48] : memref<10000xi32, #tpu.memory_space<vmem>> -> memref<128xi32, #tpu.memory_space<vmem>>
    %dma_start3A_50 = arith.constant 0 : i32
    %dma_start3A_51 = arith.constant 0 : i32
    %dma_start3A_52 = tpu.memref_slice %arg10[%dma_start3A_50, %dma_start3A_51] : memref<10112x16xf32, #tpu.memory_space<vmem_shared>> -> memref<10112x16xf32, #tpu.memory_space<vmem_shared>>
    tpu.enqueue_indirect_dma source(%dma_start3A_52 : memref<10112x16xf32, #tpu.memory_space<vmem_shared>>) target(%dma_start3A_47 : memref<128x16xf32, #tpu.memory_space<vmem>>) offsets(%dma_start3A_49 : memref<128xi32, #tpu.memory_space<vmem>>) semaphore(%arg12 : memref<!tpu.dma_semaphore, #tpu.memory_space<semaphore_mem>>)
    %dma_start3A_53 = arith.constant 0 : i32
    %dma_start3A_54 = arith.constant 4 : i32
    %dma_start3A_55 = arith.constant 0 : i32
    %dma_start3A_56 = arith.constant 0 : i32
    %dma_start3A_57 = tpu.memref_slice %arg8[%dma_start3A_53, %dma_start3A_54, %dma_start3A_55, %dma_start3A_56] : memref<2x13x128x16xf32, #tpu.memory_space<vmem>> -> memref<1x1x128x16xf32, #tpu.memory_space<vmem>>
    %dma_start3A_58 = tpu.memref_squeeze %dma_start3A_57 : memref<1x1x128x16xf32, #tpu.memory_space<vmem>> -> memref<128x16xf32, #tpu.memory_space<vmem>>
    %dma_start3A_59 = arith.constant 512 : i32
    %dma_start3A_60 = tpu.memref_slice %arg6[%dma_start3A_59] : memref<10000xi32, #tpu.memory_space<vmem>> -> memref<128xi32, #tpu.memory_space<vmem>>
    %dma_start3A_61 = arith.constant 0 : i32
    %dma_start3A_62 = arith.constant 0 : i32
    %dma_start3A_63 = tpu.memref_slice %arg10[%dma_start3A_61, %dma_start3A_62] : memref<10112x16xf32, #tpu.memory_space<vmem_shared>> -> memref<10112x16xf32, #tpu.memory_space<vmem_shared>>
    tpu.enqueue_indirect_dma source(%dma_start3A_63 : memref<10112x16xf32, #tpu.memory_space<vmem_shared>>) target(%dma_start3A_58 : memref<128x16xf32, #tpu.memory_space<vmem>>) offsets(%dma_start3A_60 : memref<128xi32, #tpu.memory_space<vmem>>) semaphore(%arg12 : memref<!tpu.dma_semaphore, #tpu.memory_space<semaphore_mem>>)
    %dma_start3A_64 = arith.constant 0 : i32
    %dma_start3A_65 = arith.constant 5 : i32
    %dma_start3A_66 = arith.constant 0 : i32
    %dma_start3A_67 = arith.constant 0 : i32
    %dma_start3A_68 = tpu.memref_slice %arg8[%dma_start3A_64, %dma_start3A_65, %dma_start3A_66, %dma_start3A_67] : memref<2x13x128x16xf32, #tpu.memory_space<vmem>> -> memref<1x1x128x16xf32, #tpu.memory_space<vmem>>
    %dma_start3A_69 = tpu.memref_squeeze %dma_start3A_68 : memref<1x1x128x16xf32, #tpu.memory_space<vmem>> -> memref<128x16xf32, #tpu.memory_space<vmem>>
    %dma_start3A_70 = arith.constant 640 : i32
    %dma_start3A_71 = tpu.memref_slice %arg6[%dma_start3A_70] : memref<10000xi32, #tpu.memory_space<vmem>> -> memref<128xi32, #tpu.memory_space<vmem>>
    %dma_start3A_72 = arith.constant 0 : i32
    %dma_start3A_73 = arith.constant 0 : i32
    %dma_start3A_74 = tpu.memref_slice %arg10[%dma_start3A_72, %dma_start3A_73] : memref<10112x16xf32, #tpu.memory_space<vmem_shared>> -> memref<10112x16xf32, #tpu.memory_space<vmem_shared>>
    tpu.enqueue_indirect_dma source(%dma_start3A_74 : memref<10112x16xf32, #tpu.memory_space<vmem_shared>>) target(%dma_start3A_69 : memref<128x16xf32, #tpu.memory_space<vmem>>) offsets(%dma_start3A_71 : memref<128xi32, #tpu.memory_space<vmem>>) semaphore(%arg12 : memref<!tpu.dma_semaphore, #tpu.memory_space<semaphore_mem>>)
    %dma_start3A_75 = arith.constant 0 : i32
    %dma_start3A_76 = arith.constant 6 : i32
    %dma_start3A_77 = arith.constant 0 : i32
    %dma_start3A_78 = arith.constant 0 : i32
    %dma_start3A_79 = tpu.memref_slice %arg8[%dma_start3A_75, %dma_start3A_76, %dma_start3A_77, %dma_start3A_78] : memref<2x13x128x16xf32, #tpu.memory_space<vmem>> -> memref<1x1x128x16xf32, #tpu.memory_space<vmem>>
    %dma_start3A_80 = tpu.memref_squeeze %dma_start3A_79 : memref<1x1x128x16xf32, #tpu.memory_space<vmem>> -> memref<128x16xf32, #tpu.memory_space<vmem>>
    %dma_start3A_81 = arith.constant 768 : i32
    %dma_start3A_82 = tpu.memref_slice %arg6[%dma_start3A_81] : memref<10000xi32, #tpu.memory_space<vmem>> -> memref<128xi32, #tpu.memory_space<vmem>>
    %dma_start3A_83 = arith.constant 0 : i32
    %dma_start3A_84 = arith.constant 0 : i32
    %dma_start3A_85 = tpu.memref_slice %arg10[%dma_start3A_83, %dma_start3A_84] : memref<10112x16xf32, #tpu.memory_space<vmem_shared>> -> memref<10112x16xf32, #tpu.memory_space<vmem_shared>>
    tpu.enqueue_indirect_dma source(%dma_start3A_85 : memref<10112x16xf32, #tpu.memory_space<vmem_shared>>) target(%dma_start3A_80 : memref<128x16xf32, #tpu.memory_space<vmem>>) offsets(%dma_start3A_82 : memref<128xi32, #tpu.memory_space<vmem>>) semaphore(%arg12 : memref<!tpu.dma_semaphore, #tpu.memory_space<semaphore_mem>>)
    %dma_start3A_86 = arith.constant 0 : i32
    %dma_start3A_87 = arith.constant 7 : i32
    %dma_start3A_88 = arith.constant 0 : i32
    %dma_start3A_89 = arith.constant 0 : i32
    %dma_start3A_90 = tpu.memref_slice %arg8[%dma_start3A_86, %dma_start3A_87, %dma_start3A_88, %dma_start3A_89] : memref<2x13x128x16xf32, #tpu.memory_space<vmem>> -> memref<1x1x128x16xf32, #tpu.memory_space<vmem>>
    %dma_start3A_91 = tpu.memref_squeeze %dma_start3A_90 : memref<1x1x128x16xf32, #tpu.memory_space<vmem>> -> memref<128x16xf32, #tpu.memory_space<vmem>>
    %dma_start3A_92 = arith.constant 896 : i32
    %dma_start3A_93 = tpu.memref_slice %arg6[%dma_start3A_92] : memref<10000xi32, #tpu.memory_space<vmem>> -> memref<128xi32, #tpu.memory_space<vmem>>
    %dma_start3A_94 = arith.constant 0 : i32
    %dma_start3A_95 = arith.constant 0 : i32
    %dma_start3A_96 = tpu.memref_slice %arg10[%dma_start3A_94, %dma_start3A_95] : memref<10112x16xf32, #tpu.memory_space<vmem_shared>> -> memref<10112x16xf32, #tpu.memory_space<vmem_shared>>
    tpu.enqueue_indirect_dma source(%dma_start3A_96 : memref<10112x16xf32, #tpu.memory_space<vmem_shared>>) target(%dma_start3A_91 : memref<128x16xf32, #tpu.memory_space<vmem>>) offsets(%dma_start3A_93 : memref<128xi32, #tpu.memory_space<vmem>>) semaphore(%arg12 : memref<!tpu.dma_semaphore, #tpu.memory_space<semaphore_mem>>)
    %dma_start3A_97 = arith.constant 0 : i32
    %dma_start3A_98 = arith.constant 8 : i32
    %dma_start3A_99 = arith.constant 0 : i32
    %dma_start3A_100 = arith.constant 0 : i32
    %dma_start3A_101 = tpu.memref_slice %arg8[%dma_start3A_97, %dma_start3A_98, %dma_start3A_99, %dma_start3A_100] : memref<2x13x128x16xf32, #tpu.memory_space<vmem>> -> memref<1x1x128x16xf32, #tpu.memory_space<vmem>>
    %dma_start3A_102 = tpu.memref_squeeze %dma_start3A_101 : memref<1x1x128x16xf32, #tpu.memory_space<vmem>> -> memref<128x16xf32, #tpu.memory_space<vmem>>
    %dma_start3A_103 = arith.constant 1024 : i32
    %dma_start3A_104 = tpu.memref_slice %arg6[%dma_start3A_103] : memref<10000xi32, #tpu.memory_space<vmem>> -> memref<128xi32, #tpu.memory_space<vmem>>
    %dma_start3A_105 = arith.constant 0 : i32
    %dma_start3A_106 = arith.constant 0 : i32
    %dma_start3A_107 = tpu.memref_slice %arg10[%dma_start3A_105, %dma_start3A_106] : memref<10112x16xf32, #tpu.memory_space<vmem_shared>> -> memref<10112x16xf32, #tpu.memory_space<vmem_shared>>
    tpu.enqueue_indirect_dma source(%dma_start3A_107 : memref<10112x16xf32, #tpu.memory_space<vmem_shared>>) target(%dma_start3A_102 : memref<128x16xf32, #tpu.memory_space<vmem>>) offsets(%dma_start3A_104 : memref<128xi32, #tpu.memory_space<vmem>>) semaphore(%arg12 : memref<!tpu.dma_semaphore, #tpu.memory_space<semaphore_mem>>)
    %dma_start3A_108 = arith.constant 0 : i32
    %dma_start3A_109 = arith.constant 9 : i32
    %dma_start3A_110 = arith.constant 0 : i32
    %dma_start3A_111 = arith.constant 0 : i32
    %dma_start3A_112 = tpu.memref_slice %arg8[%dma_start3A_108, %dma_start3A_109, %dma_start3A_110, %dma_start3A_111] : memref<2x13x128x16xf32, #tpu.memory_space<vmem>> -> memref<1x1x128x16xf32, #tpu.memory_space<vmem>>
    %dma_start3A_113 = tpu.memref_squeeze %dma_start3A_112 : memref<1x1x128x16xf32, #tpu.memory_space<vmem>> -> memref<128x16xf32, #tpu.memory_space<vmem>>
    %dma_start3A_114 = arith.constant 1152 : i32
    %dma_start3A_115 = tpu.memref_slice %arg6[%dma_start3A_114] : memref<10000xi32, #tpu.memory_space<vmem>> -> memref<128xi32, #tpu.memory_space<vmem>>
    %dma_start3A_116 = arith.constant 0 : i32
    %dma_start3A_117 = arith.constant 0 : i32
    %dma_start3A_118 = tpu.memref_slice %arg10[%dma_start3A_116, %dma_start3A_117] : memref<10112x16xf32, #tpu.memory_space<vmem_shared>> -> memref<10112x16xf32, #tpu.memory_space<vmem_shared>>
    tpu.enqueue_indirect_dma source(%dma_start3A_118 : memref<10112x16xf32, #tpu.memory_space<vmem_shared>>) target(%dma_start3A_113 : memref<128x16xf32, #tpu.memory_space<vmem>>) offsets(%dma_start3A_115 : memref<128xi32, #tpu.memory_space<vmem>>) semaphore(%arg12 : memref<!tpu.dma_semaphore, #tpu.memory_space<semaphore_mem>>)
    %dma_start3A_119 = arith.constant 0 : i32
    %dma_start3A_120 = arith.constant 10 : i32
    %dma_start3A_121 = arith.constant 0 : i32
    %dma_start3A_122 = arith.constant 0 : i32
    %dma_start3A_123 = tpu.memref_slice %arg8[%dma_start3A_119, %dma_start3A_120, %dma_start3A_121, %dma_start3A_122] : memref<2x13x128x16xf32, #tpu.memory_space<vmem>> -> memref<1x1x128x16xf32, #tpu.memory_space<vmem>>
    %dma_start3A_124 = tpu.memref_squeeze %dma_start3A_123 : memref<1x1x128x16xf32, #tpu.memory_space<vmem>> -> memref<128x16xf32, #tpu.memory_space<vmem>>
    %dma_start3A_125 = arith.constant 1280 : i32
    %dma_start3A_126 = tpu.memref_slice %arg6[%dma_start3A_125] : memref<10000xi32, #tpu.memory_space<vmem>> -> memref<128xi32, #tpu.memory_space<vmem>>
    %dma_start3A_127 = arith.constant 0 : i32
    %dma_start3A_128 = arith.constant 0 : i32
    %dma_start3A_129 = tpu.memref_slice %arg10[%dma_start3A_127, %dma_start3A_128] : memref<10112x16xf32, #tpu.memory_space<vmem_shared>> -> memref<10112x16xf32, #tpu.memory_space<vmem_shared>>
    tpu.enqueue_indirect_dma source(%dma_start3A_129 : memref<10112x16xf32, #tpu.memory_space<vmem_shared>>) target(%dma_start3A_124 : memref<128x16xf32, #tpu.memory_space<vmem>>) offsets(%dma_start3A_126 : memref<128xi32, #tpu.memory_space<vmem>>) semaphore(%arg12 : memref<!tpu.dma_semaphore, #tpu.memory_space<semaphore_mem>>)
    %dma_start3A_130 = arith.constant 0 : i32
    %dma_start3A_131 = arith.constant 11 : i32
    %dma_start3A_132 = arith.constant 0 : i32
    %dma_start3A_133 = arith.constant 0 : i32
    %dma_start3A_134 = tpu.memref_slice %arg8[%dma_start3A_130, %dma_start3A_131, %dma_start3A_132, %dma_start3A_133] : memref<2x13x128x16xf32, #tpu.memory_space<vmem>> -> memref<1x1x128x16xf32, #tpu.memory_space<vmem>>
    %dma_start3A_135 = tpu.memref_squeeze %dma_start3A_134 : memref<1x1x128x16xf32, #tpu.memory_space<vmem>> -> memref<128x16xf32, #tpu.memory_space<vmem>>
    %dma_start3A_136 = arith.constant 1408 : i32
    %dma_start3A_137 = tpu.memref_slice %arg6[%dma_start3A_136] : memref<10000xi32, #tpu.memory_space<vmem>> -> memref<128xi32, #tpu.memory_space<vmem>>
    %dma_start3A_138 = arith.constant 0 : i32
    %dma_start3A_139 = arith.constant 0 : i32
    %dma_start3A_140 = tpu.memref_slice %arg10[%dma_start3A_138, %dma_start3A_139] : memref<10112x16xf32, #tpu.memory_space<vmem_shared>> -> memref<10112x16xf32, #tpu.memory_space<vmem_shared>>
    tpu.enqueue_indirect_dma source(%dma_start3A_140 : memref<10112x16xf32, #tpu.memory_space<vmem_shared>>) target(%dma_start3A_135 : memref<128x16xf32, #tpu.memory_space<vmem>>) offsets(%dma_start3A_137 : memref<128xi32, #tpu.memory_space<vmem>>) semaphore(%arg12 : memref<!tpu.dma_semaphore, #tpu.memory_space<semaphore_mem>>)
    %dma_start3A_141 = arith.constant 0 : i32
    %dma_start3A_142 = arith.constant 12 : i32
    %dma_start3A_143 = arith.constant 0 : i32
    %dma_start3A_144 = arith.constant 0 : i32
    %dma_start3A_145 = tpu.memref_slice %arg8[%dma_start3A_141, %dma_start3A_142, %dma_start3A_143, %dma_start3A_144] : memref<2x13x128x16xf32, #tpu.memory_space<vmem>> -> memref<1x1x128x16xf32, #tpu.memory_space<vmem>>
    %dma_start3A_146 = tpu.memref_squeeze %dma_start3A_145 : memref<1x1x128x16xf32, #tpu.memory_space<vmem>> -> memref<128x16xf32, #tpu.memory_space<vmem>>
    %dma_start3A_147 = arith.constant 1536 : i32
    %dma_start3A_148 = tpu.memref_slice %arg6[%dma_start3A_147] : memref<10000xi32, #tpu.memory_space<vmem>> -> memref<128xi32, #tpu.memory_space<vmem>>
    %dma_start3A_149 = arith.constant 0 : i32
    %dma_start3A_150 = arith.constant 0 : i32
    %dma_start3A_151 = tpu.memref_slice %arg10[%dma_start3A_149, %dma_start3A_150] : memref<10112x16xf32, #tpu.memory_space<vmem_shared>> -> memref<10112x16xf32, #tpu.memory_space<vmem_shared>>
    tpu.enqueue_indirect_dma source(%dma_start3A_151 : memref<10112x16xf32, #tpu.memory_space<vmem_shared>>) target(%dma_start3A_146 : memref<128x16xf32, #tpu.memory_space<vmem>>) offsets(%dma_start3A_148 : memref<128xi32, #tpu.memory_space<vmem>>) semaphore(%arg12 : memref<!tpu.dma_semaphore, #tpu.memory_space<semaphore_mem>>)
    %scan3A = arith.constant 0 : i32
    %scan3A_152 = arith.constant 6 : i32
    %scan3A_153 = arith.addi %scan3A, %scan3A_152 : i32
    %scan3A_154 = arith.constant 1 : i32
    scf.for %scan3A_166 = %scan3A to %scan3A_153 step %scan3A_154  : i32 {
      %mul3A_167 = arith.constant 1 : i32
      %mul3A_168 = arith.muli %scan3A_166, %mul3A_167 : i32
      %add3A_169 = arith.constant 0 : i32
      %add3A_170 = arith.addi %add3A_169, %mul3A_168 : i32
      %rem3A = arith.constant 2 : i32
      %rem3A_171 = arith.remsi %add3A_170, %rem3A : i32
      %add3A_172 = arith.constant 1 : i32
      %add3A_173 = arith.addi %add3A_170, %add3A_172 : i32
      %rem3A_174 = arith.constant 2 : i32
      %rem3A_175 = arith.remsi %add3A_173, %rem3A_174 : i32
      %add3A_176 = arith.constant 1 : i32
      %add3A_177 = arith.addi %add3A_170, %add3A_176 : i32
      %lt3A = arith.constant 6 : i32
      %lt3A_178 = arith.cmpi slt, %add3A_177, %lt3A : i32
      %convert_element_type3A_179 = arith.extui %lt3A_178 : i1 to i32
      %cond3A_180 = arith.constant 0 : i32
      %cond3A_181 = arith.cmpi ne, %convert_element_type3A_179, %cond3A_180 : i32
      scf.if %cond3A_181 {
        %add3A_766 = arith.constant 1 : i32
        %add3A_767 = arith.addi %add3A_170, %add3A_766 : i32
        %mul3A_768 = arith.constant 13 : i32
        %mul3A_769 = arith.muli %add3A_767, %mul3A_768 : i32
        %add3A_770 = arith.constant 0 : i32
        %add3A_771 = arith.addi %mul3A_769, %add3A_770 : i32
        %mul3A_772 = arith.constant 128 : i32
        %mul3A_773 = arith.muli %add3A_771, %mul3A_772 : i32
        %dma_start3A_774 = arith.constant 0 : i32
        %dma_start3A_775 = arith.constant 0 : i32
        %dma_start3A_776 = arith.constant 0 : i32
        %dma_start3A_777 = tpu.memref_slice %arg8[%rem3A_175, %dma_start3A_774, %dma_start3A_775, %dma_start3A_776] : memref<2x13x128x16xf32, #tpu.memory_space<vmem>> -> memref<1x1x128x16xf32, #tpu.memory_space<vmem>>
        %dma_start3A_778 = tpu.memref_squeeze %dma_start3A_777 : memref<1x1x128x16xf32, #tpu.memory_space<vmem>> -> memref<128x16xf32, #tpu.memory_space<vmem>>
        %dma_start3A_779 = tpu.memref_slice %arg6[%mul3A_773] : memref<10000xi32, #tpu.memory_space<vmem>> -> memref<128xi32, #tpu.memory_space<vmem>>
        %dma_start3A_780 = arith.constant 0 : i32
        %dma_start3A_781 = arith.constant 0 : i32
        %dma_start3A_782 = tpu.memref_slice %arg10[%dma_start3A_780, %dma_start3A_781] : memref<10112x16xf32, #tpu.memory_space<vmem_shared>> -> memref<10112x16xf32, #tpu.memory_space<vmem_shared>>
        tpu.enqueue_indirect_dma source(%dma_start3A_782 : memref<10112x16xf32, #tpu.memory_space<vmem_shared>>) target(%dma_start3A_778 : memref<128x16xf32, #tpu.memory_space<vmem>>) offsets(%dma_start3A_779 : memref<128xi32, #tpu.memory_space<vmem>>) semaphore(%arg12 : memref<!tpu.dma_semaphore, #tpu.memory_space<semaphore_mem>>)
        %mul3A_783 = arith.constant 13 : i32
        %mul3A_784 = arith.muli %add3A_767, %mul3A_783 : i32
        %add3A_785 = arith.constant 1 : i32
        %add3A_786 = arith.addi %mul3A_784, %add3A_785 : i32
        %mul3A_787 = arith.constant 128 : i32
        %mul3A_788 = arith.muli %add3A_786, %mul3A_787 : i32
        %dma_start3A_789 = arith.constant 1 : i32
        %dma_start3A_790 = arith.constant 0 : i32
        %dma_start3A_791 = arith.constant 0 : i32
        %dma_start3A_792 = tpu.memref_slice %arg8[%rem3A_175, %dma_start3A_789, %dma_start3A_790, %dma_start3A_791] : memref<2x13x128x16xf32, #tpu.memory_space<vmem>> -> memref<1x1x128x16xf32, #tpu.memory_space<vmem>>
        %dma_start3A_793 = tpu.memref_squeeze %dma_start3A_792 : memref<1x1x128x16xf32, #tpu.memory_space<vmem>> -> memref<128x16xf32, #tpu.memory_space<vmem>>
        %dma_start3A_794 = tpu.memref_slice %arg6[%mul3A_788] : memref<10000xi32, #tpu.memory_space<vmem>> -> memref<128xi32, #tpu.memory_space<vmem>>
        %dma_start3A_795 = arith.constant 0 : i32
        %dma_start3A_796 = arith.constant 0 : i32
        %dma_start3A_797 = tpu.memref_slice %arg10[%dma_start3A_795, %dma_start3A_796] : memref<10112x16xf32, #tpu.memory_space<vmem_shared>> -> memref<10112x16xf32, #tpu.memory_space<vmem_shared>>
        tpu.enqueue_indirect_dma source(%dma_start3A_797 : memref<10112x16xf32, #tpu.memory_space<vmem_shared>>) target(%dma_start3A_793 : memref<128x16xf32, #tpu.memory_space<vmem>>) offsets(%dma_start3A_794 : memref<128xi32, #tpu.memory_space<vmem>>) semaphore(%arg12 : memref<!tpu.dma_semaphore, #tpu.memory_space<semaphore_mem>>)
        %mul3A_798 = arith.constant 13 : i32
        %mul3A_799 = arith.muli %add3A_767, %mul3A_798 : i32
        %add3A_800 = arith.constant 2 : i32
        %add3A_801 = arith.addi %mul3A_799, %add3A_800 : i32
        %mul3A_802 = arith.constant 128 : i32
        %mul3A_803 = arith.muli %add3A_801, %mul3A_802 : i32
        %dma_start3A_804 = arith.constant 2 : i32
        %dma_start3A_805 = arith.constant 0 : i32
        %dma_start3A_806 = arith.constant 0 : i32
        %dma_start3A_807 = tpu.memref_slice %arg8[%rem3A_175, %dma_start3A_804, %dma_start3A_805, %dma_start3A_806] : memref<2x13x128x16xf32, #tpu.memory_space<vmem>> -> memref<1x1x128x16xf32, #tpu.memory_space<vmem>>
        %dma_start3A_808 = tpu.memref_squeeze %dma_start3A_807 : memref<1x1x128x16xf32, #tpu.memory_space<vmem>> -> memref<128x16xf32, #tpu.memory_space<vmem>>
        %dma_start3A_809 = tpu.memref_slice %arg6[%mul3A_803] : memref<10000xi32, #tpu.memory_space<vmem>> -> memref<128xi32, #tpu.memory_space<vmem>>
        %dma_start3A_810 = arith.constant 0 : i32
        %dma_start3A_811 = arith.constant 0 : i32
        %dma_start3A_812 = tpu.memref_slice %arg10[%dma_start3A_810, %dma_start3A_811] : memref<10112x16xf32, #tpu.memory_space<vmem_shared>> -> memref<10112x16xf32, #tpu.memory_space<vmem_shared>>
        tpu.enqueue_indirect_dma source(%dma_start3A_812 : memref<10112x16xf32, #tpu.memory_space<vmem_shared>>) target(%dma_start3A_808 : memref<128x16xf32, #tpu.memory_space<vmem>>) offsets(%dma_start3A_809 : memref<128xi32, #tpu.memory_space<vmem>>) semaphore(%arg12 : memref<!tpu.dma_semaphore, #tpu.memory_space<semaphore_mem>>)
        %mul3A_813 = arith.constant 13 : i32
        %mul3A_814 = arith.muli %add3A_767, %mul3A_813 : i32
        %add3A_815 = arith.constant 3 : i32
        %add3A_816 = arith.addi %mul3A_814, %add3A_815 : i32
        %mul3A_817 = arith.constant 128 : i32
        %mul3A_818 = arith.muli %add3A_816, %mul3A_817 : i32
        %dma_start3A_819 = arith.constant 3 : i32
        %dma_start3A_820 = arith.constant 0 : i32
        %dma_start3A_821 = arith.constant 0 : i32
        %dma_start3A_822 = tpu.memref_slice %arg8[%rem3A_175, %dma_start3A_819, %dma_start3A_820, %dma_start3A_821] : memref<2x13x128x16xf32, #tpu.memory_space<vmem>> -> memref<1x1x128x16xf32, #tpu.memory_space<vmem>>
        %dma_start3A_823 = tpu.memref_squeeze %dma_start3A_822 : memref<1x1x128x16xf32, #tpu.memory_space<vmem>> -> memref<128x16xf32, #tpu.memory_space<vmem>>
        %dma_start3A_824 = tpu.memref_slice %arg6[%mul3A_818] : memref<10000xi32, #tpu.memory_space<vmem>> -> memref<128xi32, #tpu.memory_space<vmem>>
        %dma_start3A_825 = arith.constant 0 : i32
        %dma_start3A_826 = arith.constant 0 : i32
        %dma_start3A_827 = tpu.memref_slice %arg10[%dma_start3A_825, %dma_start3A_826] : memref<10112x16xf32, #tpu.memory_space<vmem_shared>> -> memref<10112x16xf32, #tpu.memory_space<vmem_shared>>
        tpu.enqueue_indirect_dma source(%dma_start3A_827 : memref<10112x16xf32, #tpu.memory_space<vmem_shared>>) target(%dma_start3A_823 : memref<128x16xf32, #tpu.memory_space<vmem>>) offsets(%dma_start3A_824 : memref<128xi32, #tpu.memory_space<vmem>>) semaphore(%arg12 : memref<!tpu.dma_semaphore, #tpu.memory_space<semaphore_mem>>)
        %mul3A_828 = arith.constant 13 : i32
        %mul3A_829 = arith.muli %add3A_767, %mul3A_828 : i32
        %add3A_830 = arith.constant 4 : i32
        %add3A_831 = arith.addi %mul3A_829, %add3A_830 : i32
        %mul3A_832 = arith.constant 128 : i32
        %mul3A_833 = arith.muli %add3A_831, %mul3A_832 : i32
        %dma_start3A_834 = arith.constant 4 : i32
        %dma_start3A_835 = arith.constant 0 : i32
        %dma_start3A_836 = arith.constant 0 : i32
        %dma_start3A_837 = tpu.memref_slice %arg8[%rem3A_175, %dma_start3A_834, %dma_start3A_835, %dma_start3A_836] : memref<2x13x128x16xf32, #tpu.memory_space<vmem>> -> memref<1x1x128x16xf32, #tpu.memory_space<vmem>>
        %dma_start3A_838 = tpu.memref_squeeze %dma_start3A_837 : memref<1x1x128x16xf32, #tpu.memory_space<vmem>> -> memref<128x16xf32, #tpu.memory_space<vmem>>
        %dma_start3A_839 = tpu.memref_slice %arg6[%mul3A_833] : memref<10000xi32, #tpu.memory_space<vmem>> -> memref<128xi32, #tpu.memory_space<vmem>>
        %dma_start3A_840 = arith.constant 0 : i32
        %dma_start3A_841 = arith.constant 0 : i32
        %dma_start3A_842 = tpu.memref_slice %arg10[%dma_start3A_840, %dma_start3A_841] : memref<10112x16xf32, #tpu.memory_space<vmem_shared>> -> memref<10112x16xf32, #tpu.memory_space<vmem_shared>>
        tpu.enqueue_indirect_dma source(%dma_start3A_842 : memref<10112x16xf32, #tpu.memory_space<vmem_shared>>) target(%dma_start3A_838 : memref<128x16xf32, #tpu.memory_space<vmem>>) offsets(%dma_start3A_839 : memref<128xi32, #tpu.memory_space<vmem>>) semaphore(%arg12 : memref<!tpu.dma_semaphore, #tpu.memory_space<semaphore_mem>>)
        %mul3A_843 = arith.constant 13 : i32
        %mul3A_844 = arith.muli %add3A_767, %mul3A_843 : i32
        %add3A_845 = arith.constant 5 : i32
        %add3A_846 = arith.addi %mul3A_844, %add3A_845 : i32
        %mul3A_847 = arith.constant 128 : i32
        %mul3A_848 = arith.muli %add3A_846, %mul3A_847 : i32
        %dma_start3A_849 = arith.constant 5 : i32
        %dma_start3A_850 = arith.constant 0 : i32
        %dma_start3A_851 = arith.constant 0 : i32
        %dma_start3A_852 = tpu.memref_slice %arg8[%rem3A_175, %dma_start3A_849, %dma_start3A_850, %dma_start3A_851] : memref<2x13x128x16xf32, #tpu.memory_space<vmem>> -> memref<1x1x128x16xf32, #tpu.memory_space<vmem>>
        %dma_start3A_853 = tpu.memref_squeeze %dma_start3A_852 : memref<1x1x128x16xf32, #tpu.memory_space<vmem>> -> memref<128x16xf32, #tpu.memory_space<vmem>>
        %dma_start3A_854 = tpu.memref_slice %arg6[%mul3A_848] : memref<10000xi32, #tpu.memory_space<vmem>> -> memref<128xi32, #tpu.memory_space<vmem>>
        %dma_start3A_855 = arith.constant 0 : i32
        %dma_start3A_856 = arith.constant 0 : i32
        %dma_start3A_857 = tpu.memref_slice %arg10[%dma_start3A_855, %dma_start3A_856] : memref<10112x16xf32, #tpu.memory_space<vmem_shared>> -> memref<10112x16xf32, #tpu.memory_space<vmem_shared>>
        tpu.enqueue_indirect_dma source(%dma_start3A_857 : memref<10112x16xf32, #tpu.memory_space<vmem_shared>>) target(%dma_start3A_853 : memref<128x16xf32, #tpu.memory_space<vmem>>) offsets(%dma_start3A_854 : memref<128xi32, #tpu.memory_space<vmem>>) semaphore(%arg12 : memref<!tpu.dma_semaphore, #tpu.memory_space<semaphore_mem>>)
        %mul3A_858 = arith.constant 13 : i32
        %mul3A_859 = arith.muli %add3A_767, %mul3A_858 : i32
        %add3A_860 = arith.constant 6 : i32
        %add3A_861 = arith.addi %mul3A_859, %add3A_860 : i32
        %mul3A_862 = arith.constant 128 : i32
        %mul3A_863 = arith.muli %add3A_861, %mul3A_862 : i32
        %dma_start3A_864 = arith.constant 6 : i32
        %dma_start3A_865 = arith.constant 0 : i32
        %dma_start3A_866 = arith.constant 0 : i32
        %dma_start3A_867 = tpu.memref_slice %arg8[%rem3A_175, %dma_start3A_864, %dma_start3A_865, %dma_start3A_866] : memref<2x13x128x16xf32, #tpu.memory_space<vmem>> -> memref<1x1x128x16xf32, #tpu.memory_space<vmem>>
        %dma_start3A_868 = tpu.memref_squeeze %dma_start3A_867 : memref<1x1x128x16xf32, #tpu.memory_space<vmem>> -> memref<128x16xf32, #tpu.memory_space<vmem>>
        %dma_start3A_869 = tpu.memref_slice %arg6[%mul3A_863] : memref<10000xi32, #tpu.memory_space<vmem>> -> memref<128xi32, #tpu.memory_space<vmem>>
        %dma_start3A_870 = arith.constant 0 : i32
        %dma_start3A_871 = arith.constant 0 : i32
        %dma_start3A_872 = tpu.memref_slice %arg10[%dma_start3A_870, %dma_start3A_871] : memref<10112x16xf32, #tpu.memory_space<vmem_shared>> -> memref<10112x16xf32, #tpu.memory_space<vmem_shared>>
        tpu.enqueue_indirect_dma source(%dma_start3A_872 : memref<10112x16xf32, #tpu.memory_space<vmem_shared>>) target(%dma_start3A_868 : memref<128x16xf32, #tpu.memory_space<vmem>>) offsets(%dma_start3A_869 : memref<128xi32, #tpu.memory_space<vmem>>) semaphore(%arg12 : memref<!tpu.dma_semaphore, #tpu.memory_space<semaphore_mem>>)
        %mul3A_873 = arith.constant 13 : i32
        %mul3A_874 = arith.muli %add3A_767, %mul3A_873 : i32
        %add3A_875 = arith.constant 7 : i32
        %add3A_876 = arith.addi %mul3A_874, %add3A_875 : i32
        %mul3A_877 = arith.constant 128 : i32
        %mul3A_878 = arith.muli %add3A_876, %mul3A_877 : i32
        %dma_start3A_879 = arith.constant 7 : i32
        %dma_start3A_880 = arith.constant 0 : i32
        %dma_start3A_881 = arith.constant 0 : i32
        %dma_start3A_882 = tpu.memref_slice %arg8[%rem3A_175, %dma_start3A_879, %dma_start3A_880, %dma_start3A_881] : memref<2x13x128x16xf32, #tpu.memory_space<vmem>> -> memref<1x1x128x16xf32, #tpu.memory_space<vmem>>
        %dma_start3A_883 = tpu.memref_squeeze %dma_start3A_882 : memref<1x1x128x16xf32, #tpu.memory_space<vmem>> -> memref<128x16xf32, #tpu.memory_space<vmem>>
        %dma_start3A_884 = tpu.memref_slice %arg6[%mul3A_878] : memref<10000xi32, #tpu.memory_space<vmem>> -> memref<128xi32, #tpu.memory_space<vmem>>
        %dma_start3A_885 = arith.constant 0 : i32
        %dma_start3A_886 = arith.constant 0 : i32
        %dma_start3A_887 = tpu.memref_slice %arg10[%dma_start3A_885, %dma_start3A_886] : memref<10112x16xf32, #tpu.memory_space<vmem_shared>> -> memref<10112x16xf32, #tpu.memory_space<vmem_shared>>
        tpu.enqueue_indirect_dma source(%dma_start3A_887 : memref<10112x16xf32, #tpu.memory_space<vmem_shared>>) target(%dma_start3A_883 : memref<128x16xf32, #tpu.memory_space<vmem>>) offsets(%dma_start3A_884 : memref<128xi32, #tpu.memory_space<vmem>>) semaphore(%arg12 : memref<!tpu.dma_semaphore, #tpu.memory_space<semaphore_mem>>)
        %mul3A_888 = arith.constant 13 : i32
        %mul3A_889 = arith.muli %add3A_767, %mul3A_888 : i32
        %add3A_890 = arith.constant 8 : i32
        %add3A_891 = arith.addi %mul3A_889, %add3A_890 : i32
        %mul3A_892 = arith.constant 128 : i32
        %mul3A_893 = arith.muli %add3A_891, %mul3A_892 : i32
        %dma_start3A_894 = arith.constant 8 : i32
        %dma_start3A_895 = arith.constant 0 : i32
        %dma_start3A_896 = arith.constant 0 : i32
        %dma_start3A_897 = tpu.memref_slice %arg8[%rem3A_175, %dma_start3A_894, %dma_start3A_895, %dma_start3A_896] : memref<2x13x128x16xf32, #tpu.memory_space<vmem>> -> memref<1x1x128x16xf32, #tpu.memory_space<vmem>>
        %dma_start3A_898 = tpu.memref_squeeze %dma_start3A_897 : memref<1x1x128x16xf32, #tpu.memory_space<vmem>> -> memref<128x16xf32, #tpu.memory_space<vmem>>
        %dma_start3A_899 = tpu.memref_slice %arg6[%mul3A_893] : memref<10000xi32, #tpu.memory_space<vmem>> -> memref<128xi32, #tpu.memory_space<vmem>>
        %dma_start3A_900 = arith.constant 0 : i32
        %dma_start3A_901 = arith.constant 0 : i32
        %dma_start3A_902 = tpu.memref_slice %arg10[%dma_start3A_900, %dma_start3A_901] : memref<10112x16xf32, #tpu.memory_space<vmem_shared>> -> memref<10112x16xf32, #tpu.memory_space<vmem_shared>>
        tpu.enqueue_indirect_dma source(%dma_start3A_902 : memref<10112x16xf32, #tpu.memory_space<vmem_shared>>) target(%dma_start3A_898 : memref<128x16xf32, #tpu.memory_space<vmem>>) offsets(%dma_start3A_899 : memref<128xi32, #tpu.memory_space<vmem>>) semaphore(%arg12 : memref<!tpu.dma_semaphore, #tpu.memory_space<semaphore_mem>>)
        %mul3A_903 = arith.constant 13 : i32
        %mul3A_904 = arith.muli %add3A_767, %mul3A_903 : i32
        %add3A_905 = arith.constant 9 : i32
        %add3A_906 = arith.addi %mul3A_904, %add3A_905 : i32
        %mul3A_907 = arith.constant 128 : i32
        %mul3A_908 = arith.muli %add3A_906, %mul3A_907 : i32
        %dma_start3A_909 = arith.constant 9 : i32
        %dma_start3A_910 = arith.constant 0 : i32
        %dma_start3A_911 = arith.constant 0 : i32
        %dma_start3A_912 = tpu.memref_slice %arg8[%rem3A_175, %dma_start3A_909, %dma_start3A_910, %dma_start3A_911] : memref<2x13x128x16xf32, #tpu.memory_space<vmem>> -> memref<1x1x128x16xf32, #tpu.memory_space<vmem>>
        %dma_start3A_913 = tpu.memref_squeeze %dma_start3A_912 : memref<1x1x128x16xf32, #tpu.memory_space<vmem>> -> memref<128x16xf32, #tpu.memory_space<vmem>>
        %dma_start3A_914 = tpu.memref_slice %arg6[%mul3A_908] : memref<10000xi32, #tpu.memory_space<vmem>> -> memref<128xi32, #tpu.memory_space<vmem>>
        %dma_start3A_915 = arith.constant 0 : i32
        %dma_start3A_916 = arith.constant 0 : i32
        %dma_start3A_917 = tpu.memref_slice %arg10[%dma_start3A_915, %dma_start3A_916] : memref<10112x16xf32, #tpu.memory_space<vmem_shared>> -> memref<10112x16xf32, #tpu.memory_space<vmem_shared>>
        tpu.enqueue_indirect_dma source(%dma_start3A_917 : memref<10112x16xf32, #tpu.memory_space<vmem_shared>>) target(%dma_start3A_913 : memref<128x16xf32, #tpu.memory_space<vmem>>) offsets(%dma_start3A_914 : memref<128xi32, #tpu.memory_space<vmem>>) semaphore(%arg12 : memref<!tpu.dma_semaphore, #tpu.memory_space<semaphore_mem>>)
        %mul3A_918 = arith.constant 13 : i32
        %mul3A_919 = arith.muli %add3A_767, %mul3A_918 : i32
        %add3A_920 = arith.constant 10 : i32
        %add3A_921 = arith.addi %mul3A_919, %add3A_920 : i32
        %mul3A_922 = arith.constant 128 : i32
        %mul3A_923 = arith.muli %add3A_921, %mul3A_922 : i32
        %dma_start3A_924 = arith.constant 10 : i32
        %dma_start3A_925 = arith.constant 0 : i32
        %dma_start3A_926 = arith.constant 0 : i32
        %dma_start3A_927 = tpu.memref_slice %arg8[%rem3A_175, %dma_start3A_924, %dma_start3A_925, %dma_start3A_926] : memref<2x13x128x16xf32, #tpu.memory_space<vmem>> -> memref<1x1x128x16xf32, #tpu.memory_space<vmem>>
        %dma_start3A_928 = tpu.memref_squeeze %dma_start3A_927 : memref<1x1x128x16xf32, #tpu.memory_space<vmem>> -> memref<128x16xf32, #tpu.memory_space<vmem>>
        %dma_start3A_929 = tpu.memref_slice %arg6[%mul3A_923] : memref<10000xi32, #tpu.memory_space<vmem>> -> memref<128xi32, #tpu.memory_space<vmem>>
        %dma_start3A_930 = arith.constant 0 : i32
        %dma_start3A_931 = arith.constant 0 : i32
        %dma_start3A_932 = tpu.memref_slice %arg10[%dma_start3A_930, %dma_start3A_931] : memref<10112x16xf32, #tpu.memory_space<vmem_shared>> -> memref<10112x16xf32, #tpu.memory_space<vmem_shared>>
        tpu.enqueue_indirect_dma source(%dma_start3A_932 : memref<10112x16xf32, #tpu.memory_space<vmem_shared>>) target(%dma_start3A_928 : memref<128x16xf32, #tpu.memory_space<vmem>>) offsets(%dma_start3A_929 : memref<128xi32, #tpu.memory_space<vmem>>) semaphore(%arg12 : memref<!tpu.dma_semaphore, #tpu.memory_space<semaphore_mem>>)
        %mul3A_933 = arith.constant 13 : i32
        %mul3A_934 = arith.muli %add3A_767, %mul3A_933 : i32
        %add3A_935 = arith.constant 11 : i32
        %add3A_936 = arith.addi %mul3A_934, %add3A_935 : i32
        %mul3A_937 = arith.constant 128 : i32
        %mul3A_938 = arith.muli %add3A_936, %mul3A_937 : i32
        %dma_start3A_939 = arith.constant 11 : i32
        %dma_start3A_940 = arith.constant 0 : i32
        %dma_start3A_941 = arith.constant 0 : i32
        %dma_start3A_942 = tpu.memref_slice %arg8[%rem3A_175, %dma_start3A_939, %dma_start3A_940, %dma_start3A_941] : memref<2x13x128x16xf32, #tpu.memory_space<vmem>> -> memref<1x1x128x16xf32, #tpu.memory_space<vmem>>
        %dma_start3A_943 = tpu.memref_squeeze %dma_start3A_942 : memref<1x1x128x16xf32, #tpu.memory_space<vmem>> -> memref<128x16xf32, #tpu.memory_space<vmem>>
        %dma_start3A_944 = tpu.memref_slice %arg6[%mul3A_938] : memref<10000xi32, #tpu.memory_space<vmem>> -> memref<128xi32, #tpu.memory_space<vmem>>
        %dma_start3A_945 = arith.constant 0 : i32
        %dma_start3A_946 = arith.constant 0 : i32
        %dma_start3A_947 = tpu.memref_slice %arg10[%dma_start3A_945, %dma_start3A_946] : memref<10112x16xf32, #tpu.memory_space<vmem_shared>> -> memref<10112x16xf32, #tpu.memory_space<vmem_shared>>
        tpu.enqueue_indirect_dma source(%dma_start3A_947 : memref<10112x16xf32, #tpu.memory_space<vmem_shared>>) target(%dma_start3A_943 : memref<128x16xf32, #tpu.memory_space<vmem>>) offsets(%dma_start3A_944 : memref<128xi32, #tpu.memory_space<vmem>>) semaphore(%arg12 : memref<!tpu.dma_semaphore, #tpu.memory_space<semaphore_mem>>)
        %mul3A_948 = arith.constant 13 : i32
        %mul3A_949 = arith.muli %add3A_767, %mul3A_948 : i32
        %add3A_950 = arith.constant 12 : i32
        %add3A_951 = arith.addi %mul3A_949, %add3A_950 : i32
        %mul3A_952 = arith.constant 128 : i32
        %mul3A_953 = arith.muli %add3A_951, %mul3A_952 : i32
        %dma_start3A_954 = arith.constant 12 : i32
        %dma_start3A_955 = arith.constant 0 : i32
        %dma_start3A_956 = arith.constant 0 : i32
        %dma_start3A_957 = tpu.memref_slice %arg8[%rem3A_175, %dma_start3A_954, %dma_start3A_955, %dma_start3A_956] : memref<2x13x128x16xf32, #tpu.memory_space<vmem>> -> memref<1x1x128x16xf32, #tpu.memory_space<vmem>>
        %dma_start3A_958 = tpu.memref_squeeze %dma_start3A_957 : memref<1x1x128x16xf32, #tpu.memory_space<vmem>> -> memref<128x16xf32, #tpu.memory_space<vmem>>
        %dma_start3A_959 = tpu.memref_slice %arg6[%mul3A_953] : memref<10000xi32, #tpu.memory_space<vmem>> -> memref<128xi32, #tpu.memory_space<vmem>>
        %dma_start3A_960 = arith.constant 0 : i32
        %dma_start3A_961 = arith.constant 0 : i32
        %dma_start3A_962 = tpu.memref_slice %arg10[%dma_start3A_960, %dma_start3A_961] : memref<10112x16xf32, #tpu.memory_space<vmem_shared>> -> memref<10112x16xf32, #tpu.memory_space<vmem_shared>>
        tpu.enqueue_indirect_dma source(%dma_start3A_962 : memref<10112x16xf32, #tpu.memory_space<vmem_shared>>) target(%dma_start3A_958 : memref<128x16xf32, #tpu.memory_space<vmem>>) offsets(%dma_start3A_959 : memref<128xi32, #tpu.memory_space<vmem>>) semaphore(%arg12 : memref<!tpu.dma_semaphore, #tpu.memory_space<semaphore_mem>>)
      } else {
      }
      %mul3A_182 = arith.constant 13 : i32
      %mul3A_183 = arith.muli %add3A_170, %mul3A_182 : i32
      %add3A_184 = arith.constant 0 : i32
      %add3A_185 = arith.addi %mul3A_183, %add3A_184 : i32
      %mul3A_186 = arith.constant 128 : i32
      %mul3A_187 = arith.muli %add3A_185, %mul3A_186 : i32
      %dma_wait3A = arith.constant 0 : i32
      %dma_wait3A_188 = arith.constant 0 : i32
      %dma_wait3A_189 = arith.constant 0 : i32
      %dma_wait3A_190 = tpu.memref_slice %arg8[%rem3A_171, %dma_wait3A, %dma_wait3A_188, %dma_wait3A_189] : memref<2x13x128x16xf32, #tpu.memory_space<vmem>> -> memref<1x1x128x16xf32, #tpu.memory_space<vmem>>
      %dma_wait3A_191 = tpu.memref_squeeze %dma_wait3A_190 : memref<1x1x128x16xf32, #tpu.memory_space<vmem>> -> memref<128x16xf32, #tpu.memory_space<vmem>>
      %dma_wait3A_192 = tpu.memref_slice %arg6[%mul3A_187] : memref<10000xi32, #tpu.memory_space<vmem>> -> memref<128xi32, #tpu.memory_space<vmem>>
      %dma_wait3A_193 = arith.constant 0 : i32
      %dma_wait3A_194 = arith.constant 0 : i32
      %dma_wait3A_195 = tpu.memref_slice %arg10[%dma_wait3A_193, %dma_wait3A_194] : memref<10112x16xf32, #tpu.memory_space<vmem_shared>> -> memref<10112x16xf32, #tpu.memory_space<vmem_shared>>
      tpu.wait_indirect_dma semaphore(%arg12 : memref<!tpu.dma_semaphore, #tpu.memory_space<semaphore_mem>>) src(%dma_wait3A_195 : memref<10112x16xf32, #tpu.memory_space<vmem_shared>>) dst(%dma_wait3A_191 : memref<128x16xf32, #tpu.memory_space<vmem>>)
      %mul3A_196 = arith.constant 13 : i32
      %mul3A_197 = arith.muli %add3A_170, %mul3A_196 : i32
      %add3A_198 = arith.constant 0 : i32
      %add3A_199 = arith.addi %mul3A_197, %add3A_198 : i32
      %mul3A_200 = arith.constant 128 : i32
      %mul3A_201 = arith.muli %add3A_199, %mul3A_200 : i32
      %dma_start3A_202 = arith.constant 0 : i32
      %dma_start3A_203 = arith.constant 0 : i32
      %dma_start3A_204 = arith.constant 0 : i32
      %dma_start3A_205 = tpu.memref_slice %arg8[%rem3A_171, %dma_start3A_202, %dma_start3A_203, %dma_start3A_204] : memref<2x13x128x16xf32, #tpu.memory_space<vmem>> -> memref<1x1x128x16xf32, #tpu.memory_space<vmem>>
      %dma_start3A_206 = tpu.memref_squeeze %dma_start3A_205 : memref<1x1x128x16xf32, #tpu.memory_space<vmem>> -> memref<128x16xf32, #tpu.memory_space<vmem>>
      %dma_start3A_207 = tpu.memref_slice %arg7[%mul3A_201] : memref<10000xi32, #tpu.memory_space<vmem>> -> memref<128xi32, #tpu.memory_space<vmem>>
      %dma_start3A_208 = arith.constant 0 : i32
      %dma_start3A_209 = arith.constant 0 : i32
      %dma_start3A_210 = tpu.memref_slice %arg11[%dma_start3A_208, %dma_start3A_209] : memref<10112x16xf32, #tpu.memory_space<vmem_shared>> -> memref<10112x16xf32, #tpu.memory_space<vmem_shared>>
      tpu.enqueue_indirect_dma source(%dma_start3A_206 : memref<128x16xf32, #tpu.memory_space<vmem>>) target(%dma_start3A_210 : memref<10112x16xf32, #tpu.memory_space<vmem_shared>>) offsets(%dma_start3A_207 : memref<128xi32, #tpu.memory_space<vmem>>) semaphore(%arg13 : memref<!tpu.dma_semaphore, #tpu.memory_space<semaphore_mem>>) {add = true}
      %mul3A_211 = arith.constant 13 : i32
      %mul3A_212 = arith.muli %add3A_170, %mul3A_211 : i32
      %add3A_213 = arith.constant 1 : i32
      %add3A_214 = arith.addi %mul3A_212, %add3A_213 : i32
      %mul3A_215 = arith.constant 128 : i32
      %mul3A_216 = arith.muli %add3A_214, %mul3A_215 : i32
      %dma_wait3A_217 = arith.constant 1 : i32
      %dma_wait3A_218 = arith.constant 0 : i32
      %dma_wait3A_219 = arith.constant 0 : i32
      %dma_wait3A_220 = tpu.memref_slice %arg8[%rem3A_171, %dma_wait3A_217, %dma_wait3A_218, %dma_wait3A_219] : memref<2x13x128x16xf32, #tpu.memory_space<vmem>> -> memref<1x1x128x16xf32, #tpu.memory_space<vmem>>
      %dma_wait3A_221 = tpu.memref_squeeze %dma_wait3A_220 : memref<1x1x128x16xf32, #tpu.memory_space<vmem>> -> memref<128x16xf32, #tpu.memory_space<vmem>>
      %dma_wait3A_222 = tpu.memref_slice %arg6[%mul3A_216] : memref<10000xi32, #tpu.memory_space<vmem>> -> memref<128xi32, #tpu.memory_space<vmem>>
      %dma_wait3A_223 = arith.constant 0 : i32
      %dma_wait3A_224 = arith.constant 0 : i32
      %dma_wait3A_225 = tpu.memref_slice %arg10[%dma_wait3A_223, %dma_wait3A_224] : memref<10112x16xf32, #tpu.memory_space<vmem_shared>> -> memref<10112x16xf32, #tpu.memory_space<vmem_shared>>
      tpu.wait_indirect_dma semaphore(%arg12 : memref<!tpu.dma_semaphore, #tpu.memory_space<semaphore_mem>>) src(%dma_wait3A_225 : memref<10112x16xf32, #tpu.memory_space<vmem_shared>>) dst(%dma_wait3A_221 : memref<128x16xf32, #tpu.memory_space<vmem>>)
      %mul3A_226 = arith.constant 13 : i32
      %mul3A_227 = arith.muli %add3A_170, %mul3A_226 : i32
      %add3A_228 = arith.constant 1 : i32
      %add3A_229 = arith.addi %mul3A_227, %add3A_228 : i32
      %mul3A_230 = arith.constant 128 : i32
      %mul3A_231 = arith.muli %add3A_229, %mul3A_230 : i32
      %dma_start3A_232 = arith.constant 1 : i32
      %dma_start3A_233 = arith.constant 0 : i32
      %dma_start3A_234 = arith.constant 0 : i32
      %dma_start3A_235 = tpu.memref_slice %arg8[%rem3A_171, %dma_start3A_232, %dma_start3A_233, %dma_start3A_234] : memref<2x13x128x16xf32, #tpu.memory_space<vmem>> -> memref<1x1x128x16xf32, #tpu.memory_space<vmem>>
      %dma_start3A_236 = tpu.memref_squeeze %dma_start3A_235 : memref<1x1x128x16xf32, #tpu.memory_space<vmem>> -> memref<128x16xf32, #tpu.memory_space<vmem>>
      %dma_start3A_237 = tpu.memref_slice %arg7[%mul3A_231] : memref<10000xi32, #tpu.memory_space<vmem>> -> memref<128xi32, #tpu.memory_space<vmem>>
      %dma_start3A_238 = arith.constant 0 : i32
      %dma_start3A_239 = arith.constant 0 : i32
      %dma_start3A_240 = tpu.memref_slice %arg11[%dma_start3A_238, %dma_start3A_239] : memref<10112x16xf32, #tpu.memory_space<vmem_shared>> -> memref<10112x16xf32, #tpu.memory_space<vmem_shared>>
      tpu.enqueue_indirect_dma source(%dma_start3A_236 : memref<128x16xf32, #tpu.memory_space<vmem>>) target(%dma_start3A_240 : memref<10112x16xf32, #tpu.memory_space<vmem_shared>>) offsets(%dma_start3A_237 : memref<128xi32, #tpu.memory_space<vmem>>) semaphore(%arg13 : memref<!tpu.dma_semaphore, #tpu.memory_space<semaphore_mem>>) {add = true}
      %mul3A_241 = arith.constant 13 : i32
      %mul3A_242 = arith.muli %add3A_170, %mul3A_241 : i32
      %add3A_243 = arith.constant 2 : i32
      %add3A_244 = arith.addi %mul3A_242, %add3A_243 : i32
      %mul3A_245 = arith.constant 128 : i32
      %mul3A_246 = arith.muli %add3A_244, %mul3A_245 : i32
      %dma_wait3A_247 = arith.constant 2 : i32
      %dma_wait3A_248 = arith.constant 0 : i32
      %dma_wait3A_249 = arith.constant 0 : i32
      %dma_wait3A_250 = tpu.memref_slice %arg8[%rem3A_171, %dma_wait3A_247, %dma_wait3A_248, %dma_wait3A_249] : memref<2x13x128x16xf32, #tpu.memory_space<vmem>> -> memref<1x1x128x16xf32, #tpu.memory_space<vmem>>
      %dma_wait3A_251 = tpu.memref_squeeze %dma_wait3A_250 : memref<1x1x128x16xf32, #tpu.memory_space<vmem>> -> memref<128x16xf32, #tpu.memory_space<vmem>>
      %dma_wait3A_252 = tpu.memref_slice %arg6[%mul3A_246] : memref<10000xi32, #tpu.memory_space<vmem>> -> memref<128xi32, #tpu.memory_space<vmem>>
      %dma_wait3A_253 = arith.constant 0 : i32
      %dma_wait3A_254 = arith.constant 0 : i32
      %dma_wait3A_255 = tpu.memref_slice %arg10[%dma_wait3A_253, %dma_wait3A_254] : memref<10112x16xf32, #tpu.memory_space<vmem_shared>> -> memref<10112x16xf32, #tpu.memory_space<vmem_shared>>
      tpu.wait_indirect_dma semaphore(%arg12 : memref<!tpu.dma_semaphore, #tpu.memory_space<semaphore_mem>>) src(%dma_wait3A_255 : memref<10112x16xf32, #tpu.memory_space<vmem_shared>>) dst(%dma_wait3A_251 : memref<128x16xf32, #tpu.memory_space<vmem>>)
      %mul3A_256 = arith.constant 13 : i32
      %mul3A_257 = arith.muli %add3A_170, %mul3A_256 : i32
      %add3A_258 = arith.constant 2 : i32
      %add3A_259 = arith.addi %mul3A_257, %add3A_258 : i32
      %mul3A_260 = arith.constant 128 : i32
      %mul3A_261 = arith.muli %add3A_259, %mul3A_260 : i32
      %dma_start3A_262 = arith.constant 2 : i32
      %dma_start3A_263 = arith.constant 0 : i32
      %dma_start3A_264 = arith.constant 0 : i32
      %dma_start3A_265 = tpu.memref_slice %arg8[%rem3A_171, %dma_start3A_262, %dma_start3A_263, %dma_start3A_264] : memref<2x13x128x16xf32, #tpu.memory_space<vmem>> -> memref<1x1x128x16xf32, #tpu.memory_space<vmem>>
      %dma_start3A_266 = tpu.memref_squeeze %dma_start3A_265 : memref<1x1x128x16xf32, #tpu.memory_space<vmem>> -> memref<128x16xf32, #tpu.memory_space<vmem>>
      %dma_start3A_267 = tpu.memref_slice %arg7[%mul3A_261] : memref<10000xi32, #tpu.memory_space<vmem>> -> memref<128xi32, #tpu.memory_space<vmem>>
      %dma_start3A_268 = arith.constant 0 : i32
      %dma_start3A_269 = arith.constant 0 : i32
      %dma_start3A_270 = tpu.memref_slice %arg11[%dma_start3A_268, %dma_start3A_269] : memref<10112x16xf32, #tpu.memory_space<vmem_shared>> -> memref<10112x16xf32, #tpu.memory_space<vmem_shared>>
      tpu.enqueue_indirect_dma source(%dma_start3A_266 : memref<128x16xf32, #tpu.memory_space<vmem>>) target(%dma_start3A_270 : memref<10112x16xf32, #tpu.memory_space<vmem_shared>>) offsets(%dma_start3A_267 : memref<128xi32, #tpu.memory_space<vmem>>) semaphore(%arg13 : memref<!tpu.dma_semaphore, #tpu.memory_space<semaphore_mem>>) {add = true}
      %mul3A_271 = arith.constant 13 : i32
      %mul3A_272 = arith.muli %add3A_170, %mul3A_271 : i32
      %add3A_273 = arith.constant 3 : i32
      %add3A_274 = arith.addi %mul3A_272, %add3A_273 : i32
      %mul3A_275 = arith.constant 128 : i32
      %mul3A_276 = arith.muli %add3A_274, %mul3A_275 : i32
      %dma_wait3A_277 = arith.constant 3 : i32
      %dma_wait3A_278 = arith.constant 0 : i32
      %dma_wait3A_279 = arith.constant 0 : i32
      %dma_wait3A_280 = tpu.memref_slice %arg8[%rem3A_171, %dma_wait3A_277, %dma_wait3A_278, %dma_wait3A_279] : memref<2x13x128x16xf32, #tpu.memory_space<vmem>> -> memref<1x1x128x16xf32, #tpu.memory_space<vmem>>
      %dma_wait3A_281 = tpu.memref_squeeze %dma_wait3A_280 : memref<1x1x128x16xf32, #tpu.memory_space<vmem>> -> memref<128x16xf32, #tpu.memory_space<vmem>>
      %dma_wait3A_282 = tpu.memref_slice %arg6[%mul3A_276] : memref<10000xi32, #tpu.memory_space<vmem>> -> memref<128xi32, #tpu.memory_space<vmem>>
      %dma_wait3A_283 = arith.constant 0 : i32
      %dma_wait3A_284 = arith.constant 0 : i32
      %dma_wait3A_285 = tpu.memref_slice %arg10[%dma_wait3A_283, %dma_wait3A_284] : memref<10112x16xf32, #tpu.memory_space<vmem_shared>> -> memref<10112x16xf32, #tpu.memory_space<vmem_shared>>
      tpu.wait_indirect_dma semaphore(%arg12 : memref<!tpu.dma_semaphore, #tpu.memory_space<semaphore_mem>>) src(%dma_wait3A_285 : memref<10112x16xf32, #tpu.memory_space<vmem_shared>>) dst(%dma_wait3A_281 : memref<128x16xf32, #tpu.memory_space<vmem>>)
      %mul3A_286 = arith.constant 13 : i32
      %mul3A_287 = arith.muli %add3A_170, %mul3A_286 : i32
      %add3A_288 = arith.constant 3 : i32
      %add3A_289 = arith.addi %mul3A_287, %add3A_288 : i32
      %mul3A_290 = arith.constant 128 : i32
      %mul3A_291 = arith.muli %add3A_289, %mul3A_290 : i32
      %dma_start3A_292 = arith.constant 3 : i32
      %dma_start3A_293 = arith.constant 0 : i32
      %dma_start3A_294 = arith.constant 0 : i32
      %dma_start3A_295 = tpu.memref_slice %arg8[%rem3A_171, %dma_start3A_292, %dma_start3A_293, %dma_start3A_294] : memref<2x13x128x16xf32, #tpu.memory_space<vmem>> -> memref<1x1x128x16xf32, #tpu.memory_space<vmem>>
      %dma_start3A_296 = tpu.memref_squeeze %dma_start3A_295 : memref<1x1x128x16xf32, #tpu.memory_space<vmem>> -> memref<128x16xf32, #tpu.memory_space<vmem>>
      %dma_start3A_297 = tpu.memref_slice %arg7[%mul3A_291] : memref<10000xi32, #tpu.memory_space<vmem>> -> memref<128xi32, #tpu.memory_space<vmem>>
      %dma_start3A_298 = arith.constant 0 : i32
      %dma_start3A_299 = arith.constant 0 : i32
      %dma_start3A_300 = tpu.memref_slice %arg11[%dma_start3A_298, %dma_start3A_299] : memref<10112x16xf32, #tpu.memory_space<vmem_shared>> -> memref<10112x16xf32, #tpu.memory_space<vmem_shared>>
      tpu.enqueue_indirect_dma source(%dma_start3A_296 : memref<128x16xf32, #tpu.memory_space<vmem>>) target(%dma_start3A_300 : memref<10112x16xf32, #tpu.memory_space<vmem_shared>>) offsets(%dma_start3A_297 : memref<128xi32, #tpu.memory_space<vmem>>) semaphore(%arg13 : memref<!tpu.dma_semaphore, #tpu.memory_space<semaphore_mem>>) {add = true}
      %mul3A_301 = arith.constant 13 : i32
      %mul3A_302 = arith.muli %add3A_170, %mul3A_301 : i32
      %add3A_303 = arith.constant 4 : i32
      %add3A_304 = arith.addi %mul3A_302, %add3A_303 : i32
      %mul3A_305 = arith.constant 128 : i32
      %mul3A_306 = arith.muli %add3A_304, %mul3A_305 : i32
      %dma_wait3A_307 = arith.constant 4 : i32
      %dma_wait3A_308 = arith.constant 0 : i32
      %dma_wait3A_309 = arith.constant 0 : i32
      %dma_wait3A_310 = tpu.memref_slice %arg8[%rem3A_171, %dma_wait3A_307, %dma_wait3A_308, %dma_wait3A_309] : memref<2x13x128x16xf32, #tpu.memory_space<vmem>> -> memref<1x1x128x16xf32, #tpu.memory_space<vmem>>
      %dma_wait3A_311 = tpu.memref_squeeze %dma_wait3A_310 : memref<1x1x128x16xf32, #tpu.memory_space<vmem>> -> memref<128x16xf32, #tpu.memory_space<vmem>>
      %dma_wait3A_312 = tpu.memref_slice %arg6[%mul3A_306] : memref<10000xi32, #tpu.memory_space<vmem>> -> memref<128xi32, #tpu.memory_space<vmem>>
      %dma_wait3A_313 = arith.constant 0 : i32
      %dma_wait3A_314 = arith.constant 0 : i32
      %dma_wait3A_315 = tpu.memref_slice %arg10[%dma_wait3A_313, %dma_wait3A_314] : memref<10112x16xf32, #tpu.memory_space<vmem_shared>> -> memref<10112x16xf32, #tpu.memory_space<vmem_shared>>
      tpu.wait_indirect_dma semaphore(%arg12 : memref<!tpu.dma_semaphore, #tpu.memory_space<semaphore_mem>>) src(%dma_wait3A_315 : memref<10112x16xf32, #tpu.memory_space<vmem_shared>>) dst(%dma_wait3A_311 : memref<128x16xf32, #tpu.memory_space<vmem>>)
      %mul3A_316 = arith.constant 13 : i32
      %mul3A_317 = arith.muli %add3A_170, %mul3A_316 : i32
      %add3A_318 = arith.constant 4 : i32
      %add3A_319 = arith.addi %mul3A_317, %add3A_318 : i32
      %mul3A_320 = arith.constant 128 : i32
      %mul3A_321 = arith.muli %add3A_319, %mul3A_320 : i32
      %dma_start3A_322 = arith.constant 4 : i32
      %dma_start3A_323 = arith.constant 0 : i32
      %dma_start3A_324 = arith.constant 0 : i32
      %dma_start3A_325 = tpu.memref_slice %arg8[%rem3A_171, %dma_start3A_322, %dma_start3A_323, %dma_start3A_324] : memref<2x13x128x16xf32, #tpu.memory_space<vmem>> -> memref<1x1x128x16xf32, #tpu.memory_space<vmem>>
      %dma_start3A_326 = tpu.memref_squeeze %dma_start3A_325 : memref<1x1x128x16xf32, #tpu.memory_space<vmem>> -> memref<128x16xf32, #tpu.memory_space<vmem>>
      %dma_start3A_327 = tpu.memref_slice %arg7[%mul3A_321] : memref<10000xi32, #tpu.memory_space<vmem>> -> memref<128xi32, #tpu.memory_space<vmem>>
      %dma_start3A_328 = arith.constant 0 : i32
      %dma_start3A_329 = arith.constant 0 : i32
      %dma_start3A_330 = tpu.memref_slice %arg11[%dma_start3A_328, %dma_start3A_329] : memref<10112x16xf32, #tpu.memory_space<vmem_shared>> -> memref<10112x16xf32, #tpu.memory_space<vmem_shared>>
      tpu.enqueue_indirect_dma source(%dma_start3A_326 : memref<128x16xf32, #tpu.memory_space<vmem>>) target(%dma_start3A_330 : memref<10112x16xf32, #tpu.memory_space<vmem_shared>>) offsets(%dma_start3A_327 : memref<128xi32, #tpu.memory_space<vmem>>) semaphore(%arg13 : memref<!tpu.dma_semaphore, #tpu.memory_space<semaphore_mem>>) {add = true}
      %mul3A_331 = arith.constant 13 : i32
      %mul3A_332 = arith.muli %add3A_170, %mul3A_331 : i32
      %add3A_333 = arith.constant 5 : i32
      %add3A_334 = arith.addi %mul3A_332, %add3A_333 : i32
      %mul3A_335 = arith.constant 128 : i32
      %mul3A_336 = arith.muli %add3A_334, %mul3A_335 : i32
      %dma_wait3A_337 = arith.constant 5 : i32
      %dma_wait3A_338 = arith.constant 0 : i32
      %dma_wait3A_339 = arith.constant 0 : i32
      %dma_wait3A_340 = tpu.memref_slice %arg8[%rem3A_171, %dma_wait3A_337, %dma_wait3A_338, %dma_wait3A_339] : memref<2x13x128x16xf32, #tpu.memory_space<vmem>> -> memref<1x1x128x16xf32, #tpu.memory_space<vmem>>
      %dma_wait3A_341 = tpu.memref_squeeze %dma_wait3A_340 : memref<1x1x128x16xf32, #tpu.memory_space<vmem>> -> memref<128x16xf32, #tpu.memory_space<vmem>>
      %dma_wait3A_342 = tpu.memref_slice %arg6[%mul3A_336] : memref<10000xi32, #tpu.memory_space<vmem>> -> memref<128xi32, #tpu.memory_space<vmem>>
      %dma_wait3A_343 = arith.constant 0 : i32
      %dma_wait3A_344 = arith.constant 0 : i32
      %dma_wait3A_345 = tpu.memref_slice %arg10[%dma_wait3A_343, %dma_wait3A_344] : memref<10112x16xf32, #tpu.memory_space<vmem_shared>> -> memref<10112x16xf32, #tpu.memory_space<vmem_shared>>
      tpu.wait_indirect_dma semaphore(%arg12 : memref<!tpu.dma_semaphore, #tpu.memory_space<semaphore_mem>>) src(%dma_wait3A_345 : memref<10112x16xf32, #tpu.memory_space<vmem_shared>>) dst(%dma_wait3A_341 : memref<128x16xf32, #tpu.memory_space<vmem>>)
      %mul3A_346 = arith.constant 13 : i32
      %mul3A_347 = arith.muli %add3A_170, %mul3A_346 : i32
      %add3A_348 = arith.constant 5 : i32
      %add3A_349 = arith.addi %mul3A_347, %add3A_348 : i32
      %mul3A_350 = arith.constant 128 : i32
      %mul3A_351 = arith.muli %add3A_349, %mul3A_350 : i32
      %dma_start3A_352 = arith.constant 5 : i32
      %dma_start3A_353 = arith.constant 0 : i32
      %dma_start3A_354 = arith.constant 0 : i32
      %dma_start3A_355 = tpu.memref_slice %arg8[%rem3A_171, %dma_start3A_352, %dma_start3A_353, %dma_start3A_354] : memref<2x13x128x16xf32, #tpu.memory_space<vmem>> -> memref<1x1x128x16xf32, #tpu.memory_space<vmem>>
      %dma_start3A_356 = tpu.memref_squeeze %dma_start3A_355 : memref<1x1x128x16xf32, #tpu.memory_space<vmem>> -> memref<128x16xf32, #tpu.memory_space<vmem>>
      %dma_start3A_357 = tpu.memref_slice %arg7[%mul3A_351] : memref<10000xi32, #tpu.memory_space<vmem>> -> memref<128xi32, #tpu.memory_space<vmem>>
      %dma_start3A_358 = arith.constant 0 : i32
      %dma_start3A_359 = arith.constant 0 : i32
      %dma_start3A_360 = tpu.memref_slice %arg11[%dma_start3A_358, %dma_start3A_359] : memref<10112x16xf32, #tpu.memory_space<vmem_shared>> -> memref<10112x16xf32, #tpu.memory_space<vmem_shared>>
      tpu.enqueue_indirect_dma source(%dma_start3A_356 : memref<128x16xf32, #tpu.memory_space<vmem>>) target(%dma_start3A_360 : memref<10112x16xf32, #tpu.memory_space<vmem_shared>>) offsets(%dma_start3A_357 : memref<128xi32, #tpu.memory_space<vmem>>) semaphore(%arg13 : memref<!tpu.dma_semaphore, #tpu.memory_space<semaphore_mem>>) {add = true}
      %mul3A_361 = arith.constant 13 : i32
      %mul3A_362 = arith.muli %add3A_170, %mul3A_361 : i32
      %add3A_363 = arith.constant 6 : i32
      %add3A_364 = arith.addi %mul3A_362, %add3A_363 : i32
      %mul3A_365 = arith.constant 128 : i32
      %mul3A_366 = arith.muli %add3A_364, %mul3A_365 : i32
      %dma_wait3A_367 = arith.constant 6 : i32
      %dma_wait3A_368 = arith.constant 0 : i32
      %dma_wait3A_369 = arith.constant 0 : i32
      %dma_wait3A_370 = tpu.memref_slice %arg8[%rem3A_171, %dma_wait3A_367, %dma_wait3A_368, %dma_wait3A_369] : memref<2x13x128x16xf32, #tpu.memory_space<vmem>> -> memref<1x1x128x16xf32, #tpu.memory_space<vmem>>
      %dma_wait3A_371 = tpu.memref_squeeze %dma_wait3A_370 : memref<1x1x128x16xf32, #tpu.memory_space<vmem>> -> memref<128x16xf32, #tpu.memory_space<vmem>>
      %dma_wait3A_372 = tpu.memref_slice %arg6[%mul3A_366] : memref<10000xi32, #tpu.memory_space<vmem>> -> memref<128xi32, #tpu.memory_space<vmem>>
      %dma_wait3A_373 = arith.constant 0 : i32
      %dma_wait3A_374 = arith.constant 0 : i32
      %dma_wait3A_375 = tpu.memref_slice %arg10[%dma_wait3A_373, %dma_wait3A_374] : memref<10112x16xf32, #tpu.memory_space<vmem_shared>> -> memref<10112x16xf32, #tpu.memory_space<vmem_shared>>
      tpu.wait_indirect_dma semaphore(%arg12 : memref<!tpu.dma_semaphore, #tpu.memory_space<semaphore_mem>>) src(%dma_wait3A_375 : memref<10112x16xf32, #tpu.memory_space<vmem_shared>>) dst(%dma_wait3A_371 : memref<128x16xf32, #tpu.memory_space<vmem>>)
      %mul3A_376 = arith.constant 13 : i32
      %mul3A_377 = arith.muli %add3A_170, %mul3A_376 : i32
      %add3A_378 = arith.constant 6 : i32
      %add3A_379 = arith.addi %mul3A_377, %add3A_378 : i32
      %mul3A_380 = arith.constant 128 : i32
      %mul3A_381 = arith.muli %add3A_379, %mul3A_380 : i32
      %dma_start3A_382 = arith.constant 6 : i32
      %dma_start3A_383 = arith.constant 0 : i32
      %dma_start3A_384 = arith.constant 0 : i32
      %dma_start3A_385 = tpu.memref_slice %arg8[%rem3A_171, %dma_start3A_382, %dma_start3A_383, %dma_start3A_384] : memref<2x13x128x16xf32, #tpu.memory_space<vmem>> -> memref<1x1x128x16xf32, #tpu.memory_space<vmem>>
      %dma_start3A_386 = tpu.memref_squeeze %dma_start3A_385 : memref<1x1x128x16xf32, #tpu.memory_space<vmem>> -> memref<128x16xf32, #tpu.memory_space<vmem>>
      %dma_start3A_387 = tpu.memref_slice %arg7[%mul3A_381] : memref<10000xi32, #tpu.memory_space<vmem>> -> memref<128xi32, #tpu.memory_space<vmem>>
      %dma_start3A_388 = arith.constant 0 : i32
      %dma_start3A_389 = arith.constant 0 : i32
      %dma_start3A_390 = tpu.memref_slice %arg11[%dma_start3A_388, %dma_start3A_389] : memref<10112x16xf32, #tpu.memory_space<vmem_shared>> -> memref<10112x16xf32, #tpu.memory_space<vmem_shared>>
      tpu.enqueue_indirect_dma source(%dma_start3A_386 : memref<128x16xf32, #tpu.memory_space<vmem>>) target(%dma_start3A_390 : memref<10112x16xf32, #tpu.memory_space<vmem_shared>>) offsets(%dma_start3A_387 : memref<128xi32, #tpu.memory_space<vmem>>) semaphore(%arg13 : memref<!tpu.dma_semaphore, #tpu.memory_space<semaphore_mem>>) {add = true}
      %mul3A_391 = arith.constant 13 : i32
      %mul3A_392 = arith.muli %add3A_170, %mul3A_391 : i32
      %add3A_393 = arith.constant 7 : i32
      %add3A_394 = arith.addi %mul3A_392, %add3A_393 : i32
      %mul3A_395 = arith.constant 128 : i32
      %mul3A_396 = arith.muli %add3A_394, %mul3A_395 : i32
      %dma_wait3A_397 = arith.constant 7 : i32
      %dma_wait3A_398 = arith.constant 0 : i32
      %dma_wait3A_399 = arith.constant 0 : i32
      %dma_wait3A_400 = tpu.memref_slice %arg8[%rem3A_171, %dma_wait3A_397, %dma_wait3A_398, %dma_wait3A_399] : memref<2x13x128x16xf32, #tpu.memory_space<vmem>> -> memref<1x1x128x16xf32, #tpu.memory_space<vmem>>
      %dma_wait3A_401 = tpu.memref_squeeze %dma_wait3A_400 : memref<1x1x128x16xf32, #tpu.memory_space<vmem>> -> memref<128x16xf32, #tpu.memory_space<vmem>>
      %dma_wait3A_402 = tpu.memref_slice %arg6[%mul3A_396] : memref<10000xi32, #tpu.memory_space<vmem>> -> memref<128xi32, #tpu.memory_space<vmem>>
      %dma_wait3A_403 = arith.constant 0 : i32
      %dma_wait3A_404 = arith.constant 0 : i32
      %dma_wait3A_405 = tpu.memref_slice %arg10[%dma_wait3A_403, %dma_wait3A_404] : memref<10112x16xf32, #tpu.memory_space<vmem_shared>> -> memref<10112x16xf32, #tpu.memory_space<vmem_shared>>
      tpu.wait_indirect_dma semaphore(%arg12 : memref<!tpu.dma_semaphore, #tpu.memory_space<semaphore_mem>>) src(%dma_wait3A_405 : memref<10112x16xf32, #tpu.memory_space<vmem_shared>>) dst(%dma_wait3A_401 : memref<128x16xf32, #tpu.memory_space<vmem>>)
      %mul3A_406 = arith.constant 13 : i32
      %mul3A_407 = arith.muli %add3A_170, %mul3A_406 : i32
      %add3A_408 = arith.constant 7 : i32
      %add3A_409 = arith.addi %mul3A_407, %add3A_408 : i32
      %mul3A_410 = arith.constant 128 : i32
      %mul3A_411 = arith.muli %add3A_409, %mul3A_410 : i32
      %dma_start3A_412 = arith.constant 7 : i32
      %dma_start3A_413 = arith.constant 0 : i32
      %dma_start3A_414 = arith.constant 0 : i32
      %dma_start3A_415 = tpu.memref_slice %arg8[%rem3A_171, %dma_start3A_412, %dma_start3A_413, %dma_start3A_414] : memref<2x13x128x16xf32, #tpu.memory_space<vmem>> -> memref<1x1x128x16xf32, #tpu.memory_space<vmem>>
      %dma_start3A_416 = tpu.memref_squeeze %dma_start3A_415 : memref<1x1x128x16xf32, #tpu.memory_space<vmem>> -> memref<128x16xf32, #tpu.memory_space<vmem>>
      %dma_start3A_417 = tpu.memref_slice %arg7[%mul3A_411] : memref<10000xi32, #tpu.memory_space<vmem>> -> memref<128xi32, #tpu.memory_space<vmem>>
      %dma_start3A_418 = arith.constant 0 : i32
      %dma_start3A_419 = arith.constant 0 : i32
      %dma_start3A_420 = tpu.memref_slice %arg11[%dma_start3A_418, %dma_start3A_419] : memref<10112x16xf32, #tpu.memory_space<vmem_shared>> -> memref<10112x16xf32, #tpu.memory_space<vmem_shared>>
      tpu.enqueue_indirect_dma source(%dma_start3A_416 : memref<128x16xf32, #tpu.memory_space<vmem>>) target(%dma_start3A_420 : memref<10112x16xf32, #tpu.memory_space<vmem_shared>>) offsets(%dma_start3A_417 : memref<128xi32, #tpu.memory_space<vmem>>) semaphore(%arg13 : memref<!tpu.dma_semaphore, #tpu.memory_space<semaphore_mem>>) {add = true}
      %mul3A_421 = arith.constant 13 : i32
      %mul3A_422 = arith.muli %add3A_170, %mul3A_421 : i32
      %add3A_423 = arith.constant 8 : i32
      %add3A_424 = arith.addi %mul3A_422, %add3A_423 : i32
      %mul3A_425 = arith.constant 128 : i32
      %mul3A_426 = arith.muli %add3A_424, %mul3A_425 : i32
      %dma_wait3A_427 = arith.constant 8 : i32
      %dma_wait3A_428 = arith.constant 0 : i32
      %dma_wait3A_429 = arith.constant 0 : i32
      %dma_wait3A_430 = tpu.memref_slice %arg8[%rem3A_171, %dma_wait3A_427, %dma_wait3A_428, %dma_wait3A_429] : memref<2x13x128x16xf32, #tpu.memory_space<vmem>> -> memref<1x1x128x16xf32, #tpu.memory_space<vmem>>
      %dma_wait3A_431 = tpu.memref_squeeze %dma_wait3A_430 : memref<1x1x128x16xf32, #tpu.memory_space<vmem>> -> memref<128x16xf32, #tpu.memory_space<vmem>>
      %dma_wait3A_432 = tpu.memref_slice %arg6[%mul3A_426] : memref<10000xi32, #tpu.memory_space<vmem>> -> memref<128xi32, #tpu.memory_space<vmem>>
      %dma_wait3A_433 = arith.constant 0 : i32
      %dma_wait3A_434 = arith.constant 0 : i32
      %dma_wait3A_435 = tpu.memref_slice %arg10[%dma_wait3A_433, %dma_wait3A_434] : memref<10112x16xf32, #tpu.memory_space<vmem_shared>> -> memref<10112x16xf32, #tpu.memory_space<vmem_shared>>
      tpu.wait_indirect_dma semaphore(%arg12 : memref<!tpu.dma_semaphore, #tpu.memory_space<semaphore_mem>>) src(%dma_wait3A_435 : memref<10112x16xf32, #tpu.memory_space<vmem_shared>>) dst(%dma_wait3A_431 : memref<128x16xf32, #tpu.memory_space<vmem>>)
      %mul3A_436 = arith.constant 13 : i32
      %mul3A_437 = arith.muli %add3A_170, %mul3A_436 : i32
      %add3A_438 = arith.constant 8 : i32
      %add3A_439 = arith.addi %mul3A_437, %add3A_438 : i32
      %mul3A_440 = arith.constant 128 : i32
      %mul3A_441 = arith.muli %add3A_439, %mul3A_440 : i32
      %dma_start3A_442 = arith.constant 8 : i32
      %dma_start3A_443 = arith.constant 0 : i32
      %dma_start3A_444 = arith.constant 0 : i32
      %dma_start3A_445 = tpu.memref_slice %arg8[%rem3A_171, %dma_start3A_442, %dma_start3A_443, %dma_start3A_444] : memref<2x13x128x16xf32, #tpu.memory_space<vmem>> -> memref<1x1x128x16xf32, #tpu.memory_space<vmem>>
      %dma_start3A_446 = tpu.memref_squeeze %dma_start3A_445 : memref<1x1x128x16xf32, #tpu.memory_space<vmem>> -> memref<128x16xf32, #tpu.memory_space<vmem>>
      %dma_start3A_447 = tpu.memref_slice %arg7[%mul3A_441] : memref<10000xi32, #tpu.memory_space<vmem>> -> memref<128xi32, #tpu.memory_space<vmem>>
      %dma_start3A_448 = arith.constant 0 : i32
      %dma_start3A_449 = arith.constant 0 : i32
      %dma_start3A_450 = tpu.memref_slice %arg11[%dma_start3A_448, %dma_start3A_449] : memref<10112x16xf32, #tpu.memory_space<vmem_shared>> -> memref<10112x16xf32, #tpu.memory_space<vmem_shared>>
      tpu.enqueue_indirect_dma source(%dma_start3A_446 : memref<128x16xf32, #tpu.memory_space<vmem>>) target(%dma_start3A_450 : memref<10112x16xf32, #tpu.memory_space<vmem_shared>>) offsets(%dma_start3A_447 : memref<128xi32, #tpu.memory_space<vmem>>) semaphore(%arg13 : memref<!tpu.dma_semaphore, #tpu.memory_space<semaphore_mem>>) {add = true}
      %mul3A_451 = arith.constant 13 : i32
      %mul3A_452 = arith.muli %add3A_170, %mul3A_451 : i32
      %add3A_453 = arith.constant 9 : i32
      %add3A_454 = arith.addi %mul3A_452, %add3A_453 : i32
      %mul3A_455 = arith.constant 128 : i32
      %mul3A_456 = arith.muli %add3A_454, %mul3A_455 : i32
      %dma_wait3A_457 = arith.constant 9 : i32
      %dma_wait3A_458 = arith.constant 0 : i32
      %dma_wait3A_459 = arith.constant 0 : i32
      %dma_wait3A_460 = tpu.memref_slice %arg8[%rem3A_171, %dma_wait3A_457, %dma_wait3A_458, %dma_wait3A_459] : memref<2x13x128x16xf32, #tpu.memory_space<vmem>> -> memref<1x1x128x16xf32, #tpu.memory_space<vmem>>
      %dma_wait3A_461 = tpu.memref_squeeze %dma_wait3A_460 : memref<1x1x128x16xf32, #tpu.memory_space<vmem>> -> memref<128x16xf32, #tpu.memory_space<vmem>>
      %dma_wait3A_462 = tpu.memref_slice %arg6[%mul3A_456] : memref<10000xi32, #tpu.memory_space<vmem>> -> memref<128xi32, #tpu.memory_space<vmem>>
      %dma_wait3A_463 = arith.constant 0 : i32
      %dma_wait3A_464 = arith.constant 0 : i32
      %dma_wait3A_465 = tpu.memref_slice %arg10[%dma_wait3A_463, %dma_wait3A_464] : memref<10112x16xf32, #tpu.memory_space<vmem_shared>> -> memref<10112x16xf32, #tpu.memory_space<vmem_shared>>
      tpu.wait_indirect_dma semaphore(%arg12 : memref<!tpu.dma_semaphore, #tpu.memory_space<semaphore_mem>>) src(%dma_wait3A_465 : memref<10112x16xf32, #tpu.memory_space<vmem_shared>>) dst(%dma_wait3A_461 : memref<128x16xf32, #tpu.memory_space<vmem>>)
      %mul3A_466 = arith.constant 13 : i32
      %mul3A_467 = arith.muli %add3A_170, %mul3A_466 : i32
      %add3A_468 = arith.constant 9 : i32
      %add3A_469 = arith.addi %mul3A_467, %add3A_468 : i32
      %mul3A_470 = arith.constant 128 : i32
      %mul3A_471 = arith.muli %add3A_469, %mul3A_470 : i32
      %dma_start3A_472 = arith.constant 9 : i32
      %dma_start3A_473 = arith.constant 0 : i32
      %dma_start3A_474 = arith.constant 0 : i32
      %dma_start3A_475 = tpu.memref_slice %arg8[%rem3A_171, %dma_start3A_472, %dma_start3A_473, %dma_start3A_474] : memref<2x13x128x16xf32, #tpu.memory_space<vmem>> -> memref<1x1x128x16xf32, #tpu.memory_space<vmem>>
      %dma_start3A_476 = tpu.memref_squeeze %dma_start3A_475 : memref<1x1x128x16xf32, #tpu.memory_space<vmem>> -> memref<128x16xf32, #tpu.memory_space<vmem>>
      %dma_start3A_477 = tpu.memref_slice %arg7[%mul3A_471] : memref<10000xi32, #tpu.memory_space<vmem>> -> memref<128xi32, #tpu.memory_space<vmem>>
      %dma_start3A_478 = arith.constant 0 : i32
      %dma_start3A_479 = arith.constant 0 : i32
      %dma_start3A_480 = tpu.memref_slice %arg11[%dma_start3A_478, %dma_start3A_479] : memref<10112x16xf32, #tpu.memory_space<vmem_shared>> -> memref<10112x16xf32, #tpu.memory_space<vmem_shared>>
      tpu.enqueue_indirect_dma source(%dma_start3A_476 : memref<128x16xf32, #tpu.memory_space<vmem>>) target(%dma_start3A_480 : memref<10112x16xf32, #tpu.memory_space<vmem_shared>>) offsets(%dma_start3A_477 : memref<128xi32, #tpu.memory_space<vmem>>) semaphore(%arg13 : memref<!tpu.dma_semaphore, #tpu.memory_space<semaphore_mem>>) {add = true}
      %mul3A_481 = arith.constant 13 : i32
      %mul3A_482 = arith.muli %add3A_170, %mul3A_481 : i32
      %add3A_483 = arith.constant 10 : i32
      %add3A_484 = arith.addi %mul3A_482, %add3A_483 : i32
      %mul3A_485 = arith.constant 128 : i32
      %mul3A_486 = arith.muli %add3A_484, %mul3A_485 : i32
      %dma_wait3A_487 = arith.constant 10 : i32
      %dma_wait3A_488 = arith.constant 0 : i32
      %dma_wait3A_489 = arith.constant 0 : i32
      %dma_wait3A_490 = tpu.memref_slice %arg8[%rem3A_171, %dma_wait3A_487, %dma_wait3A_488, %dma_wait3A_489] : memref<2x13x128x16xf32, #tpu.memory_space<vmem>> -> memref<1x1x128x16xf32, #tpu.memory_space<vmem>>
      %dma_wait3A_491 = tpu.memref_squeeze %dma_wait3A_490 : memref<1x1x128x16xf32, #tpu.memory_space<vmem>> -> memref<128x16xf32, #tpu.memory_space<vmem>>
      %dma_wait3A_492 = tpu.memref_slice %arg6[%mul3A_486] : memref<10000xi32, #tpu.memory_space<vmem>> -> memref<128xi32, #tpu.memory_space<vmem>>
      %dma_wait3A_493 = arith.constant 0 : i32
      %dma_wait3A_494 = arith.constant 0 : i32
      %dma_wait3A_495 = tpu.memref_slice %arg10[%dma_wait3A_493, %dma_wait3A_494] : memref<10112x16xf32, #tpu.memory_space<vmem_shared>> -> memref<10112x16xf32, #tpu.memory_space<vmem_shared>>
      tpu.wait_indirect_dma semaphore(%arg12 : memref<!tpu.dma_semaphore, #tpu.memory_space<semaphore_mem>>) src(%dma_wait3A_495 : memref<10112x16xf32, #tpu.memory_space<vmem_shared>>) dst(%dma_wait3A_491 : memref<128x16xf32, #tpu.memory_space<vmem>>)
      %mul3A_496 = arith.constant 13 : i32
      %mul3A_497 = arith.muli %add3A_170, %mul3A_496 : i32
      %add3A_498 = arith.constant 10 : i32
      %add3A_499 = arith.addi %mul3A_497, %add3A_498 : i32
      %mul3A_500 = arith.constant 128 : i32
      %mul3A_501 = arith.muli %add3A_499, %mul3A_500 : i32
      %dma_start3A_502 = arith.constant 10 : i32
      %dma_start3A_503 = arith.constant 0 : i32
      %dma_start3A_504 = arith.constant 0 : i32
      %dma_start3A_505 = tpu.memref_slice %arg8[%rem3A_171, %dma_start3A_502, %dma_start3A_503, %dma_start3A_504] : memref<2x13x128x16xf32, #tpu.memory_space<vmem>> -> memref<1x1x128x16xf32, #tpu.memory_space<vmem>>
      %dma_start3A_506 = tpu.memref_squeeze %dma_start3A_505 : memref<1x1x128x16xf32, #tpu.memory_space<vmem>> -> memref<128x16xf32, #tpu.memory_space<vmem>>
      %dma_start3A_507 = tpu.memref_slice %arg7[%mul3A_501] : memref<10000xi32, #tpu.memory_space<vmem>> -> memref<128xi32, #tpu.memory_space<vmem>>
      %dma_start3A_508 = arith.constant 0 : i32
      %dma_start3A_509 = arith.constant 0 : i32
      %dma_start3A_510 = tpu.memref_slice %arg11[%dma_start3A_508, %dma_start3A_509] : memref<10112x16xf32, #tpu.memory_space<vmem_shared>> -> memref<10112x16xf32, #tpu.memory_space<vmem_shared>>
      tpu.enqueue_indirect_dma source(%dma_start3A_506 : memref<128x16xf32, #tpu.memory_space<vmem>>) target(%dma_start3A_510 : memref<10112x16xf32, #tpu.memory_space<vmem_shared>>) offsets(%dma_start3A_507 : memref<128xi32, #tpu.memory_space<vmem>>) semaphore(%arg13 : memref<!tpu.dma_semaphore, #tpu.memory_space<semaphore_mem>>) {add = true}
      %mul3A_511 = arith.constant 13 : i32
      %mul3A_512 = arith.muli %add3A_170, %mul3A_511 : i32
      %add3A_513 = arith.constant 11 : i32
      %add3A_514 = arith.addi %mul3A_512, %add3A_513 : i32
      %mul3A_515 = arith.constant 128 : i32
      %mul3A_516 = arith.muli %add3A_514, %mul3A_515 : i32
      %dma_wait3A_517 = arith.constant 11 : i32
      %dma_wait3A_518 = arith.constant 0 : i32
      %dma_wait3A_519 = arith.constant 0 : i32
      %dma_wait3A_520 = tpu.memref_slice %arg8[%rem3A_171, %dma_wait3A_517, %dma_wait3A_518, %dma_wait3A_519] : memref<2x13x128x16xf32, #tpu.memory_space<vmem>> -> memref<1x1x128x16xf32, #tpu.memory_space<vmem>>
      %dma_wait3A_521 = tpu.memref_squeeze %dma_wait3A_520 : memref<1x1x128x16xf32, #tpu.memory_space<vmem>> -> memref<128x16xf32, #tpu.memory_space<vmem>>
      %dma_wait3A_522 = tpu.memref_slice %arg6[%mul3A_516] : memref<10000xi32, #tpu.memory_space<vmem>> -> memref<128xi32, #tpu.memory_space<vmem>>
      %dma_wait3A_523 = arith.constant 0 : i32
      %dma_wait3A_524 = arith.constant 0 : i32
      %dma_wait3A_525 = tpu.memref_slice %arg10[%dma_wait3A_523, %dma_wait3A_524] : memref<10112x16xf32, #tpu.memory_space<vmem_shared>> -> memref<10112x16xf32, #tpu.memory_space<vmem_shared>>
      tpu.wait_indirect_dma semaphore(%arg12 : memref<!tpu.dma_semaphore, #tpu.memory_space<semaphore_mem>>) src(%dma_wait3A_525 : memref<10112x16xf32, #tpu.memory_space<vmem_shared>>) dst(%dma_wait3A_521 : memref<128x16xf32, #tpu.memory_space<vmem>>)
      %mul3A_526 = arith.constant 13 : i32
      %mul3A_527 = arith.muli %add3A_170, %mul3A_526 : i32
      %add3A_528 = arith.constant 11 : i32
      %add3A_529 = arith.addi %mul3A_527, %add3A_528 : i32
      %mul3A_530 = arith.constant 128 : i32
      %mul3A_531 = arith.muli %add3A_529, %mul3A_530 : i32
      %dma_start3A_532 = arith.constant 11 : i32
      %dma_start3A_533 = arith.constant 0 : i32
      %dma_start3A_534 = arith.constant 0 : i32
      %dma_start3A_535 = tpu.memref_slice %arg8[%rem3A_171, %dma_start3A_532, %dma_start3A_533, %dma_start3A_534] : memref<2x13x128x16xf32, #tpu.memory_space<vmem>> -> memref<1x1x128x16xf32, #tpu.memory_space<vmem>>
      %dma_start3A_536 = tpu.memref_squeeze %dma_start3A_535 : memref<1x1x128x16xf32, #tpu.memory_space<vmem>> -> memref<128x16xf32, #tpu.memory_space<vmem>>
      %dma_start3A_537 = tpu.memref_slice %arg7[%mul3A_531] : memref<10000xi32, #tpu.memory_space<vmem>> -> memref<128xi32, #tpu.memory_space<vmem>>
      %dma_start3A_538 = arith.constant 0 : i32
      %dma_start3A_539 = arith.constant 0 : i32
      %dma_start3A_540 = tpu.memref_slice %arg11[%dma_start3A_538, %dma_start3A_539] : memref<10112x16xf32, #tpu.memory_space<vmem_shared>> -> memref<10112x16xf32, #tpu.memory_space<vmem_shared>>
      tpu.enqueue_indirect_dma source(%dma_start3A_536 : memref<128x16xf32, #tpu.memory_space<vmem>>) target(%dma_start3A_540 : memref<10112x16xf32, #tpu.memory_space<vmem_shared>>) offsets(%dma_start3A_537 : memref<128xi32, #tpu.memory_space<vmem>>) semaphore(%arg13 : memref<!tpu.dma_semaphore, #tpu.memory_space<semaphore_mem>>) {add = true}
      %mul3A_541 = arith.constant 13 : i32
      %mul3A_542 = arith.muli %add3A_170, %mul3A_541 : i32
      %add3A_543 = arith.constant 12 : i32
      %add3A_544 = arith.addi %mul3A_542, %add3A_543 : i32
      %mul3A_545 = arith.constant 128 : i32
      %mul3A_546 = arith.muli %add3A_544, %mul3A_545 : i32
      %dma_wait3A_547 = arith.constant 12 : i32
      %dma_wait3A_548 = arith.constant 0 : i32
      %dma_wait3A_549 = arith.constant 0 : i32
      %dma_wait3A_550 = tpu.memref_slice %arg8[%rem3A_171, %dma_wait3A_547, %dma_wait3A_548, %dma_wait3A_549] : memref<2x13x128x16xf32, #tpu.memory_space<vmem>> -> memref<1x1x128x16xf32, #tpu.memory_space<vmem>>
      %dma_wait3A_551 = tpu.memref_squeeze %dma_wait3A_550 : memref<1x1x128x16xf32, #tpu.memory_space<vmem>> -> memref<128x16xf32, #tpu.memory_space<vmem>>
      %dma_wait3A_552 = tpu.memref_slice %arg6[%mul3A_546] : memref<10000xi32, #tpu.memory_space<vmem>> -> memref<128xi32, #tpu.memory_space<vmem>>
      %dma_wait3A_553 = arith.constant 0 : i32
      %dma_wait3A_554 = arith.constant 0 : i32
      %dma_wait3A_555 = tpu.memref_slice %arg10[%dma_wait3A_553, %dma_wait3A_554] : memref<10112x16xf32, #tpu.memory_space<vmem_shared>> -> memref<10112x16xf32, #tpu.memory_space<vmem_shared>>
      tpu.wait_indirect_dma semaphore(%arg12 : memref<!tpu.dma_semaphore, #tpu.memory_space<semaphore_mem>>) src(%dma_wait3A_555 : memref<10112x16xf32, #tpu.memory_space<vmem_shared>>) dst(%dma_wait3A_551 : memref<128x16xf32, #tpu.memory_space<vmem>>)
      %mul3A_556 = arith.constant 13 : i32
      %mul3A_557 = arith.muli %add3A_170, %mul3A_556 : i32
      %add3A_558 = arith.constant 12 : i32
      %add3A_559 = arith.addi %mul3A_557, %add3A_558 : i32
      %mul3A_560 = arith.constant 128 : i32
      %mul3A_561 = arith.muli %add3A_559, %mul3A_560 : i32
      %dma_start3A_562 = arith.constant 12 : i32
      %dma_start3A_563 = arith.constant 0 : i32
      %dma_start3A_564 = arith.constant 0 : i32
      %dma_start3A_565 = tpu.memref_slice %arg8[%rem3A_171, %dma_start3A_562, %dma_start3A_563, %dma_start3A_564] : memref<2x13x128x16xf32, #tpu.memory_space<vmem>> -> memref<1x1x128x16xf32, #tpu.memory_space<vmem>>
      %dma_start3A_566 = tpu.memref_squeeze %dma_start3A_565 : memref<1x1x128x16xf32, #tpu.memory_space<vmem>> -> memref<128x16xf32, #tpu.memory_space<vmem>>
      %dma_start3A_567 = tpu.memref_slice %arg7[%mul3A_561] : memref<10000xi32, #tpu.memory_space<vmem>> -> memref<128xi32, #tpu.memory_space<vmem>>
      %dma_start3A_568 = arith.constant 0 : i32
      %dma_start3A_569 = arith.constant 0 : i32
      %dma_start3A_570 = tpu.memref_slice %arg11[%dma_start3A_568, %dma_start3A_569] : memref<10112x16xf32, #tpu.memory_space<vmem_shared>> -> memref<10112x16xf32, #tpu.memory_space<vmem_shared>>
      tpu.enqueue_indirect_dma source(%dma_start3A_566 : memref<128x16xf32, #tpu.memory_space<vmem>>) target(%dma_start3A_570 : memref<10112x16xf32, #tpu.memory_space<vmem_shared>>) offsets(%dma_start3A_567 : memref<128xi32, #tpu.memory_space<vmem>>) semaphore(%arg13 : memref<!tpu.dma_semaphore, #tpu.memory_space<semaphore_mem>>) {add = true}
      %mul3A_571 = arith.constant 13 : i32
      %mul3A_572 = arith.muli %add3A_170, %mul3A_571 : i32
      %add3A_573 = arith.constant 0 : i32
      %add3A_574 = arith.addi %mul3A_572, %add3A_573 : i32
      %mul3A_575 = arith.constant 128 : i32
      %mul3A_576 = arith.muli %add3A_574, %mul3A_575 : i32
      %dma_wait3A_577 = arith.constant 0 : i32
      %dma_wait3A_578 = arith.constant 0 : i32
      %dma_wait3A_579 = arith.constant 0 : i32
      %dma_wait3A_580 = tpu.memref_slice %arg8[%rem3A_171, %dma_wait3A_577, %dma_wait3A_578, %dma_wait3A_579] : memref<2x13x128x16xf32, #tpu.memory_space<vmem>> -> memref<1x1x128x16xf32, #tpu.memory_space<vmem>>
      %dma_wait3A_581 = tpu.memref_squeeze %dma_wait3A_580 : memref<1x1x128x16xf32, #tpu.memory_space<vmem>> -> memref<128x16xf32, #tpu.memory_space<vmem>>
      %dma_wait3A_582 = tpu.memref_slice %arg7[%mul3A_576] : memref<10000xi32, #tpu.memory_space<vmem>> -> memref<128xi32, #tpu.memory_space<vmem>>
      %dma_wait3A_583 = arith.constant 0 : i32
      %dma_wait3A_584 = arith.constant 0 : i32
      %dma_wait3A_585 = tpu.memref_slice %arg11[%dma_wait3A_583, %dma_wait3A_584] : memref<10112x16xf32, #tpu.memory_space<vmem_shared>> -> memref<10112x16xf32, #tpu.memory_space<vmem_shared>>
      tpu.wait_indirect_dma semaphore(%arg13 : memref<!tpu.dma_semaphore, #tpu.memory_space<semaphore_mem>>) src(%dma_wait3A_581 : memref<128x16xf32, #tpu.memory_space<vmem>>) dst(%dma_wait3A_585 : memref<10112x16xf32, #tpu.memory_space<vmem_shared>>)
      %mul3A_586 = arith.constant 13 : i32
      %mul3A_587 = arith.muli %add3A_170, %mul3A_586 : i32
      %add3A_588 = arith.constant 1 : i32
      %add3A_589 = arith.addi %mul3A_587, %add3A_588 : i32
      %mul3A_590 = arith.constant 128 : i32
      %mul3A_591 = arith.muli %add3A_589, %mul3A_590 : i32
      %dma_wait3A_592 = arith.constant 1 : i32
      %dma_wait3A_593 = arith.constant 0 : i32
      %dma_wait3A_594 = arith.constant 0 : i32
      %dma_wait3A_595 = tpu.memref_slice %arg8[%rem3A_171, %dma_wait3A_592, %dma_wait3A_593, %dma_wait3A_594] : memref<2x13x128x16xf32, #tpu.memory_space<vmem>> -> memref<1x1x128x16xf32, #tpu.memory_space<vmem>>
      %dma_wait3A_596 = tpu.memref_squeeze %dma_wait3A_595 : memref<1x1x128x16xf32, #tpu.memory_space<vmem>> -> memref<128x16xf32, #tpu.memory_space<vmem>>
      %dma_wait3A_597 = tpu.memref_slice %arg7[%mul3A_591] : memref<10000xi32, #tpu.memory_space<vmem>> -> memref<128xi32, #tpu.memory_space<vmem>>
      %dma_wait3A_598 = arith.constant 0 : i32
      %dma_wait3A_599 = arith.constant 0 : i32
      %dma_wait3A_600 = tpu.memref_slice %arg11[%dma_wait3A_598, %dma_wait3A_599] : memref<10112x16xf32, #tpu.memory_space<vmem_shared>> -> memref<10112x16xf32, #tpu.memory_space<vmem_shared>>
      tpu.wait_indirect_dma semaphore(%arg13 : memref<!tpu.dma_semaphore, #tpu.memory_space<semaphore_mem>>) src(%dma_wait3A_596 : memref<128x16xf32, #tpu.memory_space<vmem>>) dst(%dma_wait3A_600 : memref<10112x16xf32, #tpu.memory_space<vmem_shared>>)
      %mul3A_601 = arith.constant 13 : i32
      %mul3A_602 = arith.muli %add3A_170, %mul3A_601 : i32
      %add3A_603 = arith.constant 2 : i32
      %add3A_604 = arith.addi %mul3A_602, %add3A_603 : i32
      %mul3A_605 = arith.constant 128 : i32
      %mul3A_606 = arith.muli %add3A_604, %mul3A_605 : i32
      %dma_wait3A_607 = arith.constant 2 : i32
      %dma_wait3A_608 = arith.constant 0 : i32
      %dma_wait3A_609 = arith.constant 0 : i32
      %dma_wait3A_610 = tpu.memref_slice %arg8[%rem3A_171, %dma_wait3A_607, %dma_wait3A_608, %dma_wait3A_609] : memref<2x13x128x16xf32, #tpu.memory_space<vmem>> -> memref<1x1x128x16xf32, #tpu.memory_space<vmem>>
      %dma_wait3A_611 = tpu.memref_squeeze %dma_wait3A_610 : memref<1x1x128x16xf32, #tpu.memory_space<vmem>> -> memref<128x16xf32, #tpu.memory_space<vmem>>
      %dma_wait3A_612 = tpu.memref_slice %arg7[%mul3A_606] : memref<10000xi32, #tpu.memory_space<vmem>> -> memref<128xi32, #tpu.memory_space<vmem>>
      %dma_wait3A_613 = arith.constant 0 : i32
      %dma_wait3A_614 = arith.constant 0 : i32
      %dma_wait3A_615 = tpu.memref_slice %arg11[%dma_wait3A_613, %dma_wait3A_614] : memref<10112x16xf32, #tpu.memory_space<vmem_shared>> -> memref<10112x16xf32, #tpu.memory_space<vmem_shared>>
      tpu.wait_indirect_dma semaphore(%arg13 : memref<!tpu.dma_semaphore, #tpu.memory_space<semaphore_mem>>) src(%dma_wait3A_611 : memref<128x16xf32, #tpu.memory_space<vmem>>) dst(%dma_wait3A_615 : memref<10112x16xf32, #tpu.memory_space<vmem_shared>>)
      %mul3A_616 = arith.constant 13 : i32
      %mul3A_617 = arith.muli %add3A_170, %mul3A_616 : i32
      %add3A_618 = arith.constant 3 : i32
      %add3A_619 = arith.addi %mul3A_617, %add3A_618 : i32
      %mul3A_620 = arith.constant 128 : i32
      %mul3A_621 = arith.muli %add3A_619, %mul3A_620 : i32
      %dma_wait3A_622 = arith.constant 3 : i32
      %dma_wait3A_623 = arith.constant 0 : i32
      %dma_wait3A_624 = arith.constant 0 : i32
      %dma_wait3A_625 = tpu.memref_slice %arg8[%rem3A_171, %dma_wait3A_622, %dma_wait3A_623, %dma_wait3A_624] : memref<2x13x128x16xf32, #tpu.memory_space<vmem>> -> memref<1x1x128x16xf32, #tpu.memory_space<vmem>>
      %dma_wait3A_626 = tpu.memref_squeeze %dma_wait3A_625 : memref<1x1x128x16xf32, #tpu.memory_space<vmem>> -> memref<128x16xf32, #tpu.memory_space<vmem>>
      %dma_wait3A_627 = tpu.memref_slice %arg7[%mul3A_621] : memref<10000xi32, #tpu.memory_space<vmem>> -> memref<128xi32, #tpu.memory_space<vmem>>
      %dma_wait3A_628 = arith.constant 0 : i32
      %dma_wait3A_629 = arith.constant 0 : i32
      %dma_wait3A_630 = tpu.memref_slice %arg11[%dma_wait3A_628, %dma_wait3A_629] : memref<10112x16xf32, #tpu.memory_space<vmem_shared>> -> memref<10112x16xf32, #tpu.memory_space<vmem_shared>>
      tpu.wait_indirect_dma semaphore(%arg13 : memref<!tpu.dma_semaphore, #tpu.memory_space<semaphore_mem>>) src(%dma_wait3A_626 : memref<128x16xf32, #tpu.memory_space<vmem>>) dst(%dma_wait3A_630 : memref<10112x16xf32, #tpu.memory_space<vmem_shared>>)
      %mul3A_631 = arith.constant 13 : i32
      %mul3A_632 = arith.muli %add3A_170, %mul3A_631 : i32
      %add3A_633 = arith.constant 4 : i32
      %add3A_634 = arith.addi %mul3A_632, %add3A_633 : i32
      %mul3A_635 = arith.constant 128 : i32
      %mul3A_636 = arith.muli %add3A_634, %mul3A_635 : i32
      %dma_wait3A_637 = arith.constant 4 : i32
      %dma_wait3A_638 = arith.constant 0 : i32
      %dma_wait3A_639 = arith.constant 0 : i32
      %dma_wait3A_640 = tpu.memref_slice %arg8[%rem3A_171, %dma_wait3A_637, %dma_wait3A_638, %dma_wait3A_639] : memref<2x13x128x16xf32, #tpu.memory_space<vmem>> -> memref<1x1x128x16xf32, #tpu.memory_space<vmem>>
      %dma_wait3A_641 = tpu.memref_squeeze %dma_wait3A_640 : memref<1x1x128x16xf32, #tpu.memory_space<vmem>> -> memref<128x16xf32, #tpu.memory_space<vmem>>
      %dma_wait3A_642 = tpu.memref_slice %arg7[%mul3A_636] : memref<10000xi32, #tpu.memory_space<vmem>> -> memref<128xi32, #tpu.memory_space<vmem>>
      %dma_wait3A_643 = arith.constant 0 : i32
      %dma_wait3A_644 = arith.constant 0 : i32
      %dma_wait3A_645 = tpu.memref_slice %arg11[%dma_wait3A_643, %dma_wait3A_644] : memref<10112x16xf32, #tpu.memory_space<vmem_shared>> -> memref<10112x16xf32, #tpu.memory_space<vmem_shared>>
      tpu.wait_indirect_dma semaphore(%arg13 : memref<!tpu.dma_semaphore, #tpu.memory_space<semaphore_mem>>) src(%dma_wait3A_641 : memref<128x16xf32, #tpu.memory_space<vmem>>) dst(%dma_wait3A_645 : memref<10112x16xf32, #tpu.memory_space<vmem_shared>>)
      %mul3A_646 = arith.constant 13 : i32
      %mul3A_647 = arith.muli %add3A_170, %mul3A_646 : i32
      %add3A_648 = arith.constant 5 : i32
      %add3A_649 = arith.addi %mul3A_647, %add3A_648 : i32
      %mul3A_650 = arith.constant 128 : i32
      %mul3A_651 = arith.muli %add3A_649, %mul3A_650 : i32
      %dma_wait3A_652 = arith.constant 5 : i32
      %dma_wait3A_653 = arith.constant 0 : i32
      %dma_wait3A_654 = arith.constant 0 : i32
      %dma_wait3A_655 = tpu.memref_slice %arg8[%rem3A_171, %dma_wait3A_652, %dma_wait3A_653, %dma_wait3A_654] : memref<2x13x128x16xf32, #tpu.memory_space<vmem>> -> memref<1x1x128x16xf32, #tpu.memory_space<vmem>>
      %dma_wait3A_656 = tpu.memref_squeeze %dma_wait3A_655 : memref<1x1x128x16xf32, #tpu.memory_space<vmem>> -> memref<128x16xf32, #tpu.memory_space<vmem>>
      %dma_wait3A_657 = tpu.memref_slice %arg7[%mul3A_651] : memref<10000xi32, #tpu.memory_space<vmem>> -> memref<128xi32, #tpu.memory_space<vmem>>
      %dma_wait3A_658 = arith.constant 0 : i32
      %dma_wait3A_659 = arith.constant 0 : i32
      %dma_wait3A_660 = tpu.memref_slice %arg11[%dma_wait3A_658, %dma_wait3A_659] : memref<10112x16xf32, #tpu.memory_space<vmem_shared>> -> memref<10112x16xf32, #tpu.memory_space<vmem_shared>>
      tpu.wait_indirect_dma semaphore(%arg13 : memref<!tpu.dma_semaphore, #tpu.memory_space<semaphore_mem>>) src(%dma_wait3A_656 : memref<128x16xf32, #tpu.memory_space<vmem>>) dst(%dma_wait3A_660 : memref<10112x16xf32, #tpu.memory_space<vmem_shared>>)
      %mul3A_661 = arith.constant 13 : i32
      %mul3A_662 = arith.muli %add3A_170, %mul3A_661 : i32
      %add3A_663 = arith.constant 6 : i32
      %add3A_664 = arith.addi %mul3A_662, %add3A_663 : i32
      %mul3A_665 = arith.constant 128 : i32
      %mul3A_666 = arith.muli %add3A_664, %mul3A_665 : i32
      %dma_wait3A_667 = arith.constant 6 : i32
      %dma_wait3A_668 = arith.constant 0 : i32
      %dma_wait3A_669 = arith.constant 0 : i32
      %dma_wait3A_670 = tpu.memref_slice %arg8[%rem3A_171, %dma_wait3A_667, %dma_wait3A_668, %dma_wait3A_669] : memref<2x13x128x16xf32, #tpu.memory_space<vmem>> -> memref<1x1x128x16xf32, #tpu.memory_space<vmem>>
      %dma_wait3A_671 = tpu.memref_squeeze %dma_wait3A_670 : memref<1x1x128x16xf32, #tpu.memory_space<vmem>> -> memref<128x16xf32, #tpu.memory_space<vmem>>
      %dma_wait3A_672 = tpu.memref_slice %arg7[%mul3A_666] : memref<10000xi32, #tpu.memory_space<vmem>> -> memref<128xi32, #tpu.memory_space<vmem>>
      %dma_wait3A_673 = arith.constant 0 : i32
      %dma_wait3A_674 = arith.constant 0 : i32
      %dma_wait3A_675 = tpu.memref_slice %arg11[%dma_wait3A_673, %dma_wait3A_674] : memref<10112x16xf32, #tpu.memory_space<vmem_shared>> -> memref<10112x16xf32, #tpu.memory_space<vmem_shared>>
      tpu.wait_indirect_dma semaphore(%arg13 : memref<!tpu.dma_semaphore, #tpu.memory_space<semaphore_mem>>) src(%dma_wait3A_671 : memref<128x16xf32, #tpu.memory_space<vmem>>) dst(%dma_wait3A_675 : memref<10112x16xf32, #tpu.memory_space<vmem_shared>>)
      %mul3A_676 = arith.constant 13 : i32
      %mul3A_677 = arith.muli %add3A_170, %mul3A_676 : i32
      %add3A_678 = arith.constant 7 : i32
      %add3A_679 = arith.addi %mul3A_677, %add3A_678 : i32
      %mul3A_680 = arith.constant 128 : i32
      %mul3A_681 = arith.muli %add3A_679, %mul3A_680 : i32
      %dma_wait3A_682 = arith.constant 7 : i32
      %dma_wait3A_683 = arith.constant 0 : i32
      %dma_wait3A_684 = arith.constant 0 : i32
      %dma_wait3A_685 = tpu.memref_slice %arg8[%rem3A_171, %dma_wait3A_682, %dma_wait3A_683, %dma_wait3A_684] : memref<2x13x128x16xf32, #tpu.memory_space<vmem>> -> memref<1x1x128x16xf32, #tpu.memory_space<vmem>>
      %dma_wait3A_686 = tpu.memref_squeeze %dma_wait3A_685 : memref<1x1x128x16xf32, #tpu.memory_space<vmem>> -> memref<128x16xf32, #tpu.memory_space<vmem>>
      %dma_wait3A_687 = tpu.memref_slice %arg7[%mul3A_681] : memref<10000xi32, #tpu.memory_space<vmem>> -> memref<128xi32, #tpu.memory_space<vmem>>
      %dma_wait3A_688 = arith.constant 0 : i32
      %dma_wait3A_689 = arith.constant 0 : i32
      %dma_wait3A_690 = tpu.memref_slice %arg11[%dma_wait3A_688, %dma_wait3A_689] : memref<10112x16xf32, #tpu.memory_space<vmem_shared>> -> memref<10112x16xf32, #tpu.memory_space<vmem_shared>>
      tpu.wait_indirect_dma semaphore(%arg13 : memref<!tpu.dma_semaphore, #tpu.memory_space<semaphore_mem>>) src(%dma_wait3A_686 : memref<128x16xf32, #tpu.memory_space<vmem>>) dst(%dma_wait3A_690 : memref<10112x16xf32, #tpu.memory_space<vmem_shared>>)
      %mul3A_691 = arith.constant 13 : i32
      %mul3A_692 = arith.muli %add3A_170, %mul3A_691 : i32
      %add3A_693 = arith.constant 8 : i32
      %add3A_694 = arith.addi %mul3A_692, %add3A_693 : i32
      %mul3A_695 = arith.constant 128 : i32
      %mul3A_696 = arith.muli %add3A_694, %mul3A_695 : i32
      %dma_wait3A_697 = arith.constant 8 : i32
      %dma_wait3A_698 = arith.constant 0 : i32
      %dma_wait3A_699 = arith.constant 0 : i32
      %dma_wait3A_700 = tpu.memref_slice %arg8[%rem3A_171, %dma_wait3A_697, %dma_wait3A_698, %dma_wait3A_699] : memref<2x13x128x16xf32, #tpu.memory_space<vmem>> -> memref<1x1x128x16xf32, #tpu.memory_space<vmem>>
      %dma_wait3A_701 = tpu.memref_squeeze %dma_wait3A_700 : memref<1x1x128x16xf32, #tpu.memory_space<vmem>> -> memref<128x16xf32, #tpu.memory_space<vmem>>
      %dma_wait3A_702 = tpu.memref_slice %arg7[%mul3A_696] : memref<10000xi32, #tpu.memory_space<vmem>> -> memref<128xi32, #tpu.memory_space<vmem>>
      %dma_wait3A_703 = arith.constant 0 : i32
      %dma_wait3A_704 = arith.constant 0 : i32
      %dma_wait3A_705 = tpu.memref_slice %arg11[%dma_wait3A_703, %dma_wait3A_704] : memref<10112x16xf32, #tpu.memory_space<vmem_shared>> -> memref<10112x16xf32, #tpu.memory_space<vmem_shared>>
      tpu.wait_indirect_dma semaphore(%arg13 : memref<!tpu.dma_semaphore, #tpu.memory_space<semaphore_mem>>) src(%dma_wait3A_701 : memref<128x16xf32, #tpu.memory_space<vmem>>) dst(%dma_wait3A_705 : memref<10112x16xf32, #tpu.memory_space<vmem_shared>>)
      %mul3A_706 = arith.constant 13 : i32
      %mul3A_707 = arith.muli %add3A_170, %mul3A_706 : i32
      %add3A_708 = arith.constant 9 : i32
      %add3A_709 = arith.addi %mul3A_707, %add3A_708 : i32
      %mul3A_710 = arith.constant 128 : i32
      %mul3A_711 = arith.muli %add3A_709, %mul3A_710 : i32
      %dma_wait3A_712 = arith.constant 9 : i32
      %dma_wait3A_713 = arith.constant 0 : i32
      %dma_wait3A_714 = arith.constant 0 : i32
      %dma_wait3A_715 = tpu.memref_slice %arg8[%rem3A_171, %dma_wait3A_712, %dma_wait3A_713, %dma_wait3A_714] : memref<2x13x128x16xf32, #tpu.memory_space<vmem>> -> memref<1x1x128x16xf32, #tpu.memory_space<vmem>>
      %dma_wait3A_716 = tpu.memref_squeeze %dma_wait3A_715 : memref<1x1x128x16xf32, #tpu.memory_space<vmem>> -> memref<128x16xf32, #tpu.memory_space<vmem>>
      %dma_wait3A_717 = tpu.memref_slice %arg7[%mul3A_711] : memref<10000xi32, #tpu.memory_space<vmem>> -> memref<128xi32, #tpu.memory_space<vmem>>
      %dma_wait3A_718 = arith.constant 0 : i32
      %dma_wait3A_719 = arith.constant 0 : i32
      %dma_wait3A_720 = tpu.memref_slice %arg11[%dma_wait3A_718, %dma_wait3A_719] : memref<10112x16xf32, #tpu.memory_space<vmem_shared>> -> memref<10112x16xf32, #tpu.memory_space<vmem_shared>>
      tpu.wait_indirect_dma semaphore(%arg13 : memref<!tpu.dma_semaphore, #tpu.memory_space<semaphore_mem>>) src(%dma_wait3A_716 : memref<128x16xf32, #tpu.memory_space<vmem>>) dst(%dma_wait3A_720 : memref<10112x16xf32, #tpu.memory_space<vmem_shared>>)
      %mul3A_721 = arith.constant 13 : i32
      %mul3A_722 = arith.muli %add3A_170, %mul3A_721 : i32
      %add3A_723 = arith.constant 10 : i32
      %add3A_724 = arith.addi %mul3A_722, %add3A_723 : i32
      %mul3A_725 = arith.constant 128 : i32
      %mul3A_726 = arith.muli %add3A_724, %mul3A_725 : i32
      %dma_wait3A_727 = arith.constant 10 : i32
      %dma_wait3A_728 = arith.constant 0 : i32
      %dma_wait3A_729 = arith.constant 0 : i32
      %dma_wait3A_730 = tpu.memref_slice %arg8[%rem3A_171, %dma_wait3A_727, %dma_wait3A_728, %dma_wait3A_729] : memref<2x13x128x16xf32, #tpu.memory_space<vmem>> -> memref<1x1x128x16xf32, #tpu.memory_space<vmem>>
      %dma_wait3A_731 = tpu.memref_squeeze %dma_wait3A_730 : memref<1x1x128x16xf32, #tpu.memory_space<vmem>> -> memref<128x16xf32, #tpu.memory_space<vmem>>
      %dma_wait3A_732 = tpu.memref_slice %arg7[%mul3A_726] : memref<10000xi32, #tpu.memory_space<vmem>> -> memref<128xi32, #tpu.memory_space<vmem>>
      %dma_wait3A_733 = arith.constant 0 : i32
      %dma_wait3A_734 = arith.constant 0 : i32
      %dma_wait3A_735 = tpu.memref_slice %arg11[%dma_wait3A_733, %dma_wait3A_734] : memref<10112x16xf32, #tpu.memory_space<vmem_shared>> -> memref<10112x16xf32, #tpu.memory_space<vmem_shared>>
      tpu.wait_indirect_dma semaphore(%arg13 : memref<!tpu.dma_semaphore, #tpu.memory_space<semaphore_mem>>) src(%dma_wait3A_731 : memref<128x16xf32, #tpu.memory_space<vmem>>) dst(%dma_wait3A_735 : memref<10112x16xf32, #tpu.memory_space<vmem_shared>>)
      %mul3A_736 = arith.constant 13 : i32
      %mul3A_737 = arith.muli %add3A_170, %mul3A_736 : i32
      %add3A_738 = arith.constant 11 : i32
      %add3A_739 = arith.addi %mul3A_737, %add3A_738 : i32
      %mul3A_740 = arith.constant 128 : i32
      %mul3A_741 = arith.muli %add3A_739, %mul3A_740 : i32
      %dma_wait3A_742 = arith.constant 11 : i32
      %dma_wait3A_743 = arith.constant 0 : i32
      %dma_wait3A_744 = arith.constant 0 : i32
      %dma_wait3A_745 = tpu.memref_slice %arg8[%rem3A_171, %dma_wait3A_742, %dma_wait3A_743, %dma_wait3A_744] : memref<2x13x128x16xf32, #tpu.memory_space<vmem>> -> memref<1x1x128x16xf32, #tpu.memory_space<vmem>>
      %dma_wait3A_746 = tpu.memref_squeeze %dma_wait3A_745 : memref<1x1x128x16xf32, #tpu.memory_space<vmem>> -> memref<128x16xf32, #tpu.memory_space<vmem>>
      %dma_wait3A_747 = tpu.memref_slice %arg7[%mul3A_741] : memref<10000xi32, #tpu.memory_space<vmem>> -> memref<128xi32, #tpu.memory_space<vmem>>
      %dma_wait3A_748 = arith.constant 0 : i32
      %dma_wait3A_749 = arith.constant 0 : i32
      %dma_wait3A_750 = tpu.memref_slice %arg11[%dma_wait3A_748, %dma_wait3A_749] : memref<10112x16xf32, #tpu.memory_space<vmem_shared>> -> memref<10112x16xf32, #tpu.memory_space<vmem_shared>>
      tpu.wait_indirect_dma semaphore(%arg13 : memref<!tpu.dma_semaphore, #tpu.memory_space<semaphore_mem>>) src(%dma_wait3A_746 : memref<128x16xf32, #tpu.memory_space<vmem>>) dst(%dma_wait3A_750 : memref<10112x16xf32, #tpu.memory_space<vmem_shared>>)
      %mul3A_751 = arith.constant 13 : i32
      %mul3A_752 = arith.muli %add3A_170, %mul3A_751 : i32
      %add3A_753 = arith.constant 12 : i32
      %add3A_754 = arith.addi %mul3A_752, %add3A_753 : i32
      %mul3A_755 = arith.constant 128 : i32
      %mul3A_756 = arith.muli %add3A_754, %mul3A_755 : i32
      %dma_wait3A_757 = arith.constant 12 : i32
      %dma_wait3A_758 = arith.constant 0 : i32
      %dma_wait3A_759 = arith.constant 0 : i32
      %dma_wait3A_760 = tpu.memref_slice %arg8[%rem3A_171, %dma_wait3A_757, %dma_wait3A_758, %dma_wait3A_759] : memref<2x13x128x16xf32, #tpu.memory_space<vmem>> -> memref<1x1x128x16xf32, #tpu.memory_space<vmem>>
      %dma_wait3A_761 = tpu.memref_squeeze %dma_wait3A_760 : memref<1x1x128x16xf32, #tpu.memory_space<vmem>> -> memref<128x16xf32, #tpu.memory_space<vmem>>
      %dma_wait3A_762 = tpu.memref_slice %arg7[%mul3A_756] : memref<10000xi32, #tpu.memory_space<vmem>> -> memref<128xi32, #tpu.memory_space<vmem>>
      %dma_wait3A_763 = arith.constant 0 : i32
      %dma_wait3A_764 = arith.constant 0 : i32
      %dma_wait3A_765 = tpu.memref_slice %arg11[%dma_wait3A_763, %dma_wait3A_764] : memref<10112x16xf32, #tpu.memory_space<vmem_shared>> -> memref<10112x16xf32, #tpu.memory_space<vmem_shared>>
      tpu.wait_indirect_dma semaphore(%arg13 : memref<!tpu.dma_semaphore, #tpu.memory_space<semaphore_mem>>) src(%dma_wait3A_761 : memref<128x16xf32, #tpu.memory_space<vmem>>) dst(%dma_wait3A_765 : memref<10112x16xf32, #tpu.memory_space<vmem_shared>>)
    }
    %scan3A_155 = arith.constant 6 : i32
    %run_scoped3A_156 = arith.constant 0 : i32
    %run_scoped3A_157 = arith.constant 0 : i32
    "tpu.region"() ({
      %run_scoped3A_166 = tpu.sem_alloc : memref<!tpu.dma_semaphore, #tpu.memory_space<semaphore_mem>>
      %dma_start3A_167 = arith.constant 0 : i32
      %dma_start3A_168 = arith.constant 0 : i32
      %dma_start3A_169 = tpu.memref_slice %arg8[%run_scoped3A_156, %run_scoped3A_157, %dma_start3A_167, %dma_start3A_168] : memref<2x13x128x16xf32, #tpu.memory_space<vmem>> -> memref<1x1x16x16xf32, #tpu.memory_space<vmem>>
      %dma_start3A_170 = tpu.memref_squeeze %dma_start3A_169 : memref<1x1x16x16xf32, #tpu.memory_space<vmem>> -> memref<16x16xf32, #tpu.memory_space<vmem>>
      %dma_start3A_171 = arith.constant 9984 : i32
      %dma_start3A_172 = tpu.memref_slice %arg6[%dma_start3A_171] : memref<10000xi32, #tpu.memory_space<vmem>> -> memref<16xi32, #tpu.memory_space<vmem>>
      %dma_start3A_173 = arith.constant 0 : i32
      %dma_start3A_174 = arith.constant 0 : i32
      %dma_start3A_175 = tpu.memref_slice %arg10[%dma_start3A_173, %dma_start3A_174] : memref<10112x16xf32, #tpu.memory_space<vmem_shared>> -> memref<10112x16xf32, #tpu.memory_space<vmem_shared>>
      tpu.enqueue_indirect_dma source(%dma_start3A_175 : memref<10112x16xf32, #tpu.memory_space<vmem_shared>>) target(%dma_start3A_170 : memref<16x16xf32, #tpu.memory_space<vmem>>) offsets(%dma_start3A_172 : memref<16xi32, #tpu.memory_space<vmem>>) semaphore(%run_scoped3A_166 : memref<!tpu.dma_semaphore, #tpu.memory_space<semaphore_mem>>)
      %dma_wait3A = arith.constant 0 : i32
      %dma_wait3A_176 = arith.constant 0 : i32
      %dma_wait3A_177 = tpu.memref_slice %arg8[%run_scoped3A_156, %run_scoped3A_157, %dma_wait3A, %dma_wait3A_176] : memref<2x13x128x16xf32, #tpu.memory_space<vmem>> -> memref<1x1x16x16xf32, #tpu.memory_space<vmem>>
      %dma_wait3A_178 = tpu.memref_squeeze %dma_wait3A_177 : memref<1x1x16x16xf32, #tpu.memory_space<vmem>> -> memref<16x16xf32, #tpu.memory_space<vmem>>
      %dma_wait3A_179 = arith.constant 9984 : i32
      %dma_wait3A_180 = tpu.memref_slice %arg6[%dma_wait3A_179] : memref<10000xi32, #tpu.memory_space<vmem>> -> memref<16xi32, #tpu.memory_space<vmem>>
      %dma_wait3A_181 = arith.constant 0 : i32
      %dma_wait3A_182 = arith.constant 0 : i32
      %dma_wait3A_183 = tpu.memref_slice %arg10[%dma_wait3A_181, %dma_wait3A_182] : memref<10112x16xf32, #tpu.memory_space<vmem_shared>> -> memref<10112x16xf32, #tpu.memory_space<vmem_shared>>
      tpu.wait_indirect_dma semaphore(%run_scoped3A_166 : memref<!tpu.dma_semaphore, #tpu.memory_space<semaphore_mem>>) src(%dma_wait3A_183 : memref<10112x16xf32, #tpu.memory_space<vmem_shared>>) dst(%dma_wait3A_178 : memref<16x16xf32, #tpu.memory_space<vmem>>)
      tpu.yield
    }) : () -> ()
    %run_scoped3A_158 = arith.constant 0 : i32
    %run_scoped3A_159 = arith.constant 0 : i32
    "tpu.region"() ({
      %run_scoped3A_166 = tpu.sem_alloc : memref<!tpu.dma_semaphore, #tpu.memory_space<semaphore_mem>>
      %dma_start3A_167 = arith.constant 0 : i32
      %dma_start3A_168 = arith.constant 0 : i32
      %dma_start3A_169 = tpu.memref_slice %arg8[%run_scoped3A_158, %run_scoped3A_159, %dma_start3A_167, %dma_start3A_168] : memref<2x13x128x16xf32, #tpu.memory_space<vmem>> -> memref<1x1x16x16xf32, #tpu.memory_space<vmem>>
      %dma_start3A_170 = tpu.memref_squeeze %dma_start3A_169 : memref<1x1x16x16xf32, #tpu.memory_space<vmem>> -> memref<16x16xf32, #tpu.memory_space<vmem>>
      %dma_start3A_171 = arith.constant 9984 : i32
      %dma_start3A_172 = tpu.memref_slice %arg7[%dma_start3A_171] : memref<10000xi32, #tpu.memory_space<vmem>> -> memref<16xi32, #tpu.memory_space<vmem>>
      %dma_start3A_173 = arith.constant 0 : i32
      %dma_start3A_174 = arith.constant 0 : i32
      %dma_start3A_175 = tpu.memref_slice %arg11[%dma_start3A_173, %dma_start3A_174] : memref<10112x16xf32, #tpu.memory_space<vmem_shared>> -> memref<10112x16xf32, #tpu.memory_space<vmem_shared>>
      tpu.enqueue_indirect_dma source(%dma_start3A_170 : memref<16x16xf32, #tpu.memory_space<vmem>>) target(%dma_start3A_175 : memref<10112x16xf32, #tpu.memory_space<vmem_shared>>) offsets(%dma_start3A_172 : memref<16xi32, #tpu.memory_space<vmem>>) semaphore(%run_scoped3A_166 : memref<!tpu.dma_semaphore, #tpu.memory_space<semaphore_mem>>) {add = true}
      %dma_wait3A = arith.constant 0 : i32
      %dma_wait3A_176 = arith.constant 0 : i32
      %dma_wait3A_177 = tpu.memref_slice %arg8[%run_scoped3A_158, %run_scoped3A_159, %dma_wait3A, %dma_wait3A_176] : memref<2x13x128x16xf32, #tpu.memory_space<vmem>> -> memref<1x1x16x16xf32, #tpu.memory_space<vmem>>
      %dma_wait3A_178 = tpu.memref_squeeze %dma_wait3A_177 : memref<1x1x16x16xf32, #tpu.memory_space<vmem>> -> memref<16x16xf32, #tpu.memory_space<vmem>>
      %dma_wait3A_179 = arith.constant 9984 : i32
      %dma_wait3A_180 = tpu.memref_slice %arg7[%dma_wait3A_179] : memref<10000xi32, #tpu.memory_space<vmem>> -> memref<16xi32, #tpu.memory_space<vmem>>
      %dma_wait3A_181 = arith.constant 0 : i32
      %dma_wait3A_182 = arith.constant 0 : i32
      %dma_wait3A_183 = tpu.memref_slice %arg11[%dma_wait3A_181, %dma_wait3A_182] : memref<10112x16xf32, #tpu.memory_space<vmem_shared>> -> memref<10112x16xf32, #tpu.memory_space<vmem_shared>>
      tpu.wait_indirect_dma semaphore(%run_scoped3A_166 : memref<!tpu.dma_semaphore, #tpu.memory_space<semaphore_mem>>) src(%dma_wait3A_178 : memref<16x16xf32, #tpu.memory_space<vmem>>) dst(%dma_wait3A_183 : memref<10112x16xf32, #tpu.memory_space<vmem_shared>>)
      tpu.yield
    }) : () -> ()
    %barrier3A_160 = arith.constant 0 : index
    tpu.barrier barrier_id(%barrier3A_160)
    "tpu.region"() ({
      %run_scoped3A_166 = tpu.sem_alloc : memref<!tpu.dma_semaphore, #tpu.memory_space<semaphore_mem>>
      %dma_start3A_167 = arith.constant 0 : i32
      %dma_start3A_168 = tpu.memref_slice %arg11[%mul3A_2, %dma_start3A_167] : memref<10112x16xf32, #tpu.memory_space<vmem_shared>> -> memref<632x16xf32, #tpu.memory_space<vmem_shared>>
      %dma_start3A_169 = arith.constant 0 : i32
      %dma_start3A_170 = tpu.memref_slice %arg11[%mul3A_2, %dma_start3A_169] : memref<10112x16xf32, #tpu.memory_space<vmem_shared>> -> memref<632x16xf32, #tpu.memory_space<vmem_shared>>
      tpu.enqueue_dma source(%dma_start3A_170 : memref<632x16xf32, #tpu.memory_space<vmem_shared>>) target(%arg9 : memref<632x16xf32, #tpu.memory_space<vmem>>) target_semaphore(%run_scoped3A_166 : memref<!tpu.dma_semaphore, #tpu.memory_space<semaphore_mem>>)
      %dma_wait3A = arith.constant 0 : i32
      %dma_wait3A_171 = tpu.memref_slice %arg11[%mul3A_2, %dma_wait3A] : memref<10112x16xf32, #tpu.memory_space<vmem_shared>> -> memref<632x16xf32, #tpu.memory_space<vmem_shared>>
      %dma_wait3A_172 = arith.constant 0 : i32
      %dma_wait3A_173 = tpu.memref_slice %arg11[%mul3A_2, %dma_wait3A_172] : memref<10112x16xf32, #tpu.memory_space<vmem_shared>> -> memref<632x16xf32, #tpu.memory_space<vmem_shared>>
      tpu.wait_dma2 semaphore(%run_scoped3A_166 : memref<!tpu.dma_semaphore, #tpu.memory_space<semaphore_mem>>) src(%dma_wait3A_173 : memref<632x16xf32, #tpu.memory_space<vmem_shared>>) dst(%arg9 : memref<632x16xf32, #tpu.memory_space<vmem>>)
      tpu.yield
    }) : () -> ()
    %mul3A_161 = arith.constant 10112 : i32
    %mul3A_162 = arith.muli %arg0, %mul3A_161 : i32
    %mul3A_163 = arith.constant 632 : i32
    %mul3A_164 = arith.muli %arg1, %mul3A_163 : i32
    %add3A_165 = arith.addi %mul3A_162, %mul3A_164 : i32
    "tpu.region"() ({
      %run_scoped3A_166 = tpu.sem_alloc : memref<!tpu.dma_semaphore, #tpu.memory_space<semaphore_mem>>
      %dma_start3A_167 = arith.constant 0 : i32
      %dma_start3A_168 = tpu.memref_slice %arg5[%add3A_165, %dma_start3A_167] : memref<20224x16xf32, #tpu.memory_space<hbm>> -> memref<632x16xf32, #tpu.memory_space<hbm>>
      %dma_start3A_169 = arith.constant 0 : i32
      %dma_start3A_170 = tpu.memref_slice %arg5[%add3A_165, %dma_start3A_169] : memref<20224x16xf32, #tpu.memory_space<hbm>> -> memref<632x16xf32, #tpu.memory_space<hbm>>
      tpu.enqueue_dma source(%arg9 : memref<632x16xf32, #tpu.memory_space<vmem>>) target(%dma_start3A_170 : memref<632x16xf32, #tpu.memory_space<hbm>>) target_semaphore(%run_scoped3A_166 : memref<!tpu.dma_semaphore, #tpu.memory_space<semaphore_mem>>)
      %dma_wait3A = arith.constant 0 : i32
      %dma_wait3A_171 = tpu.memref_slice %arg5[%add3A_165, %dma_wait3A] : memref<20224x16xf32, #tpu.memory_space<hbm>> -> memref<632x16xf32, #tpu.memory_space<hbm>>
      %dma_wait3A_172 = arith.constant 0 : i32
      %dma_wait3A_173 = tpu.memref_slice %arg5[%add3A_165, %dma_wait3A_172] : memref<20224x16xf32, #tpu.memory_space<hbm>> -> memref<632x16xf32, #tpu.memory_space<hbm>>
      tpu.wait_dma2 semaphore(%run_scoped3A_166 : memref<!tpu.dma_semaphore, #tpu.memory_space<semaphore_mem>>) src(%arg9 : memref<632x16xf32, #tpu.memory_space<vmem>>) dst(%dma_wait3A_173 : memref<632x16xf32, #tpu.memory_space<hbm>>)
      tpu.yield
    }) : () -> ()
    return
  }
}

module attributes {stable_mosaic.version = 14 : i64} {
  func.func @_tc_h1_body(%arg0: memref<10000x128xf32, #tpu.memory_space<vmem>>, %arg1: memref<128x16xf32, #tpu.memory_space<vmem>>, %arg2: memref<1264x128xf32, #tpu.memory_space<vmem>>) attributes {dimension_semantics = [], scalar_prefetch = 0 : i64, scratch_operands = 0 : i64, tpu.core_type = #tpu.core_type<tc>} {
    %get3A = arith.constant 0 : index
    %get3A_0 = arith.constant 0 : index
    %get3A_1 = vector.load %arg0[%get3A, %get3A_0] : memref<10000x128xf32, #tpu.memory_space<vmem>>, vector<10000x128xf32>
    %get3A_2 = arith.constant 0 : index
    %get3A_3 = arith.constant 0 : index
    %get3A_4 = vector.load %arg1[%get3A_2, %get3A_3] : memref<128x16xf32, #tpu.memory_space<vmem>>, vector<128x16xf32>
    %dot_general3A = arith.constant dense<0.000000e+00> : vector<10000x16xf32>
    %dot_general3A_5 = tpu.matmul %get3A_1, %get3A_4, %dot_general3A {dimension_numbers = #tpu.dot_dimension_numbers<[1], [0], [0], [1], [0, 0, 1, 1], [], []>, transpose_lhs_hint = false} : vector<10000x128xf32>, vector<128x16xf32>, vector<10000x16xf32> -> vector<10000x16xf32>
    %broadcast_in_dim3A = arith.constant 0.000000e+00 : f32
    %broadcast_in_dim3A_6 = vector.broadcast %broadcast_in_dim3A : f32 to vector<112x16xf32>
    %concatenate3A = tpu.concatenate %dot_general3A_5, %broadcast_in_dim3A_6 in 0 : vector<10000x16xf32>, vector<112x16xf32> -> vector<10112x16xf32>
    %reshape3A = vector.shape_cast %concatenate3A : vector<10112x16xf32> to vector<1264x8x16xf32>
    %slice3A = vector.extract_strided_slice %reshape3A {offsets = [0, 0, 0], sizes = [1264, 1, 16], strides = [1, 1, 1]} : vector<1264x8x16xf32> to vector<1264x1x16xf32>
    %squeeze3A = vector.shape_cast %slice3A : vector<1264x1x16xf32> to vector<1264x16xf32>
    %slice3A_7 = vector.extract_strided_slice %reshape3A {offsets = [0, 1, 0], sizes = [1264, 1, 16], strides = [1, 1, 1]} : vector<1264x8x16xf32> to vector<1264x1x16xf32>
    %squeeze3A_8 = vector.shape_cast %slice3A_7 : vector<1264x1x16xf32> to vector<1264x16xf32>
    %slice3A_9 = vector.extract_strided_slice %reshape3A {offsets = [0, 2, 0], sizes = [1264, 1, 16], strides = [1, 1, 1]} : vector<1264x8x16xf32> to vector<1264x1x16xf32>
    %squeeze3A_10 = vector.shape_cast %slice3A_9 : vector<1264x1x16xf32> to vector<1264x16xf32>
    %slice3A_11 = vector.extract_strided_slice %reshape3A {offsets = [0, 3, 0], sizes = [1264, 1, 16], strides = [1, 1, 1]} : vector<1264x8x16xf32> to vector<1264x1x16xf32>
    %squeeze3A_12 = vector.shape_cast %slice3A_11 : vector<1264x1x16xf32> to vector<1264x16xf32>
    %slice3A_13 = vector.extract_strided_slice %reshape3A {offsets = [0, 4, 0], sizes = [1264, 1, 16], strides = [1, 1, 1]} : vector<1264x8x16xf32> to vector<1264x1x16xf32>
    %squeeze3A_14 = vector.shape_cast %slice3A_13 : vector<1264x1x16xf32> to vector<1264x16xf32>
    %slice3A_15 = vector.extract_strided_slice %reshape3A {offsets = [0, 5, 0], sizes = [1264, 1, 16], strides = [1, 1, 1]} : vector<1264x8x16xf32> to vector<1264x1x16xf32>
    %squeeze3A_16 = vector.shape_cast %slice3A_15 : vector<1264x1x16xf32> to vector<1264x16xf32>
    %slice3A_17 = vector.extract_strided_slice %reshape3A {offsets = [0, 6, 0], sizes = [1264, 1, 16], strides = [1, 1, 1]} : vector<1264x8x16xf32> to vector<1264x1x16xf32>
    %squeeze3A_18 = vector.shape_cast %slice3A_17 : vector<1264x1x16xf32> to vector<1264x16xf32>
    %slice3A_19 = vector.extract_strided_slice %reshape3A {offsets = [0, 7, 0], sizes = [1264, 1, 16], strides = [1, 1, 1]} : vector<1264x8x16xf32> to vector<1264x1x16xf32>
    %squeeze3A_20 = vector.shape_cast %slice3A_19 : vector<1264x1x16xf32> to vector<1264x16xf32>
    %concatenate3A_21 = tpu.concatenate %squeeze3A, %squeeze3A_8, %squeeze3A_10, %squeeze3A_12, %squeeze3A_14, %squeeze3A_16, %squeeze3A_18, %squeeze3A_20 in 1 : vector<1264x16xf32>, vector<1264x16xf32>, vector<1264x16xf32>, vector<1264x16xf32>, vector<1264x16xf32>, vector<1264x16xf32>, vector<1264x16xf32>, vector<1264x16xf32> -> vector<1264x128xf32>
    %swap3A = arith.constant 0 : index
    %swap3A_22 = arith.constant 0 : index
    %swap3A_23 = vector.load %arg2[%swap3A, %swap3A_22] : memref<1264x128xf32, #tpu.memory_space<vmem>>, vector<1264x128xf32>
    tpu.vector_store %arg2[%swap3A, %swap3A_22], %concatenate3A_21 {strides = array<i32>} : memref<1264x128xf32, #tpu.memory_space<vmem>>, vector<1264x128xf32>,
    return
  }
}

module attributes {stable_mosaic.version = 14 : i64} {
  func.func @_tc_scale_body(%arg0: memref<2x1264x128xf32, #tpu.memory_space<vmem>>, %arg1: memref<1264x128xf32, #tpu.memory_space<vmem>>, %arg2: memref<1264x128xf32, #tpu.memory_space<vmem>>, %arg3: memref<1264x128xf32, #tpu.memory_space<vmem>>) attributes {dimension_semantics = [], scalar_prefetch = 0 : i64, scratch_operands = 0 : i64, tpu.core_type = #tpu.core_type<tc>} {
    %get3A = arith.constant 0 : index
    %get3A_0 = arith.constant 0 : index
    %get3A_1 = arith.constant 0 : index
    %get3A_2 = vector.load %arg0[%get3A, %get3A_0, %get3A_1] : memref<2x1264x128xf32, #tpu.memory_space<vmem>>, vector<1x1264x128xf32>
    %get3A_3 = vector.shape_cast %get3A_2 : vector<1x1264x128xf32> to vector<1264x128xf32>
    %get3A_4 = arith.constant 1 : index
    %get3A_5 = arith.constant 0 : index
    %get3A_6 = arith.constant 0 : index
    %get3A_7 = vector.load %arg0[%get3A_4, %get3A_5, %get3A_6] : memref<2x1264x128xf32, #tpu.memory_space<vmem>>, vector<1x1264x128xf32>
    %get3A_8 = vector.shape_cast %get3A_7 : vector<1x1264x128xf32> to vector<1264x128xf32>
    %add3A = arith.addf %get3A_3, %get3A_8 : vector<1264x128xf32>
    %add3A_9 = arith.constant 1.000000e+00 : f32
    %add3A_10 = vector.broadcast %add3A_9 : f32 to vector<1264x128xf32>
    %add3A_11 = arith.addf %add3A, %add3A_10 : vector<1264x128xf32>
    %rsqrt3A = math.rsqrt %add3A_11 : vector<1264x128xf32>
    %swap3A = arith.constant 0 : index
    %swap3A_12 = arith.constant 0 : index
    %swap3A_13 = vector.load %arg2[%swap3A, %swap3A_12] : memref<1264x128xf32, #tpu.memory_space<vmem>>, vector<1264x128xf32>
    tpu.vector_store %arg2[%swap3A, %swap3A_12], %rsqrt3A {strides = array<i32>} : memref<1264x128xf32, #tpu.memory_space<vmem>>, vector<1264x128xf32>,
    %get3A_14 = arith.constant 0 : index
    %get3A_15 = arith.constant 0 : index
    %get3A_16 = vector.load %arg1[%get3A_14, %get3A_15] : memref<1264x128xf32, #tpu.memory_space<vmem>>, vector<1264x128xf32>
    %mul3A = arith.mulf %get3A_16, %rsqrt3A : vector<1264x128xf32>
    %swap3A_17 = arith.constant 0 : index
    %swap3A_18 = arith.constant 0 : index
    %swap3A_19 = vector.load %arg3[%swap3A_17, %swap3A_18] : memref<1264x128xf32, #tpu.memory_space<vmem>>, vector<1264x128xf32>
    tpu.vector_store %arg3[%swap3A_17, %swap3A_18], %mul3A {strides = array<i32>} : memref<1264x128xf32, #tpu.memory_space<vmem>>, vector<1264x128xf32>,
    return
  }
}

module attributes {stable_mosaic.version = 14 : i64} {
  func.func @_tc_b_body(%arg0: memref<2x1264x128xf32, #tpu.memory_space<vmem>>, %arg1: memref<1264x128xf32, #tpu.memory_space<vmem>>, %arg2: memref<632x128xf32, #tpu.memory_space<vmem>>, %arg3: memref<1x128xf32, #tpu.memory_space<vmem>>, %arg4: memref<128x64xf32, #tpu.memory_space<vmem>>, %arg5: memref<632x128xf32, #tpu.memory_space<vmem>>) attributes {dimension_semantics = [], scalar_prefetch = 0 : i64, scratch_operands = 0 : i64, tpu.core_type = #tpu.core_type<tc>} {
    %get3A = arith.constant 0 : index
    %get3A_0 = arith.constant 0 : index
    %get3A_1 = arith.constant 0 : index
    %get3A_2 = vector.load %arg0[%get3A, %get3A_0, %get3A_1] : memref<2x1264x128xf32, #tpu.memory_space<vmem>>, vector<1x1264x128xf32>
    %get3A_3 = vector.shape_cast %get3A_2 : vector<1x1264x128xf32> to vector<1264x128xf32>
    %get3A_4 = arith.constant 1 : index
    %get3A_5 = arith.constant 0 : index
    %get3A_6 = arith.constant 0 : index
    %get3A_7 = vector.load %arg0[%get3A_4, %get3A_5, %get3A_6] : memref<2x1264x128xf32, #tpu.memory_space<vmem>>, vector<1x1264x128xf32>
    %get3A_8 = vector.shape_cast %get3A_7 : vector<1x1264x128xf32> to vector<1264x128xf32>
    %add3A = arith.addf %get3A_3, %get3A_8 : vector<1264x128xf32>
    %get3A_9 = arith.constant 0 : index
    %get3A_10 = arith.constant 0 : index
    %get3A_11 = vector.load %arg1[%get3A_9, %get3A_10] : memref<1264x128xf32, #tpu.memory_space<vmem>>, vector<1264x128xf32>
    %mul3A = arith.mulf %add3A, %get3A_11 : vector<1264x128xf32>
    %get3A_12 = arith.constant 0 : index
    %get3A_13 = arith.constant 0 : index
    %get3A_14 = vector.load %arg3[%get3A_12, %get3A_13] : memref<1x128xf32, #tpu.memory_space<vmem>>, vector<1x128xf32>
    %add3A_15 = vector.broadcast %get3A_14 : vector<1x128xf32> to vector<1264x128xf32>
    %add3A_16 = arith.addf %mul3A, %add3A_15 : vector<1264x128xf32>
    %max3A = arith.constant 0.000000e+00 : f32
    %max3A_17 = vector.broadcast %max3A : f32 to vector<1264x128xf32>
    %max3A_18 = arith.maximumf %add3A_16, %max3A_17 : vector<1264x128xf32>
    %get3A_19 = arith.constant 0 : index
    %get3A_20 = arith.constant 0 : index
    %get3A_21 = vector.load %arg4[%get3A_19, %get3A_20] : memref<128x64xf32, #tpu.memory_space<vmem>>, vector<128x64xf32>
    %dot_general3A = arith.constant dense<0.000000e+00> : vector<1264x64xf32>
    %dot_general3A_22 = tpu.matmul %max3A_18, %get3A_21, %dot_general3A {dimension_numbers = #tpu.dot_dimension_numbers<[1], [0], [0], [1], [0, 0, 1, 1], [], []>, transpose_lhs_hint = false} : vector<1264x128xf32>, vector<128x64xf32>, vector<1264x64xf32> -> vector<1264x64xf32>
    %reshape3A = vector.shape_cast %dot_general3A_22 : vector<1264x64xf32> to vector<632x2x64xf32>
    %slice3A = vector.extract_strided_slice %reshape3A {offsets = [0, 0, 0], sizes = [632, 1, 64], strides = [1, 1, 1]} : vector<632x2x64xf32> to vector<632x1x64xf32>
    %squeeze3A = vector.shape_cast %slice3A : vector<632x1x64xf32> to vector<632x64xf32>
    %slice3A_23 = vector.extract_strided_slice %reshape3A {offsets = [0, 1, 0], sizes = [632, 1, 64], strides = [1, 1, 1]} : vector<632x2x64xf32> to vector<632x1x64xf32>
    %squeeze3A_24 = vector.shape_cast %slice3A_23 : vector<632x1x64xf32> to vector<632x64xf32>
    %concatenate3A = tpu.concatenate %squeeze3A, %squeeze3A_24 in 1 : vector<632x64xf32>, vector<632x64xf32> -> vector<632x128xf32>
    %get3A_25 = arith.constant 0 : index
    %get3A_26 = arith.constant 0 : index
    %get3A_27 = vector.load %arg2[%get3A_25, %get3A_26] : memref<632x128xf32, #tpu.memory_space<vmem>>, vector<632x128xf32>
    %mul3A_28 = arith.mulf %concatenate3A, %get3A_27 : vector<632x128xf32>
    %swap3A = arith.constant 0 : index
    %swap3A_29 = arith.constant 0 : index
    %swap3A_30 = vector.load %arg5[%swap3A, %swap3A_29] : memref<632x128xf32, #tpu.memory_space<vmem>>, vector<632x128xf32>
    tpu.vector_store %arg5[%swap3A, %swap3A_29], %mul3A_28 {strides = array<i32>} : memref<632x128xf32, #tpu.memory_space<vmem>>, vector<632x128xf32>,
    return
  }
}

module attributes {stable_mosaic.version = 14 : i64} {
  func.func @_tc_d_body(%arg0: memref<2x632x128xf32, #tpu.memory_space<vmem>>, %arg1: memref<632x128xf32, #tpu.memory_space<vmem>>, %arg2: memref<1x128xf32, #tpu.memory_space<vmem>>, %arg3: memref<632x128xf32, #tpu.memory_space<vmem>>) attributes {dimension_semantics = [], scalar_prefetch = 0 : i64, scratch_operands = 0 : i64, tpu.core_type = #tpu.core_type<tc>} {
    %get3A = arith.constant 0 : index
    %get3A_0 = arith.constant 0 : index
    %get3A_1 = arith.constant 0 : index
    %get3A_2 = vector.load %arg0[%get3A, %get3A_0, %get3A_1] : memref<2x632x128xf32, #tpu.memory_space<vmem>>, vector<1x632x128xf32>
    %get3A_3 = vector.shape_cast %get3A_2 : vector<1x632x128xf32> to vector<632x128xf32>
    %get3A_4 = arith.constant 1 : index
    %get3A_5 = arith.constant 0 : index
    %get3A_6 = arith.constant 0 : index
    %get3A_7 = vector.load %arg0[%get3A_4, %get3A_5, %get3A_6] : memref<2x632x128xf32, #tpu.memory_space<vmem>>, vector<1x632x128xf32>
    %get3A_8 = vector.shape_cast %get3A_7 : vector<1x632x128xf32> to vector<632x128xf32>
    %add3A = arith.addf %get3A_3, %get3A_8 : vector<632x128xf32>
    %get3A_9 = arith.constant 0 : index
    %get3A_10 = arith.constant 0 : index
    %get3A_11 = vector.load %arg1[%get3A_9, %get3A_10] : memref<632x128xf32, #tpu.memory_space<vmem>>, vector<632x128xf32>
    %mul3A = arith.mulf %add3A, %get3A_11 : vector<632x128xf32>
    %get3A_12 = arith.constant 0 : index
    %get3A_13 = arith.constant 0 : index
    %get3A_14 = vector.load %arg2[%get3A_12, %get3A_13] : memref<1x128xf32, #tpu.memory_space<vmem>>, vector<1x128xf32>
    %add3A_15 = vector.broadcast %get3A_14 : vector<1x128xf32> to vector<632x128xf32>
    %add3A_16 = arith.addf %mul3A, %add3A_15 : vector<632x128xf32>
    %swap3A = arith.constant 0 : index
    %swap3A_17 = arith.constant 0 : index
    %swap3A_18 = vector.load %arg3[%swap3A, %swap3A_17] : memref<632x128xf32, #tpu.memory_space<vmem>>, vector<632x128xf32>
    tpu.vector_store %arg3[%swap3A, %swap3A_17], %add3A_16 {strides = array<i32>} : memref<632x128xf32, #tpu.memory_space<vmem>>, vector<632x128xf32>,
    return
  }
}

</mosaic_0001>

<sc_bundles>
// kernel: kernel.12.cloned.1.call-start
scs
__scs_entry_jumppad:
0x0: {  	(pc) =	sbr.rel $0x88, $3  }
0x1: {  	(tag) =	ssettag $0x0;
	lr =	simm.s32 $0x1  }
0x2: {  	[smem:$0x3F9B] =	sst lr;
	_ =	strace $0xD0000000  }
0x3: {  	_ = 	snop  }
0x4: {  	_ = 	snop  }
0x5: {  	_ = 	snop  }
0x6: {  	_ = 	snop  }
0x7: {  	_ = 	snop  }
__scs_overlays_trampoline_lowered:
0x8: {  	[smem:$0x3FAA] =	sst s0  }
0x9: {  	[smem:$0x3FAB] =	sst s1  }
0xa: {  	[smem:$0x3FAC] =	sst s2  }
0xb: {  	[smem:$0x3FAD] =	sst s3  }
0xc: {  	[smem:$0x3FAE] =	sst s4  }
0xd: {  	[smem:$0x3FAF] =	sst s5  }
0xe: {  	[smem:$0x3FB0] =	sst s6  }
0xf: {  	[smem:$0x3FB1] =	sst s7  }
0x10: {  	[smem:$0x3FB2] =	sst s8  }
0x11: {  	[smem:$0x3FB3] =	sst s9;
	s0 =	simm.s32 @!p0 $0x0  }
0x12: {  	s1 =	sld [smem:$0x3F99];
	s0 =	simm.s32 @p0 $0x1  }
0x13: {  	[smem:$0x3FB4] =	sst s0;
	s0 =	simm.s32 @!p1 $0x0  }
0x14: {  	s2 =	sld [smem:$0x3F98];
	s0 =	simm.s32 @p1 $0x1  }
0x15: {  	[smem:$0x3FB5] =	sst s0;
	s0 =	simm.s32 @!p2 $0x0  }
0x16: {  	s3 =	sld [smem:$0x3FDB];
	s0 =	simm.s32 @p2 $0x1  }
0x17: {  	s4 =	simm.s32 $0x1BF5;
	[smem:$0x3FB7] =	sst s0  }
0x18: {  	s0 =	sld [smem:$0x3F9A];
	_ =	swait.ge [sflag:s4], $0x0  }
0x19: {  	s7 =	sld [smem:$0x3F9B]  }
0x1a: {  	s8 =	sadd.s32 $0xFFFFE003, lr  }
0x1b: {  	s9 =	sadd.s32 $0xFFFFFEF7, lr;
	s5 =	simm.s32 $0xFFFFFFFF;
	p2 =	slt.u32 s8, $0xFFFFF086  }
0x1c: {  	p1 =	slt.u32 s9, $0xF7A;
	s5 =	simm.s32 @!p2 $0x0  }
0x1d: {  	s5 =	simm.s32 @p1 $0x1;
	p0 =	seq.s32 s7, s2  }
0x1e: {  	s7 =	smul.u32 @!p0 $0xF7A, s2;
	p2 =	seq.s32 @!p0 s5, $0x0  }
0x1f: {  	s9 =	smul.u32 $0xF7A, s1;
	s8 =	simm.s32 @!p0 $0x1BF5;
	p2 =	por !p2, p0  }
0x20: {  	[sflag:s8] =	ssyncset.s32 @!p0 $0xFFFFF086;
	s6 =	sadd.s32 @!p0 s3, s7;
	s7 =	simm.s32 @!p0 $0x108  }
0x21: {  	s3 =	sadd.s32 s3, s9;
	s6 =	sadd.s32 @!p0 $0x88, s6;
	s7 =	simm.s32 @p2 $0x1082  }
0x22: {  	[simem:s7], [sflag:s8] =	dma.local @!p0 [hbm:s6], $0xF7A  }
0x23: {  	s9 =	sor.u32 $0xD0000000, s2;
	s6 =	simm.s32 $0x108;
	_ =	swait.ge @!p0 [sflag:s8], $0x0  }
0x24: {  	s3 =	sadd.s32 $0x88, s3;
	s6 =	simm.s32 @!p1 $0x1082;
	[sflag:s4] =	ssyncset.s32 $0xFFFFF086  }
0x25: {  	[simem:s6], [sflag:s4] =	dma.local [hbm:s3], $0xF7A  }
0x26: {  	[smem:$0x3F9B] =	sst s1;
	(tag) =	ssettag s2;
	_ =	strace s9  }
0x27: {  	s1 =	sld [smem:$0x3FAB]  }
0x28: {  	s2 =	sld [smem:$0x3FAC]  }
0x29: {  	s4 =	sld [smem:$0x3FAE]  }
0x2a: {  	p0 =	seq.s32 s5, $0x0;
	s5 =	sld [smem:$0x3FAF]  }
0x2b: {  	s6 =	sld [smem:$0x3FB0]  }
0x2c: {  	s7 =	sld [smem:$0x3FB1]  }
0x2d: {  	s3 =	simm.s32 $0x108;
	s8 =	sld [smem:$0x3FB2]  }
0x2e: {  	s3 =	simm.s32 @!p0 $0x1082;
	s9 =	sld [smem:$0x3FB3]  }
0x2f: {  	lr =	sadd.s32 s0, s3;
	s0 =	sld [smem:$0x3FAA]  }
0x30: {  	s3 =	sld [smem:$0x3FAD]  }
0x31: {  	[smem:$0x3FB6] =	sst s10  }
0x32: {  	s10 =	sld [smem:$0x3FB4];
	_ =	sdelay $0x3  }
0x33: {  	p0 =	seq.s32 s10, $0x1;
	s10 =	sld [smem:$0x3FB6];
	_ =	sdelay $0x3  }
0x34: {  	[smem:$0x3FB6] =	sst s10  }
0x35: {  	s10 =	sld [smem:$0x3FB5];
	_ =	sdelay $0x3  }
0x36: {  	p1 =	seq.s32 s10, $0x1;
	s10 =	sld [smem:$0x3FB6];
	_ =	sdelay $0x3  }
0x37: {  	[smem:$0x3FB6] =	sst s10  }
0x38: {  	s10 =	sld [smem:$0x3FB7]  }
0x39: {  	_ = 	snop;
	(pc) =	sbr.ind lr, $3  }
0x3a: {  	_ = 	snop  }
0x3b: {  	_ = 	snop  }
0x3c: {  	p2 =	seq.s32 s10, $0x1;
	s10 =	sld [smem:$0x3FB6]  }
0x3d: {  	_ =	shalt  }
0x3e: {  	_ =	shalt  }
0x3f: {  	_ =	shalt  }
0x40: {  	_ =	shalt  }
0x41: {  	_ =	shalt  }
0x42: {  	_ =	shalt  }
0x43: {  	_ =	shalt  }
0x44: {  	_ =	shalt  }
0x45: {  	_ =	shalt  }
0x46: {  	_ =	shalt  }
0x47: {  	_ =	shalt  }
0x48: {  	_ =	shalt  }
0x49: {  	_ =	shalt  }
0x4a: {  	_ =	shalt  }
0x4b: {  	_ =	shalt  }
0x4c: {  	_ =	shalt  }
0x4d: {  	_ =	shalt  }
0x4e: {  	_ =	shalt  }
0x4f: {  	_ =	shalt  }
0x50: {  	_ =	shalt  }
0x51: {  	_ =	shalt  }
0x52: {  	_ =	shalt  }
0x53: {  	_ =	shalt  }
0x54: {  	_ =	shalt  }
0x55: {  	_ =	shalt  }
0x56: {  	_ =	shalt  }
0x57: {  	_ =	shalt  }
0x58: {  	_ =	shalt  }
0x59: {  	_ =	shalt  }
0x5a: {  	_ =	shalt  }
0x5b: {  	_ =	shalt  }
0x5c: {  	_ =	shalt  }
0x5d: {  	_ =	shalt  }
0x5e: {  	_ =	shalt  }
0x5f: {  	_ =	shalt  }
0x60: {  	_ =	shalt  }
0x61: {  	_ =	shalt  }
0x62: {  	_ =	shalt  }
0x63: {  	_ =	shalt  }
0x64: {  	_ =	shalt  }
0x65: {  	_ =	shalt  }
0x66: {  	_ =	shalt  }
0x67: {  	_ =	shalt  }
0x68: {  	_ =	shalt  }
0x69: {  	_ =	shalt  }
0x6a: {  	_ =	shalt  }
0x6b: {  	_ =	shalt  }
0x6c: {  	_ =	shalt  }
0x6d: {  	_ =	shalt  }
0x6e: {  	_ =	shalt  }
0x6f: {  	_ =	shalt  }
0x70: {  	_ =	shalt  }
0x71: {  	_ =	shalt  }
0x72: {  	_ =	shalt  }
0x73: {  	_ =	shalt  }
0x74: {  	_ =	shalt  }
0x75: {  	_ =	shalt  }
0x76: {  	_ =	shalt  }
0x77: {  	_ =	shalt  }
0x78: {  	_ =	shalt  }
0x79: {  	_ =	shalt  }
0x7a: {  	_ =	shalt  }
0x7b: {  	_ =	shalt  }
0x7c: {  	_ =	shalt  }
0x7d: {  	_ =	shalt  }
0x7e: {  	_ =	shalt  }
0x7f: {  	_ =	shalt  }
0x80: {  	_ =	shalt  }
0x81: {  	_ =	shalt  }
0x82: {  	_ =	shalt  }
0x83: {  	_ =	shalt  }
0x84: {  	_ =	shalt  }
0x85: {  	_ =	shalt  }
0x86: {  	_ =	shalt  }
0x87: {  	_ =	shalt  }
.Lfunc_end0:
.L_simem_size_0:
called_computation.1_lowered:
.L_overlay_start_0:
0x88: {  	s2 =	sld [smem:$0x3FD9]  }
0x89: {  	s3 =	sld [smem:$0x3FFE];
	_ =	sdelay $0x1  }
0x8a: {  	s1 =	srdreg.scid  }
0x8b: {  	s0 =	sand.u32 $0x1, s1  }
0x8c: {  	s16 =	sshll.u32 s0, $0xA;
	s2 =	sadd.s32 s3, s2  }
0x8d: {  	s2 =	sadd.s32 s2, s16  }
0x8e: {  	[smem:$0x3FC2] =	sst s2  }
0x8f: {  	_ = 	snop  }
0x90: {  	(tm) =	ssettm $0x1  }
0x91: {  	s17 =	sld [smem:$0x3FFB];
	_ =	sdelay $0x3  }
0x92: {  	_ =	strace s17  }
0x93: {  	s2 =	sld [smem:$0x3FFC];
	_ =	sdelay $0x3  }
0x94: {  	_ =	strace s2  }
0x95: {  	s2 =	sld [smem:$0x3FFD];
	_ =	sdelay $0x3  }
0x96: {  	_ =	strace s2  }
0x97: {  	_ =	strace $0x8FFFFFFF  }
0x98: {  	s18 =	sld [smem:$0x3FDB];
	_ =	sdelay $0x1  }
0x99: {  	s19 =	simm.s32 $_scs_section_size  }
0x9a: {  	s4 =	simm.s32 $_size__tile_overlayer_lowered;
	s5 =	simm.s32 $_tile_overlayer_lowered  }
0x9b: {  	s22 =	simm.s32 $0x1BFF;
	s21 =	sshll.u32 s5, $0x1;
	s2 =	sadd.s32 s19, s18  }
0x9c: {  	s6 =	simm.s32 $0x0;
	s20 =	sshll.u32 s4, $0x1;
	s4 =	sadd.s32 s21, s2  }
0x9d: {  	[timem:s6], [sflag:s22] =	dma.local [hbm:s4], s20  }
0x9e: {  	_ =	swait.ge [sflag:s22], s20  }
0x9f: {  	s3 =	ssub.s32 $0x0, s20;
	[sflag:s22] =	ssyncset.done $0x0  }
0xa0: {  	[sflag:s22] =	ssyncadd.s32 s3;
	_ =	sdelay $0x1  }
0xa1: {  	s23 =	simm.s32 $0x1B8B  }
0xa2: {  	_ =	swait.ge [sflag:s23], $0x1  }
0xa3: {  	[sflag:s23] =	ssyncset.done $0x0  }
0xa4: {  	s25 =	simm.s32 $0x1B8E;
	s24 =	sld [smem:$0x3FFE];
	[sflag:s23] =	ssyncadd.s32 $0xFFFFFFFF  }
0xa5: {  	s26 =	simm.s32 $execute0_lowered;
	[smem:$0x3FD2] =	sst s25  }
0xa6: {  	s4 =	sshll.u32 s26, $0x1;
	_ =	strace $0x80000049;
	[dreg:$0x1] =	wrdreg $0xFFFFFFFF  }
0xa7: {  	s28 =	simm.s32 $_size_execute0_lowered;
	s2 =	sadd.s32 s2, s4;
	[dreg:$0x0] =	wrdreg $0x0  }
0xa8: {  	s4 =	sshll.u32 s28, $0x1;
	[dreg:$0x2] =	wrdreg s2  }
0xa9: {  	[dreg:$0x3] =	wrdreg s4  }
0xaa: {  	[dreg:$0x4] =	wrdreg $0xC0  }
0xab: {  	_ =	task [dreg:s6], $0x5FFFF  }
0xac: {  	[dreg:$0x1] =	wrdreg $0xFFFFFFFF  }
0xad: {  	[dreg:$0x0] =	wrdreg $0x60  }
0xae: {  	[dreg:$0x2] =	wrdreg s24  }
0xaf: {  	[dreg:$0x3] =	wrdreg $0x145A00  }
0xb0: {  	[dreg:$0x4] =	wrdreg $0x16D200  }
0xb1: {  	[dreg:$0x5] =	wrdreg $0x9  }
0xb2: {  	_ =	task.clear_ibuf [dreg:s6], $0x6FFFF;
	_ =	strace $0x90000049  }
0xb3: {  	s29 =	simm.s32 $0x9;
	_ =	strace $0x8000004B  }
0xb4: {  	_ =	swait.ge [sflag:s29], $0x1  }
0xb5: {  	[sflag:s29] =	ssyncadd.s32 $0xFFFFFFFF  }
0xb6: {  	_ =	strace $0x9000004B  }
0xb7: {  	_ =	sfence  }
0xb8: {  	s30 =	sld [smem:$0x0];
	_ =	sdelay $0x2  }
0xb9: {  	s31 =	sshll.u32 s1, $0xD;
	s1 =	sshrl.u32 s1, $0x2  }
0xba: {  	s3 =	sand.u32 $0x4000, s31;
	s1 =	sadd.s32 s1, s30  }
0xbb: {  	s0 =	sor.u32 s3, s0;
	s1 =	sshll.u32 s1, $0x11  }
0xbc: {  	s0 =	sor.u32 s1, s0  }
0xbd: {  	s0 =	sadd.s32 $0x8F2B, s0  }
0xbe: {  	[sflag:s0] =	ssyncadd.remote.s32 $0x1  }
0xbf: {  	_ =	sfence.sel $0xFFFF  }
0xc0: {  	[dreg:$0x0] =	wrdreg $0xFFFFFFFF;
	(pc) =	sbr.abs _section_cstart, $3  }
0xc1: {  	[dreg:$0x1] =	wrdreg $0xFFFFFFFF  }
0xc2: {  	_ =	task.clear_ibuf [dreg:s6], $0x2FFFF;
	_ =	strace $0x9FFFFFFF  }
0xc3: {  	(tm) =	ssettm $0x7FFFFFFF  }
tec
execute0_lowered:
.L_overlay_start_1:
0x0: {  	(tag) =	ssettag $0x1  }
0x1: {  	s0 =	srdreg.scid;
	s5 =	rddreg [dreg:$0x0]  }
0x2: {  	s2 =	stileid.u32;
	s3 =	rddreg [dreg:$0x1]  }
0x3: {  	s4 =	rddreg [dreg:$0x2];
	s13 =	simm.s32 $0x0;
	s10 =	smul.u32 $0x2780, s2  }
0x4: {  	s31 =	simm.s32 $0x6800;
	s0 =	sand.u32 $0x1, s0;
	s6 =	smul.u32 $0x4F0, s2  }
0x5: {  	[smem:$0x7FF] =	sst s13;
	s1 =	sshll.u32 s0, $0x4;
	s7 =	smul.u32 $0x4F00, s0  }
0x6: {  	_ =	strace $0x8000004A;
	s8 =	ssub.s32 $0x2, s0;
	p0 =	seq.s32 s0, $0x0  }
0x7: {  	[dreg:$0x4] =	wrdreg s31;
	s1 =	sor.u32 s2, s1;
	s9 =	sshrl.u32 s10, $0x3  }
0x8: {  	s23 =	sshrl.u32 s8, $0x1;
	s26 =	sadd.s32 s10, s3;
	s3 =	sadd.s32 s10, s4  }
0x9: {  	s4 =	simm.s32 $0x3;
	s1 =	smul.u32 $0x2710, s1;
	s6 =	sadd.s32 s6, s7  }
0xa: {  	s9 =	sadd.s32 s9, s5;
	s12 =	ssub.s32 s8, s23;
	[dreg:$0xc] =	wrdreg s26  }
0xb: {  	s26 =	simm.s32 $0x2;
	[dreg:$0xe] =	wrdreg s3;
	s25 =	sadd.s32 $0x1B200, s9  }
0xc: {  	s11 =	sadd.s32 s6, s5;
	s28 =	sadd.s32 $0x16200, s9;
	[dreg:$0xb] =	wrdreg s25  }
0xd: {  	s30 =	smax.u32 s12, $0x1;
	s1 =	sshrl.u32 s1, $0x3;
	[dreg:$0xd] =	wrdreg s28  }
0xe: {  	s29 =	sadd.s32 $0x20200, s11;
	[dreg:$0x10] =	wrdreg s30;
	s1 =	sadd.s32 s1, s5  }
0xf: {  	s6 =	simm.s32 $0x4E20;
	[dreg:$0xf] =	wrdreg s29;
	s24 =	sadd.s32 $0x2800, s1  }
0x10: {  	s25 =	simm.s32 $0x1;
	s1 =	sadd.s32 $0xC440, s1;
	[dreg:$0x9] =	wrdreg s24  }
0x11: {  	s5 =	simm.s32 $0x11E20;
	[dreg:$0xa] =	wrdreg s1;
	s1 =	simm.s32 $0x0  }
.LBB2_1:
0x12: {  	[dreg:$0x11] =	wrdreg s1  }
0x13: {  	s0 =	rddreg [dreg:$0x9]  }
0x14: {  	[tilespmem:s13], [sflag:$0x3] =	stream.linear.gather [hbm4b:s0+s13], $0x2710, $0x38;
	[tilespmem:$0x194A0] =	vst v63  }
0x15: {  	_ =	swait.ge [sflag:s4], $0x2710  }
0x16: {  	[sflag:s4] =	ssyncset.done $0x0  }
0x17: {  	s24 =	simm.s32 $0x2710;
	s23 =	rddreg [dreg:$0xa];
	[sflag:s4] =	ssyncadd.s32 $0xFFFFD8F0  }
0x18: {  	[tilespmem:s24], [sflag:$0x3] =	stream.linear.gather [hbm4b:s23+s13], $0x2710, $0x38;
	[tilespmem:$0x194A0] =	vst v63  }
0x19: {  	_ =	swait.ge [sflag:s4], $0x2710  }
0x1a: {  	[sflag:s4] =	ssyncset.done $0x0  }
0x1b: {  	s28 =	rddreg [dreg:$0xb];
	[sflag:s4] =	ssyncadd.s32 $0xFFFFD8F0  }
0x1c: {  	[tilespmem:s5], [sflag:$0x3] =	stream.linear.gather [hbm4b:s28+s13], $0x2780, $0x38;
	[tilespmem:$0x194A0] =	vst v63  }
0x1d: {  	_ =	swait.ge [sflag:s4], $0x2780  }
0x1e: {  	[sflag:s4] =	ssyncset.done $0x0  }
0x1f: {  	s29 =	rddreg [dreg:$0xc];
	[sflag:s4] =	ssyncadd.s32 $0xFFFFD880  }
0x20: {  	[spmem:s29] =	stream.linear.scatter [tilespmem:s5], [sflag:$0x3], $0x2780, $0x38;
	[tilespmem:$0x194A0] =	vst v63  }
0x21: {  	_ =	swait.ge [sflag:s4], $0x2780  }
0x22: {  	s1 =	simm.s32 @!p0 $0x11E20;
	[sflag:s4] =	ssyncset.done $0x0  }
0x23: {  	s0 =	simm.s32 @!p0 $0x0;
	s2 =	rddreg [dreg:$0xd];
	[sflag:s4] =	ssyncadd.s32 $0xFFFFD880  }
0x24: {  	[tilespmem:s1], [sflag:$0x3] =	stream.linear.gather @!p0 [hbm4b:s2+s0], $0x2780, $0x38;
	[tilespmem:$0x194A0] =	vst v63  }
0x25: {  	s0 =	simm.s32 @!p0 $0x3  }
0x26: {  	_ =	swait.ge @!p0 [sflag:s0], $0x2780  }
0x27: {  	[sflag:s0] =	ssyncset.done @!p0 $0x0  }
0x28: {  	[sflag:s0] =	ssyncadd.s32 @!p0 $0xFFFFD880  }
0x29: {  	[spmem:s3] =	stream.linear.scatter [tilespmem:s5], [sflag:$0x3], $0x2780, $0x38;
	[tilespmem:$0x194A0] =	vst v63  }
0x2a: {  	_ =	swait.ge [sflag:s4], $0x2780  }
0x2b: {  	[sflag:s4] =	ssyncset.done $0x0  }
0x2c: {  	[sflag:s4] =	ssyncadd.s32 $0xFFFFD880  }
0x2d: {  	[bflag:$0x0] =	sbarrier.arrive $0xFFFF  }
0x2e: {  	s3 =	simm.s32 $0x80;
	s2 =	rddreg [dreg:$0x1]  }
0x2f: {  	[tilespmem:s6], [sflag:$0x1] =	stream.indirect.gather [spmem:s2], $0x10, s13, s3, $0xb8;
	[tilespmem:$0x194A0] =	vst v63  }
0x30: {  	s31 =	simm.s32 $0x5620  }
0x31: {  	[tilespmem:s31], [sflag:$0x1] =	stream.indirect.gather [spmem:s2], $0x10, s3, s3, $0xb8;
	[tilespmem:$0x194A0] =	vst v63  }
0x32: {  	s1 =	simm.s32 $0x100;
	s4 =	simm.s32 $0x5E20  }
0x33: {  	[tilespmem:s4], [sflag:$0x1] =	stream.indirect.gather [spmem:s2], $0x10, s1, s3, $0xb8;
	[tilespmem:$0x194A0] =	vst v63  }
0x34: {  	s5 =	simm.s32 $0x180;
	s6 =	simm.s32 $0x6620  }
0x35: {  	[tilespmem:s6], [sflag:$0x1] =	stream.indirect.gather [spmem:s2], $0x10, s5, s3, $0xb8;
	[tilespmem:$0x194A0] =	vst v63  }
0x36: {  	s7 =	simm.s32 $0x200;
	s8 =	simm.s32 $0x6E20  }
0x37: {  	[tilespmem:s8], [sflag:$0x1] =	stream.indirect.gather [spmem:s2], $0x10, s7, s3, $0xb8;
	[tilespmem:$0x194A0] =	vst v63  }
0x38: {  	s9 =	simm.s32 $0x280;
	s10 =	simm.s32 $0x7620  }
0x39: {  	[tilespmem:s10], [sflag:$0x1] =	stream.indirect.gather [spmem:s2], $0x10, s9, s3, $0xb8;
	[tilespmem:$0x194A0] =	vst v63  }
0x3a: {  	s11 =	simm.s32 $0x300;
	s12 =	simm.s32 $0x7E20  }
0x3b: {  	[tilespmem:s12], [sflag:$0x1] =	stream.indirect.gather [spmem:s2], $0x10, s11, s3, $0xb8;
	[tilespmem:$0x194A0] =	vst v63  }
0x3c: {  	s14 =	simm.s32 $0x8620;
	s15 =	simm.s32 $0x400;
	s13 =	simm.s32 $0x380  }
0x3d: {  	[tilespmem:s14], [sflag:$0x1] =	stream.indirect.gather [spmem:s2], $0x10, s13, s3, $0xb8;
	[tilespmem:$0x194A0] =	vst v63  }
0x3e: {  	s16 =	simm.s32 $0x8E20;
	s17 =	simm.s32 $0x480;
	p1 =	por $0x0, $0x0  }
0x3f: {  	[tilespmem:s16], [sflag:$0x1] =	stream.indirect.gather [spmem:s2], $0x10, s15, s3, $0xb8;
	[tilespmem:$0x194A0] =	vst v63  }
0x40: {  	s18 =	simm.s32 $0x9620;
	s19 =	simm.s32 $0x500;
	s0 =	sand.u32 @!p1 $0x1, s25  }
0x41: {  	[tilespmem:s18], [sflag:$0x1] =	stream.indirect.gather [spmem:s2], $0x10, s17, s3, $0xb8;
	[tilespmem:$0x194A0] =	vst v63  }
0x42: {  	s20 =	simm.s32 $0x9E20;
	s21 =	simm.s32 $0x580;
	p2 =	seq.s32 @!p1 s0, $0x1  }
0x43: {  	[tilespmem:s20], [sflag:$0x1] =	stream.indirect.gather [spmem:s2], $0x10, s19, s3, $0xb8;
	[tilespmem:$0x194A0] =	vst v63  }
0x44: {  	s22 =	simm.s32 $0xA620;
	s0 =	simm.s32 @!p1 $0x6800;
	p2 =	por !p2, p1  }
0x45: {  	[tilespmem:s22], [sflag:$0x1] =	stream.indirect.gather [spmem:s2], $0x10, s21, s3, $0xb8;
	[tilespmem:$0x194A0] =	vst v63  }
0x46: {  	s23 =	simm.s32 $0x600;
	s24 =	simm.s32 $0xAE20;
	s0 =	simm.s32 @p2 $0x0  }
0x47: {  	[tilespmem:s24], [sflag:$0x1] =	stream.indirect.gather [spmem:s2], $0x10, s23, s3, $0xb8;
	[tilespmem:$0x194A0] =	vst v63  }
0x48: {  	s1 =	simm.s32 @!p1 $0x680;
	s14 =	sadd.s32 @!p1 $0x4E20, s0;
	s18 =	simm.s32 @!p1 $0x80  }
0x49: {  	[tilespmem:s14], [sflag:$0x1] =	stream.indirect.gather @!p1 [spmem:s2], $0x10, s1, s18, $0xb8;
	[tilespmem:$0x194A0] =	vst v63  }
0x4a: {  	s1 =	simm.s32 @!p1 $0x700;
	s14 =	sadd.s32 @!p1 $0x5620, s0  }
0x4b: {  	[tilespmem:s14], [sflag:$0x1] =	stream.indirect.gather @!p1 [spmem:s2], $0x10, s1, s18, $0xb8;
	[tilespmem:$0x194A0] =	vst v63  }
0x4c: {  	s1 =	sadd.s32 @!p1 $0x5E20, s0;
	s14 =	simm.s32 @!p1 $0x780  }
0x4d: {  	[tilespmem:s1], [sflag:$0x1] =	stream.indirect.gather @!p1 [spmem:s2], $0x10, s14, s18, $0xb8;
	[tilespmem:$0x194A0] =	vst v63  }
0x4e: {  	s1 =	sadd.s32 @!p1 $0x6620, s0;
	s14 =	simm.s32 @!p1 $0x800  }
0x4f: {  	[tilespmem:s1], [sflag:$0x1] =	stream.indirect.gather @!p1 [spmem:s2], $0x10, s14, s18, $0xb8;
	[tilespmem:$0x194A0] =	vst v63  }
0x50: {  	s1 =	sadd.s32 @!p1 $0x6E20, s0;
	s14 =	simm.s32 @!p1 $0x880  }
0x51: {  	[tilespmem:s1], [sflag:$0x1] =	stream.indirect.gather @!p1 [spmem:s2], $0x10, s14, s18, $0xb8;
	[tilespmem:$0x194A0] =	vst v63  }
0x52: {  	s1 =	sadd.s32 @!p1 $0x7620, s0;
	s14 =	simm.s32 @!p1 $0x900  }
0x53: {  	[tilespmem:s1], [sflag:$0x1] =	stream.indirect.gather @!p1 [spmem:s2], $0x10, s14, s18, $0xb8;
	[tilespmem:$0x194A0] =	vst v63  }
0x54: {  	s1 =	sadd.s32 @!p1 $0x7E20, s0;
	s14 =	simm.s32 @!p1 $0x980  }
0x55: {  	[tilespmem:s1], [sflag:$0x1] =	stream.indirect.gather @!p1 [spmem:s2], $0x10, s14, s18, $0xb8;
	[tilespmem:$0x194A0] =	vst v63  }
0x56: {  	s1 =	sor.u32 @!p1 $0x8620, s0;
	s14 =	simm.s32 @!p1 $0xA00  }
0x57: {  	[tilespmem:s1], [sflag:$0x1] =	stream.indirect.gather @!p1 [spmem:s2], $0x10, s14, s18, $0xb8;
	[tilespmem:$0x194A0] =	vst v63  }
0x58: {  	s1 =	sadd.s32 @!p1 $0x8E20, s0;
	s14 =	simm.s32 @!p1 $0xA80  }
0x59: {  	[tilespmem:s1], [sflag:$0x1] =	stream.indirect.gather @!p1 [spmem:s2], $0x10, s14, s18, $0xb8;
	[tilespmem:$0x194A0] =	vst v63  }
0x5a: {  	s1 =	sor.u32 @!p1 $0x9620, s0;
	s14 =	simm.s32 @!p1 $0xB00  }
0x5b: {  	[tilespmem:s1], [sflag:$0x1] =	stream.indirect.gather @!p1 [spmem:s2], $0x10, s14, s18, $0xb8;
	[tilespmem:$0x194A0] =	vst v63  }
0x5c: {  	s1 =	sadd.s32 @!p1 $0x9E20, s0;
	s14 =	simm.s32 @!p1 $0xB80  }
0x5d: {  	[tilespmem:s1], [sflag:$0x1] =	stream.indirect.gather @!p1 [spmem:s2], $0x10, s14, s18, $0xb8;
	[tilespmem:$0x194A0] =	vst v63  }
0x5e: {  	s1 =	sadd.s32 @!p1 $0xA620, s0;
	s14 =	sadd.s32 @!p1 $0xAE20, s0;
	s0 =	simm.s32 @!p1 $0xC00  }
0x5f: {  	[tilespmem:s1], [sflag:$0x1] =	stream.indirect.gather @!p1 [spmem:s2], $0x10, s0, s18, $0xb8;
	[tilespmem:$0x194A0] =	vst v63  }
0x60: {  	s19 =	simm.s32 $0x0;
	s1 =	simm.s32 @!p1 $0xC80  }
0x61: {  	[tilespmem:s14], [sflag:$0x1] =	stream.indirect.gather @!p1 [spmem:s2], $0x10, s1, s18, $0xb8;
	[tilespmem:$0x194A0] =	vst v63  }
0x62: {  	s28 =	sand.u32 $0x1, s19;
	s0 =	rddreg [dreg:$0x4];
	_ =	swait.ge [sflag:s25], $0x800  }
0x63: {  	p1 =	seq.s32 s28, $0x1;
	[sflag:s25] =	ssyncset.done $0x0  }
0x64: {  	s0 =	simm.s32 @!p1 $0x0;
	[sflag:s25] =	ssyncadd.s32 $0xFFFFF800  }
0x65: {  	s31 =	simm.s32 $0x2710;
	s29 =	sadd.s32 $0x4E20, s0;
	s2 =	rddreg [dreg:$0x2]  }
0x66: {  	[spmem:s2] =	stream.indirect.scatter.add.f32 [tilespmem:s29], [sflag:$0x2], $0x10, s31, s3, $0xb8;
	[tilespmem:$0x194A0] =	vst v63  }
0x67: {  	_ =	swait.ge [sflag:s25], $0x800  }
0x68: {  	[sflag:s25] =	ssyncset.done $0x0  }
0x69: {  	s5 =	simm.s32 $0x2790;
	s4 =	sadd.s32 $0x5620, s0;
	[sflag:s25] =	ssyncadd.s32 $0xFFFFF800  }
0x6a: {  	[spmem:s2] =	stream.indirect.scatter.add.f32 [tilespmem:s4], [sflag:$0x2], $0x10, s5, s3, $0xb8;
	[tilespmem:$0x194A0] =	vst v63  }
0x6b: {  	_ =	swait.ge [sflag:s25], $0x800  }
0x6c: {  	[sflag:s25] =	ssyncset.done $0x0  }
0x6d: {  	s7 =	simm.s32 $0x2810;
	s6 =	sadd.s32 $0x5E20, s0;
	[sflag:s25] =	ssyncadd.s32 $0xFFFFF800  }
0x6e: {  	[spmem:s2] =	stream.indirect.scatter.add.f32 [tilespmem:s6], [sflag:$0x2], $0x10, s7, s3, $0xb8;
	[tilespmem:$0x194A0] =	vst v63  }
0x6f: {  	_ =	swait.ge [sflag:s25], $0x800  }
0x70: {  	[sflag:s25] =	ssyncset.done $0x0  }
0x71: {  	s9 =	simm.s32 $0x2890;
	s8 =	sadd.s32 $0x6620, s0;
	[sflag:s25] =	ssyncadd.s32 $0xFFFFF800  }
0x72: {  	[spmem:s2] =	stream.indirect.scatter.add.f32 [tilespmem:s8], [sflag:$0x2], $0x10, s9, s3, $0xb8;
	[tilespmem:$0x194A0] =	vst v63  }
0x73: {  	_ =	swait.ge [sflag:s25], $0x800  }
0x74: {  	[sflag:s25] =	ssyncset.done $0x0  }
0x75: {  	s11 =	simm.s32 $0x2910;
	s10 =	sadd.s32 $0x6E20, s0;
	[sflag:s25] =	ssyncadd.s32 $0xFFFFF800  }
0x76: {  	[spmem:s2] =	stream.indirect.scatter.add.f32 [tilespmem:s10], [sflag:$0x2], $0x10, s11, s3, $0xb8;
	[tilespmem:$0x194A0] =	vst v63  }
0x77: {  	_ =	swait.ge [sflag:s25], $0x800  }
0x78: {  	[sflag:s25] =	ssyncset.done $0x0  }
0x79: {  	s13 =	simm.s32 $0x2990;
	s12 =	sadd.s32 $0x7620, s0;
	[sflag:s25] =	ssyncadd.s32 $0xFFFFF800  }
0x7a: {  	[spmem:s2] =	stream.indirect.scatter.add.f32 [tilespmem:s12], [sflag:$0x2], $0x10, s13, s3, $0xb8;
	[tilespmem:$0x194A0] =	vst v63  }
0x7b: {  	_ =	swait.ge [sflag:s25], $0x800  }
0x7c: {  	[sflag:s25] =	ssyncset.done $0x0  }
0x7d: {  	s16 =	simm.s32 $0x2A10;
	s15 =	sadd.s32 $0x7E20, s0;
	[sflag:s25] =	ssyncadd.s32 $0xFFFFF800  }
0x7e: {  	[spmem:s2] =	stream.indirect.scatter.add.f32 [tilespmem:s15], [sflag:$0x2], $0x10, s16, s3, $0xb8;
	[tilespmem:$0x194A0] =	vst v63  }
0x7f: {  	_ =	swait.ge [sflag:s25], $0x800  }
0x80: {  	[sflag:s25] =	ssyncset.done $0x0  }
0x81: {  	s18 =	simm.s32 $0x2A90;
	s17 =	sor.u32 $0x8620, s0;
	[sflag:s25] =	ssyncadd.s32 $0xFFFFF800  }
0x82: {  	[spmem:s2] =	stream.indirect.scatter.add.f32 [tilespmem:s17], [sflag:$0x2], $0x10, s18, s3, $0xb8;
	[tilespmem:$0x194A0] =	vst v63  }
0x83: {  	_ =	swait.ge [sflag:s25], $0x800  }
0x84: {  	[sflag:s25] =	ssyncset.done $0x0  }
0x85: {  	s20 =	simm.s32 $0x2B10;
	s19 =	sadd.s32 $0x8E20, s0;
	[sflag:s25] =	ssyncadd.s32 $0xFFFFF800  }
0x86: {  	[spmem:s2] =	stream.indirect.scatter.add.f32 [tilespmem:s19], [sflag:$0x2], $0x10, s20, s3, $0xb8;
	[tilespmem:$0x194A0] =	vst v63  }
0x87: {  	_ =	swait.ge [sflag:s25], $0x800  }
0x88: {  	[sflag:s25] =	ssyncset.done $0x0  }
0x89: {  	s22 =	simm.s32 $0x2B90;
	s21 =	sor.u32 $0x9620, s0;
	[sflag:s25] =	ssyncadd.s32 $0xFFFFF800  }
0x8a: {  	[spmem:s2] =	stream.indirect.scatter.add.f32 [tilespmem:s21], [sflag:$0x2], $0x10, s22, s3, $0xb8;
	[tilespmem:$0x194A0] =	vst v63  }
0x8b: {  	_ =	swait.ge [sflag:s25], $0x800  }
0x8c: {  	[sflag:s25] =	ssyncset.done $0x0  }
0x8d: {  	s24 =	simm.s32 $0x2C10;
	s23 =	sadd.s32 $0x9E20, s0;
	[sflag:s25] =	ssyncadd.s32 $0xFFFFF800  }
0x8e: {  	[spmem:s2] =	stream.indirect.scatter.add.f32 [tilespmem:s23], [sflag:$0x2], $0x10, s24, s3, $0xb8;
	[tilespmem:$0x194A0] =	vst v63  }
0x8f: {  	_ =	swait.ge [sflag:s25], $0x800  }
0x90: {  	[sflag:s25] =	ssyncset.done $0x0  }
0x91: {  	s28 =	sadd.s32 $0xA620, s0;
	s29 =	simm.s32 $0x2C90;
	[sflag:s25] =	ssyncadd.s32 $0xFFFFF800  }
0x92: {  	[spmem:s2] =	stream.indirect.scatter.add.f32 [tilespmem:s28], [sflag:$0x2], $0x10, s29, s3, $0xb8;
	[tilespmem:$0x194A0] =	vst v63  }
0x93: {  	_ =	swait.ge [sflag:s25], $0x800  }
0x94: {  	[sflag:s25] =	ssyncset.done $0x0  }
0x95: {  	s0 =	sadd.s32 $0xAE20, s0;
	s31 =	simm.s32 $0x2D10;
	[sflag:s25] =	ssyncadd.s32 $0xFFFFF800  }
0x96: {  	[spmem:s2] =	stream.indirect.scatter.add.f32 [tilespmem:s0], [sflag:$0x2], $0x10, s31, s3, $0xb8;
	[tilespmem:$0x194A0] =	vst v63  }
0x97: {  	_ =	swait.ge [sflag:s26], $0x800  }
0x98: {  	[sflag:s26] =	ssyncset.done $0x0  }
0x99: {  	[sflag:s26] =	ssyncadd.s32 $0xFFFFF800  }
0x9a: {  	_ =	swait.ge [sflag:s26], $0x800  }
0x9b: {  	[sflag:s26] =	ssyncset.done $0x0  }
0x9c: {  	[sflag:s26] =	ssyncadd.s32 $0xFFFFF800  }
0x9d: {  	_ =	swait.ge [sflag:s26], $0x800  }
0x9e: {  	[sflag:s26] =	ssyncset.done $0x0  }
0x9f: {  	[sflag:s26] =	ssyncadd.s32 $0xFFFFF800  }
0xa0: {  	_ =	swait.ge [sflag:s26], $0x800  }
0xa1: {  	[sflag:s26] =	ssyncset.done $0x0  }
0xa2: {  	[sflag:s26] =	ssyncadd.s32 $0xFFFFF800  }
0xa3: {  	_ =	swait.ge [sflag:s26], $0x800  }
0xa4: {  	[sflag:s26] =	ssyncset.done $0x0  }
0xa5: {  	[sflag:s26] =	ssyncadd.s32 $0xFFFFF800  }
0xa6: {  	_ =	swait.ge [sflag:s26], $0x800  }
0xa7: {  	[sflag:s26] =	ssyncset.done $0x0  }
0xa8: {  	[sflag:s26] =	ssyncadd.s32 $0xFFFFF800  }
0xa9: {  	_ =	swait.ge [sflag:s26], $0x800  }
0xaa: {  	[sflag:s26] =	ssyncset.done $0x0  }
0xab: {  	s30 =	simm.s32 $0x2;
	p2 =	por $0x0, $0x0;
	[sflag:s26] =	ssyncadd.s32 $0xFFFFF800  }
0xac: {  	s5 =	simm.s32 $0x1A00;
	s19 =	sand.u32 @!p2 $0x1, s30;
	_ =	swait.ge [sflag:s26], $0x800  }
0xad: {  	s18 =	simm.s32 @!p2 $0x680;
	p1 =	seq.s32 @!p2 s19, $0x1;
	[sflag:s26] =	ssyncset.done $0x0  }
0xae: {  	s19 =	simm.s32 @!p2 $0x6800;
	p3 =	por !p1, p2;
	[sflag:s26] =	ssyncadd.s32 $0xFFFFF800  }
0xaf: {  	s21 =	simm.s32 @!p2 $0xD00;
	s23 =	simm.s32 $0x3400;
	_ =	swait.ge [sflag:s26], $0x800  }
.LBB2_2:
0xb0: {  	[dreg:$0x6] =	wrdreg s5;
	s0 =	sadd.s32 @!p2 $0x700, s18  }
0xb1: {  	s19 =	simm.s32 @p3 $0x0;
	s15 =	smov.u32 s23;
	[dreg:$0x7] =	wrdreg s0  }
0xb2: {  	[sflag:s26] =	ssyncset.done $0x0;
	[dreg:$0x5] =	wrdreg s15;
	s0 =	sadd.s32 @!p2 $0x6620, s19  }
0xb3: {  	[sflag:s26] =	ssyncadd.s32 $0xFFFFF800;
	[dreg:$0x8] =	wrdreg s0  }
0xb4: {  	_ =	swait.ge [sflag:s26], $0x800  }
0xb5: {  	[sflag:s26] =	ssyncset.done $0x0  }
0xb6: {  	[sflag:s26] =	ssyncadd.s32 $0xFFFFF800  }
0xb7: {  	_ =	swait.ge [sflag:s26], $0x800  }
0xb8: {  	[sflag:s26] =	ssyncset.done $0x0  }
0xb9: {  	[sflag:s26] =	ssyncadd.s32 $0xFFFFF800  }
0xba: {  	_ =	swait.ge [sflag:s26], $0x800  }
0xbb: {  	[sflag:s26] =	ssyncset.done $0x0  }
0xbc: {  	[sflag:s26] =	ssyncadd.s32 $0xFFFFF800  }
0xbd: {  	_ =	swait.ge [sflag:s26], $0x800  }
0xbe: {  	[sflag:s26] =	ssyncset.done $0x0  }
0xbf: {  	[sflag:s26] =	ssyncadd.s32 $0xFFFFF800  }
0xc0: {  	s8 =	sadd.s32 @!p2 $0x4E20, s19;
	s0 =	simm.s32 @!p2 $0x80;
	s14 =	rddreg [dreg:$0x1]  }
0xc1: {  	[tilespmem:s8], [sflag:$0x1] =	stream.indirect.gather @!p2 [spmem:s14], $0x10, s21, s0, $0xb8;
	[tilespmem:$0x194A0] =	vst v63  }
0xc2: {  	s24 =	sadd.s32 @!p2 $0x5620, s19;
	s8 =	rddreg [dreg:$0x7]  }
0xc3: {  	[tilespmem:s24], [sflag:$0x1] =	stream.indirect.gather @!p2 [spmem:s14], $0x10, s8, s0, $0xb8;
	[tilespmem:$0x194A0] =	vst v63  }
0xc4: {  	s5 =	sadd.s32 @!p2 $0x780, s18;
	s29 =	sadd.s32 @!p2 $0x5E20, s19  }
0xc5: {  	[tilespmem:s29], [sflag:$0x1] =	stream.indirect.gather @!p2 [spmem:s14], $0x10, s5, s0, $0xb8;
	[tilespmem:$0x194A0] =	vst v63  }
0xc6: {  	s7 =	sadd.s32 @!p2 $0x800, s18;
	s5 =	rddreg [dreg:$0x8]  }
0xc7: {  	[tilespmem:s5], [sflag:$0x1] =	stream.indirect.gather @!p2 [spmem:s14], $0x10, s7, s0, $0xb8;
	[tilespmem:$0x194A0] =	vst v63  }
0xc8: {  	s9 =	sadd.s32 @!p2 $0x880, s18;
	s6 =	sadd.s32 @!p2 $0x6E20, s19  }
0xc9: {  	[tilespmem:s6], [sflag:$0x1] =	stream.indirect.gather @!p2 [spmem:s14], $0x10, s9, s0, $0xb8;
	[tilespmem:$0x194A0] =	vst v63  }
0xca: {  	s12 =	sadd.s32 @!p2 $0x900, s18;
	s22 =	sadd.s32 @!p2 $0x7620, s19  }
0xcb: {  	[tilespmem:s22], [sflag:$0x1] =	stream.indirect.gather @!p2 [spmem:s14], $0x10, s12, s0, $0xb8;
	[tilespmem:$0x194A0] =	vst v63  }
0xcc: {  	s17 =	sadd.s32 @!p2 $0x980, s18;
	s11 =	sadd.s32 @!p2 $0x7E20, s19  }
0xcd: {  	[tilespmem:s11], [sflag:$0x1] =	stream.indirect.gather @!p2 [spmem:s14], $0x10, s17, s0, $0xb8;
	[tilespmem:$0x194A0] =	vst v63  }
0xce: {  	s4 =	sadd.s32 @!p2 $0xA00, s18;
	s28 =	sor.u32 @!p2 $0x8620, s19  }
0xcf: {  	[tilespmem:s28], [sflag:$0x1] =	stream.indirect.gather @!p2 [spmem:s14], $0x10, s4, s0, $0xb8;
	[tilespmem:$0x194A0] =	vst v63  }
0xd0: {  	s31 =	sadd.s32 @!p2 $0xA80, s18;
	s10 =	sadd.s32 @!p2 $0x8E20, s19  }
0xd1: {  	[tilespmem:s10], [sflag:$0x1] =	stream.indirect.gather @!p2 [spmem:s14], $0x10, s31, s0, $0xb8;
	[tilespmem:$0x194A0] =	vst v63  }
0xd2: {  	s2 =	sadd.s32 @!p2 $0xB00, s18;
	s15 =	sor.u32 @!p2 $0x9620, s19  }
0xd3: {  	[tilespmem:s15], [sflag:$0x1] =	stream.indirect.gather @!p2 [spmem:s14], $0x10, s2, s0, $0xb8;
	[tilespmem:$0x194A0] =	vst v63  }
0xd4: {  	s16 =	sadd.s32 @!p2 $0xB80, s18;
	s13 =	sadd.s32 @!p2 $0x9E20, s19  }
0xd5: {  	[tilespmem:s13], [sflag:$0x1] =	stream.indirect.gather @!p2 [spmem:s14], $0x10, s16, s0, $0xb8;
	[tilespmem:$0x194A0] =	vst v63  }
0xd6: {  	s1 =	sadd.s32 @!p2 $0xC00, s18;
	s20 =	sadd.s32 @!p2 $0xC80, s18;
	s3 =	sadd.s32 @!p2 $0xA620, s19  }
0xd7: {  	[tilespmem:s3], [sflag:$0x1] =	stream.indirect.gather @!p2 [spmem:s14], $0x10, s1, s0, $0xb8;
	[tilespmem:$0x194A0] =	vst v63  }
0xd8: {  	s19 =	sadd.s32 @!p2 $0xAE20, s19;
	s18 =	rddreg [dreg:$0x4];
	s16 =	sadd.s32 $0xFFFFFFFF, s30  }
0xd9: {  	[tilespmem:s19], [sflag:$0x1] =	stream.indirect.gather @!p2 [spmem:s14], $0x10, s20, s0, $0xb8;
	[tilespmem:$0x194A0] =	vst v63  }
0xda: {  	s17 =	sand.u32 $0x1, s16;
	s3 =	simm.s32 $0x80;
	_ =	swait.ge [sflag:s25], $0x800  }
0xdb: {  	p2 =	seq.s32 s17, $0x1;
	[sflag:s25] =	ssyncset.done $0x0;
	s19 =	rddreg [dreg:$0x6]  }
0xdc: {  	s18 =	simm.s32 @!p2 $0x0;
	s19 =	sshra.s32 s19, $0x2;
	[sflag:s25] =	ssyncadd.s32 $0xFFFFF800  }
0xdd: {  	s20 =	sadd.s32 $0x4E20, s18;
	s21 =	sadd.s32 $0x2710, s19;
	s2 =	rddreg [dreg:$0x2]  }
0xde: {  	[spmem:s2] =	stream.indirect.scatter.add.f32 [tilespmem:s20], [sflag:$0x2], $0x10, s21, s3, $0xb8;
	[tilespmem:$0x194A0] =	vst v63  }
0xdf: {  	_ =	swait.ge [sflag:s25], $0x800  }
0xe0: {  	[sflag:s25] =	ssyncset.done $0x0  }
0xe1: {  	s24 =	sadd.s32 $0x5620, s18;
	s28 =	sadd.s32 $0x2790, s19;
	[sflag:s25] =	ssyncadd.s32 $0xFFFFF800  }
0xe2: {  	[spmem:s2] =	stream.indirect.scatter.add.f32 [tilespmem:s24], [sflag:$0x2], $0x10, s28, s3, $0xb8;
	[tilespmem:$0x194A0] =	vst v63  }
0xe3: {  	s22 =	rddreg [dreg:$0x5];
	_ =	swait.ge [sflag:s25], $0x800  }
0xe4: {  	[sflag:s25] =	ssyncset.done $0x0  }
0xe5: {  	s29 =	sadd.s32 $0x5E20, s18;
	s31 =	sadd.s32 $0x2810, s19;
	[sflag:s25] =	ssyncadd.s32 $0xFFFFF800  }
0xe6: {  	[spmem:s2] =	stream.indirect.scatter.add.f32 [tilespmem:s29], [sflag:$0x2], $0x10, s31, s3, $0xb8;
	[tilespmem:$0x194A0] =	vst v63  }
0xe7: {  	_ =	swait.ge [sflag:s25], $0x800  }
0xe8: {  	[sflag:s25] =	ssyncset.done $0x0  }
0xe9: {  	s4 =	sadd.s32 $0x6620, s18;
	s6 =	sadd.s32 $0x2890, s19;
	[sflag:s25] =	ssyncadd.s32 $0xFFFFF800  }
0xea: {  	[spmem:s2] =	stream.indirect.scatter.add.f32 [tilespmem:s4], [sflag:$0x2], $0x10, s6, s3, $0xb8;
	[tilespmem:$0x194A0] =	vst v63  }
0xeb: {  	_ =	swait.ge [sflag:s25], $0x800  }
0xec: {  	[sflag:s25] =	ssyncset.done $0x0  }
0xed: {  	s7 =	sadd.s32 $0x6E20, s18;
	s8 =	sadd.s32 $0x2910, s19;
	[sflag:s25] =	ssyncadd.s32 $0xFFFFF800  }
0xee: {  	[spmem:s2] =	stream.indirect.scatter.add.f32 [tilespmem:s7], [sflag:$0x2], $0x10, s8, s3, $0xb8;
	[tilespmem:$0x194A0] =	vst v63  }
0xef: {  	_ =	swait.ge [sflag:s25], $0x800  }
0xf0: {  	[sflag:s25] =	ssyncset.done $0x0  }
0xf1: {  	s9 =	sadd.s32 $0x7620, s18;
	s10 =	sadd.s32 $0x2990, s19;
	[sflag:s25] =	ssyncadd.s32 $0xFFFFF800  }
0xf2: {  	[spmem:s2] =	stream.indirect.scatter.add.f32 [tilespmem:s9], [sflag:$0x2], $0x10, s10, s3, $0xb8;
	[tilespmem:$0x194A0] =	vst v63  }
0xf3: {  	_ =	swait.ge [sflag:s25], $0x800  }
0xf4: {  	[sflag:s25] =	ssyncset.done $0x0  }
0xf5: {  	s11 =	sadd.s32 $0x7E20, s18;
	s12 =	sadd.s32 $0x2A10, s19;
	[sflag:s25] =	ssyncadd.s32 $0xFFFFF800  }
0xf6: {  	[spmem:s2] =	stream.indirect.scatter.add.f32 [tilespmem:s11], [sflag:$0x2], $0x10, s12, s3, $0xb8;
	[tilespmem:$0x194A0] =	vst v63  }
0xf7: {  	_ =	swait.ge [sflag:s25], $0x800  }
0xf8: {  	[sflag:s25] =	ssyncset.done $0x0  }
0xf9: {  	s13 =	sor.u32 $0x8620, s18;
	s14 =	sadd.s32 $0x2A90, s19;
	[sflag:s25] =	ssyncadd.s32 $0xFFFFF800  }
0xfa: {  	[spmem:s2] =	stream.indirect.scatter.add.f32 [tilespmem:s13], [sflag:$0x2], $0x10, s14, s3, $0xb8;
	[tilespmem:$0x194A0] =	vst v63  }
0xfb: {  	_ =	swait.ge [sflag:s25], $0x800  }
0xfc: {  	[sflag:s25] =	ssyncset.done $0x0  }
0xfd: {  	s15 =	sadd.s32 $0x8E20, s18;
	s16 =	sadd.s32 $0x2B10, s19;
	[sflag:s25] =	ssyncadd.s32 $0xFFFFF800  }
0xfe: {  	[spmem:s2] =	stream.indirect.scatter.add.f32 [tilespmem:s15], [sflag:$0x2], $0x10, s16, s3, $0xb8;
	[tilespmem:$0x194A0] =	vst v63  }
0xff: {  	_ =	swait.ge [sflag:s25], $0x800  }
0x100: {  	[sflag:s25] =	ssyncset.done $0x0  }
0x101: {  	s17 =	sor.u32 $0x9620, s18;
	s20 =	sadd.s32 $0x2B90, s19;
	[sflag:s25] =	ssyncadd.s32 $0xFFFFF800  }
0x102: {  	[spmem:s2] =	stream.indirect.scatter.add.f32 [tilespmem:s17], [sflag:$0x2], $0x10, s20, s3, $0xb8;
	[tilespmem:$0x194A0] =	vst v63  }
0x103: {  	_ =	swait.ge [sflag:s25], $0x800  }
0x104: {  	s21 =	sadd.s32 $0x9E20, s18;
	[sflag:s25] =	ssyncset.done $0x0  }
0x105: {  	s5 =	smov.u32 s22;
	s22 =	sadd.s32 $0x2C10, s19;
	[sflag:s25] =	ssyncadd.s32 $0xFFFFF800  }
0x106: {  	[spmem:s2] =	stream.indirect.scatter.add.f32 [tilespmem:s21], [sflag:$0x2], $0x10, s22, s3, $0xb8;
	[tilespmem:$0x194A0] =	vst v63  }
0x107: {  	_ =	swait.ge [sflag:s25], $0x800  }
0x108: {  	[sflag:s25] =	ssyncset.done $0x0  }
0x109: {  	s24 =	sadd.s32 $0xA620, s18;
	s28 =	sadd.s32 $0x2C90, s19;
	[sflag:s25] =	ssyncadd.s32 $0xFFFFF800  }
0x10a: {  	[spmem:s2] =	stream.indirect.scatter.add.f32 [tilespmem:s24], [sflag:$0x2], $0x10, s28, s3, $0xb8;
	[tilespmem:$0x194A0] =	vst v63  }
0x10b: {  	_ =	swait.ge [sflag:s25], $0x800  }
0x10c: {  	[sflag:s25] =	ssyncset.done $0x0  }
0x10d: {  	s29 =	sadd.s32 $0xAE20, s18;
	s31 =	sadd.s32 $0x2D10, s19;
	[sflag:s25] =	ssyncadd.s32 $0xFFFFF800  }
0x10e: {  	[spmem:s2] =	stream.indirect.scatter.add.f32 [tilespmem:s29], [sflag:$0x2], $0x10, s31, s3, $0xb8;
	[tilespmem:$0x194A0] =	vst v63  }
0x10f: {  	_ =	swait.ge [sflag:s26], $0x800  }
0x110: {  	[sflag:s26] =	ssyncset.done $0x0  }
0x111: {  	[sflag:s26] =	ssyncadd.s32 $0xFFFFF800  }
0x112: {  	_ =	swait.ge [sflag:s26], $0x800  }
0x113: {  	[sflag:s26] =	ssyncset.done $0x0  }
0x114: {  	[sflag:s26] =	ssyncadd.s32 $0xFFFFF800  }
0x115: {  	_ =	swait.ge [sflag:s26], $0x800  }
0x116: {  	[sflag:s26] =	ssyncset.done $0x0  }
0x117: {  	[sflag:s26] =	ssyncadd.s32 $0xFFFFF800  }
0x118: {  	_ =	swait.ge [sflag:s26], $0x800  }
0x119: {  	[sflag:s26] =	ssyncset.done $0x0  }
0x11a: {  	[sflag:s26] =	ssyncadd.s32 $0xFFFFF800  }
0x11b: {  	_ =	swait.ge [sflag:s26], $0x800  }
0x11c: {  	[sflag:s26] =	ssyncset.done $0x0  }
0x11d: {  	[sflag:s26] =	ssyncadd.s32 $0xFFFFF800  }
0x11e: {  	_ =	swait.ge [sflag:s26], $0x800  }
0x11f: {  	[sflag:s26] =	ssyncset.done $0x0  }
0x120: {  	[sflag:s26] =	ssyncadd.s32 $0xFFFFF800  }
0x121: {  	s23 =	sadd.s32 $0x1A00, s23;
	_ =	swait.ge [sflag:s26], $0x800  }
0x122: {  	p1 =	sne.s32 s23, $0x9C00;
	s30 =	sadd.s32 $0x1, s30;
	[sflag:s26] =	ssyncset.done $0x0  }
.Ltmp0:
0x123: {  	p2 =	seq.s32 s5, $0x8200;
	[sflag:s26] =	ssyncadd.s32 $0xFFFFF800;
	(pc) =	sbr.rel @p1 .LBB2_2-.Ltmp0, $4  }
0x124: {  	s0 =	sand.u32 @!p2 $0x1, s30;
	_ =	swait.ge [sflag:s26], $0x800  }
0x125: {  	p3 =	seq.s32 @!p2 s0, $0x1;
	[sflag:s26] =	ssyncset.done $0x0  }
0x126: {  	p3 =	por !p3, p2;
	s18 =	sshra.s32 @!p2 s5, $0x2;
	[sflag:s26] =	ssyncadd.s32 $0xFFFFF800  }
0x127: {  	s19 =	simm.s32 @!p2 $0x6800;
	s21 =	sadd.s32 @!p2 $0x680, s18;
	_ =	swait.ge [sflag:s26], $0x800  }
0x128: {  	[sflag:s26] =	ssyncset.done $0x0  }
0x129: {  	[sflag:s26] =	ssyncadd.s32 $0xFFFFF800  }
0x12a: {  	_ =	swait.ge [sflag:s26], $0x800  }
0x12b: {  	[sflag:s26] =	ssyncset.done $0x0  }
0x12c: {  	[sflag:s26] =	ssyncadd.s32 $0xFFFFF800  }
0x12d: {  	_ =	swait.ge [sflag:s26], $0x800  }
0x12e: {  	[sflag:s26] =	ssyncset.done $0x0  }
0x12f: {  	[sflag:s26] =	ssyncadd.s32 $0xFFFFF800  }
0x130: {  	_ =	swait.ge [sflag:s26], $0x800  }
0x131: {  	[sflag:s26] =	ssyncset.done $0x0  }
0x132: {  	[sflag:s26] =	ssyncadd.s32 $0xFFFFF800  }
0x133: {  	_ =	swait.ge [sflag:s26], $0x800  }
0x134: {  	[sflag:s26] =	ssyncset.done $0x0  }
0x135: {  	s19 =	simm.s32 @p3 $0x0;
	[sflag:s26] =	ssyncadd.s32 $0xFFFFF800  }
0x136: {  	s1 =	simm.s32 @!p2 $0x80;
	s0 =	sadd.s32 @!p2 $0x4E20, s19;
	s4 =	rddreg [dreg:$0x1]  }
0x137: {  	[tilespmem:s0], [sflag:$0x1] =	stream.indirect.gather @!p2 [spmem:s4], $0x10, s21, s1, $0xb8;
	[tilespmem:$0x194A0] =	vst v63  }
0x138: {  	s2 =	sadd.s32 @!p2 $0x5620, s19;
	s0 =	sadd.s32 @!p2 $0x700, s18  }
0x139: {  	[tilespmem:s2], [sflag:$0x1] =	stream.indirect.gather @!p2 [spmem:s4], $0x10, s0, s1, $0xb8;
	[tilespmem:$0x194A0] =	vst v63  }
0x13a: {  	s0 =	sadd.s32 @!p2 $0x5E20, s19;
	s2 =	sadd.s32 @!p2 $0x780, s18  }
0x13b: {  	[tilespmem:s0], [sflag:$0x1] =	stream.indirect.gather @!p2 [spmem:s4], $0x10, s2, s1, $0xb8;
	[tilespmem:$0x194A0] =	vst v63  }
0x13c: {  	s0 =	sadd.s32 @!p2 $0x6620, s19;
	s2 =	sadd.s32 @!p2 $0x800, s18  }
0x13d: {  	[tilespmem:s0], [sflag:$0x1] =	stream.indirect.gather @!p2 [spmem:s4], $0x10, s2, s1, $0xb8;
	[tilespmem:$0x194A0] =	vst v63  }
0x13e: {  	s0 =	sadd.s32 @!p2 $0x6E20, s19;
	s2 =	sadd.s32 @!p2 $0x880, s18  }
0x13f: {  	[tilespmem:s0], [sflag:$0x1] =	stream.indirect.gather @!p2 [spmem:s4], $0x10, s2, s1, $0xb8;
	[tilespmem:$0x194A0] =	vst v63  }
0x140: {  	s0 =	sadd.s32 @!p2 $0x7620, s19;
	s2 =	sadd.s32 @!p2 $0x900, s18  }
0x141: {  	[tilespmem:s0], [sflag:$0x1] =	stream.indirect.gather @!p2 [spmem:s4], $0x10, s2, s1, $0xb8;
	[tilespmem:$0x194A0] =	vst v63  }
0x142: {  	s0 =	sadd.s32 @!p2 $0x7E20, s19;
	s2 =	sadd.s32 @!p2 $0x980, s18  }
0x143: {  	[tilespmem:s0], [sflag:$0x1] =	stream.indirect.gather @!p2 [spmem:s4], $0x10, s2, s1, $0xb8;
	[tilespmem:$0x194A0] =	vst v63  }
0x144: {  	s0 =	sor.u32 @!p2 $0x8620, s19;
	s2 =	sadd.s32 @!p2 $0xA00, s18  }
0x145: {  	[tilespmem:s0], [sflag:$0x1] =	stream.indirect.gather @!p2 [spmem:s4], $0x10, s2, s1, $0xb8;
	[tilespmem:$0x194A0] =	vst v63  }
0x146: {  	s0 =	sadd.s32 @!p2 $0x8E20, s19;
	s2 =	sadd.s32 @!p2 $0xA80, s18  }
0x147: {  	[tilespmem:s0], [sflag:$0x1] =	stream.indirect.gather @!p2 [spmem:s4], $0x10, s2, s1, $0xb8;
	[tilespmem:$0x194A0] =	vst v63  }
0x148: {  	s0 =	sor.u32 @!p2 $0x9620, s19;
	s2 =	sadd.s32 @!p2 $0xB00, s18  }
0x149: {  	[tilespmem:s0], [sflag:$0x1] =	stream.indirect.gather @!p2 [spmem:s4], $0x10, s2, s1, $0xb8;
	[tilespmem:$0x194A0] =	vst v63  }
0x14a: {  	s0 =	sadd.s32 @!p2 $0x9E20, s19;
	s2 =	sadd.s32 @!p2 $0xB80, s18  }
0x14b: {  	[tilespmem:s0], [sflag:$0x1] =	stream.indirect.gather @!p2 [spmem:s4], $0x10, s2, s1, $0xb8;
	[tilespmem:$0x194A0] =	vst v63  }
0x14c: {  	s0 =	sadd.s32 @!p2 $0xA620, s19;
	s2 =	sadd.s32 @!p2 $0xC00, s18  }
0x14d: {  	[tilespmem:s0], [sflag:$0x1] =	stream.indirect.gather @!p2 [spmem:s4], $0x10, s2, s1, $0xb8;
	[tilespmem:$0x194A0] =	vst v63  }
0x14e: {  	s21 =	sadd.s32 $0xFFFFFFFF, s30;
	s0 =	sadd.s32 @!p2 $0xAE20, s19;
	s2 =	sadd.s32 @!p2 $0xC80, s18  }
0x14f: {  	[tilespmem:s0], [sflag:$0x1] =	stream.indirect.gather @!p2 [spmem:s4], $0x10, s2, s1, $0xb8;
	[tilespmem:$0x194A0] =	vst v63  }
0x150: {  	s0 =	rddreg [dreg:$0x4];
	s1 =	sand.u32 $0x1, s21;
	_ =	swait.ge [sflag:s25], $0x800  }
0x151: {  	s6 =	simm.s32 $0x80;
	p1 =	seq.s32 s1, $0x1;
	[sflag:s25] =	ssyncset.done $0x0  }
0x152: {  	s1 =	sshra.s32 s5, $0x2;
	s0 =	simm.s32 @!p1 $0x0;
	[sflag:s25] =	ssyncadd.s32 $0xFFFFF800  }
0x153: {  	s3 =	sadd.s32 $0x2710, s1;
	s22 =	sadd.s32 $0x4E20, s0;
	s5 =	rddreg [dreg:$0x2]  }
0x154: {  	[spmem:s5] =	stream.indirect.scatter.add.f32 [tilespmem:s22], [sflag:$0x2], $0x10, s3, s6, $0xb8;
	[tilespmem:$0x194A0] =	vst v63  }
0x155: {  	_ =	swait.ge [sflag:s25], $0x800  }
0x156: {  	[sflag:s25] =	ssyncset.done $0x0  }
0x157: {  	s24 =	sadd.s32 $0x2790, s1;
	s23 =	sadd.s32 $0x5620, s0;
	[sflag:s25] =	ssyncadd.s32 $0xFFFFF800  }
0x158: {  	[spmem:s5] =	stream.indirect.scatter.add.f32 [tilespmem:s23], [sflag:$0x2], $0x10, s24, s6, $0xb8;
	[tilespmem:$0x194A0] =	vst v63  }
0x159: {  	_ =	swait.ge [sflag:s25], $0x800  }
0x15a: {  	[sflag:s25] =	ssyncset.done $0x0  }
0x15b: {  	s29 =	sadd.s32 $0x2810, s1;
	s28 =	sadd.s32 $0x5E20, s0;
	[sflag:s25] =	ssyncadd.s32 $0xFFFFF800  }
0x15c: {  	[spmem:s5] =	stream.indirect.scatter.add.f32 [tilespmem:s28], [sflag:$0x2], $0x10, s29, s6, $0xb8;
	[tilespmem:$0x194A0] =	vst v63  }
0x15d: {  	_ =	swait.ge [sflag:s25], $0x800  }
0x15e: {  	[sflag:s25] =	ssyncset.done $0x0  }
0x15f: {  	s31 =	sadd.s32 $0x2890, s1;
	s30 =	sadd.s32 $0x6620, s0;
	[sflag:s25] =	ssyncadd.s32 $0xFFFFF800  }
0x160: {  	[spmem:s5] =	stream.indirect.scatter.add.f32 [tilespmem:s30], [sflag:$0x2], $0x10, s31, s6, $0xb8;
	[tilespmem:$0x194A0] =	vst v63  }
0x161: {  	_ =	swait.ge [sflag:s25], $0x800  }
0x162: {  	[sflag:s25] =	ssyncset.done $0x0  }
0x163: {  	s8 =	sadd.s32 $0x2910, s1;
	s7 =	sadd.s32 $0x6E20, s0;
	[sflag:s25] =	ssyncadd.s32 $0xFFFFF800  }
0x164: {  	[spmem:s5] =	stream.indirect.scatter.add.f32 [tilespmem:s7], [sflag:$0x2], $0x10, s8, s6, $0xb8;
	[tilespmem:$0x194A0] =	vst v63  }
0x165: {  	_ =	swait.ge [sflag:s25], $0x800  }
0x166: {  	[sflag:s25] =	ssyncset.done $0x0  }
0x167: {  	s10 =	sadd.s32 $0x2990, s1;
	s9 =	sadd.s32 $0x7620, s0;
	[sflag:s25] =	ssyncadd.s32 $0xFFFFF800  }
0x168: {  	[spmem:s5] =	stream.indirect.scatter.add.f32 [tilespmem:s9], [sflag:$0x2], $0x10, s10, s6, $0xb8;
	[tilespmem:$0x194A0] =	vst v63  }
0x169: {  	_ =	swait.ge [sflag:s25], $0x800  }
0x16a: {  	[sflag:s25] =	ssyncset.done $0x0  }
0x16b: {  	s12 =	sadd.s32 $0x2A10, s1;
	s11 =	sadd.s32 $0x7E20, s0;
	[sflag:s25] =	ssyncadd.s32 $0xFFFFF800  }
0x16c: {  	[spmem:s5] =	stream.indirect.scatter.add.f32 [tilespmem:s11], [sflag:$0x2], $0x10, s12, s6, $0xb8;
	[tilespmem:$0x194A0] =	vst v63  }
0x16d: {  	_ =	swait.ge [sflag:s25], $0x800  }
0x16e: {  	[sflag:s25] =	ssyncset.done $0x0  }
0x16f: {  	s14 =	sadd.s32 $0x2A90, s1;
	s13 =	sor.u32 $0x8620, s0;
	[sflag:s25] =	ssyncadd.s32 $0xFFFFF800  }
0x170: {  	[spmem:s5] =	stream.indirect.scatter.add.f32 [tilespmem:s13], [sflag:$0x2], $0x10, s14, s6, $0xb8;
	[tilespmem:$0x194A0] =	vst v63  }
0x171: {  	_ =	swait.ge [sflag:s25], $0x800  }
0x172: {  	[sflag:s25] =	ssyncset.done $0x0  }
0x173: {  	s16 =	sadd.s32 $0x2B10, s1;
	s15 =	sadd.s32 $0x8E20, s0;
	[sflag:s25] =	ssyncadd.s32 $0xFFFFF800  }
0x174: {  	[spmem:s5] =	stream.indirect.scatter.add.f32 [tilespmem:s15], [sflag:$0x2], $0x10, s16, s6, $0xb8;
	[tilespmem:$0x194A0] =	vst v63  }
0x175: {  	_ =	swait.ge [sflag:s25], $0x800  }
0x176: {  	[sflag:s25] =	ssyncset.done $0x0  }
0x177: {  	s18 =	sadd.s32 $0x2B90, s1;
	s17 =	sor.u32 $0x9620, s0;
	[sflag:s25] =	ssyncadd.s32 $0xFFFFF800  }
0x178: {  	[spmem:s5] =	stream.indirect.scatter.add.f32 [tilespmem:s17], [sflag:$0x2], $0x10, s18, s6, $0xb8;
	[tilespmem:$0x194A0] =	vst v63  }
0x179: {  	_ =	swait.ge [sflag:s25], $0x800  }
0x17a: {  	[sflag:s25] =	ssyncset.done $0x0  }
0x17b: {  	s20 =	sadd.s32 $0x2C10, s1;
	s19 =	sadd.s32 $0x9E20, s0;
	[sflag:s25] =	ssyncadd.s32 $0xFFFFF800  }
0x17c: {  	[spmem:s5] =	stream.indirect.scatter.add.f32 [tilespmem:s19], [sflag:$0x2], $0x10, s20, s6, $0xb8;
	[tilespmem:$0x194A0] =	vst v63  }
0x17d: {  	_ =	swait.ge [sflag:s25], $0x800  }
0x17e: {  	[sflag:s25] =	ssyncset.done $0x0  }
0x17f: {  	s21 =	sadd.s32 $0xA620, s0;
	s22 =	sadd.s32 $0x2C90, s1;
	[sflag:s25] =	ssyncadd.s32 $0xFFFFF800  }
0x180: {  	[spmem:s5] =	stream.indirect.scatter.add.f32 [tilespmem:s21], [sflag:$0x2], $0x10, s22, s6, $0xb8;
	[tilespmem:$0x194A0] =	vst v63  }
0x181: {  	_ =	swait.ge [sflag:s25], $0x800  }
0x182: {  	[sflag:s25] =	ssyncset.done $0x0  }
0x183: {  	s0 =	sadd.s32 $0xAE20, s0;
	s1 =	sadd.s32 $0x2D10, s1;
	[sflag:s25] =	ssyncadd.s32 $0xFFFFF800  }
0x184: {  	[spmem:s5] =	stream.indirect.scatter.add.f32 [tilespmem:s0], [sflag:$0x2], $0x10, s1, s6, $0xb8;
	[tilespmem:$0x194A0] =	vst v63  }
0x185: {  	_ =	swait.ge [sflag:s26], $0x800  }
0x186: {  	[sflag:s26] =	ssyncset.done $0x0  }
0x187: {  	[sflag:s26] =	ssyncadd.s32 $0xFFFFF800  }
0x188: {  	_ =	swait.ge [sflag:s26], $0x800  }
0x189: {  	[sflag:s26] =	ssyncset.done $0x0  }
0x18a: {  	[sflag:s26] =	ssyncadd.s32 $0xFFFFF800  }
0x18b: {  	_ =	swait.ge [sflag:s26], $0x800  }
0x18c: {  	[sflag:s26] =	ssyncset.done $0x0  }
0x18d: {  	[sflag:s26] =	ssyncadd.s32 $0xFFFFF800  }
0x18e: {  	_ =	swait.ge [sflag:s26], $0x800  }
0x18f: {  	[sflag:s26] =	ssyncset.done $0x0  }
0x190: {  	[sflag:s26] =	ssyncadd.s32 $0xFFFFF800  }
0x191: {  	_ =	swait.ge [sflag:s26], $0x800  }
0x192: {  	[sflag:s26] =	ssyncset.done $0x0  }
0x193: {  	[sflag:s26] =	ssyncadd.s32 $0xFFFFF800  }
0x194: {  	_ =	swait.ge [sflag:s26], $0x800  }
0x195: {  	[sflag:s26] =	ssyncset.done $0x0  }
0x196: {  	[sflag:s26] =	ssyncadd.s32 $0xFFFFF800  }
0x197: {  	_ =	swait.ge [sflag:s26], $0x800  }
0x198: {  	[sflag:s26] =	ssyncset.done $0x0  }
0x199: {  	[sflag:s26] =	ssyncadd.s32 $0xFFFFF800  }
0x19a: {  	_ =	swait.ge [sflag:s26], $0x800  }
0x19b: {  	[sflag:s26] =	ssyncset.done $0x0  }
0x19c: {  	[sflag:s26] =	ssyncadd.s32 $0xFFFFF800  }
0x19d: {  	_ =	swait.ge [sflag:s26], $0x800  }
0x19e: {  	[sflag:s26] =	ssyncset.done $0x0  }
0x19f: {  	[sflag:s26] =	ssyncadd.s32 $0xFFFFF800  }
0x1a0: {  	_ =	swait.ge [sflag:s26], $0x800  }
0x1a1: {  	[sflag:s26] =	ssyncset.done $0x0  }
0x1a2: {  	[sflag:s26] =	ssyncadd.s32 $0xFFFFF800  }
0x1a3: {  	_ =	swait.ge [sflag:s26], $0x800  }
0x1a4: {  	[sflag:s26] =	ssyncset.done $0x0  }
0x1a5: {  	[sflag:s26] =	ssyncadd.s32 $0xFFFFF800  }
0x1a6: {  	_ =	swait.ge [sflag:s26], $0x800  }
0x1a7: {  	[sflag:s26] =	ssyncset.done $0x0  }
0x1a8: {  	[sflag:s26] =	ssyncadd.s32 $0xFFFFF800  }
0x1a9: {  	_ =	swait.ge [sflag:s26], $0x800  }
0x1aa: {  	s23 =	simm.s32 $0x10;
	[sflag:s26] =	ssyncset.done $0x0  }
0x1ab: {  	s24 =	simm.s32 $0x2700;
	s6 =	simm.s32 $0x4E20;
	[sflag:s26] =	ssyncadd.s32 $0xFFFFF800  }
0x1ac: {  	[tilespmem:s6], [sflag:$0x3] =	stream.indirect.gather [spmem:s4], $0x10, s24, s23, $0xb8;
	[tilespmem:$0x194A0] =	vst v63  }
0x1ad: {  	s4 =	simm.s32 $0x3  }
0x1ae: {  	_ =	swait.ge [sflag:s4], $0x100  }
0x1af: {  	[sflag:s4] =	ssyncset.done $0x0  }
0x1b0: {  	s28 =	simm.s32 $0x4E10;
	[sflag:s4] =	ssyncadd.s32 $0xFFFFFF00  }
0x1b1: {  	[spmem:s5] =	stream.indirect.scatter.add.f32 [tilespmem:s6], [sflag:$0x3], $0x10, s28, s23, $0xb8;
	[tilespmem:$0x194A0] =	vst v63  }
0x1b2: {  	_ =	swait.ge [sflag:s4], $0x100  }
0x1b3: {  	[sflag:s4] =	ssyncset.done $0x0  }
0x1b4: {  	[sflag:s4] =	ssyncadd.s32 $0xFFFFFF00  }
0x1b5: {  	[bflag:$0x0] =	sbarrier.arrive $0xFFFF  }
0x1b6: {  	s5 =	simm.s32 $0x11E20;
	s3 =	rddreg [dreg:$0xe]  }
0x1b7: {  	[tilespmem:s5], [sflag:$0x3] =	stream.linear.gather [spmem:s3], $0x2780, $0x38;
	[tilespmem:$0x194A0] =	vst v63  }
0x1b8: {  	_ =	swait.ge [sflag:s4], $0x2780  }
0x1b9: {  	[sflag:s4] =	ssyncset.done $0x0  }
0x1ba: {  	s13 =	simm.s32 $0x0;
	s29 =	rddreg [dreg:$0xf];
	[sflag:s4] =	ssyncadd.s32 $0xFFFFD880  }
0x1bb: {  	[hbm4b:s29+s13] =	stream.linear.scatter [tilespmem:s5], [sflag:$0x3], $0x2780, $0x38;
	[tilespmem:$0x194A0] =	vst v63  }
0x1bc: {  	_ =	swait.ge [sflag:s4], $0x2780  }
0x1bd: {  	s30 =	rddreg [dreg:$0x11]  }
0x1be: {  	s31 =	rddreg [dreg:$0x10];
	s1 =	sadd.s32 $0x1, s30  }
0x1bf: {  	p1 =	sne.s32 s1, s31  }
.Ltmp1:
0x1c0: {  	_ = 	snop;
	(pc) =	sbr.rel @p1 .LBB2_1-.Ltmp1, $3  }
0x1c1: {  	_ =	sdelay $0x1  }
0x1c2: {  	[sflag:s4] =	ssyncset.done $0x0  }
0x1c3: {  	[sflag:s4] =	ssyncadd.s32 $0xFFFFD880  }
0x1c4: {  	_ =	sfence.sel $0x180000  }
0x1c5: {  	[bflag:$0x0] =	sbarrier.arrive $0xFFFF  }
0x1c6: {  	_ =	strace $0x9000004A  }
0x1c7: {  	s0 =	stileid.u32;
	[bflag:$0x2] =	sbarrier.arrive $0xFFFF  }
0x1c8: {  	p0 =	sne.s32 s0, $0x0;
	s0 =	rddreg [dreg:$0x3]  }
0x1c9: {  	s0 =	sadd.s32 @!p0 $0x100000, s0  }
0x1ca: {  	[sflag:s0] =	ssyncadd.tile.s32 @!p0 $0x1;
	_ =	shalt  }
.Lfunc_end2:
_tile_overlayer_lowered:
.L_overlay_start_2:
0x1cb: {  	(tag) =	ssettag $0x2  }
0x1cc: {  	s0 =	rddreg [dreg:$0x0];
	s2 =	stileid.u32  }
0x1cd: {  	s1 =	rddreg [dreg:$0x1];
	p0 =	sne.s32 s2, $0x0  }
0x1ce: {  	s3 =	rddreg [dreg:$0x2];
	[bflag:$0x3] =	sbarrier.arrive $0xFFFF;
	s2 =	simm.s32 @!p0 $0x1C03  }
0x1cf: {  	[timem:s3], [sflag:s2] =	dma.local @!p0 [hbm:s0], s1  }
0x1d0: {  	s0 =	simm.s32 @!p0 $0x3  }
0x1d1: {  	_ =	swait.ge @!p0 [sflag:s0], s1  }
0x1d2: {  	s1 =	ssub.s32 @!p0 $0x0, s1;
	[sflag:s0] =	ssyncset.done @!p0 $0x0  }
0x1d3: {  	[sflag:s0] =	ssyncadd.s32 @!p0 s1  }
0x1d4: {  	[bflag:$0x3] =	sbarrier.arrive $0xFFFF  }
0x1d5: {  	_ =	shalt  }

// kernel: kernel.15.cloned.1.call-start
scs
__scs_entry_jumppad:
0x0: {  	(pc) =	sbr.rel $0x88, $3  }
0x1: {  	(tag) =	ssettag $0x0;
	lr =	simm.s32 $0x1  }
0x2: {  	[smem:$0x3F9B] =	sst lr;
	_ =	strace $0xD0000000  }
0x3: {  	_ = 	snop  }
0x4: {  	_ = 	snop  }
0x5: {  	_ = 	snop  }
0x6: {  	_ = 	snop  }
0x7: {  	_ = 	snop  }
__scs_overlays_trampoline_lowered:
0x8: {  	[smem:$0x3FAA] =	sst s0  }
0x9: {  	[smem:$0x3FAB] =	sst s1  }
0xa: {  	[smem:$0x3FAC] =	sst s2  }
0xb: {  	[smem:$0x3FAD] =	sst s3  }
0xc: {  	[smem:$0x3FAE] =	sst s4  }
0xd: {  	[smem:$0x3FAF] =	sst s5  }
0xe: {  	[smem:$0x3FB0] =	sst s6  }
0xf: {  	[smem:$0x3FB1] =	sst s7  }
0x10: {  	[smem:$0x3FB2] =	sst s8  }
0x11: {  	[smem:$0x3FB3] =	sst s9;
	s0 =	simm.s32 @!p0 $0x0  }
0x12: {  	s1 =	sld [smem:$0x3F99];
	s0 =	simm.s32 @p0 $0x1  }
0x13: {  	[smem:$0x3FB4] =	sst s0;
	s0 =	simm.s32 @!p1 $0x0  }
0x14: {  	s2 =	sld [smem:$0x3F98];
	s0 =	simm.s32 @p1 $0x1  }
0x15: {  	[smem:$0x3FB5] =	sst s0;
	s0 =	simm.s32 @!p2 $0x0  }
0x16: {  	s3 =	sld [smem:$0x3FDB];
	s0 =	simm.s32 @p2 $0x1  }
0x17: {  	s4 =	simm.s32 $0x1BF5;
	[smem:$0x3FB7] =	sst s0  }
0x18: {  	s0 =	sld [smem:$0x3F9A];
	_ =	swait.ge [sflag:s4], $0x0  }
0x19: {  	s7 =	sld [smem:$0x3F9B]  }
0x1a: {  	s8 =	sadd.s32 $0xFFFFE003, lr  }
0x1b: {  	s9 =	sadd.s32 $0xFFFFFEF7, lr;
	s5 =	simm.s32 $0xFFFFFFFF;
	p2 =	slt.u32 s8, $0xFFFFF086  }
0x1c: {  	p1 =	slt.u32 s9, $0xF7A;
	s5 =	simm.s32 @!p2 $0x0  }
0x1d: {  	s5 =	simm.s32 @p1 $0x1;
	p0 =	seq.s32 s7, s2  }
0x1e: {  	s7 =	smul.u32 @!p0 $0xF7A, s2;
	p2 =	seq.s32 @!p0 s5, $0x0  }
0x1f: {  	s9 =	smul.u32 $0xF7A, s1;
	s8 =	simm.s32 @!p0 $0x1BF5;
	p2 =	por !p2, p0  }
0x20: {  	[sflag:s8] =	ssyncset.s32 @!p0 $0xFFFFF086;
	s6 =	sadd.s32 @!p0 s3, s7;
	s7 =	simm.s32 @!p0 $0x108  }
0x21: {  	s3 =	sadd.s32 s3, s9;
	s6 =	sadd.s32 @!p0 $0x88, s6;
	s7 =	simm.s32 @p2 $0x1082  }
0x22: {  	[simem:s7], [sflag:s8] =	dma.local @!p0 [hbm:s6], $0xF7A  }
0x23: {  	s9 =	sor.u32 $0xD0000000, s2;
	s6 =	simm.s32 $0x108;
	_ =	swait.ge @!p0 [sflag:s8], $0x0  }
0x24: {  	s3 =	sadd.s32 $0x88, s3;
	s6 =	simm.s32 @!p1 $0x1082;
	[sflag:s4] =	ssyncset.s32 $0xFFFFF086  }
0x25: {  	[simem:s6], [sflag:s4] =	dma.local [hbm:s3], $0xF7A  }
0x26: {  	[smem:$0x3F9B] =	sst s1;
	(tag) =	ssettag s2;
	_ =	strace s9  }
0x27: {  	s1 =	sld [smem:$0x3FAB]  }
0x28: {  	s2 =	sld [smem:$0x3FAC]  }
0x29: {  	s4 =	sld [smem:$0x3FAE]  }
0x2a: {  	p0 =	seq.s32 s5, $0x0;
	s5 =	sld [smem:$0x3FAF]  }
0x2b: {  	s6 =	sld [smem:$0x3FB0]  }
0x2c: {  	s7 =	sld [smem:$0x3FB1]  }
0x2d: {  	s3 =	simm.s32 $0x108;
	s8 =	sld [smem:$0x3FB2]  }
0x2e: {  	s3 =	simm.s32 @!p0 $0x1082;
	s9 =	sld [smem:$0x3FB3]  }
0x2f: {  	lr =	sadd.s32 s0, s3;
	s0 =	sld [smem:$0x3FAA]  }
0x30: {  	s3 =	sld [smem:$0x3FAD]  }
0x31: {  	[smem:$0x3FB6] =	sst s10  }
0x32: {  	s10 =	sld [smem:$0x3FB4];
	_ =	sdelay $0x3  }
0x33: {  	p0 =	seq.s32 s10, $0x1;
	s10 =	sld [smem:$0x3FB6];
	_ =	sdelay $0x3  }
0x34: {  	[smem:$0x3FB6] =	sst s10  }
0x35: {  	s10 =	sld [smem:$0x3FB5];
	_ =	sdelay $0x3  }
0x36: {  	p1 =	seq.s32 s10, $0x1;
	s10 =	sld [smem:$0x3FB6];
	_ =	sdelay $0x3  }
0x37: {  	[smem:$0x3FB6] =	sst s10  }
0x38: {  	s10 =	sld [smem:$0x3FB7]  }
0x39: {  	_ = 	snop;
	(pc) =	sbr.ind lr, $3  }
0x3a: {  	_ = 	snop  }
0x3b: {  	_ = 	snop  }
0x3c: {  	p2 =	seq.s32 s10, $0x1;
	s10 =	sld [smem:$0x3FB6]  }
0x3d: {  	_ =	shalt  }
0x3e: {  	_ =	shalt  }
0x3f: {  	_ =	shalt  }
0x40: {  	_ =	shalt  }
0x41: {  	_ =	shalt  }
0x42: {  	_ =	shalt  }
0x43: {  	_ =	shalt  }
0x44: {  	_ =	shalt  }
0x45: {  	_ =	shalt  }
0x46: {  	_ =	shalt  }
0x47: {  	_ =	shalt  }
0x48: {  	_ =	shalt  }
0x49: {  	_ =	shalt  }
0x4a: {  	_ =	shalt  }
0x4b: {  	_ =	shalt  }
0x4c: {  	_ =	shalt  }
0x4d: {  	_ =	shalt  }
0x4e: {  	_ =	shalt  }
0x4f: {  	_ =	shalt  }
0x50: {  	_ =	shalt  }
0x51: {  	_ =	shalt  }
0x52: {  	_ =	shalt  }
0x53: {  	_ =	shalt  }
0x54: {  	_ =	shalt  }
0x55: {  	_ =	shalt  }
0x56: {  	_ =	shalt  }
0x57: {  	_ =	shalt  }
0x58: {  	_ =	shalt  }
0x59: {  	_ =	shalt  }
0x5a: {  	_ =	shalt  }
0x5b: {  	_ =	shalt  }
0x5c: {  	_ =	shalt  }
0x5d: {  	_ =	shalt  }
0x5e: {  	_ =	shalt  }
0x5f: {  	_ =	shalt  }
0x60: {  	_ =	shalt  }
0x61: {  	_ =	shalt  }
0x62: {  	_ =	shalt  }
0x63: {  	_ =	shalt  }
0x64: {  	_ =	shalt  }
0x65: {  	_ =	shalt  }
0x66: {  	_ =	shalt  }
0x67: {  	_ =	shalt  }
0x68: {  	_ =	shalt  }
0x69: {  	_ =	shalt  }
0x6a: {  	_ =	shalt  }
0x6b: {  	_ =	shalt  }
0x6c: {  	_ =	shalt  }
0x6d: {  	_ =	shalt  }
0x6e: {  	_ =	shalt  }
0x6f: {  	_ =	shalt  }
0x70: {  	_ =	shalt  }
0x71: {  	_ =	shalt  }
0x72: {  	_ =	shalt  }
0x73: {  	_ =	shalt  }
0x74: {  	_ =	shalt  }
0x75: {  	_ =	shalt  }
0x76: {  	_ =	shalt  }
0x77: {  	_ =	shalt  }
0x78: {  	_ =	shalt  }
0x79: {  	_ =	shalt  }
0x7a: {  	_ =	shalt  }
0x7b: {  	_ =	shalt  }
0x7c: {  	_ =	shalt  }
0x7d: {  	_ =	shalt  }
0x7e: {  	_ =	shalt  }
0x7f: {  	_ =	shalt  }
0x80: {  	_ =	shalt  }
0x81: {  	_ =	shalt  }
0x82: {  	_ =	shalt  }
0x83: {  	_ =	shalt  }
0x84: {  	_ =	shalt  }
0x85: {  	_ =	shalt  }
0x86: {  	_ =	shalt  }
0x87: {  	_ =	shalt  }
.Lfunc_end0:
.L_simem_size_0:
called_computation.2_lowered:
.L_overlay_start_0:
0x88: {  	s2 =	sld [smem:$0x3FD9]  }
0x89: {  	s3 =	sld [smem:$0x3FFE];
	_ =	sdelay $0x1  }
0x8a: {  	s1 =	srdreg.scid  }
0x8b: {  	s0 =	sand.u32 $0x1, s1  }
0x8c: {  	s17 =	sshll.u32 s0, $0xA;
	s2 =	sadd.s32 s3, s2  }
0x8d: {  	s2 =	sadd.s32 s2, s17  }
0x8e: {  	[smem:$0x3FC2] =	sst s2  }
0x8f: {  	_ = 	snop  }
0x90: {  	s2 =	sld [smem:$0x3FD0];
	(tm) =	ssettm $0x1  }
0x91: {  	s18 =	sld [smem:$0x3FFB];
	_ =	sdelay $0x3  }
0x92: {  	_ =	strace s18  }
0x93: {  	s3 =	sld [smem:$0x3FFC];
	_ =	sdelay $0x3  }
0x94: {  	_ =	strace s3  }
0x95: {  	s3 =	sld [smem:$0x3FFD];
	_ =	sdelay $0x3  }
0x96: {  	_ =	strace s3  }
0x97: {  	_ =	strace $0x8FFFFFFF  }
0x98: {  	s19 =	sld [smem:$0x3FDB];
	_ =	sdelay $0x1  }
0x99: {  	s4 =	simm.s32 $_scs_section_size  }
0x9a: {  	s5 =	simm.s32 $_size__tile_overlayer_lowered;
	s6 =	simm.s32 $_tile_overlayer_lowered  }
0x9b: {  	s22 =	simm.s32 $0x1BFF;
	s21 =	sshll.u32 s6, $0x1;
	s3 =	sadd.s32 s4, s19  }
0x9c: {  	s7 =	simm.s32 $0x0;
	s20 =	sshll.u32 s5, $0x1;
	s5 =	sadd.s32 s21, s3  }
0x9d: {  	[timem:s7], [sflag:s22] =	dma.local [hbm:s5], s20  }
0x9e: {  	_ =	swait.ge [sflag:s22], s20  }
0x9f: {  	s4 =	ssub.s32 $0x0, s20;
	[sflag:s22] =	ssyncset.done $0x0  }
0xa0: {  	[sflag:s22] =	ssyncadd.s32 s4;
	_ =	sdelay $0x1  }
0xa1: {  	s23 =	simm.s32 $0x1B8B  }
0xa2: {  	_ =	swait.ge [sflag:s23], $0x1  }
0xa3: {  	[sflag:s23] =	ssyncset.done $0x0  }
0xa4: {  	s25 =	simm.s32 $0x1B8E;
	s24 =	sld [smem:$0x3FFE];
	[sflag:s23] =	ssyncadd.s32 $0xFFFFFFFF  }
0xa5: {  	s26 =	simm.s32 $execute0_lowered;
	[smem:$0x3FD2] =	sst s25  }
0xa6: {  	s5 =	sshll.u32 s26, $0x1;
	_ =	strace $0x8000004C;
	[dreg:$0x1] =	wrdreg $0xFFFFFFFF  }
0xa7: {  	s28 =	simm.s32 $_size_execute0_lowered;
	s3 =	sadd.s32 s3, s5;
	[dreg:$0x0] =	wrdreg $0x0  }
0xa8: {  	s5 =	sshll.u32 s28, $0x1;
	[dreg:$0x2] =	wrdreg s3  }
0xa9: {  	[dreg:$0x3] =	wrdreg s5  }
0xaa: {  	[dreg:$0x4] =	wrdreg $0xC0  }
0xab: {  	_ =	task [dreg:s7], $0x5FFFF  }
0xac: {  	[dreg:$0x1] =	wrdreg $0xFFFFFFFF  }
0xad: {  	[dreg:$0x0] =	wrdreg $0x60  }
0xae: {  	[dreg:$0x2] =	wrdreg s2  }
0xaf: {  	[dreg:$0x3] =	wrdreg s24  }
0xb0: {  	[dreg:$0x4] =	wrdreg $0xC9E00  }
0xb1: {  	[dreg:$0x5] =	wrdreg $0xDDA00  }
0xb2: {  	[dreg:$0x6] =	wrdreg $0x9  }
0xb3: {  	_ =	task.clear_ibuf [dreg:s7], $0x7FFFF;
	_ =	strace $0x9000004C  }
0xb4: {  	s29 =	simm.s32 $0x9;
	_ =	strace $0x8000004E  }
0xb5: {  	_ =	swait.ge [sflag:s29], $0x1  }
0xb6: {  	[sflag:s29] =	ssyncadd.s32 $0xFFFFFFFF  }
0xb7: {  	_ =	strace $0x9000004E  }
0xb8: {  	_ =	sfence  }
0xb9: {  	s30 =	sld [smem:$0x0];
	_ =	sdelay $0x2  }
0xba: {  	s31 =	sshll.u32 s1, $0xD;
	s1 =	sshrl.u32 s1, $0x2  }
0xbb: {  	s3 =	sand.u32 $0x4000, s31;
	s1 =	sadd.s32 s1, s30  }
0xbc: {  	s0 =	sor.u32 s3, s0;
	s1 =	sshll.u32 s1, $0x11  }
0xbd: {  	s0 =	sor.u32 s1, s0  }
0xbe: {  	s0 =	sadd.s32 $0x8F2B, s0  }
0xbf: {  	[sflag:s0] =	ssyncadd.remote.s32 $0x1  }
0xc0: {  	_ =	sfence.sel $0xFFFF  }
0xc1: {  	[dreg:$0x0] =	wrdreg $0xFFFFFFFF;
	(pc) =	sbr.abs _section_cstart, $3  }
0xc2: {  	[dreg:$0x1] =	wrdreg $0xFFFFFFFF  }
0xc3: {  	_ =	task.clear_ibuf [dreg:s7], $0x2FFFF;
	_ =	strace $0x9FFFFFFF  }
0xc4: {  	(tm) =	ssettm $0x7FFFFFFF  }
0xc5: {  	_ =	shalt  }
tec
execute0_lowered:
.L_overlay_start_1:
0x0: {  	(tag) =	ssettag $0x1  }
0x1: {  	s0 =	rddreg [dreg:$0x0]  }
0x2: {  	s1 =	srdreg.scid;
	s5 =	rddreg [dreg:$0x1]  }
0x3: {  	s3 =	rddreg [dreg:$0x2];
	s2 =	stileid.u32  }
0x4: {  	s15 =	rddreg [dreg:$0x3];
	s1 =	sand.u32 $0x1, s1;
	s10 =	smul.u32 $0x13C0, s2  }
0x5: {  	s31 =	simm.s32 $0x3400;
	s7 =	smul.u32 $0x278, s2;
	s4 =	sshll.u32 s1, $0x4  }
0x6: {  	s9 =	ssub.s32 $0x2, s1;
	s14 =	smul.u32 $0x2780, s1;
	p0 =	seq.s32 s1, $0x0  }
0x7: {  	s1 =	simm.s32 $0x0;
	s6 =	sor.u32 s2, s4;
	s4 =	simm.s32 $0x0  }
0x8: {  	s8 =	sshrl.u32 s10, $0x3;
	s12 =	sadd.s32 s7, s5;
	s23 =	sshrl.u32 s9, $0x1  }
0x9: {  	s26 =	sadd.s32 s10, s3;
	[smem:$0x7FF] =	sst s4;
	s0 =	sadd.s32 s0, s8  }
0xa: {  	s3 =	sadd.s32 s10, s15;
	_ =	strace $0x8000004D;
	[dreg:$0xc] =	wrdreg s0  }
0xb: {  	s7 =	simm.s32 $0x4E20;
	s6 =	smul.u32 $0x2710, s6;
	[dreg:$0xd] =	wrdreg s26  }
0xc: {  	s11 =	sadd.s32 s8, s5;
	s13 =	ssub.s32 s9, s23;
	[dreg:$0x5] =	wrdreg s31  }
0xd: {  	s29 =	sadd.s32 s14, s12;
	s28 =	sadd.s32 $0x16200, s11;
	[dreg:$0xf] =	wrdreg s3  }
0xe: {  	s0 =	sadd.s32 $0x18A00, s29;
	s6 =	sshrl.u32 s6, $0x3;
	[dreg:$0xe] =	wrdreg s28  }
0xf: {  	s30 =	smax.u32 s13, $0x1;
	[dreg:$0x10] =	wrdreg s0;
	s6 =	sadd.s32 s6, s5  }
0x10: {  	s26 =	simm.s32 $0x2;
	[dreg:$0x11] =	wrdreg s30;
	s24 =	sadd.s32 $0x2800, s6  }
0x11: {  	s5 =	simm.s32 $0xB620;
	s25 =	sadd.s32 $0xC440, s6;
	[dreg:$0xa] =	wrdreg s24  }
0x12: {  	s6 =	simm.s32 $0x3;
	[dreg:$0xb] =	wrdreg s25;
	s25 =	simm.s32 $0x1  }
.LBB2_1:
0x13: {  	[dreg:$0x12] =	wrdreg s1  }
0x14: {  	s0 =	rddreg [dreg:$0xa]  }
0x15: {  	[tilespmem:s4], [sflag:$0x3] =	stream.linear.gather [hbm4b:s0+s4], $0x2710, $0x38;
	[tilespmem:$0xF160] =	vst v63  }
0x16: {  	_ =	swait.ge [sflag:s6], $0x2710  }
0x17: {  	[sflag:s6] =	ssyncset.done $0x0  }
0x18: {  	s24 =	simm.s32 $0x2710;
	s23 =	rddreg [dreg:$0xb];
	[sflag:s6] =	ssyncadd.s32 $0xFFFFD8F0  }
0x19: {  	[tilespmem:s24], [sflag:$0x3] =	stream.linear.gather [hbm4b:s23+s4], $0x2710, $0x38;
	[tilespmem:$0xF160] =	vst v63  }
0x1a: {  	_ =	swait.ge [sflag:s6], $0x2710  }
0x1b: {  	[sflag:s6] =	ssyncset.done $0x0  }
0x1c: {  	s28 =	rddreg [dreg:$0xc];
	[sflag:s6] =	ssyncadd.s32 $0xFFFFD8F0  }
0x1d: {  	[tilespmem:s5], [sflag:$0x3] =	stream.linear.gather [hbm4b:s28+s4], $0x13C0, $0x38;
	[tilespmem:$0xF160] =	vst v63  }
0x1e: {  	_ =	swait.ge [sflag:s6], $0x13C0  }
0x1f: {  	[sflag:s6] =	ssyncset.done $0x0  }
0x20: {  	s29 =	rddreg [dreg:$0xd];
	[sflag:s6] =	ssyncadd.s32 $0xFFFFEC40  }
0x21: {  	[spmem:s29] =	stream.linear.scatter [tilespmem:s5], [sflag:$0x3], $0x13C0, $0x38;
	[tilespmem:$0xF160] =	vst v63  }
0x22: {  	_ =	swait.ge [sflag:s6], $0x13C0  }
0x23: {  	s1 =	simm.s32 @!p0 $0xB620;
	[sflag:s6] =	ssyncset.done $0x0  }
0x24: {  	s0 =	simm.s32 @!p0 $0x0;
	s2 =	rddreg [dreg:$0xe];
	[sflag:s6] =	ssyncadd.s32 $0xFFFFEC40  }
0x25: {  	[tilespmem:s1], [sflag:$0x3] =	stream.linear.gather @!p0 [hbm4b:s2+s0], $0x13C0, $0x38;
	[tilespmem:$0xF160] =	vst v63  }
0x26: {  	s0 =	simm.s32 @!p0 $0x3  }
0x27: {  	_ =	swait.ge @!p0 [sflag:s0], $0x13C0  }
0x28: {  	[sflag:s0] =	ssyncset.done @!p0 $0x0  }
0x29: {  	[sflag:s0] =	ssyncadd.s32 @!p0 $0xFFFFEC40  }
0x2a: {  	[spmem:s3] =	stream.linear.scatter [tilespmem:s5], [sflag:$0x3], $0x13C0, $0x38;
	[tilespmem:$0xF160] =	vst v63  }
0x2b: {  	_ =	swait.ge [sflag:s6], $0x13C0  }
0x2c: {  	[sflag:s6] =	ssyncset.done $0x0  }
0x2d: {  	[sflag:s6] =	ssyncadd.s32 $0xFFFFEC40  }
0x2e: {  	[bflag:$0x0] =	sbarrier.arrive $0xFFFF  }
0x2f: {  	s3 =	simm.s32 $0x80;
	s2 =	rddreg [dreg:$0x2]  }
0x30: {  	[tilespmem:s7], [sflag:$0x1] =	stream.indirect.gather [spmem:s2], $0x8, s4, s3, $0xb8;
	[tilespmem:$0xF160] =	vst v63  }
0x31: {  	s31 =	simm.s32 $0x5220  }
0x32: {  	[tilespmem:s31], [sflag:$0x1] =	stream.indirect.gather [spmem:s2], $0x8, s3, s3, $0xb8;
	[tilespmem:$0xF160] =	vst v63  }
0x33: {  	s1 =	simm.s32 $0x100;
	s4 =	simm.s32 $0x5620  }
0x34: {  	[tilespmem:s4], [sflag:$0x1] =	stream.indirect.gather [spmem:s2], $0x8, s1, s3, $0xb8;
	[tilespmem:$0xF160] =	vst v63  }
0x35: {  	s5 =	simm.s32 $0x180;
	s6 =	simm.s32 $0x5A20  }
0x36: {  	[tilespmem:s6], [sflag:$0x1] =	stream.indirect.gather [spmem:s2], $0x8, s5, s3, $0xb8;
	[tilespmem:$0xF160] =	vst v63  }
0x37: {  	s8 =	simm.s32 $0x5E20;
	s7 =	simm.s32 $0x200  }
0x38: {  	[tilespmem:s8], [sflag:$0x1] =	stream.indirect.gather [spmem:s2], $0x8, s7, s3, $0xb8;
	[tilespmem:$0xF160] =	vst v63  }
0x39: {  	s9 =	simm.s32 $0x280;
	s10 =	simm.s32 $0x6220  }
0x3a: {  	[tilespmem:s10], [sflag:$0x1] =	stream.indirect.gather [spmem:s2], $0x8, s9, s3, $0xb8;
	[tilespmem:$0xF160] =	vst v63  }
0x3b: {  	s11 =	simm.s32 $0x300;
	s12 =	simm.s32 $0x6620  }
0x3c: {  	[tilespmem:s12], [sflag:$0x1] =	stream.indirect.gather [spmem:s2], $0x8, s11, s3, $0xb8;
	[tilespmem:$0xF160] =	vst v63  }
0x3d: {  	s13 =	simm.s32 $0x380;
	s14 =	simm.s32 $0x6A20;
	s15 =	simm.s32 $0x400  }
0x3e: {  	[tilespmem:s14], [sflag:$0x1] =	stream.indirect.gather [spmem:s2], $0x8, s13, s3, $0xb8;
	[tilespmem:$0xF160] =	vst v63  }
0x3f: {  	s16 =	simm.s32 $0x6E20;
	s17 =	simm.s32 $0x480;
	p1 =	por $0x0, $0x0  }
0x40: {  	[tilespmem:s16], [sflag:$0x1] =	stream.indirect.gather [spmem:s2], $0x8, s15, s3, $0xb8;
	[tilespmem:$0xF160] =	vst v63  }
0x41: {  	s18 =	simm.s32 $0x7220;
	s19 =	simm.s32 $0x500;
	s0 =	sand.u32 @!p1 $0x1, s25  }
0x42: {  	[tilespmem:s18], [sflag:$0x1] =	stream.indirect.gather [spmem:s2], $0x8, s17, s3, $0xb8;
	[tilespmem:$0xF160] =	vst v63  }
0x43: {  	s20 =	simm.s32 $0x7620;
	s21 =	simm.s32 $0x580;
	p2 =	seq.s32 @!p1 s0, $0x1  }
0x44: {  	[tilespmem:s20], [sflag:$0x1] =	stream.indirect.gather [spmem:s2], $0x8, s19, s3, $0xb8;
	[tilespmem:$0xF160] =	vst v63  }
0x45: {  	s22 =	simm.s32 $0x7A20;
	s0 =	simm.s32 @!p1 $0x3400;
	p2 =	por !p2, p1  }
0x46: {  	[tilespmem:s22], [sflag:$0x1] =	stream.indirect.gather [spmem:s2], $0x8, s21, s3, $0xb8;
	[tilespmem:$0xF160] =	vst v63  }
0x47: {  	s23 =	simm.s32 $0x600;
	s24 =	simm.s32 $0x7E20;
	s0 =	simm.s32 @p2 $0x0  }
0x48: {  	[tilespmem:s24], [sflag:$0x1] =	stream.indirect.gather [spmem:s2], $0x8, s23, s3, $0xb8;
	[tilespmem:$0xF160] =	vst v63  }
0x49: {  	s1 =	simm.s32 @!p1 $0x680;
	s14 =	sadd.s32 @!p1 $0x4E20, s0;
	s18 =	simm.s32 @!p1 $0x80  }
0x4a: {  	[tilespmem:s14], [sflag:$0x1] =	stream.indirect.gather @!p1 [spmem:s2], $0x8, s1, s18, $0xb8;
	[tilespmem:$0xF160] =	vst v63  }
0x4b: {  	s1 =	simm.s32 @!p1 $0x700;
	s14 =	sadd.s32 @!p1 $0x5220, s0  }
0x4c: {  	[tilespmem:s14], [sflag:$0x1] =	stream.indirect.gather @!p1 [spmem:s2], $0x8, s1, s18, $0xb8;
	[tilespmem:$0xF160] =	vst v63  }
0x4d: {  	s1 =	sadd.s32 @!p1 $0x5620, s0;
	s14 =	simm.s32 @!p1 $0x780  }
0x4e: {  	[tilespmem:s1], [sflag:$0x1] =	stream.indirect.gather @!p1 [spmem:s2], $0x8, s14, s18, $0xb8;
	[tilespmem:$0xF160] =	vst v63  }
0x4f: {  	s1 =	sadd.s32 @!p1 $0x5A20, s0;
	s14 =	simm.s32 @!p1 $0x800  }
0x50: {  	[tilespmem:s1], [sflag:$0x1] =	stream.indirect.gather @!p1 [spmem:s2], $0x8, s14, s18, $0xb8;
	[tilespmem:$0xF160] =	vst v63  }
0x51: {  	s1 =	sadd.s32 @!p1 $0x5E20, s0;
	s14 =	simm.s32 @!p1 $0x880  }
0x52: {  	[tilespmem:s1], [sflag:$0x1] =	stream.indirect.gather @!p1 [spmem:s2], $0x8, s14, s18, $0xb8;
	[tilespmem:$0xF160] =	vst v63  }
0x53: {  	s1 =	sadd.s32 @!p1 $0x6220, s0;
	s14 =	simm.s32 @!p1 $0x900  }
0x54: {  	[tilespmem:s1], [sflag:$0x1] =	stream.indirect.gather @!p1 [spmem:s2], $0x8, s14, s18, $0xb8;
	[tilespmem:$0xF160] =	vst v63  }
0x55: {  	s1 =	sadd.s32 @!p1 $0x6620, s0;
	s14 =	simm.s32 @!p1 $0x980  }
0x56: {  	[tilespmem:s1], [sflag:$0x1] =	stream.indirect.gather @!p1 [spmem:s2], $0x8, s14, s18, $0xb8;
	[tilespmem:$0xF160] =	vst v63  }
0x57: {  	s1 =	sadd.s32 @!p1 $0x6A20, s0;
	s14 =	simm.s32 @!p1 $0xA00  }
0x58: {  	[tilespmem:s1], [sflag:$0x1] =	stream.indirect.gather @!p1 [spmem:s2], $0x8, s14, s18, $0xb8;
	[tilespmem:$0xF160] =	vst v63  }
0x59: {  	s1 =	sadd.s32 @!p1 $0x6E20, s0;
	s14 =	simm.s32 @!p1 $0xA80  }
0x5a: {  	[tilespmem:s1], [sflag:$0x1] =	stream.indirect.gather @!p1 [spmem:s2], $0x8, s14, s18, $0xb8;
	[tilespmem:$0xF160] =	vst v63  }
0x5b: {  	s1 =	sadd.s32 @!p1 $0x7220, s0;
	s14 =	simm.s32 @!p1 $0xB00  }
0x5c: {  	[tilespmem:s1], [sflag:$0x1] =	stream.indirect.gather @!p1 [spmem:s2], $0x8, s14, s18, $0xb8;
	[tilespmem:$0xF160] =	vst v63  }
0x5d: {  	s1 =	sadd.s32 @!p1 $0x7620, s0;
	s14 =	simm.s32 @!p1 $0xB80  }
0x5e: {  	[tilespmem:s1], [sflag:$0x1] =	stream.indirect.gather @!p1 [spmem:s2], $0x8, s14, s18, $0xb8;
	[tilespmem:$0xF160] =	vst v63  }
0x5f: {  	s1 =	sadd.s32 @!p1 $0x7A20, s0;
	s14 =	sadd.s32 @!p1 $0x7E20, s0;
	s0 =	simm.s32 @!p1 $0xC00  }
0x60: {  	[tilespmem:s1], [sflag:$0x1] =	stream.indirect.gather @!p1 [spmem:s2], $0x8, s0, s18, $0xb8;
	[tilespmem:$0xF160] =	vst v63  }
0x61: {  	s19 =	simm.s32 $0x0;
	s1 =	simm.s32 @!p1 $0xC80  }
0x62: {  	[tilespmem:s14], [sflag:$0x1] =	stream.indirect.gather @!p1 [spmem:s2], $0x8, s1, s18, $0xb8;
	[tilespmem:$0xF160] =	vst v63  }
0x63: {  	s28 =	sand.u32 $0x1, s19;
	s0 =	rddreg [dreg:$0x5];
	_ =	swait.ge [sflag:s25], $0x400  }
0x64: {  	p1 =	seq.s32 s28, $0x1;
	[sflag:s25] =	ssyncset.done $0x0  }
0x65: {  	s0 =	simm.s32 @!p1 $0x0;
	[sflag:s25] =	ssyncadd.s32 $0xFFFFFC00  }
0x66: {  	s31 =	simm.s32 $0x2710;
	s29 =	sadd.s32 $0x4E20, s0;
	s2 =	rddreg [dreg:$0x3]  }
0x67: {  	[spmem:s2] =	stream.indirect.scatter.add.f32 [tilespmem:s29], [sflag:$0x2], $0x8, s31, s3, $0xb8;
	[tilespmem:$0xF160] =	vst v63  }
0x68: {  	_ =	swait.ge [sflag:s25], $0x400  }
0x69: {  	[sflag:s25] =	ssyncset.done $0x0  }
0x6a: {  	s5 =	simm.s32 $0x2790;
	s4 =	sadd.s32 $0x5220, s0;
	[sflag:s25] =	ssyncadd.s32 $0xFFFFFC00  }
0x6b: {  	[spmem:s2] =	stream.indirect.scatter.add.f32 [tilespmem:s4], [sflag:$0x2], $0x8, s5, s3, $0xb8;
	[tilespmem:$0xF160] =	vst v63  }
0x6c: {  	_ =	swait.ge [sflag:s25], $0x400  }
0x6d: {  	[sflag:s25] =	ssyncset.done $0x0  }
0x6e: {  	s7 =	simm.s32 $0x2810;
	s6 =	sadd.s32 $0x5620, s0;
	[sflag:s25] =	ssyncadd.s32 $0xFFFFFC00  }
0x6f: {  	[spmem:s2] =	stream.indirect.scatter.add.f32 [tilespmem:s6], [sflag:$0x2], $0x8, s7, s3, $0xb8;
	[tilespmem:$0xF160] =	vst v63  }
0x70: {  	_ =	swait.ge [sflag:s25], $0x400  }
0x71: {  	[sflag:s25] =	ssyncset.done $0x0  }
0x72: {  	s9 =	simm.s32 $0x2890;
	s8 =	sadd.s32 $0x5A20, s0;
	[sflag:s25] =	ssyncadd.s32 $0xFFFFFC00  }
0x73: {  	[spmem:s2] =	stream.indirect.scatter.add.f32 [tilespmem:s8], [sflag:$0x2], $0x8, s9, s3, $0xb8;
	[tilespmem:$0xF160] =	vst v63  }
0x74: {  	_ =	swait.ge [sflag:s25], $0x400  }
0x75: {  	[sflag:s25] =	ssyncset.done $0x0  }
0x76: {  	s11 =	simm.s32 $0x2910;
	s10 =	sadd.s32 $0x5E20, s0;
	[sflag:s25] =	ssyncadd.s32 $0xFFFFFC00  }
0x77: {  	[spmem:s2] =	stream.indirect.scatter.add.f32 [tilespmem:s10], [sflag:$0x2], $0x8, s11, s3, $0xb8;
	[tilespmem:$0xF160] =	vst v63  }
0x78: {  	_ =	swait.ge [sflag:s25], $0x400  }
0x79: {  	[sflag:s25] =	ssyncset.done $0x0  }
0x7a: {  	s13 =	simm.s32 $0x2990;
	s12 =	sadd.s32 $0x6220, s0;
	[sflag:s25] =	ssyncadd.s32 $0xFFFFFC00  }
0x7b: {  	[spmem:s2] =	stream.indirect.scatter.add.f32 [tilespmem:s12], [sflag:$0x2], $0x8, s13, s3, $0xb8;
	[tilespmem:$0xF160] =	vst v63  }
0x7c: {  	_ =	swait.ge [sflag:s25], $0x400  }
0x7d: {  	[sflag:s25] =	ssyncset.done $0x0  }
0x7e: {  	s16 =	simm.s32 $0x2A10;
	s15 =	sadd.s32 $0x6620, s0;
	[sflag:s25] =	ssyncadd.s32 $0xFFFFFC00  }
0x7f: {  	[spmem:s2] =	stream.indirect.scatter.add.f32 [tilespmem:s15], [sflag:$0x2], $0x8, s16, s3, $0xb8;
	[tilespmem:$0xF160] =	vst v63  }
0x80: {  	_ =	swait.ge [sflag:s25], $0x400  }
0x81: {  	[sflag:s25] =	ssyncset.done $0x0  }
0x82: {  	s18 =	simm.s32 $0x2A90;
	s17 =	sadd.s32 $0x6A20, s0;
	[sflag:s25] =	ssyncadd.s32 $0xFFFFFC00  }
0x83: {  	[spmem:s2] =	stream.indirect.scatter.add.f32 [tilespmem:s17], [sflag:$0x2], $0x8, s18, s3, $0xb8;
	[tilespmem:$0xF160] =	vst v63  }
0x84: {  	_ =	swait.ge [sflag:s25], $0x400  }
0x85: {  	[sflag:s25] =	ssyncset.done $0x0  }
0x86: {  	s20 =	simm.s32 $0x2B10;
	s19 =	sadd.s32 $0x6E20, s0;
	[sflag:s25] =	ssyncadd.s32 $0xFFFFFC00  }
0x87: {  	[spmem:s2] =	stream.indirect.scatter.add.f32 [tilespmem:s19], [sflag:$0x2], $0x8, s20, s3, $0xb8;
	[tilespmem:$0xF160] =	vst v63  }
0x88: {  	_ =	swait.ge [sflag:s25], $0x400  }
0x89: {  	[sflag:s25] =	ssyncset.done $0x0  }
0x8a: {  	s22 =	simm.s32 $0x2B90;
	s21 =	sadd.s32 $0x7220, s0;
	[sflag:s25] =	ssyncadd.s32 $0xFFFFFC00  }
0x8b: {  	[spmem:s2] =	stream.indirect.scatter.add.f32 [tilespmem:s21], [sflag:$0x2], $0x8, s22, s3, $0xb8;
	[tilespmem:$0xF160] =	vst v63  }
0x8c: {  	_ =	swait.ge [sflag:s25], $0x400  }
0x8d: {  	[sflag:s25] =	ssyncset.done $0x0  }
0x8e: {  	s24 =	simm.s32 $0x2C10;
	s23 =	sadd.s32 $0x7620, s0;
	[sflag:s25] =	ssyncadd.s32 $0xFFFFFC00  }
0x8f: {  	[spmem:s2] =	stream.indirect.scatter.add.f32 [tilespmem:s23], [sflag:$0x2], $0x8, s24, s3, $0xb8;
	[tilespmem:$0xF160] =	vst v63  }
0x90: {  	_ =	swait.ge [sflag:s25], $0x400  }
0x91: {  	[sflag:s25] =	ssyncset.done $0x0  }
0x92: {  	s28 =	sadd.s32 $0x7A20, s0;
	s29 =	simm.s32 $0x2C90;
	[sflag:s25] =	ssyncadd.s32 $0xFFFFFC00  }
0x93: {  	[spmem:s2] =	stream.indirect.scatter.add.f32 [tilespmem:s28], [sflag:$0x2], $0x8, s29, s3, $0xb8;
	[tilespmem:$0xF160] =	vst v63  }
0x94: {  	_ =	swait.ge [sflag:s25], $0x400  }
0x95: {  	[sflag:s25] =	ssyncset.done $0x0  }
0x96: {  	s0 =	sadd.s32 $0x7E20, s0;
	s31 =	simm.s32 $0x2D10;
	[sflag:s25] =	ssyncadd.s32 $0xFFFFFC00  }
0x97: {  	[spmem:s2] =	stream.indirect.scatter.add.f32 [tilespmem:s0], [sflag:$0x2], $0x8, s31, s3, $0xb8;
	[tilespmem:$0xF160] =	vst v63  }
0x98: {  	_ =	swait.ge [sflag:s26], $0x400  }
0x99: {  	[sflag:s26] =	ssyncset.done $0x0  }
0x9a: {  	[sflag:s26] =	ssyncadd.s32 $0xFFFFFC00  }
0x9b: {  	_ =	swait.ge [sflag:s26], $0x400  }
0x9c: {  	[sflag:s26] =	ssyncset.done $0x0  }
0x9d: {  	[sflag:s26] =	ssyncadd.s32 $0xFFFFFC00  }
0x9e: {  	_ =	swait.ge [sflag:s26], $0x400  }
0x9f: {  	[sflag:s26] =	ssyncset.done $0x0  }
0xa0: {  	[sflag:s26] =	ssyncadd.s32 $0xFFFFFC00  }
0xa1: {  	_ =	swait.ge [sflag:s26], $0x400  }
0xa2: {  	[sflag:s26] =	ssyncset.done $0x0  }
0xa3: {  	[sflag:s26] =	ssyncadd.s32 $0xFFFFFC00  }
0xa4: {  	_ =	swait.ge [sflag:s26], $0x400  }
0xa5: {  	[sflag:s26] =	ssyncset.done $0x0  }
0xa6: {  	[sflag:s26] =	ssyncadd.s32 $0xFFFFFC00  }
0xa7: {  	_ =	swait.ge [sflag:s26], $0x400  }
0xa8: {  	[sflag:s26] =	ssyncset.done $0x0  }
0xa9: {  	[sflag:s26] =	ssyncadd.s32 $0xFFFFFC00  }
0xaa: {  	_ =	swait.ge [sflag:s26], $0x400  }
0xab: {  	[sflag:s26] =	ssyncset.done $0x0  }
0xac: {  	s30 =	simm.s32 $0x2;
	p2 =	por $0x0, $0x0;
	[sflag:s26] =	ssyncadd.s32 $0xFFFFFC00  }
0xad: {  	s5 =	simm.s32 $0x1A00;
	s19 =	sand.u32 @!p2 $0x1, s30;
	_ =	swait.ge [sflag:s26], $0x400  }
0xae: {  	s18 =	simm.s32 @!p2 $0x680;
	p1 =	seq.s32 @!p2 s19, $0x1;
	[sflag:s26] =	ssyncset.done $0x0  }
0xaf: {  	s19 =	simm.s32 @!p2 $0x3400;
	p3 =	por !p1, p2;
	[sflag:s26] =	ssyncadd.s32 $0xFFFFFC00  }
0xb0: {  	s21 =	simm.s32 @!p2 $0xD00;
	s23 =	simm.s32 $0x3400;
	_ =	swait.ge [sflag:s26], $0x400  }
.LBB2_2:
0xb1: {  	[dreg:$0x7] =	wrdreg s5;
	s0 =	sadd.s32 @!p2 $0x700, s18  }
0xb2: {  	s19 =	simm.s32 @p3 $0x0;
	s15 =	smov.u32 s23;
	[dreg:$0x8] =	wrdreg s0  }
0xb3: {  	[sflag:s26] =	ssyncset.done $0x0;
	[dreg:$0x6] =	wrdreg s15;
	s0 =	sadd.s32 @!p2 $0x5A20, s19  }
0xb4: {  	[sflag:s26] =	ssyncadd.s32 $0xFFFFFC00;
	[dreg:$0x9] =	wrdreg s0  }
0xb5: {  	_ =	swait.ge [sflag:s26], $0x400  }
0xb6: {  	[sflag:s26] =	ssyncset.done $0x0  }
0xb7: {  	[sflag:s26] =	ssyncadd.s32 $0xFFFFFC00  }
0xb8: {  	_ =	swait.ge [sflag:s26], $0x400  }
0xb9: {  	[sflag:s26] =	ssyncset.done $0x0  }
0xba: {  	[sflag:s26] =	ssyncadd.s32 $0xFFFFFC00  }
0xbb: {  	_ =	swait.ge [sflag:s26], $0x400  }
0xbc: {  	[sflag:s26] =	ssyncset.done $0x0  }
0xbd: {  	[sflag:s26] =	ssyncadd.s32 $0xFFFFFC00  }
0xbe: {  	_ =	swait.ge [sflag:s26], $0x400  }
0xbf: {  	[sflag:s26] =	ssyncset.done $0x0  }
0xc0: {  	[sflag:s26] =	ssyncadd.s32 $0xFFFFFC00  }
0xc1: {  	s8 =	sadd.s32 @!p2 $0x4E20, s19;
	s0 =	simm.s32 @!p2 $0x80;
	s14 =	rddreg [dreg:$0x2]  }
0xc2: {  	[tilespmem:s8], [sflag:$0x1] =	stream.indirect.gather @!p2 [spmem:s14], $0x8, s21, s0, $0xb8;
	[tilespmem:$0xF160] =	vst v63  }
0xc3: {  	s24 =	sadd.s32 @!p2 $0x5220, s19;
	s8 =	rddreg [dreg:$0x8]  }
0xc4: {  	[tilespmem:s24], [sflag:$0x1] =	stream.indirect.gather @!p2 [spmem:s14], $0x8, s8, s0, $0xb8;
	[tilespmem:$0xF160] =	vst v63  }
0xc5: {  	s5 =	sadd.s32 @!p2 $0x780, s18;
	s29 =	sadd.s32 @!p2 $0x5620, s19  }
0xc6: {  	[tilespmem:s29], [sflag:$0x1] =	stream.indirect.gather @!p2 [spmem:s14], $0x8, s5, s0, $0xb8;
	[tilespmem:$0xF160] =	vst v63  }
0xc7: {  	s7 =	sadd.s32 @!p2 $0x800, s18;
	s5 =	rddreg [dreg:$0x9]  }
0xc8: {  	[tilespmem:s5], [sflag:$0x1] =	stream.indirect.gather @!p2 [spmem:s14], $0x8, s7, s0, $0xb8;
	[tilespmem:$0xF160] =	vst v63  }
0xc9: {  	s9 =	sadd.s32 @!p2 $0x880, s18;
	s6 =	sadd.s32 @!p2 $0x5E20, s19  }
0xca: {  	[tilespmem:s6], [sflag:$0x1] =	stream.indirect.gather @!p2 [spmem:s14], $0x8, s9, s0, $0xb8;
	[tilespmem:$0xF160] =	vst v63  }
0xcb: {  	s12 =	sadd.s32 @!p2 $0x900, s18;
	s22 =	sadd.s32 @!p2 $0x6220, s19  }
0xcc: {  	[tilespmem:s22], [sflag:$0x1] =	stream.indirect.gather @!p2 [spmem:s14], $0x8, s12, s0, $0xb8;
	[tilespmem:$0xF160] =	vst v63  }
0xcd: {  	s17 =	sadd.s32 @!p2 $0x980, s18;
	s11 =	sadd.s32 @!p2 $0x6620, s19  }
0xce: {  	[tilespmem:s11], [sflag:$0x1] =	stream.indirect.gather @!p2 [spmem:s14], $0x8, s17, s0, $0xb8;
	[tilespmem:$0xF160] =	vst v63  }
0xcf: {  	s4 =	sadd.s32 @!p2 $0xA00, s18;
	s28 =	sadd.s32 @!p2 $0x6A20, s19  }
0xd0: {  	[tilespmem:s28], [sflag:$0x1] =	stream.indirect.gather @!p2 [spmem:s14], $0x8, s4, s0, $0xb8;
	[tilespmem:$0xF160] =	vst v63  }
0xd1: {  	s31 =	sadd.s32 @!p2 $0xA80, s18;
	s10 =	sadd.s32 @!p2 $0x6E20, s19  }
0xd2: {  	[tilespmem:s10], [sflag:$0x1] =	stream.indirect.gather @!p2 [spmem:s14], $0x8, s31, s0, $0xb8;
	[tilespmem:$0xF160] =	vst v63  }
0xd3: {  	s2 =	sadd.s32 @!p2 $0xB00, s18;
	s15 =	sadd.s32 @!p2 $0x7220, s19  }
0xd4: {  	[tilespmem:s15], [sflag:$0x1] =	stream.indirect.gather @!p2 [spmem:s14], $0x8, s2, s0, $0xb8;
	[tilespmem:$0xF160] =	vst v63  }
0xd5: {  	s16 =	sadd.s32 @!p2 $0xB80, s18;
	s13 =	sadd.s32 @!p2 $0x7620, s19  }
0xd6: {  	[tilespmem:s13], [sflag:$0x1] =	stream.indirect.gather @!p2 [spmem:s14], $0x8, s16, s0, $0xb8;
	[tilespmem:$0xF160] =	vst v63  }
0xd7: {  	s1 =	sadd.s32 @!p2 $0xC00, s18;
	s20 =	sadd.s32 @!p2 $0xC80, s18;
	s3 =	sadd.s32 @!p2 $0x7A20, s19  }
0xd8: {  	[tilespmem:s3], [sflag:$0x1] =	stream.indirect.gather @!p2 [spmem:s14], $0x8, s1, s0, $0xb8;
	[tilespmem:$0xF160] =	vst v63  }
0xd9: {  	s19 =	sadd.s32 @!p2 $0x7E20, s19;
	s18 =	rddreg [dreg:$0x5];
	s16 =	sadd.s32 $0xFFFFFFFF, s30  }
0xda: {  	[tilespmem:s19], [sflag:$0x1] =	stream.indirect.gather @!p2 [spmem:s14], $0x8, s20, s0, $0xb8;
	[tilespmem:$0xF160] =	vst v63  }
0xdb: {  	s17 =	sand.u32 $0x1, s16;
	s3 =	simm.s32 $0x80;
	_ =	swait.ge [sflag:s25], $0x400  }
0xdc: {  	p2 =	seq.s32 s17, $0x1;
	[sflag:s25] =	ssyncset.done $0x0;
	s19 =	rddreg [dreg:$0x7]  }
0xdd: {  	s18 =	simm.s32 @!p2 $0x0;
	s19 =	sshra.s32 s19, $0x2;
	[sflag:s25] =	ssyncadd.s32 $0xFFFFFC00  }
0xde: {  	s20 =	sadd.s32 $0x4E20, s18;
	s21 =	sadd.s32 $0x2710, s19;
	s2 =	rddreg [dreg:$0x3]  }
0xdf: {  	[spmem:s2] =	stream.indirect.scatter.add.f32 [tilespmem:s20], [sflag:$0x2], $0x8, s21, s3, $0xb8;
	[tilespmem:$0xF160] =	vst v63  }
0xe0: {  	_ =	swait.ge [sflag:s25], $0x400  }
0xe1: {  	[sflag:s25] =	ssyncset.done $0x0  }
0xe2: {  	s24 =	sadd.s32 $0x5220, s18;
	s28 =	sadd.s32 $0x2790, s19;
	[sflag:s25] =	ssyncadd.s32 $0xFFFFFC00  }
0xe3: {  	[spmem:s2] =	stream.indirect.scatter.add.f32 [tilespmem:s24], [sflag:$0x2], $0x8, s28, s3, $0xb8;
	[tilespmem:$0xF160] =	vst v63  }
0xe4: {  	s22 =	rddreg [dreg:$0x6];
	_ =	swait.ge [sflag:s25], $0x400  }
0xe5: {  	[sflag:s25] =	ssyncset.done $0x0  }
0xe6: {  	s29 =	sadd.s32 $0x5620, s18;
	s31 =	sadd.s32 $0x2810, s19;
	[sflag:s25] =	ssyncadd.s32 $0xFFFFFC00  }
0xe7: {  	[spmem:s2] =	stream.indirect.scatter.add.f32 [tilespmem:s29], [sflag:$0x2], $0x8, s31, s3, $0xb8;
	[tilespmem:$0xF160] =	vst v63  }
0xe8: {  	_ =	swait.ge [sflag:s25], $0x400  }
0xe9: {  	[sflag:s25] =	ssyncset.done $0x0  }
0xea: {  	s4 =	sadd.s32 $0x5A20, s18;
	s6 =	sadd.s32 $0x2890, s19;
	[sflag:s25] =	ssyncadd.s32 $0xFFFFFC00  }
0xeb: {  	[spmem:s2] =	stream.indirect.scatter.add.f32 [tilespmem:s4], [sflag:$0x2], $0x8, s6, s3, $0xb8;
	[tilespmem:$0xF160] =	vst v63  }
0xec: {  	_ =	swait.ge [sflag:s25], $0x400  }
0xed: {  	[sflag:s25] =	ssyncset.done $0x0  }
0xee: {  	s7 =	sadd.s32 $0x5E20, s18;
	s8 =	sadd.s32 $0x2910, s19;
	[sflag:s25] =	ssyncadd.s32 $0xFFFFFC00  }
0xef: {  	[spmem:s2] =	stream.indirect.scatter.add.f32 [tilespmem:s7], [sflag:$0x2], $0x8, s8, s3, $0xb8;
	[tilespmem:$0xF160] =	vst v63  }
0xf0: {  	_ =	swait.ge [sflag:s25], $0x400  }
0xf1: {  	[sflag:s25] =	ssyncset.done $0x0  }
0xf2: {  	s9 =	sadd.s32 $0x6220, s18;
	s10 =	sadd.s32 $0x2990, s19;
	[sflag:s25] =	ssyncadd.s32 $0xFFFFFC00  }
0xf3: {  	[spmem:s2] =	stream.indirect.scatter.add.f32 [tilespmem:s9], [sflag:$0x2], $0x8, s10, s3, $0xb8;
	[tilespmem:$0xF160] =	vst v63  }
0xf4: {  	_ =	swait.ge [sflag:s25], $0x400  }
0xf5: {  	[sflag:s25] =	ssyncset.done $0x0  }
0xf6: {  	s11 =	sadd.s32 $0x6620, s18;
	s12 =	sadd.s32 $0x2A10, s19;
	[sflag:s25] =	ssyncadd.s32 $0xFFFFFC00  }
0xf7: {  	[spmem:s2] =	stream.indirect.scatter.add.f32 [tilespmem:s11], [sflag:$0x2], $0x8, s12, s3, $0xb8;
	[tilespmem:$0xF160] =	vst v63  }
0xf8: {  	_ =	swait.ge [sflag:s25], $0x400  }
0xf9: {  	[sflag:s25] =	ssyncset.done $0x0  }
0xfa: {  	s13 =	sadd.s32 $0x6A20, s18;
	s14 =	sadd.s32 $0x2A90, s19;
	[sflag:s25] =	ssyncadd.s32 $0xFFFFFC00  }
0xfb: {  	[spmem:s2] =	stream.indirect.scatter.add.f32 [tilespmem:s13], [sflag:$0x2], $0x8, s14, s3, $0xb8;
	[tilespmem:$0xF160] =	vst v63  }
0xfc: {  	_ =	swait.ge [sflag:s25], $0x400  }
0xfd: {  	[sflag:s25] =	ssyncset.done $0x0  }
0xfe: {  	s15 =	sadd.s32 $0x6E20, s18;
	s16 =	sadd.s32 $0x2B10, s19;
	[sflag:s25] =	ssyncadd.s32 $0xFFFFFC00  }
0xff: {  	[spmem:s2] =	stream.indirect.scatter.add.f32 [tilespmem:s15], [sflag:$0x2], $0x8, s16, s3, $0xb8;
	[tilespmem:$0xF160] =	vst v63  }
0x100: {  	_ =	swait.ge [sflag:s25], $0x400  }
0x101: {  	[sflag:s25] =	ssyncset.done $0x0  }
0x102: {  	s17 =	sadd.s32 $0x7220, s18;
	s20 =	sadd.s32 $0x2B90, s19;
	[sflag:s25] =	ssyncadd.s32 $0xFFFFFC00  }
0x103: {  	[spmem:s2] =	stream.indirect.scatter.add.f32 [tilespmem:s17], [sflag:$0x2], $0x8, s20, s3, $0xb8;
	[tilespmem:$0xF160] =	vst v63  }
0x104: {  	_ =	swait.ge [sflag:s25], $0x400  }
0x105: {  	s21 =	sadd.s32 $0x7620, s18;
	[sflag:s25] =	ssyncset.done $0x0  }
0x106: {  	s5 =	smov.u32 s22;
	s22 =	sadd.s32 $0x2C10, s19;
	[sflag:s25] =	ssyncadd.s32 $0xFFFFFC00  }
0x107: {  	[spmem:s2] =	stream.indirect.scatter.add.f32 [tilespmem:s21], [sflag:$0x2], $0x8, s22, s3, $0xb8;
	[tilespmem:$0xF160] =	vst v63  }
0x108: {  	_ =	swait.ge [sflag:s25], $0x400  }
0x109: {  	[sflag:s25] =	ssyncset.done $0x0  }
0x10a: {  	s24 =	sadd.s32 $0x7A20, s18;
	s28 =	sadd.s32 $0x2C90, s19;
	[sflag:s25] =	ssyncadd.s32 $0xFFFFFC00  }
0x10b: {  	[spmem:s2] =	stream.indirect.scatter.add.f32 [tilespmem:s24], [sflag:$0x2], $0x8, s28, s3, $0xb8;
	[tilespmem:$0xF160] =	vst v63  }
0x10c: {  	_ =	swait.ge [sflag:s25], $0x400  }
0x10d: {  	[sflag:s25] =	ssyncset.done $0x0  }
0x10e: {  	s29 =	sadd.s32 $0x7E20, s18;
	s31 =	sadd.s32 $0x2D10, s19;
	[sflag:s25] =	ssyncadd.s32 $0xFFFFFC00  }
0x10f: {  	[spmem:s2] =	stream.indirect.scatter.add.f32 [tilespmem:s29], [sflag:$0x2], $0x8, s31, s3, $0xb8;
	[tilespmem:$0xF160] =	vst v63  }
0x110: {  	_ =	swait.ge [sflag:s26], $0x400  }
0x111: {  	[sflag:s26] =	ssyncset.done $0x0  }
0x112: {  	[sflag:s26] =	ssyncadd.s32 $0xFFFFFC00  }
0x113: {  	_ =	swait.ge [sflag:s26], $0x400  }
0x114: {  	[sflag:s26] =	ssyncset.done $0x0  }
0x115: {  	[sflag:s26] =	ssyncadd.s32 $0xFFFFFC00  }
0x116: {  	_ =	swait.ge [sflag:s26], $0x400  }
0x117: {  	[sflag:s26] =	ssyncset.done $0x0  }
0x118: {  	[sflag:s26] =	ssyncadd.s32 $0xFFFFFC00  }
0x119: {  	_ =	swait.ge [sflag:s26], $0x400  }
0x11a: {  	[sflag:s26] =	ssyncset.done $0x0  }
0x11b: {  	[sflag:s26] =	ssyncadd.s32 $0xFFFFFC00  }
0x11c: {  	_ =	swait.ge [sflag:s26], $0x400  }
0x11d: {  	[sflag:s26] =	ssyncset.done $0x0  }
0x11e: {  	[sflag:s26] =	ssyncadd.s32 $0xFFFFFC00  }
0x11f: {  	_ =	swait.ge [sflag:s26], $0x400  }
0x120: {  	[sflag:s26] =	ssyncset.done $0x0  }
0x121: {  	[sflag:s26] =	ssyncadd.s32 $0xFFFFFC00  }
0x122: {  	s23 =	sadd.s32 $0x1A00, s23;
	_ =	swait.ge [sflag:s26], $0x400  }
0x123: {  	p1 =	sne.s32 s23, $0x9C00;
	s30 =	sadd.s32 $0x1, s30;
	[sflag:s26] =	ssyncset.done $0x0  }
.Ltmp0:
0x124: {  	p2 =	seq.s32 s5, $0x8200;
	[sflag:s26] =	ssyncadd.s32 $0xFFFFFC00;
	(pc) =	sbr.rel @p1 .LBB2_2-.Ltmp0, $4  }
0x125: {  	s0 =	sand.u32 @!p2 $0x1, s30;
	_ =	swait.ge [sflag:s26], $0x400  }
0x126: {  	p3 =	seq.s32 @!p2 s0, $0x1;
	[sflag:s26] =	ssyncset.done $0x0  }
0x127: {  	p3 =	por !p3, p2;
	s18 =	sshra.s32 @!p2 s5, $0x2;
	[sflag:s26] =	ssyncadd.s32 $0xFFFFFC00  }
0x128: {  	s19 =	simm.s32 @!p2 $0x3400;
	s21 =	sadd.s32 @!p2 $0x680, s18;
	_ =	swait.ge [sflag:s26], $0x400  }
0x129: {  	[sflag:s26] =	ssyncset.done $0x0  }
0x12a: {  	[sflag:s26] =	ssyncadd.s32 $0xFFFFFC00  }
0x12b: {  	_ =	swait.ge [sflag:s26], $0x400  }
0x12c: {  	[sflag:s26] =	ssyncset.done $0x0  }
0x12d: {  	[sflag:s26] =	ssyncadd.s32 $0xFFFFFC00  }
0x12e: {  	_ =	swait.ge [sflag:s26], $0x400  }
0x12f: {  	[sflag:s26] =	ssyncset.done $0x0  }
0x130: {  	[sflag:s26] =	ssyncadd.s32 $0xFFFFFC00  }
0x131: {  	_ =	swait.ge [sflag:s26], $0x400  }
0x132: {  	[sflag:s26] =	ssyncset.done $0x0  }
0x133: {  	[sflag:s26] =	ssyncadd.s32 $0xFFFFFC00  }
0x134: {  	_ =	swait.ge [sflag:s26], $0x400  }
0x135: {  	[sflag:s26] =	ssyncset.done $0x0  }
0x136: {  	s19 =	simm.s32 @p3 $0x0;
	[sflag:s26] =	ssyncadd.s32 $0xFFFFFC00  }
0x137: {  	s1 =	simm.s32 @!p2 $0x80;
	s0 =	sadd.s32 @!p2 $0x4E20, s19;
	s4 =	rddreg [dreg:$0x2]  }
0x138: {  	[tilespmem:s0], [sflag:$0x1] =	stream.indirect.gather @!p2 [spmem:s4], $0x8, s21, s1, $0xb8;
	[tilespmem:$0xF160] =	vst v63  }
0x139: {  	s2 =	sadd.s32 @!p2 $0x5220, s19;
	s0 =	sadd.s32 @!p2 $0x700, s18  }
0x13a: {  	[tilespmem:s2], [sflag:$0x1] =	stream.indirect.gather @!p2 [spmem:s4], $0x8, s0, s1, $0xb8;
	[tilespmem:$0xF160] =	vst v63  }
0x13b: {  	s0 =	sadd.s32 @!p2 $0x5620, s19;
	s2 =	sadd.s32 @!p2 $0x780, s18  }
0x13c: {  	[tilespmem:s0], [sflag:$0x1] =	stream.indirect.gather @!p2 [spmem:s4], $0x8, s2, s1, $0xb8;
	[tilespmem:$0xF160] =	vst v63  }
0x13d: {  	s0 =	sadd.s32 @!p2 $0x5A20, s19;
	s2 =	sadd.s32 @!p2 $0x800, s18  }
0x13e: {  	[tilespmem:s0], [sflag:$0x1] =	stream.indirect.gather @!p2 [spmem:s4], $0x8, s2, s1, $0xb8;
	[tilespmem:$0xF160] =	vst v63  }
0x13f: {  	s0 =	sadd.s32 @!p2 $0x5E20, s19;
	s2 =	sadd.s32 @!p2 $0x880, s18  }
0x140: {  	[tilespmem:s0], [sflag:$0x1] =	stream.indirect.gather @!p2 [spmem:s4], $0x8, s2, s1, $0xb8;
	[tilespmem:$0xF160] =	vst v63  }
0x141: {  	s0 =	sadd.s32 @!p2 $0x6220, s19;
	s2 =	sadd.s32 @!p2 $0x900, s18  }
0x142: {  	[tilespmem:s0], [sflag:$0x1] =	stream.indirect.gather @!p2 [spmem:s4], $0x8, s2, s1, $0xb8;
	[tilespmem:$0xF160] =	vst v63  }
0x143: {  	s0 =	sadd.s32 @!p2 $0x6620, s19;
	s2 =	sadd.s32 @!p2 $0x980, s18  }
0x144: {  	[tilespmem:s0], [sflag:$0x1] =	stream.indirect.gather @!p2 [spmem:s4], $0x8, s2, s1, $0xb8;
	[tilespmem:$0xF160] =	vst v63  }
0x145: {  	s0 =	sadd.s32 @!p2 $0x6A20, s19;
	s2 =	sadd.s32 @!p2 $0xA00, s18  }
0x146: {  	[tilespmem:s0], [sflag:$0x1] =	stream.indirect.gather @!p2 [spmem:s4], $0x8, s2, s1, $0xb8;
	[tilespmem:$0xF160] =	vst v63  }
0x147: {  	s0 =	sadd.s32 @!p2 $0x6E20, s19;
	s2 =	sadd.s32 @!p2 $0xA80, s18  }
0x148: {  	[tilespmem:s0], [sflag:$0x1] =	stream.indirect.gather @!p2 [spmem:s4], $0x8, s2, s1, $0xb8;
	[tilespmem:$0xF160] =	vst v63  }
0x149: {  	s0 =	sadd.s32 @!p2 $0x7220, s19;
	s2 =	sadd.s32 @!p2 $0xB00, s18  }
0x14a: {  	[tilespmem:s0], [sflag:$0x1] =	stream.indirect.gather @!p2 [spmem:s4], $0x8, s2, s1, $0xb8;
	[tilespmem:$0xF160] =	vst v63  }
0x14b: {  	s0 =	sadd.s32 @!p2 $0x7620, s19;
	s2 =	sadd.s32 @!p2 $0xB80, s18  }
0x14c: {  	[tilespmem:s0], [sflag:$0x1] =	stream.indirect.gather @!p2 [spmem:s4], $0x8, s2, s1, $0xb8;
	[tilespmem:$0xF160] =	vst v63  }
0x14d: {  	s0 =	sadd.s32 @!p2 $0x7A20, s19;
	s2 =	sadd.s32 @!p2 $0xC00, s18  }
0x14e: {  	[tilespmem:s0], [sflag:$0x1] =	stream.indirect.gather @!p2 [spmem:s4], $0x8, s2, s1, $0xb8;
	[tilespmem:$0xF160] =	vst v63  }
0x14f: {  	s21 =	sadd.s32 $0xFFFFFFFF, s30;
	s0 =	sadd.s32 @!p2 $0x7E20, s19;
	s2 =	sadd.s32 @!p2 $0xC80, s18  }
0x150: {  	[tilespmem:s0], [sflag:$0x1] =	stream.indirect.gather @!p2 [spmem:s4], $0x8, s2, s1, $0xb8;
	[tilespmem:$0xF160] =	vst v63  }
0x151: {  	s0 =	rddreg [dreg:$0x5];
	s1 =	sand.u32 $0x1, s21;
	_ =	swait.ge [sflag:s25], $0x400  }
0x152: {  	s6 =	simm.s32 $0x80;
	p1 =	seq.s32 s1, $0x1;
	[sflag:s25] =	ssyncset.done $0x0  }
0x153: {  	s1 =	sshra.s32 s5, $0x2;
	s0 =	simm.s32 @!p1 $0x0;
	[sflag:s25] =	ssyncadd.s32 $0xFFFFFC00  }
0x154: {  	s3 =	sadd.s32 $0x2710, s1;
	s22 =	sadd.s32 $0x4E20, s0;
	s5 =	rddreg [dreg:$0x3]  }
0x155: {  	[spmem:s5] =	stream.indirect.scatter.add.f32 [tilespmem:s22], [sflag:$0x2], $0x8, s3, s6, $0xb8;
	[tilespmem:$0xF160] =	vst v63  }
0x156: {  	_ =	swait.ge [sflag:s25], $0x400  }
0x157: {  	[sflag:s25] =	ssyncset.done $0x0  }
0x158: {  	s24 =	sadd.s32 $0x2790, s1;
	s23 =	sadd.s32 $0x5220, s0;
	[sflag:s25] =	ssyncadd.s32 $0xFFFFFC00  }
0x159: {  	[spmem:s5] =	stream.indirect.scatter.add.f32 [tilespmem:s23], [sflag:$0x2], $0x8, s24, s6, $0xb8;
	[tilespmem:$0xF160] =	vst v63  }
0x15a: {  	_ =	swait.ge [sflag:s25], $0x400  }
0x15b: {  	[sflag:s25] =	ssyncset.done $0x0  }
0x15c: {  	s29 =	sadd.s32 $0x2810, s1;
	s28 =	sadd.s32 $0x5620, s0;
	[sflag:s25] =	ssyncadd.s32 $0xFFFFFC00  }
0x15d: {  	[spmem:s5] =	stream.indirect.scatter.add.f32 [tilespmem:s28], [sflag:$0x2], $0x8, s29, s6, $0xb8;
	[tilespmem:$0xF160] =	vst v63  }
0x15e: {  	_ =	swait.ge [sflag:s25], $0x400  }
0x15f: {  	[sflag:s25] =	ssyncset.done $0x0  }
0x160: {  	s31 =	sadd.s32 $0x2890, s1;
	s30 =	sadd.s32 $0x5A20, s0;
	[sflag:s25] =	ssyncadd.s32 $0xFFFFFC00  }
0x161: {  	[spmem:s5] =	stream.indirect.scatter.add.f32 [tilespmem:s30], [sflag:$0x2], $0x8, s31, s6, $0xb8;
	[tilespmem:$0xF160] =	vst v63  }
0x162: {  	_ =	swait.ge [sflag:s25], $0x400  }
0x163: {  	[sflag:s25] =	ssyncset.done $0x0  }
0x164: {  	s8 =	sadd.s32 $0x2910, s1;
	s7 =	sadd.s32 $0x5E20, s0;
	[sflag:s25] =	ssyncadd.s32 $0xFFFFFC00  }
0x165: {  	[spmem:s5] =	stream.indirect.scatter.add.f32 [tilespmem:s7], [sflag:$0x2], $0x8, s8, s6, $0xb8;
	[tilespmem:$0xF160] =	vst v63  }
0x166: {  	_ =	swait.ge [sflag:s25], $0x400  }
0x167: {  	[sflag:s25] =	ssyncset.done $0x0  }
0x168: {  	s10 =	sadd.s32 $0x2990, s1;
	s9 =	sadd.s32 $0x6220, s0;
	[sflag:s25] =	ssyncadd.s32 $0xFFFFFC00  }
0x169: {  	[spmem:s5] =	stream.indirect.scatter.add.f32 [tilespmem:s9], [sflag:$0x2], $0x8, s10, s6, $0xb8;
	[tilespmem:$0xF160] =	vst v63  }
0x16a: {  	_ =	swait.ge [sflag:s25], $0x400  }
0x16b: {  	[sflag:s25] =	ssyncset.done $0x0  }
0x16c: {  	s12 =	sadd.s32 $0x2A10, s1;
	s11 =	sadd.s32 $0x6620, s0;
	[sflag:s25] =	ssyncadd.s32 $0xFFFFFC00  }
0x16d: {  	[spmem:s5] =	stream.indirect.scatter.add.f32 [tilespmem:s11], [sflag:$0x2], $0x8, s12, s6, $0xb8;
	[tilespmem:$0xF160] =	vst v63  }
0x16e: {  	_ =	swait.ge [sflag:s25], $0x400  }
0x16f: {  	[sflag:s25] =	ssyncset.done $0x0  }
0x170: {  	s14 =	sadd.s32 $0x2A90, s1;
	s13 =	sadd.s32 $0x6A20, s0;
	[sflag:s25] =	ssyncadd.s32 $0xFFFFFC00  }
0x171: {  	[spmem:s5] =	stream.indirect.scatter.add.f32 [tilespmem:s13], [sflag:$0x2], $0x8, s14, s6, $0xb8;
	[tilespmem:$0xF160] =	vst v63  }
0x172: {  	_ =	swait.ge [sflag:s25], $0x400  }
0x173: {  	[sflag:s25] =	ssyncset.done $0x0  }
0x174: {  	s16 =	sadd.s32 $0x2B10, s1;
	s15 =	sadd.s32 $0x6E20, s0;
	[sflag:s25] =	ssyncadd.s32 $0xFFFFFC00  }
0x175: {  	[spmem:s5] =	stream.indirect.scatter.add.f32 [tilespmem:s15], [sflag:$0x2], $0x8, s16, s6, $0xb8;
	[tilespmem:$0xF160] =	vst v63  }
0x176: {  	_ =	swait.ge [sflag:s25], $0x400  }
0x177: {  	[sflag:s25] =	ssyncset.done $0x0  }
0x178: {  	s18 =	sadd.s32 $0x2B90, s1;
	s17 =	sadd.s32 $0x7220, s0;
	[sflag:s25] =	ssyncadd.s32 $0xFFFFFC00  }
0x179: {  	[spmem:s5] =	stream.indirect.scatter.add.f32 [tilespmem:s17], [sflag:$0x2], $0x8, s18, s6, $0xb8;
	[tilespmem:$0xF160] =	vst v63  }
0x17a: {  	_ =	swait.ge [sflag:s25], $0x400  }
0x17b: {  	[sflag:s25] =	ssyncset.done $0x0  }
0x17c: {  	s20 =	sadd.s32 $0x2C10, s1;
	s19 =	sadd.s32 $0x7620, s0;
	[sflag:s25] =	ssyncadd.s32 $0xFFFFFC00  }
0x17d: {  	[spmem:s5] =	stream.indirect.scatter.add.f32 [tilespmem:s19], [sflag:$0x2], $0x8, s20, s6, $0xb8;
	[tilespmem:$0xF160] =	vst v63  }
0x17e: {  	_ =	swait.ge [sflag:s25], $0x400  }
0x17f: {  	[sflag:s25] =	ssyncset.done $0x0  }
0x180: {  	s21 =	sadd.s32 $0x7A20, s0;
	s22 =	sadd.s32 $0x2C90, s1;
	[sflag:s25] =	ssyncadd.s32 $0xFFFFFC00  }
0x181: {  	[spmem:s5] =	stream.indirect.scatter.add.f32 [tilespmem:s21], [sflag:$0x2], $0x8, s22, s6, $0xb8;
	[tilespmem:$0xF160] =	vst v63  }
0x182: {  	_ =	swait.ge [sflag:s25], $0x400  }
0x183: {  	[sflag:s25] =	ssyncset.done $0x0  }
0x184: {  	s0 =	sadd.s32 $0x7E20, s0;
	s1 =	sadd.s32 $0x2D10, s1;
	[sflag:s25] =	ssyncadd.s32 $0xFFFFFC00  }
0x185: {  	[spmem:s5] =	stream.indirect.scatter.add.f32 [tilespmem:s0], [sflag:$0x2], $0x8, s1, s6, $0xb8;
	[tilespmem:$0xF160] =	vst v63  }
0x186: {  	_ =	swait.ge [sflag:s26], $0x400  }
0x187: {  	[sflag:s26] =	ssyncset.done $0x0  }
0x188: {  	[sflag:s26] =	ssyncadd.s32 $0xFFFFFC00  }
0x189: {  	_ =	swait.ge [sflag:s26], $0x400  }
0x18a: {  	[sflag:s26] =	ssyncset.done $0x0  }
0x18b: {  	[sflag:s26] =	ssyncadd.s32 $0xFFFFFC00  }
0x18c: {  	_ =	swait.ge [sflag:s26], $0x400  }
0x18d: {  	[sflag:s26] =	ssyncset.done $0x0  }
0x18e: {  	[sflag:s26] =	ssyncadd.s32 $0xFFFFFC00  }
0x18f: {  	_ =	swait.ge [sflag:s26], $0x400  }
0x190: {  	[sflag:s26] =	ssyncset.done $0x0  }
0x191: {  	[sflag:s26] =	ssyncadd.s32 $0xFFFFFC00  }
0x192: {  	_ =	swait.ge [sflag:s26], $0x400  }
0x193: {  	[sflag:s26] =	ssyncset.done $0x0  }
0x194: {  	[sflag:s26] =	ssyncadd.s32 $0xFFFFFC00  }
0x195: {  	_ =	swait.ge [sflag:s26], $0x400  }
0x196: {  	[sflag:s26] =	ssyncset.done $0x0  }
0x197: {  	[sflag:s26] =	ssyncadd.s32 $0xFFFFFC00  }
0x198: {  	_ =	swait.ge [sflag:s26], $0x400  }
0x199: {  	[sflag:s26] =	ssyncset.done $0x0  }
0x19a: {  	[sflag:s26] =	ssyncadd.s32 $0xFFFFFC00  }
0x19b: {  	_ =	swait.ge [sflag:s26], $0x400  }
0x19c: {  	[sflag:s26] =	ssyncset.done $0x0  }
0x19d: {  	[sflag:s26] =	ssyncadd.s32 $0xFFFFFC00  }
0x19e: {  	_ =	swait.ge [sflag:s26], $0x400  }
0x19f: {  	[sflag:s26] =	ssyncset.done $0x0  }
0x1a0: {  	[sflag:s26] =	ssyncadd.s32 $0xFFFFFC00  }
0x1a1: {  	_ =	swait.ge [sflag:s26], $0x400  }
0x1a2: {  	[sflag:s26] =	ssyncset.done $0x0  }
0x1a3: {  	[sflag:s26] =	ssyncadd.s32 $0xFFFFFC00  }
0x1a4: {  	_ =	swait.ge [sflag:s26], $0x400  }
0x1a5: {  	[sflag:s26] =	ssyncset.done $0x0  }
0x1a6: {  	[sflag:s26] =	ssyncadd.s32 $0xFFFFFC00  }
0x1a7: {  	_ =	swait.ge [sflag:s26], $0x400  }
0x1a8: {  	[sflag:s26] =	ssyncset.done $0x0  }
0x1a9: {  	[sflag:s26] =	ssyncadd.s32 $0xFFFFFC00  }
0x1aa: {  	_ =	swait.ge [sflag:s26], $0x400  }
0x1ab: {  	s23 =	simm.s32 $0x10;
	s24 =	simm.s32 $0x2700;
	[sflag:s26] =	ssyncset.done $0x0  }
0x1ac: {  	s7 =	simm.s32 $0x4E20;
	s6 =	simm.s32 $0x3;
	[sflag:s26] =	ssyncadd.s32 $0xFFFFFC00  }
0x1ad: {  	[tilespmem:s7], [sflag:$0x3] =	stream.indirect.gather [spmem:s4], $0x8, s24, s23, $0xb8;
	[tilespmem:$0xF160] =	vst v63  }
0x1ae: {  	_ =	swait.ge [sflag:s6], $0x80  }
0x1af: {  	[sflag:s6] =	ssyncset.done $0x0  }
0x1b0: {  	s28 =	simm.s32 $0x4E10;
	[sflag:s6] =	ssyncadd.s32 $0xFFFFFF80  }
0x1b1: {  	[spmem:s5] =	stream.indirect.scatter.add.f32 [tilespmem:s7], [sflag:$0x3], $0x8, s28, s23, $0xb8;
	[tilespmem:$0xF160] =	vst v63  }
0x1b2: {  	_ =	swait.ge [sflag:s6], $0x80  }
0x1b3: {  	[sflag:s6] =	ssyncset.done $0x0  }
0x1b4: {  	[sflag:s6] =	ssyncadd.s32 $0xFFFFFF80  }
0x1b5: {  	[bflag:$0x0] =	sbarrier.arrive $0xFFFF  }
0x1b6: {  	s5 =	simm.s32 $0xB620;
	s3 =	rddreg [dreg:$0xf]  }
0x1b7: {  	[tilespmem:s5], [sflag:$0x3] =	stream.linear.gather [spmem:s3], $0x13C0, $0x38;
	[tilespmem:$0xF160] =	vst v63  }
0x1b8: {  	_ =	swait.ge [sflag:s6], $0x13C0  }
0x1b9: {  	[sflag:s6] =	ssyncset.done $0x0  }
0x1ba: {  	s4 =	simm.s32 $0x0;
	s29 =	rddreg [dreg:$0x10];
	[sflag:s6] =	ssyncadd.s32 $0xFFFFEC40  }
0x1bb: {  	[hbm4b:s29+s4] =	stream.linear.scatter [tilespmem:s5], [sflag:$0x3], $0x13C0, $0x38;
	[tilespmem:$0xF160] =	vst v63  }
0x1bc: {  	_ =	swait.ge [sflag:s6], $0x13C0  }
0x1bd: {  	s30 =	rddreg [dreg:$0x12]  }
0x1be: {  	s31 =	rddreg [dreg:$0x11];
	s1 =	sadd.s32 $0x1, s30  }
0x1bf: {  	p1 =	sne.s32 s1, s31  }
.Ltmp1:
0x1c0: {  	_ = 	snop;
	(pc) =	sbr.rel @p1 .LBB2_1-.Ltmp1, $3  }
0x1c1: {  	_ =	sdelay $0x1  }
0x1c2: {  	[sflag:s6] =	ssyncset.done $0x0  }
0x1c3: {  	[sflag:s6] =	ssyncadd.s32 $0xFFFFEC40  }
0x1c4: {  	_ =	sfence.sel $0x180000  }
0x1c5: {  	[bflag:$0x0] =	sbarrier.arrive $0xFFFF  }
0x1c6: {  	_ =	strace $0x9000004D  }
0x1c7: {  	s0 =	stileid.u32;
	[bflag:$0x2] =	sbarrier.arrive $0xFFFF  }
0x1c8: {  	p0 =	sne.s32 s0, $0x0;
	s0 =	rddreg [dreg:$0x4]  }
0x1c9: {  	s0 =	sadd.s32 @!p0 $0x100000, s0  }
0x1ca: {  	[sflag:s0] =	ssyncadd.tile.s32 @!p0 $0x1;
	_ =	shalt  }
.Lfunc_end2:
_tile_overlayer_lowered:
.L_overlay_start_2:
0x1cb: {  	(tag) =	ssettag $0x2  }
0x1cc: {  	s0 =	rddreg [dreg:$0x0];
	s2 =	stileid.u32  }
0x1cd: {  	s1 =	rddreg [dreg:$0x1];
	p0 =	sne.s32 s2, $0x0  }
0x1ce: {  	s3 =	rddreg [dreg:$0x2];
	[bflag:$0x3] =	sbarrier.arrive $0xFFFF;
	s2 =	simm.s32 @!p0 $0x1C03  }
0x1cf: {  	[timem:s3], [sflag:s2] =	dma.local @!p0 [hbm:s0], s1  }
0x1d0: {  	s0 =	simm.s32 @!p0 $0x3  }
0x1d1: {  	_ =	swait.ge @!p0 [sflag:s0], s1  }
0x1d2: {  	s1 =	ssub.s32 @!p0 $0x0, s1;
	[sflag:s0] =	ssyncset.done @!p0 $0x0  }
0x1d3: {  	[sflag:s0] =	ssyncadd.s32 @!p0 s1  }
0x1d4: {  	[bflag:$0x3] =	sbarrier.arrive $0xFFFF  }
0x1d5: {  	_ =	shalt  }

// kernel: kernel.9.cloned.1.call-start
scs
__scs_entry_jumppad:
0x0: {  	(pc) =	sbr.rel $0x88, $3  }
0x1: {  	(tag) =	ssettag $0x0;
	lr =	simm.s32 $0x1  }
0x2: {  	[smem:$0x3F9B] =	sst lr;
	_ =	strace $0xD0000000  }
0x3: {  	_ = 	snop  }
0x4: {  	_ = 	snop  }
0x5: {  	_ = 	snop  }
0x6: {  	_ = 	snop  }
0x7: {  	_ = 	snop  }
__scs_overlays_trampoline_lowered:
0x8: {  	[smem:$0x3FAA] =	sst s0  }
0x9: {  	[smem:$0x3FAB] =	sst s1  }
0xa: {  	[smem:$0x3FAC] =	sst s2  }
0xb: {  	[smem:$0x3FAD] =	sst s3  }
0xc: {  	[smem:$0x3FAE] =	sst s4  }
0xd: {  	[smem:$0x3FAF] =	sst s5  }
0xe: {  	[smem:$0x3FB0] =	sst s6  }
0xf: {  	[smem:$0x3FB1] =	sst s7  }
0x10: {  	[smem:$0x3FB2] =	sst s8  }
0x11: {  	[smem:$0x3FB3] =	sst s9;
	s0 =	simm.s32 @!p0 $0x0  }
0x12: {  	s1 =	sld [smem:$0x3F99];
	s0 =	simm.s32 @p0 $0x1  }
0x13: {  	[smem:$0x3FB4] =	sst s0;
	s0 =	simm.s32 @!p1 $0x0  }
0x14: {  	s2 =	sld [smem:$0x3F98];
	s0 =	simm.s32 @p1 $0x1  }
0x15: {  	[smem:$0x3FB5] =	sst s0;
	s0 =	simm.s32 @!p2 $0x0  }
0x16: {  	s3 =	sld [smem:$0x3FDB];
	s0 =	simm.s32 @p2 $0x1  }
0x17: {  	s4 =	simm.s32 $0x1BF5;
	[smem:$0x3FB7] =	sst s0  }
0x18: {  	s0 =	sld [smem:$0x3F9A];
	_ =	swait.ge [sflag:s4], $0x0  }
0x19: {  	s7 =	sld [smem:$0x3F9B]  }
0x1a: {  	s8 =	sadd.s32 $0xFFFFE003, lr  }
0x1b: {  	s9 =	sadd.s32 $0xFFFFFEF7, lr;
	s5 =	simm.s32 $0xFFFFFFFF;
	p2 =	slt.u32 s8, $0xFFFFF086  }
0x1c: {  	p1 =	slt.u32 s9, $0xF7A;
	s5 =	simm.s32 @!p2 $0x0  }
0x1d: {  	s5 =	simm.s32 @p1 $0x1;
	p0 =	seq.s32 s7, s2  }
0x1e: {  	s7 =	smul.u32 @!p0 $0xF7A, s2;
	p2 =	seq.s32 @!p0 s5, $0x0  }
0x1f: {  	s9 =	smul.u32 $0xF7A, s1;
	s8 =	simm.s32 @!p0 $0x1BF5;
	p2 =	por !p2, p0  }
0x20: {  	[sflag:s8] =	ssyncset.s32 @!p0 $0xFFFFF086;
	s6 =	sadd.s32 @!p0 s3, s7;
	s7 =	simm.s32 @!p0 $0x108  }
0x21: {  	s3 =	sadd.s32 s3, s9;
	s6 =	sadd.s32 @!p0 $0x88, s6;
	s7 =	simm.s32 @p2 $0x1082  }
0x22: {  	[simem:s7], [sflag:s8] =	dma.local @!p0 [hbm:s6], $0xF7A  }
0x23: {  	s9 =	sor.u32 $0xD0000000, s2;
	s6 =	simm.s32 $0x108;
	_ =	swait.ge @!p0 [sflag:s8], $0x0  }
0x24: {  	s3 =	sadd.s32 $0x88, s3;
	s6 =	simm.s32 @!p1 $0x1082;
	[sflag:s4] =	ssyncset.s32 $0xFFFFF086  }
0x25: {  	[simem:s6], [sflag:s4] =	dma.local [hbm:s3], $0xF7A  }
0x26: {  	[smem:$0x3F9B] =	sst s1;
	(tag) =	ssettag s2;
	_ =	strace s9  }
0x27: {  	s1 =	sld [smem:$0x3FAB]  }
0x28: {  	s2 =	sld [smem:$0x3FAC]  }
0x29: {  	s4 =	sld [smem:$0x3FAE]  }
0x2a: {  	p0 =	seq.s32 s5, $0x0;
	s5 =	sld [smem:$0x3FAF]  }
0x2b: {  	s6 =	sld [smem:$0x3FB0]  }
0x2c: {  	s7 =	sld [smem:$0x3FB1]  }
0x2d: {  	s3 =	simm.s32 $0x108;
	s8 =	sld [smem:$0x3FB2]  }
0x2e: {  	s3 =	simm.s32 @!p0 $0x1082;
	s9 =	sld [smem:$0x3FB3]  }
0x2f: {  	lr =	sadd.s32 s0, s3;
	s0 =	sld [smem:$0x3FAA]  }
0x30: {  	s3 =	sld [smem:$0x3FAD]  }
0x31: {  	[smem:$0x3FB6] =	sst s10  }
0x32: {  	s10 =	sld [smem:$0x3FB4];
	_ =	sdelay $0x3  }
0x33: {  	p0 =	seq.s32 s10, $0x1;
	s10 =	sld [smem:$0x3FB6];
	_ =	sdelay $0x3  }
0x34: {  	[smem:$0x3FB6] =	sst s10  }
0x35: {  	s10 =	sld [smem:$0x3FB5];
	_ =	sdelay $0x3  }
0x36: {  	p1 =	seq.s32 s10, $0x1;
	s10 =	sld [smem:$0x3FB6];
	_ =	sdelay $0x3  }
0x37: {  	[smem:$0x3FB6] =	sst s10  }
0x38: {  	s10 =	sld [smem:$0x3FB7]  }
0x39: {  	_ = 	snop;
	(pc) =	sbr.ind lr, $3  }
0x3a: {  	_ = 	snop  }
0x3b: {  	_ = 	snop  }
0x3c: {  	p2 =	seq.s32 s10, $0x1;
	s10 =	sld [smem:$0x3FB6]  }
0x3d: {  	_ =	shalt  }
0x3e: {  	_ =	shalt  }
0x3f: {  	_ =	shalt  }
0x40: {  	_ =	shalt  }
0x41: {  	_ =	shalt  }
0x42: {  	_ =	shalt  }
0x43: {  	_ =	shalt  }
0x44: {  	_ =	shalt  }
0x45: {  	_ =	shalt  }
0x46: {  	_ =	shalt  }
0x47: {  	_ =	shalt  }
0x48: {  	_ =	shalt  }
0x49: {  	_ =	shalt  }
0x4a: {  	_ =	shalt  }
0x4b: {  	_ =	shalt  }
0x4c: {  	_ =	shalt  }
0x4d: {  	_ =	shalt  }
0x4e: {  	_ =	shalt  }
0x4f: {  	_ =	shalt  }
0x50: {  	_ =	shalt  }
0x51: {  	_ =	shalt  }
0x52: {  	_ =	shalt  }
0x53: {  	_ =	shalt  }
0x54: {  	_ =	shalt  }
0x55: {  	_ =	shalt  }
0x56: {  	_ =	shalt  }
0x57: {  	_ =	shalt  }
0x58: {  	_ =	shalt  }
0x59: {  	_ =	shalt  }
0x5a: {  	_ =	shalt  }
0x5b: {  	_ =	shalt  }
0x5c: {  	_ =	shalt  }
0x5d: {  	_ =	shalt  }
0x5e: {  	_ =	shalt  }
0x5f: {  	_ =	shalt  }
0x60: {  	_ =	shalt  }
0x61: {  	_ =	shalt  }
0x62: {  	_ =	shalt  }
0x63: {  	_ =	shalt  }
0x64: {  	_ =	shalt  }
0x65: {  	_ =	shalt  }
0x66: {  	_ =	shalt  }
0x67: {  	_ =	shalt  }
0x68: {  	_ =	shalt  }
0x69: {  	_ =	shalt  }
0x6a: {  	_ =	shalt  }
0x6b: {  	_ =	shalt  }
0x6c: {  	_ =	shalt  }
0x6d: {  	_ =	shalt  }
0x6e: {  	_ =	shalt  }
0x6f: {  	_ =	shalt  }
0x70: {  	_ =	shalt  }
0x71: {  	_ =	shalt  }
0x72: {  	_ =	shalt  }
0x73: {  	_ =	shalt  }
0x74: {  	_ =	shalt  }
0x75: {  	_ =	shalt  }
0x76: {  	_ =	shalt  }
0x77: {  	_ =	shalt  }
0x78: {  	_ =	shalt  }
0x79: {  	_ =	shalt  }
0x7a: {  	_ =	shalt  }
0x7b: {  	_ =	shalt  }
0x7c: {  	_ =	shalt  }
0x7d: {  	_ =	shalt  }
0x7e: {  	_ =	shalt  }
0x7f: {  	_ =	shalt  }
0x80: {  	_ =	shalt  }
0x81: {  	_ =	shalt  }
0x82: {  	_ =	shalt  }
0x83: {  	_ =	shalt  }
0x84: {  	_ =	shalt  }
0x85: {  	_ =	shalt  }
0x86: {  	_ =	shalt  }
0x87: {  	_ =	shalt  }
.Lfunc_end0:
.L_simem_size_0:
called_computation_lowered:
.L_overlay_start_0:
0x88: {  	s2 =	sld [smem:$0x3FD9]  }
0x89: {  	s3 =	sld [smem:$0x3FFE];
	_ =	sdelay $0x1  }
0x8a: {  	s1 =	srdreg.scid  }
0x8b: {  	s0 =	sand.u32 $0x1, s1  }
0x8c: {  	s17 =	sshll.u32 s0, $0xA;
	s2 =	sadd.s32 s3, s2  }
0x8d: {  	s2 =	sadd.s32 s2, s17  }
0x8e: {  	[smem:$0x3FC2] =	sst s2  }
0x8f: {  	_ = 	snop  }
0x90: {  	s2 =	sld [smem:$0x3FD0];
	(tm) =	ssettm $0x1  }
0x91: {  	s18 =	sld [smem:$0x3FFB];
	_ =	sdelay $0x3  }
0x92: {  	_ =	strace s18  }
0x93: {  	s3 =	sld [smem:$0x3FFC];
	_ =	sdelay $0x3  }
0x94: {  	_ =	strace s3  }
0x95: {  	s3 =	sld [smem:$0x3FFD];
	_ =	sdelay $0x3  }
0x96: {  	_ =	strace s3  }
0x97: {  	_ =	strace $0x8FFFFFFF  }
0x98: {  	s19 =	sld [smem:$0x3FDB];
	_ =	sdelay $0x1  }
0x99: {  	s4 =	simm.s32 $_scs_section_size  }
0x9a: {  	s5 =	simm.s32 $_size__tile_overlayer_lowered;
	s6 =	simm.s32 $_tile_overlayer_lowered  }
0x9b: {  	s22 =	simm.s32 $0x1BFF;
	s21 =	sshll.u32 s6, $0x1;
	s3 =	sadd.s32 s4, s19  }
0x9c: {  	s7 =	simm.s32 $0x0;
	s20 =	sshll.u32 s5, $0x1;
	s5 =	sadd.s32 s21, s3  }
0x9d: {  	[timem:s7], [sflag:s22] =	dma.local [hbm:s5], s20  }
0x9e: {  	_ =	swait.ge [sflag:s22], s20  }
0x9f: {  	s4 =	ssub.s32 $0x0, s20;
	[sflag:s22] =	ssyncset.done $0x0  }
0xa0: {  	[sflag:s22] =	ssyncadd.s32 s4;
	_ =	sdelay $0x1  }
0xa1: {  	s23 =	simm.s32 $0x1B8B  }
0xa2: {  	_ =	swait.ge [sflag:s23], $0x1  }
0xa3: {  	[sflag:s23] =	ssyncset.done $0x0  }
0xa4: {  	s25 =	simm.s32 $0x1B8E;
	s24 =	sld [smem:$0x3FFE];
	[sflag:s23] =	ssyncadd.s32 $0xFFFFFFFF  }
0xa5: {  	s26 =	simm.s32 $execute0_lowered;
	[smem:$0x3FD2] =	sst s25  }
0xa6: {  	s5 =	sshll.u32 s26, $0x1;
	_ =	strace $0x80000046;
	[dreg:$0x1] =	wrdreg $0xFFFFFFFF  }
0xa7: {  	s28 =	simm.s32 $_size_execute0_lowered;
	s3 =	sadd.s32 s3, s5;
	[dreg:$0x0] =	wrdreg $0x0  }
0xa8: {  	s5 =	sshll.u32 s28, $0x1;
	[dreg:$0x2] =	wrdreg s3  }
0xa9: {  	[dreg:$0x3] =	wrdreg s5  }
0xaa: {  	[dreg:$0x4] =	wrdreg $0xC0  }
0xab: {  	_ =	task [dreg:s7], $0x5FFFF  }
0xac: {  	[dreg:$0x1] =	wrdreg $0xFFFFFFFF  }
0xad: {  	[dreg:$0x0] =	wrdreg $0x60  }
0xae: {  	[dreg:$0x2] =	wrdreg s24  }
0xaf: {  	[dreg:$0x3] =	wrdreg s2  }
0xb0: {  	[dreg:$0x4] =	wrdreg $0x56900  }
0xb1: {  	[dreg:$0x5] =	wrdreg $0x9  }
0xb2: {  	_ =	task.clear_ibuf [dreg:s7], $0x6FFFF;
	_ =	strace $0x90000046  }
0xb3: {  	s29 =	simm.s32 $0x9;
	_ =	strace $0x80000048  }
0xb4: {  	_ =	swait.ge [sflag:s29], $0x1  }
0xb5: {  	[sflag:s29] =	ssyncadd.s32 $0xFFFFFFFF  }
0xb6: {  	_ =	strace $0x90000048  }
0xb7: {  	_ =	sfence  }
0xb8: {  	s30 =	sld [smem:$0x0];
	_ =	sdelay $0x2  }
0xb9: {  	s31 =	sshll.u32 s1, $0xD;
	s1 =	sshrl.u32 s1, $0x2  }
0xba: {  	s3 =	sand.u32 $0x4000, s31;
	s1 =	sadd.s32 s1, s30  }
0xbb: {  	s0 =	sor.u32 s3, s0;
	s1 =	sshll.u32 s1, $0x11  }
0xbc: {  	s0 =	sor.u32 s1, s0  }
0xbd: {  	s0 =	sadd.s32 $0x8F2B, s0  }
0xbe: {  	[sflag:s0] =	ssyncadd.remote.s32 $0x1  }
0xbf: {  	_ =	sfence.sel $0xFFFF  }
0xc0: {  	[dreg:$0x0] =	wrdreg $0xFFFFFFFF;
	(pc) =	sbr.abs _section_cstart, $3  }
0xc1: {  	[dreg:$0x1] =	wrdreg $0xFFFFFFFF  }
0xc2: {  	_ =	task.clear_ibuf [dreg:s7], $0x2FFFF;
	_ =	strace $0x9FFFFFFF  }
0xc3: {  	(tm) =	ssettm $0x7FFFFFFF  }
tec
execute0_lowered:
.L_overlay_start_1:
0x0: {  	(tag) =	ssettag $0x1  }
0x1: {  	s0 =	rddreg [dreg:$0x0]  }
0x2: {  	s8 =	stileid.u32;
	s1 =	srdreg.scid  }
0x3: {  	s3 =	rddreg [dreg:$0x2];
	s4 =	simm.s32 $0x0;
	s10 =	simm.s32 $0x2710  }
0x4: {  	s11 =	simm.s32 $0x2;
	s12 =	simm.s32 $0x2F10;
	s13 =	simm.s32 $0x80  }
0x5: {  	s15 =	simm.s32 $0x1F80;
	s16 =	simm.s32 $0x2000;
	s17 =	simm.s32 $0x2080  }
0x6: {  	s18 =	simm.s32 $0x2100;
	s19 =	simm.s32 $0x2180;
	s20 =	simm.s32 $0x2200  }
0x7: {  	s21 =	simm.s32 $0x2280;
	s22 =	simm.s32 $0x2300;
	s23 =	simm.s32 $0x2380  }
0x8: {  	s24 =	simm.s32 $0x2400;
	s28 =	simm.s32 $0x2580;
	s29 =	simm.s32 $0x2600  }
0x9: {  	s30 =	simm.s32 $0x2680;
	s31 =	simm.s32 $0x10;
	s2 =	smul.u32 $0x2780, s8  }
0xa: {  	s1 =	sand.u32 $0x1, s1;
	s5 =	smul.u32 $0x4F0, s8;
	[smem:$0x7FF] =	sst s4  }
0xb: {  	s6 =	sshll.u32 s1, $0x4;
	s7 =	smul.u32 $0x4F00, s1;
	_ =	strace $0x80000047  }
0xc: {  	s1 =	ssub.s32 $0x2, s1;
	s6 =	sor.u32 s8, s6;
	s25 =	sshrl.u32 s2, $0x3  }
0xd: {  	s26 =	sshrl.u32 s1, $0x1;
	s6 =	smul.u32 $0x2710, s6;
	s8 =	sadd.s32 s25, s0  }
0xe: {  	s5 =	sadd.s32 s5, s7;
	s1 =	ssub.s32 s1, s26;
	s7 =	sadd.s32 s2, s3  }
0xf: {  	s25 =	simm.s32 $0x2480;
	s26 =	simm.s32 $0x2500;
	s6 =	sshrl.u32 s6, $0x3  }
0x10: {  	s2 =	simm.s32 $0x0;
	s9 =	sadd.s32 s5, s0;
	s0 =	sadd.s32 s0, s6  }
0x11: {  	s6 =	sadd.s32 $0x16200, s8;
	s8 =	sadd.s32 $0x1B200, s9;
	s9 =	smax.u32 s1, $0x1  }
0x12: {  	s1 =	simm.s32 $0x2700;
	s5 =	sadd.s32 $0xC440, s0;
	s0 =	simm.s32 $0x1  }
.LBB2_1:
0x13: {  	s14 =	rddreg [dreg:$0x1]  }
0x14: {  	[tilespmem:s10], [sflag:$0x2] =	stream.linear.gather [hbm4b:s14+s4], $0x800, $0x38;
	[tilespmem:$0x7E10] =	vst v63  }
0x15: {  	_ =	swait.ge [sflag:s11], $0x800  }
0x16: {  	[sflag:s11] =	ssyncset.done $0x0  }
0x17: {  	[sflag:s11] =	ssyncadd.s32 $0xFFFFF800  }
0x18: {  	[tilespmem:s4], [sflag:$0x2] =	stream.linear.gather [hbm4b:s5+s4], $0x2710, $0x38;
	[tilespmem:$0x7E10] =	vst v63  }
0x19: {  	_ =	swait.ge [sflag:s11], $0x2710  }
0x1a: {  	[sflag:s11] =	ssyncset.done $0x0  }
0x1b: {  	[sflag:s11] =	ssyncadd.s32 $0xFFFFD8F0  }
0x1c: {  	[tilespmem:s12], [sflag:$0x2] =	stream.linear.gather [hbm4b:s6+s4], $0x2780, $0x38;
	[tilespmem:$0x7E10] =	vst v63  }
0x1d: {  	_ =	swait.ge [sflag:s11], $0x2780  }
0x1e: {  	[sflag:s11] =	ssyncset.done $0x0  }
0x1f: {  	[sflag:s11] =	ssyncadd.s32 $0xFFFFD880  }
0x20: {  	[spmem:s7] =	stream.linear.scatter [tilespmem:s12], [sflag:$0x2], $0x2780, $0x38;
	[tilespmem:$0x7E10] =	vst v63  }
0x21: {  	_ =	swait.ge [sflag:s11], $0x2780  }
0x22: {  	[sflag:s11] =	ssyncset.done $0x0  }
0x23: {  	[sflag:s11] =	ssyncadd.s32 $0xFFFFD880  }
0x24: {  	[bflag:$0x0] =	sbarrier.arrive $0xFFFF  }
0x25: {  	[spmem:s3] =	stream.indirect.scatter.add.f32 [tilespmem:s10], [sflag:$0x1], $0x10, s4, s13, $0xb8;
	[tilespmem:$0x7E10] =	vst v63  }
0x26: {  	_ = 	snop  }
0x27: {  	[spmem:s3] =	stream.indirect.scatter.add.f32 [tilespmem:s10], [sflag:$0x1], $0x10, s13, s13, $0xb8;
	[tilespmem:$0x7E10] =	vst v63  }
0x28: {  	s14 =	simm.s32 $0x100  }
0x29: {  	[spmem:s3] =	stream.indirect.scatter.add.f32 [tilespmem:s10], [sflag:$0x1], $0x10, s14, s13, $0xb8;
	[tilespmem:$0x7E10] =	vst v63  }
0x2a: {  	s14 =	simm.s32 $0x180  }
0x2b: {  	[spmem:s3] =	stream.indirect.scatter.add.f32 [tilespmem:s10], [sflag:$0x1], $0x10, s14, s13, $0xb8;
	[tilespmem:$0x7E10] =	vst v63  }
0x2c: {  	s14 =	simm.s32 $0x200  }
0x2d: {  	[spmem:s3] =	stream.indirect.scatter.add.f32 [tilespmem:s10], [sflag:$0x1], $0x10, s14, s13, $0xb8;
	[tilespmem:$0x7E10] =	vst v63  }
0x2e: {  	s14 =	simm.s32 $0x280  }
0x2f: {  	[spmem:s3] =	stream.indirect.scatter.add.f32 [tilespmem:s10], [sflag:$0x1], $0x10, s14, s13, $0xb8;
	[tilespmem:$0x7E10] =	vst v63  }
0x30: {  	s14 =	simm.s32 $0x300  }
0x31: {  	[spmem:s3] =	stream.indirect.scatter.add.f32 [tilespmem:s10], [sflag:$0x1], $0x10, s14, s13, $0xb8;
	[tilespmem:$0x7E10] =	vst v63  }
0x32: {  	s14 =	simm.s32 $0x380  }
0x33: {  	[spmem:s3] =	stream.indirect.scatter.add.f32 [tilespmem:s10], [sflag:$0x1], $0x10, s14, s13, $0xb8;
	[tilespmem:$0x7E10] =	vst v63  }
0x34: {  	s14 =	simm.s32 $0x400  }
0x35: {  	[spmem:s3] =	stream.indirect.scatter.add.f32 [tilespmem:s10], [sflag:$0x1], $0x10, s14, s13, $0xb8;
	[tilespmem:$0x7E10] =	vst v63  }
0x36: {  	s14 =	simm.s32 $0x480  }
0x37: {  	[spmem:s3] =	stream.indirect.scatter.add.f32 [tilespmem:s10], [sflag:$0x1], $0x10, s14, s13, $0xb8;
	[tilespmem:$0x7E10] =	vst v63  }
0x38: {  	s14 =	simm.s32 $0x500  }
0x39: {  	[spmem:s3] =	stream.indirect.scatter.add.f32 [tilespmem:s10], [sflag:$0x1], $0x10, s14, s13, $0xb8;
	[tilespmem:$0x7E10] =	vst v63  }
0x3a: {  	s14 =	simm.s32 $0x580  }
0x3b: {  	[spmem:s3] =	stream.indirect.scatter.add.f32 [tilespmem:s10], [sflag:$0x1], $0x10, s14, s13, $0xb8;
	[tilespmem:$0x7E10] =	vst v63  }
0x3c: {  	s14 =	simm.s32 $0x600  }
0x3d: {  	[spmem:s3] =	stream.indirect.scatter.add.f32 [tilespmem:s10], [sflag:$0x1], $0x10, s14, s13, $0xb8;
	[tilespmem:$0x7E10] =	vst v63  }
0x3e: {  	s14 =	simm.s32 $0x680  }
0x3f: {  	[spmem:s3] =	stream.indirect.scatter.add.f32 [tilespmem:s10], [sflag:$0x1], $0x10, s14, s13, $0xb8;
	[tilespmem:$0x7E10] =	vst v63  }
0x40: {  	s14 =	simm.s32 $0x700  }
0x41: {  	[spmem:s3] =	stream.indirect.scatter.add.f32 [tilespmem:s10], [sflag:$0x1], $0x10, s14, s13, $0xb8;
	[tilespmem:$0x7E10] =	vst v63  }
0x42: {  	s14 =	simm.s32 $0x780  }
0x43: {  	[spmem:s3] =	stream.indirect.scatter.add.f32 [tilespmem:s10], [sflag:$0x1], $0x10, s14, s13, $0xb8;
	[tilespmem:$0x7E10] =	vst v63  }
0x44: {  	s14 =	simm.s32 $0x800  }
0x45: {  	[spmem:s3] =	stream.indirect.scatter.add.f32 [tilespmem:s10], [sflag:$0x1], $0x10, s14, s13, $0xb8;
	[tilespmem:$0x7E10] =	vst v63  }
0x46: {  	s14 =	simm.s32 $0x880  }
0x47: {  	[spmem:s3] =	stream.indirect.scatter.add.f32 [tilespmem:s10], [sflag:$0x1], $0x10, s14, s13, $0xb8;
	[tilespmem:$0x7E10] =	vst v63  }
0x48: {  	s14 =	simm.s32 $0x900  }
0x49: {  	[spmem:s3] =	stream.indirect.scatter.add.f32 [tilespmem:s10], [sflag:$0x1], $0x10, s14, s13, $0xb8;
	[tilespmem:$0x7E10] =	vst v63  }
0x4a: {  	s14 =	simm.s32 $0x980  }
0x4b: {  	[spmem:s3] =	stream.indirect.scatter.add.f32 [tilespmem:s10], [sflag:$0x1], $0x10, s14, s13, $0xb8;
	[tilespmem:$0x7E10] =	vst v63  }
0x4c: {  	s14 =	simm.s32 $0xA00  }
0x4d: {  	[spmem:s3] =	stream.indirect.scatter.add.f32 [tilespmem:s10], [sflag:$0x1], $0x10, s14, s13, $0xb8;
	[tilespmem:$0x7E10] =	vst v63  }
0x4e: {  	s14 =	simm.s32 $0xA80  }
0x4f: {  	[spmem:s3] =	stream.indirect.scatter.add.f32 [tilespmem:s10], [sflag:$0x1], $0x10, s14, s13, $0xb8;
	[tilespmem:$0x7E10] =	vst v63  }
0x50: {  	s14 =	simm.s32 $0xB00  }
0x51: {  	[spmem:s3] =	stream.indirect.scatter.add.f32 [tilespmem:s10], [sflag:$0x1], $0x10, s14, s13, $0xb8;
	[tilespmem:$0x7E10] =	vst v63  }
0x52: {  	s14 =	simm.s32 $0xB80  }
0x53: {  	[spmem:s3] =	stream.indirect.scatter.add.f32 [tilespmem:s10], [sflag:$0x1], $0x10, s14, s13, $0xb8;
	[tilespmem:$0x7E10] =	vst v63  }
0x54: {  	s14 =	simm.s32 $0xC00  }
0x55: {  	[spmem:s3] =	stream.indirect.scatter.add.f32 [tilespmem:s10], [sflag:$0x1], $0x10, s14, s13, $0xb8;
	[tilespmem:$0x7E10] =	vst v63  }
0x56: {  	s14 =	simm.s32 $0xC80  }
0x57: {  	[spmem:s3] =	stream.indirect.scatter.add.f32 [tilespmem:s10], [sflag:$0x1], $0x10, s14, s13, $0xb8;
	[tilespmem:$0x7E10] =	vst v63  }
0x58: {  	s14 =	simm.s32 $0xD00  }
0x59: {  	[spmem:s3] =	stream.indirect.scatter.add.f32 [tilespmem:s10], [sflag:$0x1], $0x10, s14, s13, $0xb8;
	[tilespmem:$0x7E10] =	vst v63  }
0x5a: {  	s14 =	simm.s32 $0xD80  }
0x5b: {  	[spmem:s3] =	stream.indirect.scatter.add.f32 [tilespmem:s10], [sflag:$0x1], $0x10, s14, s13, $0xb8;
	[tilespmem:$0x7E10] =	vst v63  }
0x5c: {  	s14 =	simm.s32 $0xE00  }
0x5d: {  	[spmem:s3] =	stream.indirect.scatter.add.f32 [tilespmem:s10], [sflag:$0x1], $0x10, s14, s13, $0xb8;
	[tilespmem:$0x7E10] =	vst v63  }
0x5e: {  	s14 =	simm.s32 $0xE80  }
0x5f: {  	[spmem:s3] =	stream.indirect.scatter.add.f32 [tilespmem:s10], [sflag:$0x1], $0x10, s14, s13, $0xb8;
	[tilespmem:$0x7E10] =	vst v63  }
0x60: {  	s14 =	simm.s32 $0xF00  }
0x61: {  	[spmem:s3] =	stream.indirect.scatter.add.f32 [tilespmem:s10], [sflag:$0x1], $0x10, s14, s13, $0xb8;
	[tilespmem:$0x7E10] =	vst v63  }
0x62: {  	s14 =	simm.s32 $0xF80  }
0x63: {  	[spmem:s3] =	stream.indirect.scatter.add.f32 [tilespmem:s10], [sflag:$0x1], $0x10, s14, s13, $0xb8;
	[tilespmem:$0x7E10] =	vst v63  }
0x64: {  	s14 =	simm.s32 $0x1000  }
0x65: {  	[spmem:s3] =	stream.indirect.scatter.add.f32 [tilespmem:s10], [sflag:$0x1], $0x10, s14, s13, $0xb8;
	[tilespmem:$0x7E10] =	vst v63  }
0x66: {  	s14 =	simm.s32 $0x1080  }
0x67: {  	[spmem:s3] =	stream.indirect.scatter.add.f32 [tilespmem:s10], [sflag:$0x1], $0x10, s14, s13, $0xb8;
	[tilespmem:$0x7E10] =	vst v63  }
0x68: {  	s14 =	simm.s32 $0x1100  }
0x69: {  	[spmem:s3] =	stream.indirect.scatter.add.f32 [tilespmem:s10], [sflag:$0x1], $0x10, s14, s13, $0xb8;
	[tilespmem:$0x7E10] =	vst v63  }
0x6a: {  	s14 =	simm.s32 $0x1180  }
0x6b: {  	[spmem:s3] =	stream.indirect.scatter.add.f32 [tilespmem:s10], [sflag:$0x1], $0x10, s14, s13, $0xb8;
	[tilespmem:$0x7E10] =	vst v63  }
0x6c: {  	s14 =	simm.s32 $0x1200  }
0x6d: {  	[spmem:s3] =	stream.indirect.scatter.add.f32 [tilespmem:s10], [sflag:$0x1], $0x10, s14, s13, $0xb8;
	[tilespmem:$0x7E10] =	vst v63  }
0x6e: {  	s14 =	simm.s32 $0x1280  }
0x6f: {  	[spmem:s3] =	stream.indirect.scatter.add.f32 [tilespmem:s10], [sflag:$0x1], $0x10, s14, s13, $0xb8;
	[tilespmem:$0x7E10] =	vst v63  }
0x70: {  	s14 =	simm.s32 $0x1300  }
0x71: {  	[spmem:s3] =	stream.indirect.scatter.add.f32 [tilespmem:s10], [sflag:$0x1], $0x10, s14, s13, $0xb8;
	[tilespmem:$0x7E10] =	vst v63  }
0x72: {  	s14 =	simm.s32 $0x1380  }
0x73: {  	[spmem:s3] =	stream.indirect.scatter.add.f32 [tilespmem:s10], [sflag:$0x1], $0x10, s14, s13, $0xb8;
	[tilespmem:$0x7E10] =	vst v63  }
0x74: {  	s14 =	simm.s32 $0x1400  }
0x75: {  	[spmem:s3] =	stream.indirect.scatter.add.f32 [tilespmem:s10], [sflag:$0x1], $0x10, s14, s13, $0xb8;
	[tilespmem:$0x7E10] =	vst v63  }
0x76: {  	s14 =	simm.s32 $0x1480  }
0x77: {  	[spmem:s3] =	stream.indirect.scatter.add.f32 [tilespmem:s10], [sflag:$0x1], $0x10, s14, s13, $0xb8;
	[tilespmem:$0x7E10] =	vst v63  }
0x78: {  	s14 =	simm.s32 $0x1500  }
0x79: {  	[spmem:s3] =	stream.indirect.scatter.add.f32 [tilespmem:s10], [sflag:$0x1], $0x10, s14, s13, $0xb8;
	[tilespmem:$0x7E10] =	vst v63  }
0x7a: {  	s14 =	simm.s32 $0x1580  }
0x7b: {  	[spmem:s3] =	stream.indirect.scatter.add.f32 [tilespmem:s10], [sflag:$0x1], $0x10, s14, s13, $0xb8;
	[tilespmem:$0x7E10] =	vst v63  }
0x7c: {  	s14 =	simm.s32 $0x1600  }
0x7d: {  	[spmem:s3] =	stream.indirect.scatter.add.f32 [tilespmem:s10], [sflag:$0x1], $0x10, s14, s13, $0xb8;
	[tilespmem:$0x7E10] =	vst v63  }
0x7e: {  	s14 =	simm.s32 $0x1680  }
0x7f: {  	[spmem:s3] =	stream.indirect.scatter.add.f32 [tilespmem:s10], [sflag:$0x1], $0x10, s14, s13, $0xb8;
	[tilespmem:$0x7E10] =	vst v63  }
0x80: {  	s14 =	simm.s32 $0x1700  }
0x81: {  	[spmem:s3] =	stream.indirect.scatter.add.f32 [tilespmem:s10], [sflag:$0x1], $0x10, s14, s13, $0xb8;
	[tilespmem:$0x7E10] =	vst v63  }
0x82: {  	s14 =	simm.s32 $0x1780  }
0x83: {  	[spmem:s3] =	stream.indirect.scatter.add.f32 [tilespmem:s10], [sflag:$0x1], $0x10, s14, s13, $0xb8;
	[tilespmem:$0x7E10] =	vst v63  }
0x84: {  	s14 =	simm.s32 $0x1800  }
0x85: {  	[spmem:s3] =	stream.indirect.scatter.add.f32 [tilespmem:s10], [sflag:$0x1], $0x10, s14, s13, $0xb8;
	[tilespmem:$0x7E10] =	vst v63  }
0x86: {  	s14 =	simm.s32 $0x1880  }
0x87: {  	[spmem:s3] =	stream.indirect.scatter.add.f32 [tilespmem:s10], [sflag:$0x1], $0x10, s14, s13, $0xb8;
	[tilespmem:$0x7E10] =	vst v63  }
0x88: {  	s14 =	simm.s32 $0x1900  }
0x89: {  	[spmem:s3] =	stream.indirect.scatter.add.f32 [tilespmem:s10], [sflag:$0x1], $0x10, s14, s13, $0xb8;
	[tilespmem:$0x7E10] =	vst v63  }
0x8a: {  	s14 =	simm.s32 $0x1980  }
0x8b: {  	[spmem:s3] =	stream.indirect.scatter.add.f32 [tilespmem:s10], [sflag:$0x1], $0x10, s14, s13, $0xb8;
	[tilespmem:$0x7E10] =	vst v63  }
0x8c: {  	s14 =	simm.s32 $0x1A00  }
0x8d: {  	[spmem:s3] =	stream.indirect.scatter.add.f32 [tilespmem:s10], [sflag:$0x1], $0x10, s14, s13, $0xb8;
	[tilespmem:$0x7E10] =	vst v63  }
0x8e: {  	s14 =	simm.s32 $0x1A80  }
0x8f: {  	[spmem:s3] =	stream.indirect.scatter.add.f32 [tilespmem:s10], [sflag:$0x1], $0x10, s14, s13, $0xb8;
	[tilespmem:$0x7E10] =	vst v63  }
0x90: {  	s14 =	simm.s32 $0x1B00  }
0x91: {  	[spmem:s3] =	stream.indirect.scatter.add.f32 [tilespmem:s10], [sflag:$0x1], $0x10, s14, s13, $0xb8;
	[tilespmem:$0x7E10] =	vst v63  }
0x92: {  	s14 =	simm.s32 $0x1B80  }
0x93: {  	[spmem:s3] =	stream.indirect.scatter.add.f32 [tilespmem:s10], [sflag:$0x1], $0x10, s14, s13, $0xb8;
	[tilespmem:$0x7E10] =	vst v63  }
0x94: {  	s14 =	simm.s32 $0x1C00  }
0x95: {  	[spmem:s3] =	stream.indirect.scatter.add.f32 [tilespmem:s10], [sflag:$0x1], $0x10, s14, s13, $0xb8;
	[tilespmem:$0x7E10] =	vst v63  }
0x96: {  	s14 =	simm.s32 $0x1C80  }
0x97: {  	[spmem:s3] =	stream.indirect.scatter.add.f32 [tilespmem:s10], [sflag:$0x1], $0x10, s14, s13, $0xb8;
	[tilespmem:$0x7E10] =	vst v63  }
0x98: {  	s14 =	simm.s32 $0x1D00  }
0x99: {  	[spmem:s3] =	stream.indirect.scatter.add.f32 [tilespmem:s10], [sflag:$0x1], $0x10, s14, s13, $0xb8;
	[tilespmem:$0x7E10] =	vst v63  }
0x9a: {  	s14 =	simm.s32 $0x1D80  }
0x9b: {  	[spmem:s3] =	stream.indirect.scatter.add.f32 [tilespmem:s10], [sflag:$0x1], $0x10, s14, s13, $0xb8;
	[tilespmem:$0x7E10] =	vst v63  }
0x9c: {  	s14 =	simm.s32 $0x1E00  }
0x9d: {  	[spmem:s3] =	stream.indirect.scatter.add.f32 [tilespmem:s10], [sflag:$0x1], $0x10, s14, s13, $0xb8;
	[tilespmem:$0x7E10] =	vst v63  }
0x9e: {  	s14 =	simm.s32 $0x1E80  }
0x9f: {  	[spmem:s3] =	stream.indirect.scatter.add.f32 [tilespmem:s10], [sflag:$0x1], $0x10, s14, s13, $0xb8;
	[tilespmem:$0x7E10] =	vst v63  }
0xa0: {  	s14 =	simm.s32 $0x1F00  }
0xa1: {  	[spmem:s3] =	stream.indirect.scatter.add.f32 [tilespmem:s10], [sflag:$0x1], $0x10, s14, s13, $0xb8;
	[tilespmem:$0x7E10] =	vst v63  }
0xa2: {  	_ = 	snop  }
0xa3: {  	[spmem:s3] =	stream.indirect.scatter.add.f32 [tilespmem:s10], [sflag:$0x1], $0x10, s15, s13, $0xb8;
	[tilespmem:$0x7E10] =	vst v63  }
0xa4: {  	_ = 	snop  }
0xa5: {  	[spmem:s3] =	stream.indirect.scatter.add.f32 [tilespmem:s10], [sflag:$0x1], $0x10, s16, s13, $0xb8;
	[tilespmem:$0x7E10] =	vst v63  }
0xa6: {  	_ = 	snop  }
0xa7: {  	[spmem:s3] =	stream.indirect.scatter.add.f32 [tilespmem:s10], [sflag:$0x1], $0x10, s17, s13, $0xb8;
	[tilespmem:$0x7E10] =	vst v63  }
0xa8: {  	_ = 	snop  }
0xa9: {  	[spmem:s3] =	stream.indirect.scatter.add.f32 [tilespmem:s10], [sflag:$0x1], $0x10, s18, s13, $0xb8;
	[tilespmem:$0x7E10] =	vst v63  }
0xaa: {  	_ = 	snop  }
0xab: {  	[spmem:s3] =	stream.indirect.scatter.add.f32 [tilespmem:s10], [sflag:$0x1], $0x10, s19, s13, $0xb8;
	[tilespmem:$0x7E10] =	vst v63  }
0xac: {  	_ = 	snop  }
0xad: {  	[spmem:s3] =	stream.indirect.scatter.add.f32 [tilespmem:s10], [sflag:$0x1], $0x10, s20, s13, $0xb8;
	[tilespmem:$0x7E10] =	vst v63  }
0xae: {  	_ = 	snop  }
0xaf: {  	[spmem:s3] =	stream.indirect.scatter.add.f32 [tilespmem:s10], [sflag:$0x1], $0x10, s21, s13, $0xb8;
	[tilespmem:$0x7E10] =	vst v63  }
0xb0: {  	_ = 	snop  }
0xb1: {  	[spmem:s3] =	stream.indirect.scatter.add.f32 [tilespmem:s10], [sflag:$0x1], $0x10, s22, s13, $0xb8;
	[tilespmem:$0x7E10] =	vst v63  }
0xb2: {  	_ = 	snop  }
0xb3: {  	[spmem:s3] =	stream.indirect.scatter.add.f32 [tilespmem:s10], [sflag:$0x1], $0x10, s23, s13, $0xb8;
	[tilespmem:$0x7E10] =	vst v63  }
0xb4: {  	_ = 	snop  }
0xb5: {  	[spmem:s3] =	stream.indirect.scatter.add.f32 [tilespmem:s10], [sflag:$0x1], $0x10, s24, s13, $0xb8;
	[tilespmem:$0x7E10] =	vst v63  }
0xb6: {  	_ = 	snop  }
0xb7: {  	[spmem:s3] =	stream.indirect.scatter.add.f32 [tilespmem:s10], [sflag:$0x1], $0x10, s25, s13, $0xb8;
	[tilespmem:$0x7E10] =	vst v63  }
0xb8: {  	_ = 	snop  }
0xb9: {  	[spmem:s3] =	stream.indirect.scatter.add.f32 [tilespmem:s10], [sflag:$0x1], $0x10, s26, s13, $0xb8;
	[tilespmem:$0x7E10] =	vst v63  }
0xba: {  	_ = 	snop  }
0xbb: {  	[spmem:s3] =	stream.indirect.scatter.add.f32 [tilespmem:s10], [sflag:$0x1], $0x10, s28, s13, $0xb8;
	[tilespmem:$0x7E10] =	vst v63  }
0xbc: {  	_ = 	snop  }
0xbd: {  	[spmem:s3] =	stream.indirect.scatter.add.f32 [tilespmem:s10], [sflag:$0x1], $0x10, s29, s13, $0xb8;
	[tilespmem:$0x7E10] =	vst v63  }
0xbe: {  	_ = 	snop  }
0xbf: {  	[spmem:s3] =	stream.indirect.scatter.add.f32 [tilespmem:s10], [sflag:$0x1], $0x10, s30, s13, $0xb8;
	[tilespmem:$0x7E10] =	vst v63  }
0xc0: {  	_ = 	snop  }
0xc1: {  	[spmem:s3] =	stream.indirect.scatter.add.f32 [tilespmem:s10], [sflag:$0x1], $0x10, s1, s31, $0xb8;
	[tilespmem:$0x7E10] =	vst v63  }
0xc2: {  	_ =	swait.ge [sflag:s0], $0x800  }
0xc3: {  	[sflag:s0] =	ssyncset.done $0x0  }
0xc4: {  	[sflag:s0] =	ssyncadd.s32 $0xFFFFF800  }
0xc5: {  	_ =	swait.ge [sflag:s0], $0x800  }
0xc6: {  	[sflag:s0] =	ssyncset.done $0x0  }
0xc7: {  	[sflag:s0] =	ssyncadd.s32 $0xFFFFF800  }
0xc8: {  	_ =	swait.ge [sflag:s0], $0x800  }
0xc9: {  	[sflag:s0] =	ssyncset.done $0x0  }
0xca: {  	[sflag:s0] =	ssyncadd.s32 $0xFFFFF800  }
0xcb: {  	_ =	swait.ge [sflag:s0], $0x800  }
0xcc: {  	[sflag:s0] =	ssyncset.done $0x0  }
0xcd: {  	[sflag:s0] =	ssyncadd.s32 $0xFFFFF800  }
0xce: {  	_ =	swait.ge [sflag:s0], $0x800  }
0xcf: {  	[sflag:s0] =	ssyncset.done $0x0  }
0xd0: {  	[sflag:s0] =	ssyncadd.s32 $0xFFFFF800  }
0xd1: {  	_ =	swait.ge [sflag:s0], $0x800  }
0xd2: {  	[sflag:s0] =	ssyncset.done $0x0  }
0xd3: {  	[sflag:s0] =	ssyncadd.s32 $0xFFFFF800  }
0xd4: {  	_ =	swait.ge [sflag:s0], $0x800  }
0xd5: {  	[sflag:s0] =	ssyncset.done $0x0  }
0xd6: {  	[sflag:s0] =	ssyncadd.s32 $0xFFFFF800  }
0xd7: {  	_ =	swait.ge [sflag:s0], $0x800  }
0xd8: {  	[sflag:s0] =	ssyncset.done $0x0  }
0xd9: {  	[sflag:s0] =	ssyncadd.s32 $0xFFFFF800  }
0xda: {  	_ =	swait.ge [sflag:s0], $0x800  }
0xdb: {  	[sflag:s0] =	ssyncset.done $0x0  }
0xdc: {  	[sflag:s0] =	ssyncadd.s32 $0xFFFFF800  }
0xdd: {  	_ =	swait.ge [sflag:s0], $0x800  }
0xde: {  	[sflag:s0] =	ssyncset.done $0x0  }
0xdf: {  	[sflag:s0] =	ssyncadd.s32 $0xFFFFF800  }
0xe0: {  	_ =	swait.ge [sflag:s0], $0x800  }
0xe1: {  	[sflag:s0] =	ssyncset.done $0x0  }
0xe2: {  	[sflag:s0] =	ssyncadd.s32 $0xFFFFF800  }
0xe3: {  	_ =	swait.ge [sflag:s0], $0x800  }
0xe4: {  	[sflag:s0] =	ssyncset.done $0x0  }
0xe5: {  	[sflag:s0] =	ssyncadd.s32 $0xFFFFF800  }
0xe6: {  	_ =	swait.ge [sflag:s0], $0x800  }
0xe7: {  	s14 =	simm.s32 $0x5;
	[sflag:s0] =	ssyncset.done $0x0  }
.LBB2_2:
0xe8: {  	p0 =	sne.s32 s14, $0x1;
	s14 =	sadd.s32 $0xFFFFFFFF, s14;
	[sflag:s0] =	ssyncadd.s32 $0xFFFFF800  }
0xe9: {  	_ =	swait.ge [sflag:s0], $0x800  }
0xea: {  	[sflag:s0] =	ssyncset.done $0x0  }
0xeb: {  	[sflag:s0] =	ssyncadd.s32 $0xFFFFF800  }
0xec: {  	_ =	swait.ge [sflag:s0], $0x800  }
0xed: {  	[sflag:s0] =	ssyncset.done $0x0  }
0xee: {  	[sflag:s0] =	ssyncadd.s32 $0xFFFFF800  }
0xef: {  	_ =	swait.ge [sflag:s0], $0x800  }
0xf0: {  	[sflag:s0] =	ssyncset.done $0x0  }
0xf1: {  	[sflag:s0] =	ssyncadd.s32 $0xFFFFF800  }
0xf2: {  	_ =	swait.ge [sflag:s0], $0x800  }
0xf3: {  	[sflag:s0] =	ssyncset.done $0x0  }
0xf4: {  	[sflag:s0] =	ssyncadd.s32 $0xFFFFF800  }
0xf5: {  	_ =	swait.ge [sflag:s0], $0x800  }
0xf6: {  	[sflag:s0] =	ssyncset.done $0x0  }
0xf7: {  	[sflag:s0] =	ssyncadd.s32 $0xFFFFF800  }
0xf8: {  	_ =	swait.ge [sflag:s0], $0x800  }
0xf9: {  	[sflag:s0] =	ssyncset.done $0x0  }
0xfa: {  	[sflag:s0] =	ssyncadd.s32 $0xFFFFF800  }
0xfb: {  	_ =	swait.ge [sflag:s0], $0x800  }
0xfc: {  	[sflag:s0] =	ssyncset.done $0x0  }
0xfd: {  	[sflag:s0] =	ssyncadd.s32 $0xFFFFF800  }
0xfe: {  	_ =	swait.ge [sflag:s0], $0x800  }
0xff: {  	[sflag:s0] =	ssyncset.done $0x0  }
0x100: {  	[sflag:s0] =	ssyncadd.s32 $0xFFFFF800  }
0x101: {  	_ =	swait.ge [sflag:s0], $0x800  }
0x102: {  	[sflag:s0] =	ssyncset.done $0x0  }
0x103: {  	[sflag:s0] =	ssyncadd.s32 $0xFFFFF800  }
0x104: {  	_ =	swait.ge [sflag:s0], $0x800  }
0x105: {  	[sflag:s0] =	ssyncset.done $0x0  }
0x106: {  	[sflag:s0] =	ssyncadd.s32 $0xFFFFF800  }
0x107: {  	_ =	swait.ge [sflag:s0], $0x800  }
0x108: {  	[sflag:s0] =	ssyncset.done $0x0  }
0x109: {  	[sflag:s0] =	ssyncadd.s32 $0xFFFFF800  }
.Ltmp0:
0x10a: {  	_ =	swait.ge [sflag:s0], $0x800;
	(pc) =	sbr.rel @p0 .LBB2_2-.Ltmp0, $4  }
0x10b: {  	[sflag:s0] =	ssyncset.done $0x0  }
0x10c: {  	[sflag:s0] =	ssyncadd.s32 $0xFFFFF800  }
0x10d: {  	_ =	swait.ge [sflag:s0], $0x800  }
0x10e: {  	[sflag:s0] =	ssyncset.done $0x0  }
0x10f: {  	[sflag:s0] =	ssyncadd.s32 $0xFFFFF800  }
0x110: {  	_ =	swait.ge [sflag:s0], $0x100  }
0x111: {  	[sflag:s0] =	ssyncset.done $0x0  }
0x112: {  	[sflag:s0] =	ssyncadd.s32 $0xFFFFFF00  }
0x113: {  	[bflag:$0x0] =	sbarrier.arrive $0xFFFF  }
0x114: {  	[tilespmem:s12], [sflag:$0x2] =	stream.linear.gather [spmem:s7], $0x2780, $0x38;
	[tilespmem:$0x7E10] =	vst v63  }
0x115: {  	s2 =	sadd.s32 $0x1, s2;
	_ =	swait.ge [sflag:s11], $0x2780  }
0x116: {  	p0 =	sne.s32 s2, s9;
	[sflag:s11] =	ssyncset.done $0x0  }
.Ltmp1:
0x117: {  	[sflag:s11] =	ssyncadd.s32 $0xFFFFD880;
	(pc) =	sbr.rel @p0 .LBB2_1-.Ltmp1, $4  }
0x118: {  	[hbm4b:s8+s4] =	stream.linear.scatter [tilespmem:s12], [sflag:$0x2], $0x2780, $0x38;
	[tilespmem:$0x7E10] =	vst v63  }
0x119: {  	_ =	swait.ge [sflag:s11], $0x2780  }
0x11a: {  	[sflag:s11] =	ssyncset.done $0x0  }
0x11b: {  	[sflag:s11] =	ssyncadd.s32 $0xFFFFD880  }
0x11c: {  	_ =	sfence.sel $0x180000  }
0x11d: {  	[bflag:$0x0] =	sbarrier.arrive $0xFFFF  }
0x11e: {  	_ =	strace $0x90000047  }
0x11f: {  	s0 =	stileid.u32;
	[bflag:$0x2] =	sbarrier.arrive $0xFFFF  }
0x120: {  	p0 =	sne.s32 s0, $0x0;
	s0 =	rddreg [dreg:$0x3]  }
0x121: {  	s0 =	sadd.s32 @!p0 $0x100000, s0  }
0x122: {  	[sflag:s0] =	ssyncadd.tile.s32 @!p0 $0x1;
	_ =	shalt  }
.Lfunc_end2:
_tile_overlayer_lowered:
.L_overlay_start_2:
0x123: {  	(tag) =	ssettag $0x2  }
0x124: {  	s0 =	rddreg [dreg:$0x0];
	s2 =	stileid.u32  }
0x125: {  	s1 =	rddreg [dreg:$0x1];
	p0 =	sne.s32 s2, $0x0  }
0x126: {  	s3 =	rddreg [dreg:$0x2];
	[bflag:$0x3] =	sbarrier.arrive $0xFFFF;
	s2 =	simm.s32 @!p0 $0x1C02  }
0x127: {  	[timem:s3], [sflag:s2] =	dma.local @!p0 [hbm:s0], s1  }
0x128: {  	s0 =	simm.s32 @!p0 $0x2  }
0x129: {  	_ =	swait.ge @!p0 [sflag:s0], s1  }
0x12a: {  	s1 =	ssub.s32 @!p0 $0x0, s1;
	[sflag:s0] =	ssyncset.done @!p0 $0x0  }
0x12b: {  	[sflag:s0] =	ssyncadd.s32 @!p0 s1  }
0x12c: {  	[bflag:$0x3] =	sbarrier.arrive $0xFFFF  }
0x12d: {  	_ =	shalt  }

</sc_bundles>
